<compile_context>
chip_gen: v7x
topology: tpu7x:2x2x1
jax: 0.10.2.dev20260603
libtpu: 0.0.44.dev20260713+nightly
codegen_flags: <defaults>
</compile_context>

<pallas_src>
import functools

import jax
import jax.numpy as jnp
from jax import lax
from jax.experimental import pallas as pl
from jax.experimental.pallas import tpu as pltpu
from jax.experimental.pallas import tpu_sc as plsc

_N = 10000
_B = 256
_D = 256
_HALF = 128
_NACC = 10112
_RPT = 632
_R = 400
_G = _N // _R

_f32 = jnp.float32

_dot = functools.partial(jnp.dot, preferred_element_type=jnp.float32,
                         precision=jax.lax.Precision.HIGHEST)
_dotd = functools.partial(jnp.dot, preferred_element_type=jnp.float32)


def _sc_mesh():
    return plsc.VectorSubcoreMesh(core_axis_name="c", subcore_axis_name="s")


def _seg_sum_sc(tab_l, tab_r, src2d, dst2d, zeros_l):
    ep = src2d.shape[0]
    cpt = ep // 16

    @functools.partial(
        pl.kernel,
        out_type=[jax.ShapeDtypeStruct((_N, _HALF), _f32)] * 2,
        mesh=_sc_mesh(),
        scratch_types=[
            pltpu.VMEM((128,), jnp.int32),
            pltpu.VMEM((128,), jnp.int32),
            pltpu.VMEM((128, _HALF), _f32),
            pltpu.VMEM_SHARED((_NACC, _HALF), _f32),
            pltpu.SemaphoreType.DMA,
        ],
    )
    def k(tabl_h, tabr_h, src_h, dst_h, z_h, outl_h, outr_h,
          idxg, idxs, rows, acc, sem):
        c = lax.axis_index("c")
        s = lax.axis_index("s")
        r0 = s * _RPT
        pltpu.sync_copy(z_h.at[pl.ds(r0, _RPT)], acc.at[pl.ds(r0, _RPT)])
        plsc.subcore_barrier()

        def run(tab_h):
            def body(i, carry):
                row = s * cpt + i
                pltpu.sync_copy(src_h.at[row], idxg)
                pltpu.async_copy(tab_h.at[idxg], rows, sem).wait()
                pltpu.sync_copy(dst_h.at[row], idxs)
                pltpu.sync_copy(rows, acc.at[idxs], add=True)
                return carry
            lax.fori_loop(0, cpt, body, 0)

        @pl.when(c == 0)
        def _():
            run(tabl_h)

        @pl.when(c == 1)
        def _():
            run(tabr_h)

        plsc.subcore_barrier()
        rd = jnp.minimum(r0, _N - _RPT)

        @pl.when(c == 0)
        def _():
            pltpu.sync_copy(acc.at[pl.ds(rd, _RPT)], outl_h.at[pl.ds(rd, _RPT)])

        @pl.when(c == 1)
        def _():
            pltpu.sync_copy(acc.at[pl.ds(rd, _RPT)], outr_h.at[pl.ds(rd, _RPT)])

    return k(tab_l, tab_r, src2d, dst2d, zeros_l)


def _seg_sum_msg_sc(tab_l, tab_r, el, er, src2d, dst2d, zeros_l):
    ep = src2d.shape[0]
    cpt = ep // 16

    @functools.partial(
        pl.kernel,
        out_type=[jax.ShapeDtypeStruct((_N, _HALF), _f32)] * 2,
        mesh=_sc_mesh(),
        scratch_types=[
            pltpu.VMEM((128,), jnp.int32),
            pltpu.VMEM((128,), jnp.int32),
            pltpu.VMEM((128, _HALF), _f32),
            pltpu.VMEM((128, _HALF), _f32),
            pltpu.VMEM_SHARED((_NACC, _HALF), _f32),
            pltpu.SemaphoreType.DMA,
            pltpu.SemaphoreType.DMA,
        ],
    )
    def k(tabl_h, tabr_h, el_h, er_h, src_h, dst_h, z_h, outl_h, outr_h,
          idxg, idxs, rows, rows2, acc, sem, sem2):
        c = lax.axis_index("c")
        s = lax.axis_index("s")
        r0 = s * _RPT
        pltpu.sync_copy(z_h.at[pl.ds(r0, _RPT)], acc.at[pl.ds(r0, _RPT)])
        plsc.subcore_barrier()

        def run(tab_h, e_h):
            def body(i, carry):
                row = s * cpt + i
                pltpu.sync_copy(src_h.at[row], idxg)
                cp_h = pltpu.async_copy(tab_h.at[idxg], rows, sem)
                cp_e = pltpu.async_copy(e_h.at[pl.ds(row * 128, 128)], rows2,
                                        sem2)
                pltpu.sync_copy(dst_h.at[row], idxs)
                cp_h.wait()
                pltpu.sync_copy(rows, acc.at[idxs], add=True)
                cp_e.wait()
                pltpu.sync_copy(rows2, acc.at[idxs], add=True)
                return carry
            lax.fori_loop(0, cpt, body, 0)

        @pl.when(c == 0)
        def _():
            run(tabl_h, el_h)

        @pl.when(c == 1)
        def _():
            run(tabr_h, er_h)

        plsc.subcore_barrier()
        rd = jnp.minimum(r0, _N - _RPT)

        @pl.when(c == 0)
        def _():
            pltpu.sync_copy(acc.at[pl.ds(rd, _RPT)], outl_h.at[pl.ds(rd, _RPT)])

        @pl.when(c == 1)
        def _():
            pltpu.sync_copy(acc.at[pl.ds(rd, _RPT)], outr_h.at[pl.ds(rd, _RPT)])

    return k(tab_l, tab_r, el, er, src2d, dst2d, zeros_l)


def _cnt_sc(ones_src, col2d, zeros_l):
    epb = col2d.shape[0]
    half = epb // 2
    cpb = half // 16

    @functools.partial(
        pl.kernel,
        out_type=[jax.ShapeDtypeStruct((_N, _HALF), _f32)] * 2,
        mesh=_sc_mesh(),
        scratch_types=[
            pltpu.VMEM((128,), jnp.int32),
            pltpu.VMEM((128, _HALF), _f32),
            pltpu.VMEM_SHARED((_NACC, _HALF), _f32),
        ],
    )
    def k(ones_h, col_h, z_h, c0_h, c1_h, idxs, rows, acc):
        c = lax.axis_index("c")
        s = lax.axis_index("s")
        r0 = s * _RPT
        pltpu.sync_copy(z_h.at[pl.ds(r0, _RPT)], acc.at[pl.ds(r0, _RPT)])
        plsc.subcore_barrier()
        pltpu.sync_copy(ones_h, rows)

        def body(i, carry):
            row = c * half + s * cpb + i
            pltpu.sync_copy(col_h.at[row], idxs)
            pltpu.sync_copy(rows, acc.at[idxs], add=True)
            return carry
        lax.fori_loop(0, cpb, body, 0)

        plsc.subcore_barrier()
        rd = jnp.minimum(r0, _N - _RPT)

        @pl.when(c == 0)
        def _():
            pltpu.sync_copy(acc.at[pl.ds(rd, _RPT)], c0_h.at[pl.ds(rd, _RPT)])

        @pl.when(c == 1)
        def _():
            pltpu.sync_copy(acc.at[pl.ds(rd, _RPT)], c1_h.at[pl.ds(rd, _RPT)])

    return k(ones_src, col2d, zeros_l)


def _row_spec(width):
    return pl.BlockSpec((_R, width), lambda i: (i, 0))


def _full_spec(shape):
    nd = len(shape)
    return pl.BlockSpec(shape, lambda i: (0,) * nd)


def _tc_emb(x, w, b):
    d_in = x.shape[1]

    def body(x_r, w_r, b_r, hl_r, hr_r):
        z = _dotd(x_r[...], w_r[...]) + b_r[...]
        z = jnp.maximum(z, 0.0)
        hl_r[...] = z[:, :_HALF]
        hr_r[...] = z[:, _HALF:]

    return pl.pallas_call(
        body,
        grid=(_G,),
        in_specs=[_row_spec(d_in), _full_spec((d_in, _D)), _full_spec((1, _D))],
        out_specs=[_row_spec(_HALF)] * 2,
        out_shape=[jax.ShapeDtypeStruct((_N, _HALF), _f32)] * 2,
    )(x, w, b.reshape(1, -1))


def _tc_eproj(ea8, wp8):
    ep = ea8.shape[0]
    re = 4096
    ge = ep // re
    spec = pl.BlockSpec((re, 8), lambda i: (i, 0))
    ospec = pl.BlockSpec((re, _HALF), lambda i: (i, 0))

    def body(ea_r, wp_r, el_r, er_r):
        e = _dotd(ea_r[...], wp_r[...])
        el_r[...] = e[:, :_HALF]
        er_r[...] = e[:, _HALF:]

    return pl.pallas_call(
        body,
        grid=(ge,),
        in_specs=[spec, _full_spec((8, _D))],
        out_specs=[ospec, ospec],
        out_shape=[jax.ShapeDtypeStruct((ep, _HALF), _f32)] * 2,
    )(ea8, wp8)


def _tc_layer(hl, hr, aggl, aggr, w1, b1, w2, b2):
    def body(hl_r, hr_r, al_r, ar_r, w1_r, b1_r, w2_r, b2_r,
             z2_r, st_r):
        i = pl.program_id(0)
        h = jnp.concatenate([hl_r[...], hr_r[...]], axis=1)
        agg = jnp.concatenate([al_r[...], ar_r[...]], axis=1)
        z = h + agg
        t = jnp.maximum(_dotd(z, w1_r[...])
                        + b1_r[...], 0.0)
        z2 = _dotd(t, w2_r[...]) + b2_r[...]
        z2_r[...] = z2
        su = jnp.sum(z2, axis=0, keepdims=True)
        sq = jnp.sum(z2 * z2, axis=0, keepdims=True)
        upd = jnp.concatenate([su, sq, jnp.zeros((6, _D), _f32)], axis=0)
        prev = jnp.where(i == 0, jnp.zeros_like(upd), st_r[...])
        st_r[...] = prev + upd

    return pl.pallas_call(
        body,
        grid=(_G,),
        in_specs=[_row_spec(_HALF), _row_spec(_HALF),
                  _row_spec(_HALF), _row_spec(_HALF),
                  _full_spec((_D, 2 * _D)), _full_spec((1, 2 * _D)),
                  _full_spec((2 * _D, _D)), _full_spec((1, _D))],
        out_specs=[_row_spec(_D), _full_spec((8, _D))],
        out_shape=[jax.ShapeDtypeStruct((_N, _D), _f32),
                   jax.ShapeDtypeStruct((8, _D), _f32)],
    )(hl, hr, aggl, aggr, w1, b1.reshape(1, -1), w2,
      b2.reshape(1, -1))


def _tc_bn(z2, stats, g, b, relu):
    def body(z_r, st_r, g_r, b_r, hl_r, hr_r):
        mu = st_r[0:1, :] / _N
        var = st_r[1:2, :] / _N - mu * mu
        y = (z_r[...] - mu) / jnp.sqrt(var + 1e-5) * g_r[...] + b_r[...]
        if relu:
            y = jnp.maximum(y, 0.0)
        hl_r[...] = y[:, :_HALF]
        hr_r[...] = y[:, _HALF:]

    return pl.pallas_call(
        body,
        grid=(_G,),
        in_specs=[_row_spec(_D), _full_spec((8, _D)),
                  _full_spec((1, _D)), _full_spec((1, _D))],
        out_specs=[_row_spec(_HALF)] * 2,
        out_shape=[jax.ShapeDtypeStruct((_N, _HALF), _f32)] * 2,
    )(z2, stats, g.reshape(1, -1), b.reshape(1, -1))


def _tc_conv3(al, ar, c0, c1, iso, wrp, wri, wtp, wti, br):
    efgs = iso.shape[1]

    def body(al_r, ar_r, c0_r, c1_r, iso_r, wrp_r, wri_r, wtp_r, wti_r, br_r,
             yl_r, yr_r, r3_r):
        cnt = jnp.maximum(c0_r[...][:, 0:1] + c1_r[...][:, 0:1], 1.0)
        pooled = jnp.concatenate([al_r[...], ar_r[...]], axis=1) / cnt
        y = (_dotd(pooled, wrp_r[...])
             + _dotd(iso_r[...], wri_r[...]))
        r3 = (_dotd(pooled, wtp_r[...])
              + _dotd(iso_r[...], wti_r[...])
              + br_r[...])
        yl_r[...] = y[:, :_HALF]
        yr_r[...] = y[:, _HALF:]
        r3_r[...] = r3

    return pl.pallas_call(
        body,
        grid=(_G,),
        in_specs=[_row_spec(_HALF), _row_spec(_HALF),
                  _row_spec(_HALF), _row_spec(_HALF), _row_spec(efgs),
                  _full_spec((_D, _D)), _full_spec((efgs, _D)),
                  _full_spec((_D, _D)), _full_spec((efgs, _D)),
                  _full_spec((1, _D))],
        out_specs=[_row_spec(_HALF), _row_spec(_HALF), _row_spec(_D)],
        out_shape=[jax.ShapeDtypeStruct((_N, _HALF), _f32),
                   jax.ShapeDtypeStruct((_N, _HALF), _f32),
                   jax.ShapeDtypeStruct((_N, _D), _f32)],
    )(al, ar, c0, c1, iso, wrp, wri, wtp, wti, br.reshape(1, -1))


def _tc_conv4(al, ar, r3, wrel, wroot, br):
    def body(al_r, ar_r, r3_r, wrel_r, wroot_r, br_r, yl_r, yr_r, r4_r):
        xc1 = jnp.maximum(jnp.concatenate([al_r[...], ar_r[...]], axis=1)
                          + r3_r[...], 0.0)
        y = _dotd(xc1, wrel_r[...])
        r4 = _dotd(xc1, wroot_r[...]) + br_r[...]
        yl_r[...] = y[:, :_HALF]
        yr_r[...] = y[:, _HALF:]
        r4_r[...] = r4

    return pl.pallas_call(
        body,
        grid=(_G,),
        in_specs=[_row_spec(_HALF), _row_spec(_HALF), _row_spec(_D),
                  _full_spec((_D, _D)), _full_spec((_D, _D)),
                  _full_spec((1, _D))],
        out_specs=[_row_spec(_HALF), _row_spec(_HALF), _row_spec(_D)],
        out_shape=[jax.ShapeDtypeStruct((_N, _HALF), _f32),
                   jax.ShapeDtypeStruct((_N, _HALF), _f32),
                   jax.ShapeDtypeStruct((_N, _D), _f32)],
    )(al, ar, r3, wrel, wroot, br.reshape(1, -1))


def _tc_readout(nl, nr, al, ar, r4, bt3d, b33d,
                w0a, w0b, b0, w1, b1, w2, b2, w3, b3):
    def body(nl_r, nr_r, al_r, ar_r, r4_r, bt_r, b3_r,
             w0a_r, w0b_r, b0_r, w1_r, b1_r, w2_r, b2_r, w3_r, b3_r2,
             out_r, acc1, acc3, cnt1, cnt3):
        i = pl.program_id(0)

        @pl.when(i == 0)
        def _():
            acc1[...] = jnp.zeros_like(acc1)
            acc3[...] = jnp.zeros_like(acc3)
            cnt1[...] = jnp.zeros_like(cnt1)
            cnt3[...] = jnp.zeros_like(cnt3)

        nrep = jnp.concatenate([nl_r[...], nr_r[...]], axis=1)
        xc2 = jnp.maximum(jnp.concatenate([al_r[...], ar_r[...]], axis=1)
                          + r4_r[...], 0.0)
        ids = lax.broadcasted_iota(jnp.int32, (_B, _R), 0)
        oh1 = (bt_r[...].reshape(1, _R) == ids).astype(_f32)
        oh3 = (b3_r[...].reshape(1, _R) == ids).astype(_f32)
        acc1[...] += _dot(oh1, nrep)
        acc3[...] += _dot(oh3, xc2)
        cnt1[...] += jnp.sum(oh1, axis=1, keepdims=True)
        cnt3[...] += jnp.sum(oh3, axis=1, keepdims=True)

        @pl.when(i == _G - 1)
        def _():
            x1 = acc1[...] / jnp.maximum(cnt1[...], 1.0)
            x3 = acc3[...] / jnp.maximum(cnt3[...], 1.0)
            m = jnp.maximum(_dotd(x1, w0a_r[...])
                            + _dotd(x3, w0b_r[...])
                            + b0_r[...], 0.0)
            m = jnp.maximum(_dotd(m, w1_r[...])
                            + b1_r[...], 0.0)
            m = jnp.maximum(_dotd(m, w2_r[...])
                            + b2_r[...], 0.0)
            out_r[...] = (_dotd(m, w3_r[...])
                          + b3_r2[...])

    idx_spec = pl.BlockSpec((1, 1, _R), lambda i: (i, 0, 0))
    return pl.pallas_call(
        body,
        grid=(_G,),
        in_specs=[_row_spec(_HALF), _row_spec(_HALF),
                  _row_spec(_HALF), _row_spec(_HALF), _row_spec(_D),
                  idx_spec, idx_spec,
                  _full_spec((_D, _D)), _full_spec((_D, _D)),
                  _full_spec((1, _D)),
                  _full_spec((_D, _D // 2)), _full_spec((1, _D // 2)),
                  _full_spec((_D // 2, _D // 4)), _full_spec((1, _D // 4)),
                  _full_spec((_D // 4, 1)), _full_spec((1, 1))],
        out_specs=_full_spec((_B, 1)),
        out_shape=jax.ShapeDtypeStruct((_B, 1), _f32),
        scratch_shapes=[pltpu.VMEM((_B, _D), _f32), pltpu.VMEM((_B, _D), _f32),
                        pltpu.VMEM((_B, 1), _f32), pltpu.VMEM((_B, 1), _f32)],
    )(nl, nr, al, ar, r4, bt3d, b33d, w0a, w0b, b0.reshape(1, -1),
      w1, b1.reshape(1, -1), w2, b2.reshape(1, -1), w3, b3.reshape(1, -1))


def _pad_edges(src, dst, mult=4096):
    e = src.shape[0]
    ep = ((e + mult - 1) // mult) * mult
    src = jnp.concatenate([src, jnp.zeros((ep - e,), jnp.int32)])
    dst = jnp.concatenate([dst, jnp.full((ep - e,), _N, jnp.int32)])
    return src.reshape(-1, 128), dst.reshape(-1, 128)


def kernel(x, edge_index, edge_attr, batch, iso_type_3, edge_index_3,
           assignment_index_3, batch_3, W_emb, b_emb, W_edge, b_edge,
           W_mlp1, b_mlp1, W_mlp2, b_mlp2, bn_g, bn_b, W_rel3, b_rel3,
           W_root3, W_rel4, b_rel4, W_root4, W_out0, b_out0, W_out1,
           b_out1, W_out2, b_out2, W_out3, b_out3):
    src1, dst1 = _pad_edges(edge_index[0], edge_index[1])
    src3, dst3 = _pad_edges(edge_index_3[0], edge_index_3[1])
    srca, dsta = _pad_edges(assignment_index_3[0], assignment_index_3[1])
    e1 = edge_index.shape[1]
    ea8 = jnp.zeros((src1.shape[0] * 128, 8), _f32)
    ea8 = ea8.at[:e1, :4].set(edge_attr).at[:e1, 4].set(1.0)
    ones_src = jnp.zeros((128, _HALF), _f32).at[:, 0].set(1.0)
    zeros_l = jnp.zeros((_NACC, _HALF), _f32)

    c30, c31 = _cnt_sc(ones_src, dsta, zeros_l)

    hl, hr = _tc_emb(x, W_emb, b_emb)
    for l in range(3):
        wp8 = (jnp.zeros((8, _D), _f32)
               .at[:4].set(W_edge[l]).at[4].set(b_edge[l]))
        el, er = _tc_eproj(ea8, wp8)
        aggl, aggr = _seg_sum_msg_sc(hl, hr, el, er, src1, dst1, zeros_l)
        z2, st = _tc_layer(hl, hr, aggl, aggr,
                           W_mlp1[l], b_mlp1[l], W_mlp2[l], b_mlp2[l])
        hl, hr = _tc_bn(z2, st, bn_g[l], bn_b[l], relu=(l < 2))

    p3l, p3r = _seg_sum_sc(hl, hr, srca, dsta, zeros_l)
    y3l, y3r, r3 = _tc_conv3(p3l, p3r, c30, c31, iso_type_3,
                             W_rel3[:_D], W_rel3[_D:],
                             W_root3[:_D], W_root3[_D:], b_rel3)
    a3l, a3r = _seg_sum_sc(y3l, y3r, src3, dst3, zeros_l)
    y4l, y4r, r4 = _tc_conv4(a3l, a3r, r3, W_rel4, W_root4, b_rel4)
    a4l, a4r = _seg_sum_sc(y4l, y4r, src3, dst3, zeros_l)

    out = _tc_readout(hl, hr, a4l, a4r, r4,
                      batch.reshape(_G, 1, _R), batch_3.reshape(_G, 1, _R),
                      W_out0[:_D], W_out0[_D:], b_out0,
                      W_out1, b_out1, W_out2, b_out2, W_out3, b_out3)
    return out.reshape(-1)

# --- scband reference (transcript-rebuilt; emitter-appended) ---
"""Pipeline reference for scband-gnn-1-efgs-46024869544457 (READ-ONLY COPY).

The authoritative reference and input builder live on the scoring server;
editing this copy changes nothing except your own understanding.
"""

import jax, jax.numpy as jnp
import numpy as np

N = 10000
E = 160000
D_IN = 40
D = 256
D_EDGE = 4
N3 = 10000
E3 = 60000
A3 = 30000
B = 256
EFGS = 100
L = 3


def setup_inputs(seed: int = 0) -> dict:
    key = jax.random.key(seed)
    ks = jax.random.split(key, 48)
    s = 0.05
    inp = {}
    inp["x"] = jax.random.normal(ks[0], (N, D_IN), dtype=jnp.float32)
    inp["edge_index"] = jax.random.randint(ks[1], (2, E), 0, N, dtype=jnp.int32)
    inp["edge_attr"] = jax.random.uniform(ks[2], (E, D_EDGE), dtype=jnp.float32)
    inp["batch"] = jnp.sort(jax.random.randint(ks[3], (N,), 0, B, dtype=jnp.int32))
    inp["iso_type_3"] = jax.random.uniform(ks[4], (N3, EFGS), dtype=jnp.float32)
    inp["edge_index_3"] = jax.random.randint(ks[5], (2, E3), 0, N3, dtype=jnp.int32)
    inp["assignment_index_3"] = jax.random.randint(ks[6], (2, A3), 0, N, dtype=jnp.int32)
    inp["batch_3"] = jnp.sort(jax.random.randint(ks[7], (N3,), 0, B, dtype=jnp.int32))
    inp["W_emb"] = jax.random.normal(ks[8], (D_IN, D)) * s
    inp["b_emb"] = jnp.zeros((D,))
    inp["W_edge"] = jax.random.normal(ks[9], (L, D_EDGE, D)) * s
    inp["b_edge"] = jnp.zeros((L, D))
    inp["W_mlp1"] = jax.random.normal(ks[10], (L, D, 2 * D)) * s
    inp["b_mlp1"] = jnp.zeros((L, 2 * D))
    inp["W_mlp2"] = jax.random.normal(ks[11], (L, 2 * D, D)) * s
    inp["b_mlp2"] = jnp.zeros((L, D))
    inp["bn_g"] = jnp.ones((L, D))
    inp["bn_b"] = jnp.zeros((L, D))
    inp["W_rel3"] = jax.random.normal(ks[12], (D + EFGS, D)) * s
    inp["b_rel3"] = jnp.zeros((D,))
    inp["W_root3"] = jax.random.normal(ks[13], (D + EFGS, D)) * s
    inp["W_rel4"] = jax.random.normal(ks[14], (D, D)) * s
    inp["b_rel4"] = jnp.zeros((D,))
    inp["W_root4"] = jax.random.normal(ks[15], (D, D)) * s
    inp["W_out0"] = jax.random.normal(ks[16], (2 * D, D)) * s
    inp["b_out0"] = jnp.zeros((D,))
    inp["W_out1"] = jax.random.normal(ks[17], (D, D // 2)) * s
    inp["b_out1"] = jnp.zeros((D // 2,))
    inp["W_out2"] = jax.random.normal(ks[18], (D // 2, D // 4)) * s
    inp["b_out2"] = jnp.zeros((D // 4,))
    inp["W_out3"] = jax.random.normal(ks[19], (D // 4, 1)) * s
    inp["b_out3"] = jnp.zeros((1,))
    return inp


def reference(x, edge_index, edge_attr, batch, iso_type_3, edge_index_3,
              assignment_index_3, batch_3, W_emb, b_emb, W_edge, b_edge,
              W_mlp1, b_mlp1, W_mlp2, b_mlp2, bn_g, bn_b, W_rel3, b_rel3,
              W_root3, W_rel4, b_rel4, W_root4, W_out0, b_out0, W_out1,
              b_out1, W_out2, b_out2, W_out3, b_out3):
    # atom feature embedding + ReLU
    h = jax.nn.relu(x @ W_emb + b_emb)
    src, dst = edge_index[0], edge_index[1]
    for l in range(L):
        # GIN conv with edge features: msg = h[src] + edge_proj; add-aggregate; MLP
        e = edge_attr @ W_edge[l] + b_edge[l]
        msg = h[src] + e
        agg = jax.ops.segment_sum(msg, dst, num_segments=N)
        z = h + agg  # eps = 0
        z = jax.nn.relu(z @ W_mlp1[l] + b_mlp1[l]) @ W_mlp2[l] + b_mlp2[l]
        # BatchNorm1d (training-mode batch statistics)
        mu = jnp.mean(z, axis=0)
        var = jnp.var(z, axis=0)
        z = (z - mu) / jnp.sqrt(var + 1e-5) * bn_g[l] + bn_b[l]
        if l < L - 1:
            z = jax.nn.relu(z)
        h = z
    node_rep = h  # JK = 'last'
    # global mean pool over atoms -> graphs
    cnt_b = jnp.maximum(jax.ops.segment_sum(jnp.ones((N,), jnp.float32), batch, num_segments=B), 1.0)
    x1 = jax.ops.segment_sum(node_rep, batch, num_segments=B) / cnt_b[:, None]
    # avg_pool: scatter_mean(node_rep[row], col) over assignment_index_3
    row, col = assignment_index_3[0], assignment_index_3[1]
    cnt3 = jnp.maximum(jax.ops.segment_sum(jnp.ones((A3,), jnp.float32), col, num_segments=N3), 1.0)
    pooled = jax.ops.segment_sum(node_rep[row], col, num_segments=N3) / cnt3[:, None]
    xc = jnp.concatenate([pooled, iso_type_3], axis=1)
    # convISO3: GraphConv(D+EFGS -> D): lin_rel(sum_j x_j) + lin_root(x_i)
    s3, d3 = edge_index_3[0], edge_index_3[1]
    agg3 = jax.ops.segment_sum(xc[s3], d3, num_segments=N3)
    xc = jax.nn.relu(agg3 @ W_rel3 + b_rel3 + xc @ W_root3)
    # convISO4: GraphConv(D -> D)
    agg4 = jax.ops.segment_sum(xc[s3], d3, num_segments=N3)
    xc = jax.nn.relu(agg4 @ W_rel4 + b_rel4 + xc @ W_root4)
    # scatter_mean over batch_3
    cntb3 = jnp.maximum(jax.ops.segment_sum(jnp.ones((N3,), jnp.float32), batch_3, num_segments=B), 1.0)
    x3 = jax.ops.segment_sum(xc, batch_3, num_segments=B) / cntb3[:, None]
    mol = jnp.concatenate([x1, x3], axis=1)
    mol = jax.nn.relu(mol @ W_out0 + b_out0)
    mol = jax.nn.relu(mol @ W_out1 + b_out1)
    mol = jax.nn.relu(mol @ W_out2 + b_out2)
    mol = mol @ W_out3 + b_out3
    return mol.reshape(-1)

if __name__ == "__main__":
    import jax
    _d = setup_inputs()
    print(jax.jit(kernel)(*tuple(_d.values())))

</pallas_src>

<mosaic_0001>
#map = affine_map<(d0, d1) -> (0, 0)>
module attributes {stable_mosaic.version = 14 : i64} {
  func.func @k(%arg0: i32, %arg1: i32, %arg2: memref<10000x128xf32, #tpu.memory_space<hbm>>, %arg3: memref<10000x128xf32, #tpu.memory_space<hbm>>, %arg4: memref<163840x128xf32, #tpu.memory_space<hbm>>, %arg5: memref<163840x128xf32, #tpu.memory_space<hbm>>, %arg6: memref<1280x128xi32, #tpu.memory_space<hbm>>, %arg7: memref<1280x128xi32, #tpu.memory_space<hbm>>, %arg8: memref<10112x128xf32, #tpu.memory_space<hbm>>, %arg9: memref<10000x128xf32, #tpu.memory_space<hbm>>, %arg10: memref<10000x128xf32, #tpu.memory_space<hbm>>, %arg11: memref<128xi32, #tpu.memory_space<vmem>>, %arg12: memref<128xi32, #tpu.memory_space<vmem>>, %arg13: memref<128x128xf32, #tpu.memory_space<vmem>>, %arg14: memref<128x128xf32, #tpu.memory_space<vmem>>, %arg15: memref<10112x128xf32, #tpu.memory_space<vmem_shared>>, %arg16: memref<!tpu.dma_semaphore, #tpu.memory_space<semaphore_mem>>, %arg17: memref<!tpu.dma_semaphore, #tpu.memory_space<semaphore_mem>>) attributes {dimension_semantics = [#tpu.dimension_semantics<core_parallel>, #tpu.dimension_semantics<subcore_parallel>], iteration_bounds = array<i64: 2, 16>, scalar_prefetch = 0 : i64, scratch_operands = 7 : i64, tpu.core_type = #tpu.core_type<sc_vector_subcore>, window_params = [{transform_indices = #map}, {transform_indices = #map}, {transform_indices = #map}, {transform_indices = #map}, {transform_indices = #map}, {transform_indices = #map}, {transform_indices = #map}, {transform_indices = #map}, {transform_indices = #map}]} {
    %mul3A = arith.constant 632 : i32
    %mul3A_0 = arith.muli %arg1, %mul3A : i32
    "tpu.region"() ({
      %run_scoped3A = tpu.sem_alloc : memref<!tpu.dma_semaphore, #tpu.memory_space<semaphore_mem>>
      %dma_start3A = arith.constant 0 : i32
      %dma_start3A_20 = tpu.memref_slice %arg15[%mul3A_0, %dma_start3A] : memref<10112x128xf32, #tpu.memory_space<vmem_shared>> -> memref<632x128xf32, #tpu.memory_space<vmem_shared>>
      %dma_start3A_21 = arith.constant 0 : i32
      %dma_start3A_22 = tpu.memref_slice %arg8[%mul3A_0, %dma_start3A_21] : memref<10112x128xf32, #tpu.memory_space<hbm>> -> memref<632x128xf32, #tpu.memory_space<hbm>>
      tpu.enqueue_dma source(%dma_start3A_22 : memref<632x128xf32, #tpu.memory_space<hbm>>) target(%dma_start3A_20 : memref<632x128xf32, #tpu.memory_space<vmem_shared>>) target_semaphore(%run_scoped3A : memref<!tpu.dma_semaphore, #tpu.memory_space<semaphore_mem>>)
      %dma_wait3A = arith.constant 0 : i32
      %dma_wait3A_23 = tpu.memref_slice %arg15[%mul3A_0, %dma_wait3A] : memref<10112x128xf32, #tpu.memory_space<vmem_shared>> -> memref<632x128xf32, #tpu.memory_space<vmem_shared>>
      %dma_wait3A_24 = arith.constant 0 : i32
      %dma_wait3A_25 = tpu.memref_slice %arg8[%mul3A_0, %dma_wait3A_24] : memref<10112x128xf32, #tpu.memory_space<hbm>> -> memref<632x128xf32, #tpu.memory_space<hbm>>
      tpu.wait_dma2 semaphore(%run_scoped3A : memref<!tpu.dma_semaphore, #tpu.memory_space<semaphore_mem>>) src(%dma_wait3A_25 : memref<632x128xf32, #tpu.memory_space<hbm>>) dst(%dma_wait3A_23 : memref<632x128xf32, #tpu.memory_space<vmem_shared>>)
      tpu.yield
    }) : () -> ()
    %barrier3A = arith.constant 0 : index
    tpu.barrier barrier_id(%barrier3A)
    %eq3A = arith.constant 0 : i32
    %eq3A_1 = arith.cmpi eq, %arg0, %eq3A : i32
    %convert_element_type3A = arith.extui %eq3A_1 : i1 to i32
    %cond3A = arith.constant 0 : i32
    %cond3A_2 = arith.cmpi ne, %convert_element_type3A, %cond3A : i32
    scf.if %cond3A_2 {
      %scan3A = arith.constant 0 : i32
      %scan3A_20 = arith.constant 0 : i32
      %scan3A_21 = arith.constant 80 : i32
      %scan3A_22 = arith.addi %scan3A_20, %scan3A_21 : i32
      %scan3A_23 = arith.constant 1 : i32
      scf.for %scan3A_25 = %scan3A_20 to %scan3A_22 step %scan3A_23  : i32 {
        %mul3A_26 = arith.constant 80 : i32
        %mul3A_27 = arith.muli %arg1, %mul3A_26 : i32
        %add3A = arith.addi %mul3A_27, %scan3A_25 : i32
        "tpu.region"() ({
          %run_scoped3A = tpu.sem_alloc : memref<!tpu.dma_semaphore, #tpu.memory_space<semaphore_mem>>
          %dma_start3A_42 = arith.constant 0 : i32
          %dma_start3A_43 = tpu.memref_slice %arg6[%add3A, %dma_start3A_42] : memref<1280x128xi32, #tpu.memory_space<hbm>> -> memref<1x128xi32, #tpu.memory_space<hbm>>
          %dma_start3A_44 = tpu.memref_squeeze %dma_start3A_43 : memref<1x128xi32, #tpu.memory_space<hbm>> -> memref<128xi32, #tpu.memory_space<hbm>>
          %dma_start3A_45 = arith.constant 0 : i32
          %dma_start3A_46 = tpu.memref_slice %arg6[%add3A, %dma_start3A_45] : memref<1280x128xi32, #tpu.memory_space<hbm>> -> memref<1x128xi32, #tpu.memory_space<hbm>>
          %dma_start3A_47 = tpu.memref_squeeze %dma_start3A_46 : memref<1x128xi32, #tpu.memory_space<hbm>> -> memref<128xi32, #tpu.memory_space<hbm>>
          tpu.enqueue_dma source(%dma_start3A_47 : memref<128xi32, #tpu.memory_space<hbm>>) target(%arg11 : memref<128xi32, #tpu.memory_space<vmem>>) target_semaphore(%run_scoped3A : memref<!tpu.dma_semaphore, #tpu.memory_space<semaphore_mem>>)
          %dma_wait3A_48 = arith.constant 0 : i32
          %dma_wait3A_49 = tpu.memref_slice %arg6[%add3A, %dma_wait3A_48] : memref<1280x128xi32, #tpu.memory_space<hbm>> -> memref<1x128xi32, #tpu.memory_space<hbm>>
          %dma_wait3A_50 = tpu.memref_squeeze %dma_wait3A_49 : memref<1x128xi32, #tpu.memory_space<hbm>> -> memref<128xi32, #tpu.memory_space<hbm>>
          %dma_wait3A_51 = arith.constant 0 : i32
          %dma_wait3A_52 = tpu.memref_slice %arg6[%add3A, %dma_wait3A_51] : memref<1280x128xi32, #tpu.memory_space<hbm>> -> memref<1x128xi32, #tpu.memory_space<hbm>>
          %dma_wait3A_53 = tpu.memref_squeeze %dma_wait3A_52 : memref<1x128xi32, #tpu.memory_space<hbm>> -> memref<128xi32, #tpu.memory_space<hbm>>
          tpu.wait_dma2 semaphore(%run_scoped3A : memref<!tpu.dma_semaphore, #tpu.memory_space<semaphore_mem>>) src(%dma_wait3A_53 : memref<128xi32, #tpu.memory_space<hbm>>) dst(%arg11 : memref<128xi32, #tpu.memory_space<vmem>>)
          tpu.yield
        }) : () -> ()
        %dma_start3A = arith.constant 0 : i32
        %dma_start3A_28 = arith.constant 0 : i32
        %dma_start3A_29 = tpu.memref_slice %arg2[%dma_start3A, %dma_start3A_28] : memref<10000x128xf32, #tpu.memory_space<hbm>> -> memref<10000x128xf32, #tpu.memory_space<hbm>>
        tpu.enqueue_indirect_dma source(%dma_start3A_29 : memref<10000x128xf32, #tpu.memory_space<hbm>>) target(%arg13 : memref<128x128xf32, #tpu.memory_space<vmem>>) offsets(%arg11 : memref<128xi32, #tpu.memory_space<vmem>>) semaphore(%arg16 : memref<!tpu.dma_semaphore, #tpu.memory_space<semaphore_mem>>)
        %mul3A_30 = arith.constant 128 : i32
        %mul3A_31 = arith.muli %add3A, %mul3A_30 : i32
        %dma_start3A_32 = arith.constant 0 : i32
        %dma_start3A_33 = tpu.memref_slice %arg4[%mul3A_31, %dma_start3A_32] : memref<163840x128xf32, #tpu.memory_space<hbm>> -> memref<128x128xf32, #tpu.memory_space<hbm>>
        %dma_start3A_34 = arith.constant 0 : i32
        %dma_start3A_35 = tpu.memref_slice %arg4[%mul3A_31, %dma_start3A_34] : memref<163840x128xf32, #tpu.memory_space<hbm>> -> memref<128x128xf32, #tpu.memory_space<hbm>>
        tpu.enqueue_dma source(%dma_start3A_35 : memref<128x128xf32, #tpu.memory_space<hbm>>) target(%arg14 : memref<128x128xf32, #tpu.memory_space<vmem>>) target_semaphore(%arg17 : memref<!tpu.dma_semaphore, #tpu.memory_space<semaphore_mem>>)
        "tpu.region"() ({
          %run_scoped3A = tpu.sem_alloc : memref<!tpu.dma_semaphore, #tpu.memory_space<semaphore_mem>>
          %dma_start3A_42 = arith.constant 0 : i32
          %dma_start3A_43 = tpu.memref_slice %arg7[%add3A, %dma_start3A_42] : memref<1280x128xi32, #tpu.memory_space<hbm>> -> memref<1x128xi32, #tpu.memory_space<hbm>>
          %dma_start3A_44 = tpu.memref_squeeze %dma_start3A_43 : memref<1x128xi32, #tpu.memory_space<hbm>> -> memref<128xi32, #tpu.memory_space<hbm>>
          %dma_start3A_45 = arith.constant 0 : i32
          %dma_start3A_46 = tpu.memref_slice %arg7[%add3A, %dma_start3A_45] : memref<1280x128xi32, #tpu.memory_space<hbm>> -> memref<1x128xi32, #tpu.memory_space<hbm>>
          %dma_start3A_47 = tpu.memref_squeeze %dma_start3A_46 : memref<1x128xi32, #tpu.memory_space<hbm>> -> memref<128xi32, #tpu.memory_space<hbm>>
          tpu.enqueue_dma source(%dma_start3A_47 : memref<128xi32, #tpu.memory_space<hbm>>) target(%arg12 : memref<128xi32, #tpu.memory_space<vmem>>) target_semaphore(%run_scoped3A : memref<!tpu.dma_semaphore, #tpu.memory_space<semaphore_mem>>)
          %dma_wait3A_48 = arith.constant 0 : i32
          %dma_wait3A_49 = tpu.memref_slice %arg7[%add3A, %dma_wait3A_48] : memref<1280x128xi32, #tpu.memory_space<hbm>> -> memref<1x128xi32, #tpu.memory_space<hbm>>
          %dma_wait3A_50 = tpu.memref_squeeze %dma_wait3A_49 : memref<1x128xi32, #tpu.memory_space<hbm>> -> memref<128xi32, #tpu.memory_space<hbm>>
          %dma_wait3A_51 = arith.constant 0 : i32
          %dma_wait3A_52 = tpu.memref_slice %arg7[%add3A, %dma_wait3A_51] : memref<1280x128xi32, #tpu.memory_space<hbm>> -> memref<1x128xi32, #tpu.memory_space<hbm>>
          %dma_wait3A_53 = tpu.memref_squeeze %dma_wait3A_52 : memref<1x128xi32, #tpu.memory_space<hbm>> -> memref<128xi32, #tpu.memory_space<hbm>>
          tpu.wait_dma2 semaphore(%run_scoped3A : memref<!tpu.dma_semaphore, #tpu.memory_space<semaphore_mem>>) src(%dma_wait3A_53 : memref<128xi32, #tpu.memory_space<hbm>>) dst(%arg12 : memref<128xi32, #tpu.memory_space<vmem>>)
          tpu.yield
        }) : () -> ()
        %dma_wait3A = arith.constant 0 : i32
        %dma_wait3A_36 = arith.constant 0 : i32
        %dma_wait3A_37 = tpu.memref_slice %arg2[%dma_wait3A, %dma_wait3A_36] : memref<10000x128xf32, #tpu.memory_space<hbm>> -> memref<10000x128xf32, #tpu.memory_space<hbm>>
        tpu.wait_indirect_dma semaphore(%arg16 : memref<!tpu.dma_semaphore, #tpu.memory_space<semaphore_mem>>) src(%dma_wait3A_37 : memref<10000x128xf32, #tpu.memory_space<hbm>>) dst(%arg13 : memref<128x128xf32, #tpu.memory_space<vmem>>)
        "tpu.region"() ({
          %run_scoped3A = tpu.sem_alloc : memref<!tpu.dma_semaphore, #tpu.memory_space<semaphore_mem>>
          %dma_start3A_42 = arith.constant 0 : i32
          %dma_start3A_43 = arith.constant 0 : i32
          %dma_start3A_44 = tpu.memref_slice %arg15[%dma_start3A_42, %dma_start3A_43] : memref<10112x128xf32, #tpu.memory_space<vmem_shared>> -> memref<10112x128xf32, #tpu.memory_space<vmem_shared>>
          tpu.enqueue_indirect_dma source(%arg13 : memref<128x128xf32, #tpu.memory_space<vmem>>) target(%dma_start3A_44 : memref<10112x128xf32, #tpu.memory_space<vmem_shared>>) offsets(%arg12 : memref<128xi32, #tpu.memory_space<vmem>>) semaphore(%run_scoped3A : memref<!tpu.dma_semaphore, #tpu.memory_space<semaphore_mem>>) {add = true}
          %dma_wait3A_45 = arith.constant 0 : i32
          %dma_wait3A_46 = arith.constant 0 : i32
          %dma_wait3A_47 = tpu.memref_slice %arg15[%dma_wait3A_45, %dma_wait3A_46] : memref<10112x128xf32, #tpu.memory_space<vmem_shared>> -> memref<10112x128xf32, #tpu.memory_space<vmem_shared>>
          tpu.wait_indirect_dma semaphore(%run_scoped3A : memref<!tpu.dma_semaphore, #tpu.memory_space<semaphore_mem>>) src(%arg13 : memref<128x128xf32, #tpu.memory_space<vmem>>) dst(%dma_wait3A_47 : memref<10112x128xf32, #tpu.memory_space<vmem_shared>>)
          tpu.yield
        }) : () -> ()
        %dma_wait3A_38 = arith.constant 0 : i32
        %dma_wait3A_39 = tpu.memref_slice %arg4[%mul3A_31, %dma_wait3A_38] : memref<163840x128xf32, #tpu.memory_space<hbm>> -> memref<128x128xf32, #tpu.memory_space<hbm>>
        %dma_wait3A_40 = arith.constant 0 : i32
        %dma_wait3A_41 = tpu.memref_slice %arg4[%mul3A_31, %dma_wait3A_40] : memref<163840x128xf32, #tpu.memory_space<hbm>> -> memref<128x128xf32, #tpu.memory_space<hbm>>
        tpu.wait_dma2 semaphore(%arg17 : memref<!tpu.dma_semaphore, #tpu.memory_space<semaphore_mem>>) src(%dma_wait3A_41 : memref<128x128xf32, #tpu.memory_space<hbm>>) dst(%arg14 : memref<128x128xf32, #tpu.memory_space<vmem>>)
        "tpu.region"() ({
          %run_scoped3A = tpu.sem_alloc : memref<!tpu.dma_semaphore, #tpu.memory_space<semaphore_mem>>
          %dma_start3A_42 = arith.constant 0 : i32
          %dma_start3A_43 = arith.constant 0 : i32
          %dma_start3A_44 = tpu.memref_slice %arg15[%dma_start3A_42, %dma_start3A_43] : memref<10112x128xf32, #tpu.memory_space<vmem_shared>> -> memref<10112x128xf32, #tpu.memory_space<vmem_shared>>
          tpu.enqueue_indirect_dma source(%arg14 : memref<128x128xf32, #tpu.memory_space<vmem>>) target(%dma_start3A_44 : memref<10112x128xf32, #tpu.memory_space<vmem_shared>>) offsets(%arg12 : memref<128xi32, #tpu.memory_space<vmem>>) semaphore(%run_scoped3A : memref<!tpu.dma_semaphore, #tpu.memory_space<semaphore_mem>>) {add = true}
          %dma_wait3A_45 = arith.constant 0 : i32
          %dma_wait3A_46 = arith.constant 0 : i32
          %dma_wait3A_47 = tpu.memref_slice %arg15[%dma_wait3A_45, %dma_wait3A_46] : memref<10112x128xf32, #tpu.memory_space<vmem_shared>> -> memref<10112x128xf32, #tpu.memory_space<vmem_shared>>
          tpu.wait_indirect_dma semaphore(%run_scoped3A : memref<!tpu.dma_semaphore, #tpu.memory_space<semaphore_mem>>) src(%arg14 : memref<128x128xf32, #tpu.memory_space<vmem>>) dst(%dma_wait3A_47 : memref<10112x128xf32, #tpu.memory_space<vmem_shared>>)
          tpu.yield
        }) : () -> ()
      }
      %scan3A_24 = arith.constant 80 : i32
    } else {
    }
    %eq3A_3 = arith.constant 1 : i32
    %eq3A_4 = arith.cmpi eq, %arg0, %eq3A_3 : i32
    %convert_element_type3A_5 = arith.extui %eq3A_4 : i1 to i32
    %cond3A_6 = arith.constant 0 : i32
    %cond3A_7 = arith.cmpi ne, %convert_element_type3A_5, %cond3A_6 : i32
    scf.if %cond3A_7 {
      %scan3A = arith.constant 0 : i32
      %scan3A_20 = arith.constant 0 : i32
      %scan3A_21 = arith.constant 80 : i32
      %scan3A_22 = arith.addi %scan3A_20, %scan3A_21 : i32
      %scan3A_23 = arith.constant 1 : i32
      scf.for %scan3A_25 = %scan3A_20 to %scan3A_22 step %scan3A_23  : i32 {
        %mul3A_26 = arith.constant 80 : i32
        %mul3A_27 = arith.muli %arg1, %mul3A_26 : i32
        %add3A = arith.addi %mul3A_27, %scan3A_25 : i32
        "tpu.region"() ({
          %run_scoped3A = tpu.sem_alloc : memref<!tpu.dma_semaphore, #tpu.memory_space<semaphore_mem>>
          %dma_start3A_42 = arith.constant 0 : i32
          %dma_start3A_43 = tpu.memref_slice %arg6[%add3A, %dma_start3A_42] : memref<1280x128xi32, #tpu.memory_space<hbm>> -> memref<1x128xi32, #tpu.memory_space<hbm>>
          %dma_start3A_44 = tpu.memref_squeeze %dma_start3A_43 : memref<1x128xi32, #tpu.memory_space<hbm>> -> memref<128xi32, #tpu.memory_space<hbm>>
          %dma_start3A_45 = arith.constant 0 : i32
          %dma_start3A_46 = tpu.memref_slice %arg6[%add3A, %dma_start3A_45] : memref<1280x128xi32, #tpu.memory_space<hbm>> -> memref<1x128xi32, #tpu.memory_space<hbm>>
          %dma_start3A_47 = tpu.memref_squeeze %dma_start3A_46 : memref<1x128xi32, #tpu.memory_space<hbm>> -> memref<128xi32, #tpu.memory_space<hbm>>
          tpu.enqueue_dma source(%dma_start3A_47 : memref<128xi32, #tpu.memory_space<hbm>>) target(%arg11 : memref<128xi32, #tpu.memory_space<vmem>>) target_semaphore(%run_scoped3A : memref<!tpu.dma_semaphore, #tpu.memory_space<semaphore_mem>>)
          %dma_wait3A_48 = arith.constant 0 : i32
          %dma_wait3A_49 = tpu.memref_slice %arg6[%add3A, %dma_wait3A_48] : memref<1280x128xi32, #tpu.memory_space<hbm>> -> memref<1x128xi32, #tpu.memory_space<hbm>>
          %dma_wait3A_50 = tpu.memref_squeeze %dma_wait3A_49 : memref<1x128xi32, #tpu.memory_space<hbm>> -> memref<128xi32, #tpu.memory_space<hbm>>
          %dma_wait3A_51 = arith.constant 0 : i32
          %dma_wait3A_52 = tpu.memref_slice %arg6[%add3A, %dma_wait3A_51] : memref<1280x128xi32, #tpu.memory_space<hbm>> -> memref<1x128xi32, #tpu.memory_space<hbm>>
          %dma_wait3A_53 = tpu.memref_squeeze %dma_wait3A_52 : memref<1x128xi32, #tpu.memory_space<hbm>> -> memref<128xi32, #tpu.memory_space<hbm>>
          tpu.wait_dma2 semaphore(%run_scoped3A : memref<!tpu.dma_semaphore, #tpu.memory_space<semaphore_mem>>) src(%dma_wait3A_53 : memref<128xi32, #tpu.memory_space<hbm>>) dst(%arg11 : memref<128xi32, #tpu.memory_space<vmem>>)
          tpu.yield
        }) : () -> ()
        %dma_start3A = arith.constant 0 : i32
        %dma_start3A_28 = arith.constant 0 : i32
        %dma_start3A_29 = tpu.memref_slice %arg3[%dma_start3A, %dma_start3A_28] : memref<10000x128xf32, #tpu.memory_space<hbm>> -> memref<10000x128xf32, #tpu.memory_space<hbm>>
        tpu.enqueue_indirect_dma source(%dma_start3A_29 : memref<10000x128xf32, #tpu.memory_space<hbm>>) target(%arg13 : memref<128x128xf32, #tpu.memory_space<vmem>>) offsets(%arg11 : memref<128xi32, #tpu.memory_space<vmem>>) semaphore(%arg16 : memref<!tpu.dma_semaphore, #tpu.memory_space<semaphore_mem>>)
        %mul3A_30 = arith.constant 128 : i32
        %mul3A_31 = arith.muli %add3A, %mul3A_30 : i32
        %dma_start3A_32 = arith.constant 0 : i32
        %dma_start3A_33 = tpu.memref_slice %arg5[%mul3A_31, %dma_start3A_32] : memref<163840x128xf32, #tpu.memory_space<hbm>> -> memref<128x128xf32, #tpu.memory_space<hbm>>
        %dma_start3A_34 = arith.constant 0 : i32
        %dma_start3A_35 = tpu.memref_slice %arg5[%mul3A_31, %dma_start3A_34] : memref<163840x128xf32, #tpu.memory_space<hbm>> -> memref<128x128xf32, #tpu.memory_space<hbm>>
        tpu.enqueue_dma source(%dma_start3A_35 : memref<128x128xf32, #tpu.memory_space<hbm>>) target(%arg14 : memref<128x128xf32, #tpu.memory_space<vmem>>) target_semaphore(%arg17 : memref<!tpu.dma_semaphore, #tpu.memory_space<semaphore_mem>>)
        "tpu.region"() ({
          %run_scoped3A = tpu.sem_alloc : memref<!tpu.dma_semaphore, #tpu.memory_space<semaphore_mem>>
          %dma_start3A_42 = arith.constant 0 : i32
          %dma_start3A_43 = tpu.memref_slice %arg7[%add3A, %dma_start3A_42] : memref<1280x128xi32, #tpu.memory_space<hbm>> -> memref<1x128xi32, #tpu.memory_space<hbm>>
          %dma_start3A_44 = tpu.memref_squeeze %dma_start3A_43 : memref<1x128xi32, #tpu.memory_space<hbm>> -> memref<128xi32, #tpu.memory_space<hbm>>
          %dma_start3A_45 = arith.constant 0 : i32
          %dma_start3A_46 = tpu.memref_slice %arg7[%add3A, %dma_start3A_45] : memref<1280x128xi32, #tpu.memory_space<hbm>> -> memref<1x128xi32, #tpu.memory_space<hbm>>
          %dma_start3A_47 = tpu.memref_squeeze %dma_start3A_46 : memref<1x128xi32, #tpu.memory_space<hbm>> -> memref<128xi32, #tpu.memory_space<hbm>>
          tpu.enqueue_dma source(%dma_start3A_47 : memref<128xi32, #tpu.memory_space<hbm>>) target(%arg12 : memref<128xi32, #tpu.memory_space<vmem>>) target_semaphore(%run_scoped3A : memref<!tpu.dma_semaphore, #tpu.memory_space<semaphore_mem>>)
          %dma_wait3A_48 = arith.constant 0 : i32
          %dma_wait3A_49 = tpu.memref_slice %arg7[%add3A, %dma_wait3A_48] : memref<1280x128xi32, #tpu.memory_space<hbm>> -> memref<1x128xi32, #tpu.memory_space<hbm>>
          %dma_wait3A_50 = tpu.memref_squeeze %dma_wait3A_49 : memref<1x128xi32, #tpu.memory_space<hbm>> -> memref<128xi32, #tpu.memory_space<hbm>>
          %dma_wait3A_51 = arith.constant 0 : i32
          %dma_wait3A_52 = tpu.memref_slice %arg7[%add3A, %dma_wait3A_51] : memref<1280x128xi32, #tpu.memory_space<hbm>> -> memref<1x128xi32, #tpu.memory_space<hbm>>
          %dma_wait3A_53 = tpu.memref_squeeze %dma_wait3A_52 : memref<1x128xi32, #tpu.memory_space<hbm>> -> memref<128xi32, #tpu.memory_space<hbm>>
          tpu.wait_dma2 semaphore(%run_scoped3A : memref<!tpu.dma_semaphore, #tpu.memory_space<semaphore_mem>>) src(%dma_wait3A_53 : memref<128xi32, #tpu.memory_space<hbm>>) dst(%arg12 : memref<128xi32, #tpu.memory_space<vmem>>)
          tpu.yield
        }) : () -> ()
        %dma_wait3A = arith.constant 0 : i32
        %dma_wait3A_36 = arith.constant 0 : i32
        %dma_wait3A_37 = tpu.memref_slice %arg3[%dma_wait3A, %dma_wait3A_36] : memref<10000x128xf32, #tpu.memory_space<hbm>> -> memref<10000x128xf32, #tpu.memory_space<hbm>>
        tpu.wait_indirect_dma semaphore(%arg16 : memref<!tpu.dma_semaphore, #tpu.memory_space<semaphore_mem>>) src(%dma_wait3A_37 : memref<10000x128xf32, #tpu.memory_space<hbm>>) dst(%arg13 : memref<128x128xf32, #tpu.memory_space<vmem>>)
        "tpu.region"() ({
          %run_scoped3A = tpu.sem_alloc : memref<!tpu.dma_semaphore, #tpu.memory_space<semaphore_mem>>
          %dma_start3A_42 = arith.constant 0 : i32
          %dma_start3A_43 = arith.constant 0 : i32
          %dma_start3A_44 = tpu.memref_slice %arg15[%dma_start3A_42, %dma_start3A_43] : memref<10112x128xf32, #tpu.memory_space<vmem_shared>> -> memref<10112x128xf32, #tpu.memory_space<vmem_shared>>
          tpu.enqueue_indirect_dma source(%arg13 : memref<128x128xf32, #tpu.memory_space<vmem>>) target(%dma_start3A_44 : memref<10112x128xf32, #tpu.memory_space<vmem_shared>>) offsets(%arg12 : memref<128xi32, #tpu.memory_space<vmem>>) semaphore(%run_scoped3A : memref<!tpu.dma_semaphore, #tpu.memory_space<semaphore_mem>>) {add = true}
          %dma_wait3A_45 = arith.constant 0 : i32
          %dma_wait3A_46 = arith.constant 0 : i32
          %dma_wait3A_47 = tpu.memref_slice %arg15[%dma_wait3A_45, %dma_wait3A_46] : memref<10112x128xf32, #tpu.memory_space<vmem_shared>> -> memref<10112x128xf32, #tpu.memory_space<vmem_shared>>
          tpu.wait_indirect_dma semaphore(%run_scoped3A : memref<!tpu.dma_semaphore, #tpu.memory_space<semaphore_mem>>) src(%arg13 : memref<128x128xf32, #tpu.memory_space<vmem>>) dst(%dma_wait3A_47 : memref<10112x128xf32, #tpu.memory_space<vmem_shared>>)
          tpu.yield
        }) : () -> ()
        %dma_wait3A_38 = arith.constant 0 : i32
        %dma_wait3A_39 = tpu.memref_slice %arg5[%mul3A_31, %dma_wait3A_38] : memref<163840x128xf32, #tpu.memory_space<hbm>> -> memref<128x128xf32, #tpu.memory_space<hbm>>
        %dma_wait3A_40 = arith.constant 0 : i32
        %dma_wait3A_41 = tpu.memref_slice %arg5[%mul3A_31, %dma_wait3A_40] : memref<163840x128xf32, #tpu.memory_space<hbm>> -> memref<128x128xf32, #tpu.memory_space<hbm>>
        tpu.wait_dma2 semaphore(%arg17 : memref<!tpu.dma_semaphore, #tpu.memory_space<semaphore_mem>>) src(%dma_wait3A_41 : memref<128x128xf32, #tpu.memory_space<hbm>>) dst(%arg14 : memref<128x128xf32, #tpu.memory_space<vmem>>)
        "tpu.region"() ({
          %run_scoped3A = tpu.sem_alloc : memref<!tpu.dma_semaphore, #tpu.memory_space<semaphore_mem>>
          %dma_start3A_42 = arith.constant 0 : i32
          %dma_start3A_43 = arith.constant 0 : i32
          %dma_start3A_44 = tpu.memref_slice %arg15[%dma_start3A_42, %dma_start3A_43] : memref<10112x128xf32, #tpu.memory_space<vmem_shared>> -> memref<10112x128xf32, #tpu.memory_space<vmem_shared>>
          tpu.enqueue_indirect_dma source(%arg14 : memref<128x128xf32, #tpu.memory_space<vmem>>) target(%dma_start3A_44 : memref<10112x128xf32, #tpu.memory_space<vmem_shared>>) offsets(%arg12 : memref<128xi32, #tpu.memory_space<vmem>>) semaphore(%run_scoped3A : memref<!tpu.dma_semaphore, #tpu.memory_space<semaphore_mem>>) {add = true}
          %dma_wait3A_45 = arith.constant 0 : i32
          %dma_wait3A_46 = arith.constant 0 : i32
          %dma_wait3A_47 = tpu.memref_slice %arg15[%dma_wait3A_45, %dma_wait3A_46] : memref<10112x128xf32, #tpu.memory_space<vmem_shared>> -> memref<10112x128xf32, #tpu.memory_space<vmem_shared>>
          tpu.wait_indirect_dma semaphore(%run_scoped3A : memref<!tpu.dma_semaphore, #tpu.memory_space<semaphore_mem>>) src(%arg14 : memref<128x128xf32, #tpu.memory_space<vmem>>) dst(%dma_wait3A_47 : memref<10112x128xf32, #tpu.memory_space<vmem_shared>>)
          tpu.yield
        }) : () -> ()
      }
      %scan3A_24 = arith.constant 80 : i32
    } else {
    }
    %barrier3A_8 = arith.constant 0 : index
    tpu.barrier barrier_id(%barrier3A_8)
    %min3A = arith.constant 9368 : i32
    %min3A_9 = arith.minsi %mul3A_0, %min3A : i32
    %eq3A_10 = arith.constant 0 : i32
    %eq3A_11 = arith.cmpi eq, %arg0, %eq3A_10 : i32
    %convert_element_type3A_12 = arith.extui %eq3A_11 : i1 to i32
    %cond3A_13 = arith.constant 0 : i32
    %cond3A_14 = arith.cmpi ne, %convert_element_type3A_12, %cond3A_13 : i32
    scf.if %cond3A_14 {
      "tpu.region"() ({
        %run_scoped3A = tpu.sem_alloc : memref<!tpu.dma_semaphore, #tpu.memory_space<semaphore_mem>>
        %dma_start3A = arith.constant 0 : i32
        %dma_start3A_20 = tpu.memref_slice %arg9[%min3A_9, %dma_start3A] : memref<10000x128xf32, #tpu.memory_space<hbm>> -> memref<632x128xf32, #tpu.memory_space<hbm>>
        %dma_start3A_21 = arith.constant 0 : i32
        %dma_start3A_22 = tpu.memref_slice %arg15[%min3A_9, %dma_start3A_21] : memref<10112x128xf32, #tpu.memory_space<vmem_shared>> -> memref<632x128xf32, #tpu.memory_space<vmem_shared>>
        tpu.enqueue_dma source(%dma_start3A_22 : memref<632x128xf32, #tpu.memory_space<vmem_shared>>) target(%dma_start3A_20 : memref<632x128xf32, #tpu.memory_space<hbm>>) target_semaphore(%run_scoped3A : memref<!tpu.dma_semaphore, #tpu.memory_space<semaphore_mem>>)
        %dma_wait3A = arith.constant 0 : i32
        %dma_wait3A_23 = tpu.memref_slice %arg9[%min3A_9, %dma_wait3A] : memref<10000x128xf32, #tpu.memory_space<hbm>> -> memref<632x128xf32, #tpu.memory_space<hbm>>
        %dma_wait3A_24 = arith.constant 0 : i32
        %dma_wait3A_25 = tpu.memref_slice %arg15[%min3A_9, %dma_wait3A_24] : memref<10112x128xf32, #tpu.memory_space<vmem_shared>> -> memref<632x128xf32, #tpu.memory_space<vmem_shared>>
        tpu.wait_dma2 semaphore(%run_scoped3A : memref<!tpu.dma_semaphore, #tpu.memory_space<semaphore_mem>>) src(%dma_wait3A_25 : memref<632x128xf32, #tpu.memory_space<vmem_shared>>) dst(%dma_wait3A_23 : memref<632x128xf32, #tpu.memory_space<hbm>>)
        tpu.yield
      }) : () -> ()
    } else {
    }
    %eq3A_15 = arith.constant 1 : i32
    %eq3A_16 = arith.cmpi eq, %arg0, %eq3A_15 : i32
    %convert_element_type3A_17 = arith.extui %eq3A_16 : i1 to i32
    %cond3A_18 = arith.constant 0 : i32
    %cond3A_19 = arith.cmpi ne, %convert_element_type3A_17, %cond3A_18 : i32
    scf.if %cond3A_19 {
      "tpu.region"() ({
        %run_scoped3A = tpu.sem_alloc : memref<!tpu.dma_semaphore, #tpu.memory_space<semaphore_mem>>
        %dma_start3A = arith.constant 0 : i32
        %dma_start3A_20 = tpu.memref_slice %arg10[%min3A_9, %dma_start3A] : memref<10000x128xf32, #tpu.memory_space<hbm>> -> memref<632x128xf32, #tpu.memory_space<hbm>>
        %dma_start3A_21 = arith.constant 0 : i32
        %dma_start3A_22 = tpu.memref_slice %arg15[%min3A_9, %dma_start3A_21] : memref<10112x128xf32, #tpu.memory_space<vmem_shared>> -> memref<632x128xf32, #tpu.memory_space<vmem_shared>>
        tpu.enqueue_dma source(%dma_start3A_22 : memref<632x128xf32, #tpu.memory_space<vmem_shared>>) target(%dma_start3A_20 : memref<632x128xf32, #tpu.memory_space<hbm>>) target_semaphore(%run_scoped3A : memref<!tpu.dma_semaphore, #tpu.memory_space<semaphore_mem>>)
        %dma_wait3A = arith.constant 0 : i32
        %dma_wait3A_23 = tpu.memref_slice %arg10[%min3A_9, %dma_wait3A] : memref<10000x128xf32, #tpu.memory_space<hbm>> -> memref<632x128xf32, #tpu.memory_space<hbm>>
        %dma_wait3A_24 = arith.constant 0 : i32
        %dma_wait3A_25 = tpu.memref_slice %arg15[%min3A_9, %dma_wait3A_24] : memref<10112x128xf32, #tpu.memory_space<vmem_shared>> -> memref<632x128xf32, #tpu.memory_space<vmem_shared>>
        tpu.wait_dma2 semaphore(%run_scoped3A : memref<!tpu.dma_semaphore, #tpu.memory_space<semaphore_mem>>) src(%dma_wait3A_25 : memref<632x128xf32, #tpu.memory_space<vmem_shared>>) dst(%dma_wait3A_23 : memref<632x128xf32, #tpu.memory_space<hbm>>)
        tpu.yield
      }) : () -> ()
    } else {
    }
    return
  }
}

#map = affine_map<(d0, d1) -> (0, 0)>
module attributes {stable_mosaic.version = 14 : i64} {
  func.func @k(%arg0: i32, %arg1: i32, %arg2: memref<10000x128xf32, #tpu.memory_space<hbm>>, %arg3: memref<10000x128xf32, #tpu.memory_space<hbm>>, %arg4: memref<163840x128xf32, #tpu.memory_space<hbm>>, %arg5: memref<163840x128xf32, #tpu.memory_space<hbm>>, %arg6: memref<1280x128xi32, #tpu.memory_space<hbm>>, %arg7: memref<1280x128xi32, #tpu.memory_space<hbm>>, %arg8: memref<10112x128xf32, #tpu.memory_space<hbm>>, %arg9: memref<10000x128xf32, #tpu.memory_space<hbm>>, %arg10: memref<10000x128xf32, #tpu.memory_space<hbm>>, %arg11: memref<128xi32, #tpu.memory_space<vmem>>, %arg12: memref<128xi32, #tpu.memory_space<vmem>>, %arg13: memref<128x128xf32, #tpu.memory_space<vmem>>, %arg14: memref<128x128xf32, #tpu.memory_space<vmem>>, %arg15: memref<10112x128xf32, #tpu.memory_space<vmem_shared>>, %arg16: memref<!tpu.dma_semaphore, #tpu.memory_space<semaphore_mem>>, %arg17: memref<!tpu.dma_semaphore, #tpu.memory_space<semaphore_mem>>) attributes {dimension_semantics = [#tpu.dimension_semantics<core_parallel>, #tpu.dimension_semantics<subcore_parallel>], iteration_bounds = array<i64: 2, 16>, scalar_prefetch = 0 : i64, scratch_operands = 7 : i64, tpu.core_type = #tpu.core_type<sc_vector_subcore>, window_params = [{transform_indices = #map}, {transform_indices = #map}, {transform_indices = #map}, {transform_indices = #map}, {transform_indices = #map}, {transform_indices = #map}, {transform_indices = #map}, {transform_indices = #map}, {transform_indices = #map}]} {
    %mul3A = arith.constant 632 : i32
    %mul3A_0 = arith.muli %arg1, %mul3A : i32
    "tpu.region"() ({
      %run_scoped3A = tpu.sem_alloc : memref<!tpu.dma_semaphore, #tpu.memory_space<semaphore_mem>>
      %dma_start3A = arith.constant 0 : i32
      %dma_start3A_20 = tpu.memref_slice %arg15[%mul3A_0, %dma_start3A] : memref<10112x128xf32, #tpu.memory_space<vmem_shared>> -> memref<632x128xf32, #tpu.memory_space<vmem_shared>>
      %dma_start3A_21 = arith.constant 0 : i32
      %dma_start3A_22 = tpu.memref_slice %arg8[%mul3A_0, %dma_start3A_21] : memref<10112x128xf32, #tpu.memory_space<hbm>> -> memref<632x128xf32, #tpu.memory_space<hbm>>
      tpu.enqueue_dma source(%dma_start3A_22 : memref<632x128xf32, #tpu.memory_space<hbm>>) target(%dma_start3A_20 : memref<632x128xf32, #tpu.memory_space<vmem_shared>>) target_semaphore(%run_scoped3A : memref<!tpu.dma_semaphore, #tpu.memory_space<semaphore_mem>>)
      %dma_wait3A = arith.constant 0 : i32
      %dma_wait3A_23 = tpu.memref_slice %arg15[%mul3A_0, %dma_wait3A] : memref<10112x128xf32, #tpu.memory_space<vmem_shared>> -> memref<632x128xf32, #tpu.memory_space<vmem_shared>>
      %dma_wait3A_24 = arith.constant 0 : i32
      %dma_wait3A_25 = tpu.memref_slice %arg8[%mul3A_0, %dma_wait3A_24] : memref<10112x128xf32, #tpu.memory_space<hbm>> -> memref<632x128xf32, #tpu.memory_space<hbm>>
      tpu.wait_dma2 semaphore(%run_scoped3A : memref<!tpu.dma_semaphore, #tpu.memory_space<semaphore_mem>>) src(%dma_wait3A_25 : memref<632x128xf32, #tpu.memory_space<hbm>>) dst(%dma_wait3A_23 : memref<632x128xf32, #tpu.memory_space<vmem_shared>>)
      tpu.yield
    }) : () -> ()
    %barrier3A = arith.constant 0 : index
    tpu.barrier barrier_id(%barrier3A)
    %eq3A = arith.constant 0 : i32
    %eq3A_1 = arith.cmpi eq, %arg0, %eq3A : i32
    %convert_element_type3A = arith.extui %eq3A_1 : i1 to i32
    %cond3A = arith.constant 0 : i32
    %cond3A_2 = arith.cmpi ne, %convert_element_type3A, %cond3A : i32
    scf.if %cond3A_2 {
      %scan3A = arith.constant 0 : i32
      %scan3A_20 = arith.constant 0 : i32
      %scan3A_21 = arith.constant 80 : i32
      %scan3A_22 = arith.addi %scan3A_20, %scan3A_21 : i32
      %scan3A_23 = arith.constant 1 : i32
      scf.for %scan3A_25 = %scan3A_20 to %scan3A_22 step %scan3A_23  : i32 {
        %mul3A_26 = arith.constant 80 : i32
        %mul3A_27 = arith.muli %arg1, %mul3A_26 : i32
        %add3A = arith.addi %mul3A_27, %scan3A_25 : i32
        "tpu.region"() ({
          %run_scoped3A = tpu.sem_alloc : memref<!tpu.dma_semaphore, #tpu.memory_space<semaphore_mem>>
          %dma_start3A_42 = arith.constant 0 : i32
          %dma_start3A_43 = tpu.memref_slice %arg6[%add3A, %dma_start3A_42] : memref<1280x128xi32, #tpu.memory_space<hbm>> -> memref<1x128xi32, #tpu.memory_space<hbm>>
          %dma_start3A_44 = tpu.memref_squeeze %dma_start3A_43 : memref<1x128xi32, #tpu.memory_space<hbm>> -> memref<128xi32, #tpu.memory_space<hbm>>
          %dma_start3A_45 = arith.constant 0 : i32
          %dma_start3A_46 = tpu.memref_slice %arg6[%add3A, %dma_start3A_45] : memref<1280x128xi32, #tpu.memory_space<hbm>> -> memref<1x128xi32, #tpu.memory_space<hbm>>
          %dma_start3A_47 = tpu.memref_squeeze %dma_start3A_46 : memref<1x128xi32, #tpu.memory_space<hbm>> -> memref<128xi32, #tpu.memory_space<hbm>>
          tpu.enqueue_dma source(%dma_start3A_47 : memref<128xi32, #tpu.memory_space<hbm>>) target(%arg11 : memref<128xi32, #tpu.memory_space<vmem>>) target_semaphore(%run_scoped3A : memref<!tpu.dma_semaphore, #tpu.memory_space<semaphore_mem>>)
          %dma_wait3A_48 = arith.constant 0 : i32
          %dma_wait3A_49 = tpu.memref_slice %arg6[%add3A, %dma_wait3A_48] : memref<1280x128xi32, #tpu.memory_space<hbm>> -> memref<1x128xi32, #tpu.memory_space<hbm>>
          %dma_wait3A_50 = tpu.memref_squeeze %dma_wait3A_49 : memref<1x128xi32, #tpu.memory_space<hbm>> -> memref<128xi32, #tpu.memory_space<hbm>>
          %dma_wait3A_51 = arith.constant 0 : i32
          %dma_wait3A_52 = tpu.memref_slice %arg6[%add3A, %dma_wait3A_51] : memref<1280x128xi32, #tpu.memory_space<hbm>> -> memref<1x128xi32, #tpu.memory_space<hbm>>
          %dma_wait3A_53 = tpu.memref_squeeze %dma_wait3A_52 : memref<1x128xi32, #tpu.memory_space<hbm>> -> memref<128xi32, #tpu.memory_space<hbm>>
          tpu.wait_dma2 semaphore(%run_scoped3A : memref<!tpu.dma_semaphore, #tpu.memory_space<semaphore_mem>>) src(%dma_wait3A_53 : memref<128xi32, #tpu.memory_space<hbm>>) dst(%arg11 : memref<128xi32, #tpu.memory_space<vmem>>)
          tpu.yield
        }) : () -> ()
        %dma_start3A = arith.constant 0 : i32
        %dma_start3A_28 = arith.constant 0 : i32
        %dma_start3A_29 = tpu.memref_slice %arg2[%dma_start3A, %dma_start3A_28] : memref<10000x128xf32, #tpu.memory_space<hbm>> -> memref<10000x128xf32, #tpu.memory_space<hbm>>
        tpu.enqueue_indirect_dma source(%dma_start3A_29 : memref<10000x128xf32, #tpu.memory_space<hbm>>) target(%arg13 : memref<128x128xf32, #tpu.memory_space<vmem>>) offsets(%arg11 : memref<128xi32, #tpu.memory_space<vmem>>) semaphore(%arg16 : memref<!tpu.dma_semaphore, #tpu.memory_space<semaphore_mem>>)
        %mul3A_30 = arith.constant 128 : i32
        %mul3A_31 = arith.muli %add3A, %mul3A_30 : i32
        %dma_start3A_32 = arith.constant 0 : i32
        %dma_start3A_33 = tpu.memref_slice %arg4[%mul3A_31, %dma_start3A_32] : memref<163840x128xf32, #tpu.memory_space<hbm>> -> memref<128x128xf32, #tpu.memory_space<hbm>>
        %dma_start3A_34 = arith.constant 0 : i32
        %dma_start3A_35 = tpu.memref_slice %arg4[%mul3A_31, %dma_start3A_34] : memref<163840x128xf32, #tpu.memory_space<hbm>> -> memref<128x128xf32, #tpu.memory_space<hbm>>
        tpu.enqueue_dma source(%dma_start3A_35 : memref<128x128xf32, #tpu.memory_space<hbm>>) target(%arg14 : memref<128x128xf32, #tpu.memory_space<vmem>>) target_semaphore(%arg17 : memref<!tpu.dma_semaphore, #tpu.memory_space<semaphore_mem>>)
        "tpu.region"() ({
          %run_scoped3A = tpu.sem_alloc : memref<!tpu.dma_semaphore, #tpu.memory_space<semaphore_mem>>
          %dma_start3A_42 = arith.constant 0 : i32
          %dma_start3A_43 = tpu.memref_slice %arg7[%add3A, %dma_start3A_42] : memref<1280x128xi32, #tpu.memory_space<hbm>> -> memref<1x128xi32, #tpu.memory_space<hbm>>
          %dma_start3A_44 = tpu.memref_squeeze %dma_start3A_43 : memref<1x128xi32, #tpu.memory_space<hbm>> -> memref<128xi32, #tpu.memory_space<hbm>>
          %dma_start3A_45 = arith.constant 0 : i32
          %dma_start3A_46 = tpu.memref_slice %arg7[%add3A, %dma_start3A_45] : memref<1280x128xi32, #tpu.memory_space<hbm>> -> memref<1x128xi32, #tpu.memory_space<hbm>>
          %dma_start3A_47 = tpu.memref_squeeze %dma_start3A_46 : memref<1x128xi32, #tpu.memory_space<hbm>> -> memref<128xi32, #tpu.memory_space<hbm>>
          tpu.enqueue_dma source(%dma_start3A_47 : memref<128xi32, #tpu.memory_space<hbm>>) target(%arg12 : memref<128xi32, #tpu.memory_space<vmem>>) target_semaphore(%run_scoped3A : memref<!tpu.dma_semaphore, #tpu.memory_space<semaphore_mem>>)
          %dma_wait3A_48 = arith.constant 0 : i32
          %dma_wait3A_49 = tpu.memref_slice %arg7[%add3A, %dma_wait3A_48] : memref<1280x128xi32, #tpu.memory_space<hbm>> -> memref<1x128xi32, #tpu.memory_space<hbm>>
          %dma_wait3A_50 = tpu.memref_squeeze %dma_wait3A_49 : memref<1x128xi32, #tpu.memory_space<hbm>> -> memref<128xi32, #tpu.memory_space<hbm>>
          %dma_wait3A_51 = arith.constant 0 : i32
          %dma_wait3A_52 = tpu.memref_slice %arg7[%add3A, %dma_wait3A_51] : memref<1280x128xi32, #tpu.memory_space<hbm>> -> memref<1x128xi32, #tpu.memory_space<hbm>>
          %dma_wait3A_53 = tpu.memref_squeeze %dma_wait3A_52 : memref<1x128xi32, #tpu.memory_space<hbm>> -> memref<128xi32, #tpu.memory_space<hbm>>
          tpu.wait_dma2 semaphore(%run_scoped3A : memref<!tpu.dma_semaphore, #tpu.memory_space<semaphore_mem>>) src(%dma_wait3A_53 : memref<128xi32, #tpu.memory_space<hbm>>) dst(%arg12 : memref<128xi32, #tpu.memory_space<vmem>>)
          tpu.yield
        }) : () -> ()
        %dma_wait3A = arith.constant 0 : i32
        %dma_wait3A_36 = arith.constant 0 : i32
        %dma_wait3A_37 = tpu.memref_slice %arg2[%dma_wait3A, %dma_wait3A_36] : memref<10000x128xf32, #tpu.memory_space<hbm>> -> memref<10000x128xf32, #tpu.memory_space<hbm>>
        tpu.wait_indirect_dma semaphore(%arg16 : memref<!tpu.dma_semaphore, #tpu.memory_space<semaphore_mem>>) src(%dma_wait3A_37 : memref<10000x128xf32, #tpu.memory_space<hbm>>) dst(%arg13 : memref<128x128xf32, #tpu.memory_space<vmem>>)
        "tpu.region"() ({
          %run_scoped3A = tpu.sem_alloc : memref<!tpu.dma_semaphore, #tpu.memory_space<semaphore_mem>>
          %dma_start3A_42 = arith.constant 0 : i32
          %dma_start3A_43 = arith.constant 0 : i32
          %dma_start3A_44 = tpu.memref_slice %arg15[%dma_start3A_42, %dma_start3A_43] : memref<10112x128xf32, #tpu.memory_space<vmem_shared>> -> memref<10112x128xf32, #tpu.memory_space<vmem_shared>>
          tpu.enqueue_indirect_dma source(%arg13 : memref<128x128xf32, #tpu.memory_space<vmem>>) target(%dma_start3A_44 : memref<10112x128xf32, #tpu.memory_space<vmem_shared>>) offsets(%arg12 : memref<128xi32, #tpu.memory_space<vmem>>) semaphore(%run_scoped3A : memref<!tpu.dma_semaphore, #tpu.memory_space<semaphore_mem>>) {add = true}
          %dma_wait3A_45 = arith.constant 0 : i32
          %dma_wait3A_46 = arith.constant 0 : i32
          %dma_wait3A_47 = tpu.memref_slice %arg15[%dma_wait3A_45, %dma_wait3A_46] : memref<10112x128xf32, #tpu.memory_space<vmem_shared>> -> memref<10112x128xf32, #tpu.memory_space<vmem_shared>>
          tpu.wait_indirect_dma semaphore(%run_scoped3A : memref<!tpu.dma_semaphore, #tpu.memory_space<semaphore_mem>>) src(%arg13 : memref<128x128xf32, #tpu.memory_space<vmem>>) dst(%dma_wait3A_47 : memref<10112x128xf32, #tpu.memory_space<vmem_shared>>)
          tpu.yield
        }) : () -> ()
        %dma_wait3A_38 = arith.constant 0 : i32
        %dma_wait3A_39 = tpu.memref_slice %arg4[%mul3A_31, %dma_wait3A_38] : memref<163840x128xf32, #tpu.memory_space<hbm>> -> memref<128x128xf32, #tpu.memory_space<hbm>>
        %dma_wait3A_40 = arith.constant 0 : i32
        %dma_wait3A_41 = tpu.memref_slice %arg4[%mul3A_31, %dma_wait3A_40] : memref<163840x128xf32, #tpu.memory_space<hbm>> -> memref<128x128xf32, #tpu.memory_space<hbm>>
        tpu.wait_dma2 semaphore(%arg17 : memref<!tpu.dma_semaphore, #tpu.memory_space<semaphore_mem>>) src(%dma_wait3A_41 : memref<128x128xf32, #tpu.memory_space<hbm>>) dst(%arg14 : memref<128x128xf32, #tpu.memory_space<vmem>>)
        "tpu.region"() ({
          %run_scoped3A = tpu.sem_alloc : memref<!tpu.dma_semaphore, #tpu.memory_space<semaphore_mem>>
          %dma_start3A_42 = arith.constant 0 : i32
          %dma_start3A_43 = arith.constant 0 : i32
          %dma_start3A_44 = tpu.memref_slice %arg15[%dma_start3A_42, %dma_start3A_43] : memref<10112x128xf32, #tpu.memory_space<vmem_shared>> -> memref<10112x128xf32, #tpu.memory_space<vmem_shared>>
          tpu.enqueue_indirect_dma source(%arg14 : memref<128x128xf32, #tpu.memory_space<vmem>>) target(%dma_start3A_44 : memref<10112x128xf32, #tpu.memory_space<vmem_shared>>) offsets(%arg12 : memref<128xi32, #tpu.memory_space<vmem>>) semaphore(%run_scoped3A : memref<!tpu.dma_semaphore, #tpu.memory_space<semaphore_mem>>) {add = true}
          %dma_wait3A_45 = arith.constant 0 : i32
          %dma_wait3A_46 = arith.constant 0 : i32
          %dma_wait3A_47 = tpu.memref_slice %arg15[%dma_wait3A_45, %dma_wait3A_46] : memref<10112x128xf32, #tpu.memory_space<vmem_shared>> -> memref<10112x128xf32, #tpu.memory_space<vmem_shared>>
          tpu.wait_indirect_dma semaphore(%run_scoped3A : memref<!tpu.dma_semaphore, #tpu.memory_space<semaphore_mem>>) src(%arg14 : memref<128x128xf32, #tpu.memory_space<vmem>>) dst(%dma_wait3A_47 : memref<10112x128xf32, #tpu.memory_space<vmem_shared>>)
          tpu.yield
        }) : () -> ()
      }
      %scan3A_24 = arith.constant 80 : i32
    } else {
    }
    %eq3A_3 = arith.constant 1 : i32
    %eq3A_4 = arith.cmpi eq, %arg0, %eq3A_3 : i32
    %convert_element_type3A_5 = arith.extui %eq3A_4 : i1 to i32
    %cond3A_6 = arith.constant 0 : i32
    %cond3A_7 = arith.cmpi ne, %convert_element_type3A_5, %cond3A_6 : i32
    scf.if %cond3A_7 {
      %scan3A = arith.constant 0 : i32
      %scan3A_20 = arith.constant 0 : i32
      %scan3A_21 = arith.constant 80 : i32
      %scan3A_22 = arith.addi %scan3A_20, %scan3A_21 : i32
      %scan3A_23 = arith.constant 1 : i32
      scf.for %scan3A_25 = %scan3A_20 to %scan3A_22 step %scan3A_23  : i32 {
        %mul3A_26 = arith.constant 80 : i32
        %mul3A_27 = arith.muli %arg1, %mul3A_26 : i32
        %add3A = arith.addi %mul3A_27, %scan3A_25 : i32
        "tpu.region"() ({
          %run_scoped3A = tpu.sem_alloc : memref<!tpu.dma_semaphore, #tpu.memory_space<semaphore_mem>>
          %dma_start3A_42 = arith.constant 0 : i32
          %dma_start3A_43 = tpu.memref_slice %arg6[%add3A, %dma_start3A_42] : memref<1280x128xi32, #tpu.memory_space<hbm>> -> memref<1x128xi32, #tpu.memory_space<hbm>>
          %dma_start3A_44 = tpu.memref_squeeze %dma_start3A_43 : memref<1x128xi32, #tpu.memory_space<hbm>> -> memref<128xi32, #tpu.memory_space<hbm>>
          %dma_start3A_45 = arith.constant 0 : i32
          %dma_start3A_46 = tpu.memref_slice %arg6[%add3A, %dma_start3A_45] : memref<1280x128xi32, #tpu.memory_space<hbm>> -> memref<1x128xi32, #tpu.memory_space<hbm>>
          %dma_start3A_47 = tpu.memref_squeeze %dma_start3A_46 : memref<1x128xi32, #tpu.memory_space<hbm>> -> memref<128xi32, #tpu.memory_space<hbm>>
          tpu.enqueue_dma source(%dma_start3A_47 : memref<128xi32, #tpu.memory_space<hbm>>) target(%arg11 : memref<128xi32, #tpu.memory_space<vmem>>) target_semaphore(%run_scoped3A : memref<!tpu.dma_semaphore, #tpu.memory_space<semaphore_mem>>)
          %dma_wait3A_48 = arith.constant 0 : i32
          %dma_wait3A_49 = tpu.memref_slice %arg6[%add3A, %dma_wait3A_48] : memref<1280x128xi32, #tpu.memory_space<hbm>> -> memref<1x128xi32, #tpu.memory_space<hbm>>
          %dma_wait3A_50 = tpu.memref_squeeze %dma_wait3A_49 : memref<1x128xi32, #tpu.memory_space<hbm>> -> memref<128xi32, #tpu.memory_space<hbm>>
          %dma_wait3A_51 = arith.constant 0 : i32
          %dma_wait3A_52 = tpu.memref_slice %arg6[%add3A, %dma_wait3A_51] : memref<1280x128xi32, #tpu.memory_space<hbm>> -> memref<1x128xi32, #tpu.memory_space<hbm>>
          %dma_wait3A_53 = tpu.memref_squeeze %dma_wait3A_52 : memref<1x128xi32, #tpu.memory_space<hbm>> -> memref<128xi32, #tpu.memory_space<hbm>>
          tpu.wait_dma2 semaphore(%run_scoped3A : memref<!tpu.dma_semaphore, #tpu.memory_space<semaphore_mem>>) src(%dma_wait3A_53 : memref<128xi32, #tpu.memory_space<hbm>>) dst(%arg11 : memref<128xi32, #tpu.memory_space<vmem>>)
          tpu.yield
        }) : () -> ()
        %dma_start3A = arith.constant 0 : i32
        %dma_start3A_28 = arith.constant 0 : i32
        %dma_start3A_29 = tpu.memref_slice %arg3[%dma_start3A, %dma_start3A_28] : memref<10000x128xf32, #tpu.memory_space<hbm>> -> memref<10000x128xf32, #tpu.memory_space<hbm>>
        tpu.enqueue_indirect_dma source(%dma_start3A_29 : memref<10000x128xf32, #tpu.memory_space<hbm>>) target(%arg13 : memref<128x128xf32, #tpu.memory_space<vmem>>) offsets(%arg11 : memref<128xi32, #tpu.memory_space<vmem>>) semaphore(%arg16 : memref<!tpu.dma_semaphore, #tpu.memory_space<semaphore_mem>>)
        %mul3A_30 = arith.constant 128 : i32
        %mul3A_31 = arith.muli %add3A, %mul3A_30 : i32
        %dma_start3A_32 = arith.constant 0 : i32
        %dma_start3A_33 = tpu.memref_slice %arg5[%mul3A_31, %dma_start3A_32] : memref<163840x128xf32, #tpu.memory_space<hbm>> -> memref<128x128xf32, #tpu.memory_space<hbm>>
        %dma_start3A_34 = arith.constant 0 : i32
        %dma_start3A_35 = tpu.memref_slice %arg5[%mul3A_31, %dma_start3A_34] : memref<163840x128xf32, #tpu.memory_space<hbm>> -> memref<128x128xf32, #tpu.memory_space<hbm>>
        tpu.enqueue_dma source(%dma_start3A_35 : memref<128x128xf32, #tpu.memory_space<hbm>>) target(%arg14 : memref<128x128xf32, #tpu.memory_space<vmem>>) target_semaphore(%arg17 : memref<!tpu.dma_semaphore, #tpu.memory_space<semaphore_mem>>)
        "tpu.region"() ({
          %run_scoped3A = tpu.sem_alloc : memref<!tpu.dma_semaphore, #tpu.memory_space<semaphore_mem>>
          %dma_start3A_42 = arith.constant 0 : i32
          %dma_start3A_43 = tpu.memref_slice %arg7[%add3A, %dma_start3A_42] : memref<1280x128xi32, #tpu.memory_space<hbm>> -> memref<1x128xi32, #tpu.memory_space<hbm>>
          %dma_start3A_44 = tpu.memref_squeeze %dma_start3A_43 : memref<1x128xi32, #tpu.memory_space<hbm>> -> memref<128xi32, #tpu.memory_space<hbm>>
          %dma_start3A_45 = arith.constant 0 : i32
          %dma_start3A_46 = tpu.memref_slice %arg7[%add3A, %dma_start3A_45] : memref<1280x128xi32, #tpu.memory_space<hbm>> -> memref<1x128xi32, #tpu.memory_space<hbm>>
          %dma_start3A_47 = tpu.memref_squeeze %dma_start3A_46 : memref<1x128xi32, #tpu.memory_space<hbm>> -> memref<128xi32, #tpu.memory_space<hbm>>
          tpu.enqueue_dma source(%dma_start3A_47 : memref<128xi32, #tpu.memory_space<hbm>>) target(%arg12 : memref<128xi32, #tpu.memory_space<vmem>>) target_semaphore(%run_scoped3A : memref<!tpu.dma_semaphore, #tpu.memory_space<semaphore_mem>>)
          %dma_wait3A_48 = arith.constant 0 : i32
          %dma_wait3A_49 = tpu.memref_slice %arg7[%add3A, %dma_wait3A_48] : memref<1280x128xi32, #tpu.memory_space<hbm>> -> memref<1x128xi32, #tpu.memory_space<hbm>>
          %dma_wait3A_50 = tpu.memref_squeeze %dma_wait3A_49 : memref<1x128xi32, #tpu.memory_space<hbm>> -> memref<128xi32, #tpu.memory_space<hbm>>
          %dma_wait3A_51 = arith.constant 0 : i32
          %dma_wait3A_52 = tpu.memref_slice %arg7[%add3A, %dma_wait3A_51] : memref<1280x128xi32, #tpu.memory_space<hbm>> -> memref<1x128xi32, #tpu.memory_space<hbm>>
          %dma_wait3A_53 = tpu.memref_squeeze %dma_wait3A_52 : memref<1x128xi32, #tpu.memory_space<hbm>> -> memref<128xi32, #tpu.memory_space<hbm>>
          tpu.wait_dma2 semaphore(%run_scoped3A : memref<!tpu.dma_semaphore, #tpu.memory_space<semaphore_mem>>) src(%dma_wait3A_53 : memref<128xi32, #tpu.memory_space<hbm>>) dst(%arg12 : memref<128xi32, #tpu.memory_space<vmem>>)
          tpu.yield
        }) : () -> ()
        %dma_wait3A = arith.constant 0 : i32
        %dma_wait3A_36 = arith.constant 0 : i32
        %dma_wait3A_37 = tpu.memref_slice %arg3[%dma_wait3A, %dma_wait3A_36] : memref<10000x128xf32, #tpu.memory_space<hbm>> -> memref<10000x128xf32, #tpu.memory_space<hbm>>
        tpu.wait_indirect_dma semaphore(%arg16 : memref<!tpu.dma_semaphore, #tpu.memory_space<semaphore_mem>>) src(%dma_wait3A_37 : memref<10000x128xf32, #tpu.memory_space<hbm>>) dst(%arg13 : memref<128x128xf32, #tpu.memory_space<vmem>>)
        "tpu.region"() ({
          %run_scoped3A = tpu.sem_alloc : memref<!tpu.dma_semaphore, #tpu.memory_space<semaphore_mem>>
          %dma_start3A_42 = arith.constant 0 : i32
          %dma_start3A_43 = arith.constant 0 : i32
          %dma_start3A_44 = tpu.memref_slice %arg15[%dma_start3A_42, %dma_start3A_43] : memref<10112x128xf32, #tpu.memory_space<vmem_shared>> -> memref<10112x128xf32, #tpu.memory_space<vmem_shared>>
          tpu.enqueue_indirect_dma source(%arg13 : memref<128x128xf32, #tpu.memory_space<vmem>>) target(%dma_start3A_44 : memref<10112x128xf32, #tpu.memory_space<vmem_shared>>) offsets(%arg12 : memref<128xi32, #tpu.memory_space<vmem>>) semaphore(%run_scoped3A : memref<!tpu.dma_semaphore, #tpu.memory_space<semaphore_mem>>) {add = true}
          %dma_wait3A_45 = arith.constant 0 : i32
          %dma_wait3A_46 = arith.constant 0 : i32
          %dma_wait3A_47 = tpu.memref_slice %arg15[%dma_wait3A_45, %dma_wait3A_46] : memref<10112x128xf32, #tpu.memory_space<vmem_shared>> -> memref<10112x128xf32, #tpu.memory_space<vmem_shared>>
          tpu.wait_indirect_dma semaphore(%run_scoped3A : memref<!tpu.dma_semaphore, #tpu.memory_space<semaphore_mem>>) src(%arg13 : memref<128x128xf32, #tpu.memory_space<vmem>>) dst(%dma_wait3A_47 : memref<10112x128xf32, #tpu.memory_space<vmem_shared>>)
          tpu.yield
        }) : () -> ()
        %dma_wait3A_38 = arith.constant 0 : i32
        %dma_wait3A_39 = tpu.memref_slice %arg5[%mul3A_31, %dma_wait3A_38] : memref<163840x128xf32, #tpu.memory_space<hbm>> -> memref<128x128xf32, #tpu.memory_space<hbm>>
        %dma_wait3A_40 = arith.constant 0 : i32
        %dma_wait3A_41 = tpu.memref_slice %arg5[%mul3A_31, %dma_wait3A_40] : memref<163840x128xf32, #tpu.memory_space<hbm>> -> memref<128x128xf32, #tpu.memory_space<hbm>>
        tpu.wait_dma2 semaphore(%arg17 : memref<!tpu.dma_semaphore, #tpu.memory_space<semaphore_mem>>) src(%dma_wait3A_41 : memref<128x128xf32, #tpu.memory_space<hbm>>) dst(%arg14 : memref<128x128xf32, #tpu.memory_space<vmem>>)
        "tpu.region"() ({
          %run_scoped3A = tpu.sem_alloc : memref<!tpu.dma_semaphore, #tpu.memory_space<semaphore_mem>>
          %dma_start3A_42 = arith.constant 0 : i32
          %dma_start3A_43 = arith.constant 0 : i32
          %dma_start3A_44 = tpu.memref_slice %arg15[%dma_start3A_42, %dma_start3A_43] : memref<10112x128xf32, #tpu.memory_space<vmem_shared>> -> memref<10112x128xf32, #tpu.memory_space<vmem_shared>>
          tpu.enqueue_indirect_dma source(%arg14 : memref<128x128xf32, #tpu.memory_space<vmem>>) target(%dma_start3A_44 : memref<10112x128xf32, #tpu.memory_space<vmem_shared>>) offsets(%arg12 : memref<128xi32, #tpu.memory_space<vmem>>) semaphore(%run_scoped3A : memref<!tpu.dma_semaphore, #tpu.memory_space<semaphore_mem>>) {add = true}
          %dma_wait3A_45 = arith.constant 0 : i32
          %dma_wait3A_46 = arith.constant 0 : i32
          %dma_wait3A_47 = tpu.memref_slice %arg15[%dma_wait3A_45, %dma_wait3A_46] : memref<10112x128xf32, #tpu.memory_space<vmem_shared>> -> memref<10112x128xf32, #tpu.memory_space<vmem_shared>>
          tpu.wait_indirect_dma semaphore(%run_scoped3A : memref<!tpu.dma_semaphore, #tpu.memory_space<semaphore_mem>>) src(%arg14 : memref<128x128xf32, #tpu.memory_space<vmem>>) dst(%dma_wait3A_47 : memref<10112x128xf32, #tpu.memory_space<vmem_shared>>)
          tpu.yield
        }) : () -> ()
      }
      %scan3A_24 = arith.constant 80 : i32
    } else {
    }
    %barrier3A_8 = arith.constant 0 : index
    tpu.barrier barrier_id(%barrier3A_8)
    %min3A = arith.constant 9368 : i32
    %min3A_9 = arith.minsi %mul3A_0, %min3A : i32
    %eq3A_10 = arith.constant 0 : i32
    %eq3A_11 = arith.cmpi eq, %arg0, %eq3A_10 : i32
    %convert_element_type3A_12 = arith.extui %eq3A_11 : i1 to i32
    %cond3A_13 = arith.constant 0 : i32
    %cond3A_14 = arith.cmpi ne, %convert_element_type3A_12, %cond3A_13 : i32
    scf.if %cond3A_14 {
      "tpu.region"() ({
        %run_scoped3A = tpu.sem_alloc : memref<!tpu.dma_semaphore, #tpu.memory_space<semaphore_mem>>
        %dma_start3A = arith.constant 0 : i32
        %dma_start3A_20 = tpu.memref_slice %arg9[%min3A_9, %dma_start3A] : memref<10000x128xf32, #tpu.memory_space<hbm>> -> memref<632x128xf32, #tpu.memory_space<hbm>>
        %dma_start3A_21 = arith.constant 0 : i32
        %dma_start3A_22 = tpu.memref_slice %arg15[%min3A_9, %dma_start3A_21] : memref<10112x128xf32, #tpu.memory_space<vmem_shared>> -> memref<632x128xf32, #tpu.memory_space<vmem_shared>>
        tpu.enqueue_dma source(%dma_start3A_22 : memref<632x128xf32, #tpu.memory_space<vmem_shared>>) target(%dma_start3A_20 : memref<632x128xf32, #tpu.memory_space<hbm>>) target_semaphore(%run_scoped3A : memref<!tpu.dma_semaphore, #tpu.memory_space<semaphore_mem>>)
        %dma_wait3A = arith.constant 0 : i32
        %dma_wait3A_23 = tpu.memref_slice %arg9[%min3A_9, %dma_wait3A] : memref<10000x128xf32, #tpu.memory_space<hbm>> -> memref<632x128xf32, #tpu.memory_space<hbm>>
        %dma_wait3A_24 = arith.constant 0 : i32
        %dma_wait3A_25 = tpu.memref_slice %arg15[%min3A_9, %dma_wait3A_24] : memref<10112x128xf32, #tpu.memory_space<vmem_shared>> -> memref<632x128xf32, #tpu.memory_space<vmem_shared>>
        tpu.wait_dma2 semaphore(%run_scoped3A : memref<!tpu.dma_semaphore, #tpu.memory_space<semaphore_mem>>) src(%dma_wait3A_25 : memref<632x128xf32, #tpu.memory_space<vmem_shared>>) dst(%dma_wait3A_23 : memref<632x128xf32, #tpu.memory_space<hbm>>)
        tpu.yield
      }) : () -> ()
    } else {
    }
    %eq3A_15 = arith.constant 1 : i32
    %eq3A_16 = arith.cmpi eq, %arg0, %eq3A_15 : i32
    %convert_element_type3A_17 = arith.extui %eq3A_16 : i1 to i32
    %cond3A_18 = arith.constant 0 : i32
    %cond3A_19 = arith.cmpi ne, %convert_element_type3A_17, %cond3A_18 : i32
    scf.if %cond3A_19 {
      "tpu.region"() ({
        %run_scoped3A = tpu.sem_alloc : memref<!tpu.dma_semaphore, #tpu.memory_space<semaphore_mem>>
        %dma_start3A = arith.constant 0 : i32
        %dma_start3A_20 = tpu.memref_slice %arg10[%min3A_9, %dma_start3A] : memref<10000x128xf32, #tpu.memory_space<hbm>> -> memref<632x128xf32, #tpu.memory_space<hbm>>
        %dma_start3A_21 = arith.constant 0 : i32
        %dma_start3A_22 = tpu.memref_slice %arg15[%min3A_9, %dma_start3A_21] : memref<10112x128xf32, #tpu.memory_space<vmem_shared>> -> memref<632x128xf32, #tpu.memory_space<vmem_shared>>
        tpu.enqueue_dma source(%dma_start3A_22 : memref<632x128xf32, #tpu.memory_space<vmem_shared>>) target(%dma_start3A_20 : memref<632x128xf32, #tpu.memory_space<hbm>>) target_semaphore(%run_scoped3A : memref<!tpu.dma_semaphore, #tpu.memory_space<semaphore_mem>>)
        %dma_wait3A = arith.constant 0 : i32
        %dma_wait3A_23 = tpu.memref_slice %arg10[%min3A_9, %dma_wait3A] : memref<10000x128xf32, #tpu.memory_space<hbm>> -> memref<632x128xf32, #tpu.memory_space<hbm>>
        %dma_wait3A_24 = arith.constant 0 : i32
        %dma_wait3A_25 = tpu.memref_slice %arg15[%min3A_9, %dma_wait3A_24] : memref<10112x128xf32, #tpu.memory_space<vmem_shared>> -> memref<632x128xf32, #tpu.memory_space<vmem_shared>>
        tpu.wait_dma2 semaphore(%run_scoped3A : memref<!tpu.dma_semaphore, #tpu.memory_space<semaphore_mem>>) src(%dma_wait3A_25 : memref<632x128xf32, #tpu.memory_space<vmem_shared>>) dst(%dma_wait3A_23 : memref<632x128xf32, #tpu.memory_space<hbm>>)
        tpu.yield
      }) : () -> ()
    } else {
    }
    return
  }
}

#map = affine_map<(d0, d1) -> (0, 0)>
module attributes {stable_mosaic.version = 14 : i64} {
  func.func @k(%arg0: i32, %arg1: i32, %arg2: memref<10000x128xf32, #tpu.memory_space<hbm>>, %arg3: memref<10000x128xf32, #tpu.memory_space<hbm>>, %arg4: memref<163840x128xf32, #tpu.memory_space<hbm>>, %arg5: memref<163840x128xf32, #tpu.memory_space<hbm>>, %arg6: memref<1280x128xi32, #tpu.memory_space<hbm>>, %arg7: memref<1280x128xi32, #tpu.memory_space<hbm>>, %arg8: memref<10112x128xf32, #tpu.memory_space<hbm>>, %arg9: memref<10000x128xf32, #tpu.memory_space<hbm>>, %arg10: memref<10000x128xf32, #tpu.memory_space<hbm>>, %arg11: memref<128xi32, #tpu.memory_space<vmem>>, %arg12: memref<128xi32, #tpu.memory_space<vmem>>, %arg13: memref<128x128xf32, #tpu.memory_space<vmem>>, %arg14: memref<128x128xf32, #tpu.memory_space<vmem>>, %arg15: memref<10112x128xf32, #tpu.memory_space<vmem_shared>>, %arg16: memref<!tpu.dma_semaphore, #tpu.memory_space<semaphore_mem>>, %arg17: memref<!tpu.dma_semaphore, #tpu.memory_space<semaphore_mem>>) attributes {dimension_semantics = [#tpu.dimension_semantics<core_parallel>, #tpu.dimension_semantics<subcore_parallel>], iteration_bounds = array<i64: 2, 16>, scalar_prefetch = 0 : i64, scratch_operands = 7 : i64, tpu.core_type = #tpu.core_type<sc_vector_subcore>, window_params = [{transform_indices = #map}, {transform_indices = #map}, {transform_indices = #map}, {transform_indices = #map}, {transform_indices = #map}, {transform_indices = #map}, {transform_indices = #map}, {transform_indices = #map}, {transform_indices = #map}]} {
    %mul3A = arith.constant 632 : i32
    %mul3A_0 = arith.muli %arg1, %mul3A : i32
    "tpu.region"() ({
      %run_scoped3A = tpu.sem_alloc : memref<!tpu.dma_semaphore, #tpu.memory_space<semaphore_mem>>
      %dma_start3A = arith.constant 0 : i32
      %dma_start3A_20 = tpu.memref_slice %arg15[%mul3A_0, %dma_start3A] : memref<10112x128xf32, #tpu.memory_space<vmem_shared>> -> memref<632x128xf32, #tpu.memory_space<vmem_shared>>
      %dma_start3A_21 = arith.constant 0 : i32
      %dma_start3A_22 = tpu.memref_slice %arg8[%mul3A_0, %dma_start3A_21] : memref<10112x128xf32, #tpu.memory_space<hbm>> -> memref<632x128xf32, #tpu.memory_space<hbm>>
      tpu.enqueue_dma source(%dma_start3A_22 : memref<632x128xf32, #tpu.memory_space<hbm>>) target(%dma_start3A_20 : memref<632x128xf32, #tpu.memory_space<vmem_shared>>) target_semaphore(%run_scoped3A : memref<!tpu.dma_semaphore, #tpu.memory_space<semaphore_mem>>)
      %dma_wait3A = arith.constant 0 : i32
      %dma_wait3A_23 = tpu.memref_slice %arg15[%mul3A_0, %dma_wait3A] : memref<10112x128xf32, #tpu.memory_space<vmem_shared>> -> memref<632x128xf32, #tpu.memory_space<vmem_shared>>
      %dma_wait3A_24 = arith.constant 0 : i32
      %dma_wait3A_25 = tpu.memref_slice %arg8[%mul3A_0, %dma_wait3A_24] : memref<10112x128xf32, #tpu.memory_space<hbm>> -> memref<632x128xf32, #tpu.memory_space<hbm>>
      tpu.wait_dma2 semaphore(%run_scoped3A : memref<!tpu.dma_semaphore, #tpu.memory_space<semaphore_mem>>) src(%dma_wait3A_25 : memref<632x128xf32, #tpu.memory_space<hbm>>) dst(%dma_wait3A_23 : memref<632x128xf32, #tpu.memory_space<vmem_shared>>)
      tpu.yield
    }) : () -> ()
    %barrier3A = arith.constant 0 : index
    tpu.barrier barrier_id(%barrier3A)
    %eq3A = arith.constant 0 : i32
    %eq3A_1 = arith.cmpi eq, %arg0, %eq3A : i32
    %convert_element_type3A = arith.extui %eq3A_1 : i1 to i32
    %cond3A = arith.constant 0 : i32
    %cond3A_2 = arith.cmpi ne, %convert_element_type3A, %cond3A : i32
    scf.if %cond3A_2 {
      %scan3A = arith.constant 0 : i32
      %scan3A_20 = arith.constant 0 : i32
      %scan3A_21 = arith.constant 80 : i32
      %scan3A_22 = arith.addi %scan3A_20, %scan3A_21 : i32
      %scan3A_23 = arith.constant 1 : i32
      scf.for %scan3A_25 = %scan3A_20 to %scan3A_22 step %scan3A_23  : i32 {
        %mul3A_26 = arith.constant 80 : i32
        %mul3A_27 = arith.muli %arg1, %mul3A_26 : i32
        %add3A = arith.addi %mul3A_27, %scan3A_25 : i32
        "tpu.region"() ({
          %run_scoped3A = tpu.sem_alloc : memref<!tpu.dma_semaphore, #tpu.memory_space<semaphore_mem>>
          %dma_start3A_42 = arith.constant 0 : i32
          %dma_start3A_43 = tpu.memref_slice %arg6[%add3A, %dma_start3A_42] : memref<1280x128xi32, #tpu.memory_space<hbm>> -> memref<1x128xi32, #tpu.memory_space<hbm>>
          %dma_start3A_44 = tpu.memref_squeeze %dma_start3A_43 : memref<1x128xi32, #tpu.memory_space<hbm>> -> memref<128xi32, #tpu.memory_space<hbm>>
          %dma_start3A_45 = arith.constant 0 : i32
          %dma_start3A_46 = tpu.memref_slice %arg6[%add3A, %dma_start3A_45] : memref<1280x128xi32, #tpu.memory_space<hbm>> -> memref<1x128xi32, #tpu.memory_space<hbm>>
          %dma_start3A_47 = tpu.memref_squeeze %dma_start3A_46 : memref<1x128xi32, #tpu.memory_space<hbm>> -> memref<128xi32, #tpu.memory_space<hbm>>
          tpu.enqueue_dma source(%dma_start3A_47 : memref<128xi32, #tpu.memory_space<hbm>>) target(%arg11 : memref<128xi32, #tpu.memory_space<vmem>>) target_semaphore(%run_scoped3A : memref<!tpu.dma_semaphore, #tpu.memory_space<semaphore_mem>>)
          %dma_wait3A_48 = arith.constant 0 : i32
          %dma_wait3A_49 = tpu.memref_slice %arg6[%add3A, %dma_wait3A_48] : memref<1280x128xi32, #tpu.memory_space<hbm>> -> memref<1x128xi32, #tpu.memory_space<hbm>>
          %dma_wait3A_50 = tpu.memref_squeeze %dma_wait3A_49 : memref<1x128xi32, #tpu.memory_space<hbm>> -> memref<128xi32, #tpu.memory_space<hbm>>
          %dma_wait3A_51 = arith.constant 0 : i32
          %dma_wait3A_52 = tpu.memref_slice %arg6[%add3A, %dma_wait3A_51] : memref<1280x128xi32, #tpu.memory_space<hbm>> -> memref<1x128xi32, #tpu.memory_space<hbm>>
          %dma_wait3A_53 = tpu.memref_squeeze %dma_wait3A_52 : memref<1x128xi32, #tpu.memory_space<hbm>> -> memref<128xi32, #tpu.memory_space<hbm>>
          tpu.wait_dma2 semaphore(%run_scoped3A : memref<!tpu.dma_semaphore, #tpu.memory_space<semaphore_mem>>) src(%dma_wait3A_53 : memref<128xi32, #tpu.memory_space<hbm>>) dst(%arg11 : memref<128xi32, #tpu.memory_space<vmem>>)
          tpu.yield
        }) : () -> ()
        %dma_start3A = arith.constant 0 : i32
        %dma_start3A_28 = arith.constant 0 : i32
        %dma_start3A_29 = tpu.memref_slice %arg2[%dma_start3A, %dma_start3A_28] : memref<10000x128xf32, #tpu.memory_space<hbm>> -> memref<10000x128xf32, #tpu.memory_space<hbm>>
        tpu.enqueue_indirect_dma source(%dma_start3A_29 : memref<10000x128xf32, #tpu.memory_space<hbm>>) target(%arg13 : memref<128x128xf32, #tpu.memory_space<vmem>>) offsets(%arg11 : memref<128xi32, #tpu.memory_space<vmem>>) semaphore(%arg16 : memref<!tpu.dma_semaphore, #tpu.memory_space<semaphore_mem>>)
        %mul3A_30 = arith.constant 128 : i32
        %mul3A_31 = arith.muli %add3A, %mul3A_30 : i32
        %dma_start3A_32 = arith.constant 0 : i32
        %dma_start3A_33 = tpu.memref_slice %arg4[%mul3A_31, %dma_start3A_32] : memref<163840x128xf32, #tpu.memory_space<hbm>> -> memref<128x128xf32, #tpu.memory_space<hbm>>
        %dma_start3A_34 = arith.constant 0 : i32
        %dma_start3A_35 = tpu.memref_slice %arg4[%mul3A_31, %dma_start3A_34] : memref<163840x128xf32, #tpu.memory_space<hbm>> -> memref<128x128xf32, #tpu.memory_space<hbm>>
        tpu.enqueue_dma source(%dma_start3A_35 : memref<128x128xf32, #tpu.memory_space<hbm>>) target(%arg14 : memref<128x128xf32, #tpu.memory_space<vmem>>) target_semaphore(%arg17 : memref<!tpu.dma_semaphore, #tpu.memory_space<semaphore_mem>>)
        "tpu.region"() ({
          %run_scoped3A = tpu.sem_alloc : memref<!tpu.dma_semaphore, #tpu.memory_space<semaphore_mem>>
          %dma_start3A_42 = arith.constant 0 : i32
          %dma_start3A_43 = tpu.memref_slice %arg7[%add3A, %dma_start3A_42] : memref<1280x128xi32, #tpu.memory_space<hbm>> -> memref<1x128xi32, #tpu.memory_space<hbm>>
          %dma_start3A_44 = tpu.memref_squeeze %dma_start3A_43 : memref<1x128xi32, #tpu.memory_space<hbm>> -> memref<128xi32, #tpu.memory_space<hbm>>
          %dma_start3A_45 = arith.constant 0 : i32
          %dma_start3A_46 = tpu.memref_slice %arg7[%add3A, %dma_start3A_45] : memref<1280x128xi32, #tpu.memory_space<hbm>> -> memref<1x128xi32, #tpu.memory_space<hbm>>
          %dma_start3A_47 = tpu.memref_squeeze %dma_start3A_46 : memref<1x128xi32, #tpu.memory_space<hbm>> -> memref<128xi32, #tpu.memory_space<hbm>>
          tpu.enqueue_dma source(%dma_start3A_47 : memref<128xi32, #tpu.memory_space<hbm>>) target(%arg12 : memref<128xi32, #tpu.memory_space<vmem>>) target_semaphore(%run_scoped3A : memref<!tpu.dma_semaphore, #tpu.memory_space<semaphore_mem>>)
          %dma_wait3A_48 = arith.constant 0 : i32
          %dma_wait3A_49 = tpu.memref_slice %arg7[%add3A, %dma_wait3A_48] : memref<1280x128xi32, #tpu.memory_space<hbm>> -> memref<1x128xi32, #tpu.memory_space<hbm>>
          %dma_wait3A_50 = tpu.memref_squeeze %dma_wait3A_49 : memref<1x128xi32, #tpu.memory_space<hbm>> -> memref<128xi32, #tpu.memory_space<hbm>>
          %dma_wait3A_51 = arith.constant 0 : i32
          %dma_wait3A_52 = tpu.memref_slice %arg7[%add3A, %dma_wait3A_51] : memref<1280x128xi32, #tpu.memory_space<hbm>> -> memref<1x128xi32, #tpu.memory_space<hbm>>
          %dma_wait3A_53 = tpu.memref_squeeze %dma_wait3A_52 : memref<1x128xi32, #tpu.memory_space<hbm>> -> memref<128xi32, #tpu.memory_space<hbm>>
          tpu.wait_dma2 semaphore(%run_scoped3A : memref<!tpu.dma_semaphore, #tpu.memory_space<semaphore_mem>>) src(%dma_wait3A_53 : memref<128xi32, #tpu.memory_space<hbm>>) dst(%arg12 : memref<128xi32, #tpu.memory_space<vmem>>)
          tpu.yield
        }) : () -> ()
        %dma_wait3A = arith.constant 0 : i32
        %dma_wait3A_36 = arith.constant 0 : i32
        %dma_wait3A_37 = tpu.memref_slice %arg2[%dma_wait3A, %dma_wait3A_36] : memref<10000x128xf32, #tpu.memory_space<hbm>> -> memref<10000x128xf32, #tpu.memory_space<hbm>>
        tpu.wait_indirect_dma semaphore(%arg16 : memref<!tpu.dma_semaphore, #tpu.memory_space<semaphore_mem>>) src(%dma_wait3A_37 : memref<10000x128xf32, #tpu.memory_space<hbm>>) dst(%arg13 : memref<128x128xf32, #tpu.memory_space<vmem>>)
        "tpu.region"() ({
          %run_scoped3A = tpu.sem_alloc : memref<!tpu.dma_semaphore, #tpu.memory_space<semaphore_mem>>
          %dma_start3A_42 = arith.constant 0 : i32
          %dma_start3A_43 = arith.constant 0 : i32
          %dma_start3A_44 = tpu.memref_slice %arg15[%dma_start3A_42, %dma_start3A_43] : memref<10112x128xf32, #tpu.memory_space<vmem_shared>> -> memref<10112x128xf32, #tpu.memory_space<vmem_shared>>
          tpu.enqueue_indirect_dma source(%arg13 : memref<128x128xf32, #tpu.memory_space<vmem>>) target(%dma_start3A_44 : memref<10112x128xf32, #tpu.memory_space<vmem_shared>>) offsets(%arg12 : memref<128xi32, #tpu.memory_space<vmem>>) semaphore(%run_scoped3A : memref<!tpu.dma_semaphore, #tpu.memory_space<semaphore_mem>>) {add = true}
          %dma_wait3A_45 = arith.constant 0 : i32
          %dma_wait3A_46 = arith.constant 0 : i32
          %dma_wait3A_47 = tpu.memref_slice %arg15[%dma_wait3A_45, %dma_wait3A_46] : memref<10112x128xf32, #tpu.memory_space<vmem_shared>> -> memref<10112x128xf32, #tpu.memory_space<vmem_shared>>
          tpu.wait_indirect_dma semaphore(%run_scoped3A : memref<!tpu.dma_semaphore, #tpu.memory_space<semaphore_mem>>) src(%arg13 : memref<128x128xf32, #tpu.memory_space<vmem>>) dst(%dma_wait3A_47 : memref<10112x128xf32, #tpu.memory_space<vmem_shared>>)
          tpu.yield
        }) : () -> ()
        %dma_wait3A_38 = arith.constant 0 : i32
        %dma_wait3A_39 = tpu.memref_slice %arg4[%mul3A_31, %dma_wait3A_38] : memref<163840x128xf32, #tpu.memory_space<hbm>> -> memref<128x128xf32, #tpu.memory_space<hbm>>
        %dma_wait3A_40 = arith.constant 0 : i32
        %dma_wait3A_41 = tpu.memref_slice %arg4[%mul3A_31, %dma_wait3A_40] : memref<163840x128xf32, #tpu.memory_space<hbm>> -> memref<128x128xf32, #tpu.memory_space<hbm>>
        tpu.wait_dma2 semaphore(%arg17 : memref<!tpu.dma_semaphore, #tpu.memory_space<semaphore_mem>>) src(%dma_wait3A_41 : memref<128x128xf32, #tpu.memory_space<hbm>>) dst(%arg14 : memref<128x128xf32, #tpu.memory_space<vmem>>)
        "tpu.region"() ({
          %run_scoped3A = tpu.sem_alloc : memref<!tpu.dma_semaphore, #tpu.memory_space<semaphore_mem>>
          %dma_start3A_42 = arith.constant 0 : i32
          %dma_start3A_43 = arith.constant 0 : i32
          %dma_start3A_44 = tpu.memref_slice %arg15[%dma_start3A_42, %dma_start3A_43] : memref<10112x128xf32, #tpu.memory_space<vmem_shared>> -> memref<10112x128xf32, #tpu.memory_space<vmem_shared>>
          tpu.enqueue_indirect_dma source(%arg14 : memref<128x128xf32, #tpu.memory_space<vmem>>) target(%dma_start3A_44 : memref<10112x128xf32, #tpu.memory_space<vmem_shared>>) offsets(%arg12 : memref<128xi32, #tpu.memory_space<vmem>>) semaphore(%run_scoped3A : memref<!tpu.dma_semaphore, #tpu.memory_space<semaphore_mem>>) {add = true}
          %dma_wait3A_45 = arith.constant 0 : i32
          %dma_wait3A_46 = arith.constant 0 : i32
          %dma_wait3A_47 = tpu.memref_slice %arg15[%dma_wait3A_45, %dma_wait3A_46] : memref<10112x128xf32, #tpu.memory_space<vmem_shared>> -> memref<10112x128xf32, #tpu.memory_space<vmem_shared>>
          tpu.wait_indirect_dma semaphore(%run_scoped3A : memref<!tpu.dma_semaphore, #tpu.memory_space<semaphore_mem>>) src(%arg14 : memref<128x128xf32, #tpu.memory_space<vmem>>) dst(%dma_wait3A_47 : memref<10112x128xf32, #tpu.memory_space<vmem_shared>>)
          tpu.yield
        }) : () -> ()
      }
      %scan3A_24 = arith.constant 80 : i32
    } else {
    }
    %eq3A_3 = arith.constant 1 : i32
    %eq3A_4 = arith.cmpi eq, %arg0, %eq3A_3 : i32
    %convert_element_type3A_5 = arith.extui %eq3A_4 : i1 to i32
    %cond3A_6 = arith.constant 0 : i32
    %cond3A_7 = arith.cmpi ne, %convert_element_type3A_5, %cond3A_6 : i32
    scf.if %cond3A_7 {
      %scan3A = arith.constant 0 : i32
      %scan3A_20 = arith.constant 0 : i32
      %scan3A_21 = arith.constant 80 : i32
      %scan3A_22 = arith.addi %scan3A_20, %scan3A_21 : i32
      %scan3A_23 = arith.constant 1 : i32
      scf.for %scan3A_25 = %scan3A_20 to %scan3A_22 step %scan3A_23  : i32 {
        %mul3A_26 = arith.constant 80 : i32
        %mul3A_27 = arith.muli %arg1, %mul3A_26 : i32
        %add3A = arith.addi %mul3A_27, %scan3A_25 : i32
        "tpu.region"() ({
          %run_scoped3A = tpu.sem_alloc : memref<!tpu.dma_semaphore, #tpu.memory_space<semaphore_mem>>
          %dma_start3A_42 = arith.constant 0 : i32
          %dma_start3A_43 = tpu.memref_slice %arg6[%add3A, %dma_start3A_42] : memref<1280x128xi32, #tpu.memory_space<hbm>> -> memref<1x128xi32, #tpu.memory_space<hbm>>
          %dma_start3A_44 = tpu.memref_squeeze %dma_start3A_43 : memref<1x128xi32, #tpu.memory_space<hbm>> -> memref<128xi32, #tpu.memory_space<hbm>>
          %dma_start3A_45 = arith.constant 0 : i32
          %dma_start3A_46 = tpu.memref_slice %arg6[%add3A, %dma_start3A_45] : memref<1280x128xi32, #tpu.memory_space<hbm>> -> memref<1x128xi32, #tpu.memory_space<hbm>>
          %dma_start3A_47 = tpu.memref_squeeze %dma_start3A_46 : memref<1x128xi32, #tpu.memory_space<hbm>> -> memref<128xi32, #tpu.memory_space<hbm>>
          tpu.enqueue_dma source(%dma_start3A_47 : memref<128xi32, #tpu.memory_space<hbm>>) target(%arg11 : memref<128xi32, #tpu.memory_space<vmem>>) target_semaphore(%run_scoped3A : memref<!tpu.dma_semaphore, #tpu.memory_space<semaphore_mem>>)
          %dma_wait3A_48 = arith.constant 0 : i32
          %dma_wait3A_49 = tpu.memref_slice %arg6[%add3A, %dma_wait3A_48] : memref<1280x128xi32, #tpu.memory_space<hbm>> -> memref<1x128xi32, #tpu.memory_space<hbm>>
          %dma_wait3A_50 = tpu.memref_squeeze %dma_wait3A_49 : memref<1x128xi32, #tpu.memory_space<hbm>> -> memref<128xi32, #tpu.memory_space<hbm>>
          %dma_wait3A_51 = arith.constant 0 : i32
          %dma_wait3A_52 = tpu.memref_slice %arg6[%add3A, %dma_wait3A_51] : memref<1280x128xi32, #tpu.memory_space<hbm>> -> memref<1x128xi32, #tpu.memory_space<hbm>>
          %dma_wait3A_53 = tpu.memref_squeeze %dma_wait3A_52 : memref<1x128xi32, #tpu.memory_space<hbm>> -> memref<128xi32, #tpu.memory_space<hbm>>
          tpu.wait_dma2 semaphore(%run_scoped3A : memref<!tpu.dma_semaphore, #tpu.memory_space<semaphore_mem>>) src(%dma_wait3A_53 : memref<128xi32, #tpu.memory_space<hbm>>) dst(%arg11 : memref<128xi32, #tpu.memory_space<vmem>>)
          tpu.yield
        }) : () -> ()
        %dma_start3A = arith.constant 0 : i32
        %dma_start3A_28 = arith.constant 0 : i32
        %dma_start3A_29 = tpu.memref_slice %arg3[%dma_start3A, %dma_start3A_28] : memref<10000x128xf32, #tpu.memory_space<hbm>> -> memref<10000x128xf32, #tpu.memory_space<hbm>>
        tpu.enqueue_indirect_dma source(%dma_start3A_29 : memref<10000x128xf32, #tpu.memory_space<hbm>>) target(%arg13 : memref<128x128xf32, #tpu.memory_space<vmem>>) offsets(%arg11 : memref<128xi32, #tpu.memory_space<vmem>>) semaphore(%arg16 : memref<!tpu.dma_semaphore, #tpu.memory_space<semaphore_mem>>)
        %mul3A_30 = arith.constant 128 : i32
        %mul3A_31 = arith.muli %add3A, %mul3A_30 : i32
        %dma_start3A_32 = arith.constant 0 : i32
        %dma_start3A_33 = tpu.memref_slice %arg5[%mul3A_31, %dma_start3A_32] : memref<163840x128xf32, #tpu.memory_space<hbm>> -> memref<128x128xf32, #tpu.memory_space<hbm>>
        %dma_start3A_34 = arith.constant 0 : i32
        %dma_start3A_35 = tpu.memref_slice %arg5[%mul3A_31, %dma_start3A_34] : memref<163840x128xf32, #tpu.memory_space<hbm>> -> memref<128x128xf32, #tpu.memory_space<hbm>>
        tpu.enqueue_dma source(%dma_start3A_35 : memref<128x128xf32, #tpu.memory_space<hbm>>) target(%arg14 : memref<128x128xf32, #tpu.memory_space<vmem>>) target_semaphore(%arg17 : memref<!tpu.dma_semaphore, #tpu.memory_space<semaphore_mem>>)
        "tpu.region"() ({
          %run_scoped3A = tpu.sem_alloc : memref<!tpu.dma_semaphore, #tpu.memory_space<semaphore_mem>>
          %dma_start3A_42 = arith.constant 0 : i32
          %dma_start3A_43 = tpu.memref_slice %arg7[%add3A, %dma_start3A_42] : memref<1280x128xi32, #tpu.memory_space<hbm>> -> memref<1x128xi32, #tpu.memory_space<hbm>>
          %dma_start3A_44 = tpu.memref_squeeze %dma_start3A_43 : memref<1x128xi32, #tpu.memory_space<hbm>> -> memref<128xi32, #tpu.memory_space<hbm>>
          %dma_start3A_45 = arith.constant 0 : i32
          %dma_start3A_46 = tpu.memref_slice %arg7[%add3A, %dma_start3A_45] : memref<1280x128xi32, #tpu.memory_space<hbm>> -> memref<1x128xi32, #tpu.memory_space<hbm>>
          %dma_start3A_47 = tpu.memref_squeeze %dma_start3A_46 : memref<1x128xi32, #tpu.memory_space<hbm>> -> memref<128xi32, #tpu.memory_space<hbm>>
          tpu.enqueue_dma source(%dma_start3A_47 : memref<128xi32, #tpu.memory_space<hbm>>) target(%arg12 : memref<128xi32, #tpu.memory_space<vmem>>) target_semaphore(%run_scoped3A : memref<!tpu.dma_semaphore, #tpu.memory_space<semaphore_mem>>)
          %dma_wait3A_48 = arith.constant 0 : i32
          %dma_wait3A_49 = tpu.memref_slice %arg7[%add3A, %dma_wait3A_48] : memref<1280x128xi32, #tpu.memory_space<hbm>> -> memref<1x128xi32, #tpu.memory_space<hbm>>
          %dma_wait3A_50 = tpu.memref_squeeze %dma_wait3A_49 : memref<1x128xi32, #tpu.memory_space<hbm>> -> memref<128xi32, #tpu.memory_space<hbm>>
          %dma_wait3A_51 = arith.constant 0 : i32
          %dma_wait3A_52 = tpu.memref_slice %arg7[%add3A, %dma_wait3A_51] : memref<1280x128xi32, #tpu.memory_space<hbm>> -> memref<1x128xi32, #tpu.memory_space<hbm>>
          %dma_wait3A_53 = tpu.memref_squeeze %dma_wait3A_52 : memref<1x128xi32, #tpu.memory_space<hbm>> -> memref<128xi32, #tpu.memory_space<hbm>>
          tpu.wait_dma2 semaphore(%run_scoped3A : memref<!tpu.dma_semaphore, #tpu.memory_space<semaphore_mem>>) src(%dma_wait3A_53 : memref<128xi32, #tpu.memory_space<hbm>>) dst(%arg12 : memref<128xi32, #tpu.memory_space<vmem>>)
          tpu.yield
        }) : () -> ()
        %dma_wait3A = arith.constant 0 : i32
        %dma_wait3A_36 = arith.constant 0 : i32
        %dma_wait3A_37 = tpu.memref_slice %arg3[%dma_wait3A, %dma_wait3A_36] : memref<10000x128xf32, #tpu.memory_space<hbm>> -> memref<10000x128xf32, #tpu.memory_space<hbm>>
        tpu.wait_indirect_dma semaphore(%arg16 : memref<!tpu.dma_semaphore, #tpu.memory_space<semaphore_mem>>) src(%dma_wait3A_37 : memref<10000x128xf32, #tpu.memory_space<hbm>>) dst(%arg13 : memref<128x128xf32, #tpu.memory_space<vmem>>)
        "tpu.region"() ({
          %run_scoped3A = tpu.sem_alloc : memref<!tpu.dma_semaphore, #tpu.memory_space<semaphore_mem>>
          %dma_start3A_42 = arith.constant 0 : i32
          %dma_start3A_43 = arith.constant 0 : i32
          %dma_start3A_44 = tpu.memref_slice %arg15[%dma_start3A_42, %dma_start3A_43] : memref<10112x128xf32, #tpu.memory_space<vmem_shared>> -> memref<10112x128xf32, #tpu.memory_space<vmem_shared>>
          tpu.enqueue_indirect_dma source(%arg13 : memref<128x128xf32, #tpu.memory_space<vmem>>) target(%dma_start3A_44 : memref<10112x128xf32, #tpu.memory_space<vmem_shared>>) offsets(%arg12 : memref<128xi32, #tpu.memory_space<vmem>>) semaphore(%run_scoped3A : memref<!tpu.dma_semaphore, #tpu.memory_space<semaphore_mem>>) {add = true}
          %dma_wait3A_45 = arith.constant 0 : i32
          %dma_wait3A_46 = arith.constant 0 : i32
          %dma_wait3A_47 = tpu.memref_slice %arg15[%dma_wait3A_45, %dma_wait3A_46] : memref<10112x128xf32, #tpu.memory_space<vmem_shared>> -> memref<10112x128xf32, #tpu.memory_space<vmem_shared>>
          tpu.wait_indirect_dma semaphore(%run_scoped3A : memref<!tpu.dma_semaphore, #tpu.memory_space<semaphore_mem>>) src(%arg13 : memref<128x128xf32, #tpu.memory_space<vmem>>) dst(%dma_wait3A_47 : memref<10112x128xf32, #tpu.memory_space<vmem_shared>>)
          tpu.yield
        }) : () -> ()
        %dma_wait3A_38 = arith.constant 0 : i32
        %dma_wait3A_39 = tpu.memref_slice %arg5[%mul3A_31, %dma_wait3A_38] : memref<163840x128xf32, #tpu.memory_space<hbm>> -> memref<128x128xf32, #tpu.memory_space<hbm>>
        %dma_wait3A_40 = arith.constant 0 : i32
        %dma_wait3A_41 = tpu.memref_slice %arg5[%mul3A_31, %dma_wait3A_40] : memref<163840x128xf32, #tpu.memory_space<hbm>> -> memref<128x128xf32, #tpu.memory_space<hbm>>
        tpu.wait_dma2 semaphore(%arg17 : memref<!tpu.dma_semaphore, #tpu.memory_space<semaphore_mem>>) src(%dma_wait3A_41 : memref<128x128xf32, #tpu.memory_space<hbm>>) dst(%arg14 : memref<128x128xf32, #tpu.memory_space<vmem>>)
        "tpu.region"() ({
          %run_scoped3A = tpu.sem_alloc : memref<!tpu.dma_semaphore, #tpu.memory_space<semaphore_mem>>
          %dma_start3A_42 = arith.constant 0 : i32
          %dma_start3A_43 = arith.constant 0 : i32
          %dma_start3A_44 = tpu.memref_slice %arg15[%dma_start3A_42, %dma_start3A_43] : memref<10112x128xf32, #tpu.memory_space<vmem_shared>> -> memref<10112x128xf32, #tpu.memory_space<vmem_shared>>
          tpu.enqueue_indirect_dma source(%arg14 : memref<128x128xf32, #tpu.memory_space<vmem>>) target(%dma_start3A_44 : memref<10112x128xf32, #tpu.memory_space<vmem_shared>>) offsets(%arg12 : memref<128xi32, #tpu.memory_space<vmem>>) semaphore(%run_scoped3A : memref<!tpu.dma_semaphore, #tpu.memory_space<semaphore_mem>>) {add = true}
          %dma_wait3A_45 = arith.constant 0 : i32
          %dma_wait3A_46 = arith.constant 0 : i32
          %dma_wait3A_47 = tpu.memref_slice %arg15[%dma_wait3A_45, %dma_wait3A_46] : memref<10112x128xf32, #tpu.memory_space<vmem_shared>> -> memref<10112x128xf32, #tpu.memory_space<vmem_shared>>
          tpu.wait_indirect_dma semaphore(%run_scoped3A : memref<!tpu.dma_semaphore, #tpu.memory_space<semaphore_mem>>) src(%arg14 : memref<128x128xf32, #tpu.memory_space<vmem>>) dst(%dma_wait3A_47 : memref<10112x128xf32, #tpu.memory_space<vmem_shared>>)
          tpu.yield
        }) : () -> ()
      }
      %scan3A_24 = arith.constant 80 : i32
    } else {
    }
    %barrier3A_8 = arith.constant 0 : index
    tpu.barrier barrier_id(%barrier3A_8)
    %min3A = arith.constant 9368 : i32
    %min3A_9 = arith.minsi %mul3A_0, %min3A : i32
    %eq3A_10 = arith.constant 0 : i32
    %eq3A_11 = arith.cmpi eq, %arg0, %eq3A_10 : i32
    %convert_element_type3A_12 = arith.extui %eq3A_11 : i1 to i32
    %cond3A_13 = arith.constant 0 : i32
    %cond3A_14 = arith.cmpi ne, %convert_element_type3A_12, %cond3A_13 : i32
    scf.if %cond3A_14 {
      "tpu.region"() ({
        %run_scoped3A = tpu.sem_alloc : memref<!tpu.dma_semaphore, #tpu.memory_space<semaphore_mem>>
        %dma_start3A = arith.constant 0 : i32
        %dma_start3A_20 = tpu.memref_slice %arg9[%min3A_9, %dma_start3A] : memref<10000x128xf32, #tpu.memory_space<hbm>> -> memref<632x128xf32, #tpu.memory_space<hbm>>
        %dma_start3A_21 = arith.constant 0 : i32
        %dma_start3A_22 = tpu.memref_slice %arg15[%min3A_9, %dma_start3A_21] : memref<10112x128xf32, #tpu.memory_space<vmem_shared>> -> memref<632x128xf32, #tpu.memory_space<vmem_shared>>
        tpu.enqueue_dma source(%dma_start3A_22 : memref<632x128xf32, #tpu.memory_space<vmem_shared>>) target(%dma_start3A_20 : memref<632x128xf32, #tpu.memory_space<hbm>>) target_semaphore(%run_scoped3A : memref<!tpu.dma_semaphore, #tpu.memory_space<semaphore_mem>>)
        %dma_wait3A = arith.constant 0 : i32
        %dma_wait3A_23 = tpu.memref_slice %arg9[%min3A_9, %dma_wait3A] : memref<10000x128xf32, #tpu.memory_space<hbm>> -> memref<632x128xf32, #tpu.memory_space<hbm>>
        %dma_wait3A_24 = arith.constant 0 : i32
        %dma_wait3A_25 = tpu.memref_slice %arg15[%min3A_9, %dma_wait3A_24] : memref<10112x128xf32, #tpu.memory_space<vmem_shared>> -> memref<632x128xf32, #tpu.memory_space<vmem_shared>>
        tpu.wait_dma2 semaphore(%run_scoped3A : memref<!tpu.dma_semaphore, #tpu.memory_space<semaphore_mem>>) src(%dma_wait3A_25 : memref<632x128xf32, #tpu.memory_space<vmem_shared>>) dst(%dma_wait3A_23 : memref<632x128xf32, #tpu.memory_space<hbm>>)
        tpu.yield
      }) : () -> ()
    } else {
    }
    %eq3A_15 = arith.constant 1 : i32
    %eq3A_16 = arith.cmpi eq, %arg0, %eq3A_15 : i32
    %convert_element_type3A_17 = arith.extui %eq3A_16 : i1 to i32
    %cond3A_18 = arith.constant 0 : i32
    %cond3A_19 = arith.cmpi ne, %convert_element_type3A_17, %cond3A_18 : i32
    scf.if %cond3A_19 {
      "tpu.region"() ({
        %run_scoped3A = tpu.sem_alloc : memref<!tpu.dma_semaphore, #tpu.memory_space<semaphore_mem>>
        %dma_start3A = arith.constant 0 : i32
        %dma_start3A_20 = tpu.memref_slice %arg10[%min3A_9, %dma_start3A] : memref<10000x128xf32, #tpu.memory_space<hbm>> -> memref<632x128xf32, #tpu.memory_space<hbm>>
        %dma_start3A_21 = arith.constant 0 : i32
        %dma_start3A_22 = tpu.memref_slice %arg15[%min3A_9, %dma_start3A_21] : memref<10112x128xf32, #tpu.memory_space<vmem_shared>> -> memref<632x128xf32, #tpu.memory_space<vmem_shared>>
        tpu.enqueue_dma source(%dma_start3A_22 : memref<632x128xf32, #tpu.memory_space<vmem_shared>>) target(%dma_start3A_20 : memref<632x128xf32, #tpu.memory_space<hbm>>) target_semaphore(%run_scoped3A : memref<!tpu.dma_semaphore, #tpu.memory_space<semaphore_mem>>)
        %dma_wait3A = arith.constant 0 : i32
        %dma_wait3A_23 = tpu.memref_slice %arg10[%min3A_9, %dma_wait3A] : memref<10000x128xf32, #tpu.memory_space<hbm>> -> memref<632x128xf32, #tpu.memory_space<hbm>>
        %dma_wait3A_24 = arith.constant 0 : i32
        %dma_wait3A_25 = tpu.memref_slice %arg15[%min3A_9, %dma_wait3A_24] : memref<10112x128xf32, #tpu.memory_space<vmem_shared>> -> memref<632x128xf32, #tpu.memory_space<vmem_shared>>
        tpu.wait_dma2 semaphore(%run_scoped3A : memref<!tpu.dma_semaphore, #tpu.memory_space<semaphore_mem>>) src(%dma_wait3A_25 : memref<632x128xf32, #tpu.memory_space<vmem_shared>>) dst(%dma_wait3A_23 : memref<632x128xf32, #tpu.memory_space<hbm>>)
        tpu.yield
      }) : () -> ()
    } else {
    }
    return
  }
}

#map = affine_map<(d0, d1) -> (0, 0)>
module attributes {stable_mosaic.version = 14 : i64} {
  func.func @k(%arg0: i32, %arg1: i32, %arg2: memref<128x128xf32, #tpu.memory_space<hbm>>, %arg3: memref<256x128xi32, #tpu.memory_space<hbm>>, %arg4: memref<10112x128xf32, #tpu.memory_space<hbm>>, %arg5: memref<10000x128xf32, #tpu.memory_space<hbm>>, %arg6: memref<10000x128xf32, #tpu.memory_space<hbm>>, %arg7: memref<128xi32, #tpu.memory_space<vmem>>, %arg8: memref<128x128xf32, #tpu.memory_space<vmem>>, %arg9: memref<10112x128xf32, #tpu.memory_space<vmem_shared>>) attributes {dimension_semantics = [#tpu.dimension_semantics<core_parallel>, #tpu.dimension_semantics<subcore_parallel>], iteration_bounds = array<i64: 2, 16>, scalar_prefetch = 0 : i64, scratch_operands = 3 : i64, tpu.core_type = #tpu.core_type<sc_vector_subcore>, window_params = [{transform_indices = #map}, {transform_indices = #map}, {transform_indices = #map}, {transform_indices = #map}, {transform_indices = #map}]} {
    %mul3A = arith.constant 632 : i32
    %mul3A_0 = arith.muli %arg1, %mul3A : i32
    "tpu.region"() ({
      %run_scoped3A = tpu.sem_alloc : memref<!tpu.dma_semaphore, #tpu.memory_space<semaphore_mem>>
      %dma_start3A = arith.constant 0 : i32
      %dma_start3A_15 = tpu.memref_slice %arg9[%mul3A_0, %dma_start3A] : memref<10112x128xf32, #tpu.memory_space<vmem_shared>> -> memref<632x128xf32, #tpu.memory_space<vmem_shared>>
      %dma_start3A_16 = arith.constant 0 : i32
      %dma_start3A_17 = tpu.memref_slice %arg4[%mul3A_0, %dma_start3A_16] : memref<10112x128xf32, #tpu.memory_space<hbm>> -> memref<632x128xf32, #tpu.memory_space<hbm>>
      tpu.enqueue_dma source(%dma_start3A_17 : memref<632x128xf32, #tpu.memory_space<hbm>>) target(%dma_start3A_15 : memref<632x128xf32, #tpu.memory_space<vmem_shared>>) target_semaphore(%run_scoped3A : memref<!tpu.dma_semaphore, #tpu.memory_space<semaphore_mem>>)
      %dma_wait3A = arith.constant 0 : i32
      %dma_wait3A_18 = tpu.memref_slice %arg9[%mul3A_0, %dma_wait3A] : memref<10112x128xf32, #tpu.memory_space<vmem_shared>> -> memref<632x128xf32, #tpu.memory_space<vmem_shared>>
      %dma_wait3A_19 = arith.constant 0 : i32
      %dma_wait3A_20 = tpu.memref_slice %arg4[%mul3A_0, %dma_wait3A_19] : memref<10112x128xf32, #tpu.memory_space<hbm>> -> memref<632x128xf32, #tpu.memory_space<hbm>>
      tpu.wait_dma2 semaphore(%run_scoped3A : memref<!tpu.dma_semaphore, #tpu.memory_space<semaphore_mem>>) src(%dma_wait3A_20 : memref<632x128xf32, #tpu.memory_space<hbm>>) dst(%dma_wait3A_18 : memref<632x128xf32, #tpu.memory_space<vmem_shared>>)
      tpu.yield
    }) : () -> ()
    %barrier3A = arith.constant 0 : index
    tpu.barrier barrier_id(%barrier3A)
    "tpu.region"() ({
      %run_scoped3A = tpu.sem_alloc : memref<!tpu.dma_semaphore, #tpu.memory_space<semaphore_mem>>
      tpu.enqueue_dma source(%arg2 : memref<128x128xf32, #tpu.memory_space<hbm>>) target(%arg8 : memref<128x128xf32, #tpu.memory_space<vmem>>) target_semaphore(%run_scoped3A : memref<!tpu.dma_semaphore, #tpu.memory_space<semaphore_mem>>)
      tpu.wait_dma2 semaphore(%run_scoped3A : memref<!tpu.dma_semaphore, #tpu.memory_space<semaphore_mem>>) src(%arg2 : memref<128x128xf32, #tpu.memory_space<hbm>>) dst(%arg8 : memref<128x128xf32, #tpu.memory_space<vmem>>)
      tpu.yield
    }) : () -> ()
    %scan3A = arith.constant 0 : i32
    %scan3A_1 = arith.constant 0 : i32
    %scan3A_2 = arith.constant 8 : i32
    %scan3A_3 = arith.addi %scan3A_1, %scan3A_2 : i32
    %scan3A_4 = arith.constant 1 : i32
    scf.for %scan3A_15 = %scan3A_1 to %scan3A_3 step %scan3A_4  : i32 {
      %mul3A_16 = arith.constant 128 : i32
      %mul3A_17 = arith.muli %arg0, %mul3A_16 : i32
      %mul3A_18 = arith.constant 8 : i32
      %mul3A_19 = arith.muli %arg1, %mul3A_18 : i32
      %add3A = arith.addi %mul3A_17, %mul3A_19 : i32
      %add3A_20 = arith.addi %add3A, %scan3A_15 : i32
      "tpu.region"() ({
        %run_scoped3A = tpu.sem_alloc : memref<!tpu.dma_semaphore, #tpu.memory_space<semaphore_mem>>
        %dma_start3A = arith.constant 0 : i32
        %dma_start3A_21 = tpu.memref_slice %arg3[%add3A_20, %dma_start3A] : memref<256x128xi32, #tpu.memory_space<hbm>> -> memref<1x128xi32, #tpu.memory_space<hbm>>
        %dma_start3A_22 = tpu.memref_squeeze %dma_start3A_21 : memref<1x128xi32, #tpu.memory_space<hbm>> -> memref<128xi32, #tpu.memory_space<hbm>>
        %dma_start3A_23 = arith.constant 0 : i32
        %dma_start3A_24 = tpu.memref_slice %arg3[%add3A_20, %dma_start3A_23] : memref<256x128xi32, #tpu.memory_space<hbm>> -> memref<1x128xi32, #tpu.memory_space<hbm>>
        %dma_start3A_25 = tpu.memref_squeeze %dma_start3A_24 : memref<1x128xi32, #tpu.memory_space<hbm>> -> memref<128xi32, #tpu.memory_space<hbm>>
        tpu.enqueue_dma source(%dma_start3A_25 : memref<128xi32, #tpu.memory_space<hbm>>) target(%arg7 : memref<128xi32, #tpu.memory_space<vmem>>) target_semaphore(%run_scoped3A : memref<!tpu.dma_semaphore, #tpu.memory_space<semaphore_mem>>)
        %dma_wait3A = arith.constant 0 : i32
        %dma_wait3A_26 = tpu.memref_slice %arg3[%add3A_20, %dma_wait3A] : memref<256x128xi32, #tpu.memory_space<hbm>> -> memref<1x128xi32, #tpu.memory_space<hbm>>
        %dma_wait3A_27 = tpu.memref_squeeze %dma_wait3A_26 : memref<1x128xi32, #tpu.memory_space<hbm>> -> memref<128xi32, #tpu.memory_space<hbm>>
        %dma_wait3A_28 = arith.constant 0 : i32
        %dma_wait3A_29 = tpu.memref_slice %arg3[%add3A_20, %dma_wait3A_28] : memref<256x128xi32, #tpu.memory_space<hbm>> -> memref<1x128xi32, #tpu.memory_space<hbm>>
        %dma_wait3A_30 = tpu.memref_squeeze %dma_wait3A_29 : memref<1x128xi32, #tpu.memory_space<hbm>> -> memref<128xi32, #tpu.memory_space<hbm>>
        tpu.wait_dma2 semaphore(%run_scoped3A : memref<!tpu.dma_semaphore, #tpu.memory_space<semaphore_mem>>) src(%dma_wait3A_30 : memref<128xi32, #tpu.memory_space<hbm>>) dst(%arg7 : memref<128xi32, #tpu.memory_space<vmem>>)
        tpu.yield
      }) : () -> ()
      "tpu.region"() ({
        %run_scoped3A = tpu.sem_alloc : memref<!tpu.dma_semaphore, #tpu.memory_space<semaphore_mem>>
        %dma_start3A = arith.constant 0 : i32
        %dma_start3A_21 = arith.constant 0 : i32
        %dma_start3A_22 = tpu.memref_slice %arg9[%dma_start3A, %dma_start3A_21] : memref<10112x128xf32, #tpu.memory_space<vmem_shared>> -> memref<10112x128xf32, #tpu.memory_space<vmem_shared>>
        tpu.enqueue_indirect_dma source(%arg8 : memref<128x128xf32, #tpu.memory_space<vmem>>) target(%dma_start3A_22 : memref<10112x128xf32, #tpu.memory_space<vmem_shared>>) offsets(%arg7 : memref<128xi32, #tpu.memory_space<vmem>>) semaphore(%run_scoped3A : memref<!tpu.dma_semaphore, #tpu.memory_space<semaphore_mem>>) {add = true}
        %dma_wait3A = arith.constant 0 : i32
        %dma_wait3A_23 = arith.constant 0 : i32
        %dma_wait3A_24 = tpu.memref_slice %arg9[%dma_wait3A, %dma_wait3A_23] : memref<10112x128xf32, #tpu.memory_space<vmem_shared>> -> memref<10112x128xf32, #tpu.memory_space<vmem_shared>>
        tpu.wait_indirect_dma semaphore(%run_scoped3A : memref<!tpu.dma_semaphore, #tpu.memory_space<semaphore_mem>>) src(%arg8 : memref<128x128xf32, #tpu.memory_space<vmem>>) dst(%dma_wait3A_24 : memref<10112x128xf32, #tpu.memory_space<vmem_shared>>)
        tpu.yield
      }) : () -> ()
    }
    %scan3A_5 = arith.constant 8 : i32
    %barrier3A_6 = arith.constant 0 : index
    tpu.barrier barrier_id(%barrier3A_6)
    %min3A = arith.constant 9368 : i32
    %min3A_7 = arith.minsi %mul3A_0, %min3A : i32
    %eq3A = arith.constant 0 : i32
    %eq3A_8 = arith.cmpi eq, %arg0, %eq3A : i32
    %convert_element_type3A = arith.extui %eq3A_8 : i1 to i32
    %cond3A = arith.constant 0 : i32
    %cond3A_9 = arith.cmpi ne, %convert_element_type3A, %cond3A : i32
    scf.if %cond3A_9 {
      "tpu.region"() ({
        %run_scoped3A = tpu.sem_alloc : memref<!tpu.dma_semaphore, #tpu.memory_space<semaphore_mem>>
        %dma_start3A = arith.constant 0 : i32
        %dma_start3A_15 = tpu.memref_slice %arg5[%min3A_7, %dma_start3A] : memref<10000x128xf32, #tpu.memory_space<hbm>> -> memref<632x128xf32, #tpu.memory_space<hbm>>
        %dma_start3A_16 = arith.constant 0 : i32
        %dma_start3A_17 = tpu.memref_slice %arg9[%min3A_7, %dma_start3A_16] : memref<10112x128xf32, #tpu.memory_space<vmem_shared>> -> memref<632x128xf32, #tpu.memory_space<vmem_shared>>
        tpu.enqueue_dma source(%dma_start3A_17 : memref<632x128xf32, #tpu.memory_space<vmem_shared>>) target(%dma_start3A_15 : memref<632x128xf32, #tpu.memory_space<hbm>>) target_semaphore(%run_scoped3A : memref<!tpu.dma_semaphore, #tpu.memory_space<semaphore_mem>>)
        %dma_wait3A = arith.constant 0 : i32
        %dma_wait3A_18 = tpu.memref_slice %arg5[%min3A_7, %dma_wait3A] : memref<10000x128xf32, #tpu.memory_space<hbm>> -> memref<632x128xf32, #tpu.memory_space<hbm>>
        %dma_wait3A_19 = arith.constant 0 : i32
        %dma_wait3A_20 = tpu.memref_slice %arg9[%min3A_7, %dma_wait3A_19] : memref<10112x128xf32, #tpu.memory_space<vmem_shared>> -> memref<632x128xf32, #tpu.memory_space<vmem_shared>>
        tpu.wait_dma2 semaphore(%run_scoped3A : memref<!tpu.dma_semaphore, #tpu.memory_space<semaphore_mem>>) src(%dma_wait3A_20 : memref<632x128xf32, #tpu.memory_space<vmem_shared>>) dst(%dma_wait3A_18 : memref<632x128xf32, #tpu.memory_space<hbm>>)
        tpu.yield
      }) : () -> ()
    } else {
    }
    %eq3A_10 = arith.constant 1 : i32
    %eq3A_11 = arith.cmpi eq, %arg0, %eq3A_10 : i32
    %convert_element_type3A_12 = arith.extui %eq3A_11 : i1 to i32
    %cond3A_13 = arith.constant 0 : i32
    %cond3A_14 = arith.cmpi ne, %convert_element_type3A_12, %cond3A_13 : i32
    scf.if %cond3A_14 {
      "tpu.region"() ({
        %run_scoped3A = tpu.sem_alloc : memref<!tpu.dma_semaphore, #tpu.memory_space<semaphore_mem>>
        %dma_start3A = arith.constant 0 : i32
        %dma_start3A_15 = tpu.memref_slice %arg6[%min3A_7, %dma_start3A] : memref<10000x128xf32, #tpu.memory_space<hbm>> -> memref<632x128xf32, #tpu.memory_space<hbm>>
        %dma_start3A_16 = arith.constant 0 : i32
        %dma_start3A_17 = tpu.memref_slice %arg9[%min3A_7, %dma_start3A_16] : memref<10112x128xf32, #tpu.memory_space<vmem_shared>> -> memref<632x128xf32, #tpu.memory_space<vmem_shared>>
        tpu.enqueue_dma source(%dma_start3A_17 : memref<632x128xf32, #tpu.memory_space<vmem_shared>>) target(%dma_start3A_15 : memref<632x128xf32, #tpu.memory_space<hbm>>) target_semaphore(%run_scoped3A : memref<!tpu.dma_semaphore, #tpu.memory_space<semaphore_mem>>)
        %dma_wait3A = arith.constant 0 : i32
        %dma_wait3A_18 = tpu.memref_slice %arg6[%min3A_7, %dma_wait3A] : memref<10000x128xf32, #tpu.memory_space<hbm>> -> memref<632x128xf32, #tpu.memory_space<hbm>>
        %dma_wait3A_19 = arith.constant 0 : i32
        %dma_wait3A_20 = tpu.memref_slice %arg9[%min3A_7, %dma_wait3A_19] : memref<10112x128xf32, #tpu.memory_space<vmem_shared>> -> memref<632x128xf32, #tpu.memory_space<vmem_shared>>
        tpu.wait_dma2 semaphore(%run_scoped3A : memref<!tpu.dma_semaphore, #tpu.memory_space<semaphore_mem>>) src(%dma_wait3A_20 : memref<632x128xf32, #tpu.memory_space<vmem_shared>>) dst(%dma_wait3A_18 : memref<632x128xf32, #tpu.memory_space<hbm>>)
        tpu.yield
      }) : () -> ()
    } else {
    }
    return
  }
}

#map = affine_map<(d0, d1) -> (0, 0)>
module attributes {stable_mosaic.version = 14 : i64} {
  func.func @k(%arg0: i32, %arg1: i32, %arg2: memref<10000x128xf32, #tpu.memory_space<hbm>>, %arg3: memref<10000x128xf32, #tpu.memory_space<hbm>>, %arg4: memref<256x128xi32, #tpu.memory_space<hbm>>, %arg5: memref<256x128xi32, #tpu.memory_space<hbm>>, %arg6: memref<10112x128xf32, #tpu.memory_space<hbm>>, %arg7: memref<10000x128xf32, #tpu.memory_space<hbm>>, %arg8: memref<10000x128xf32, #tpu.memory_space<hbm>>, %arg9: memref<128xi32, #tpu.memory_space<vmem>>, %arg10: memref<128xi32, #tpu.memory_space<vmem>>, %arg11: memref<128x128xf32, #tpu.memory_space<vmem>>, %arg12: memref<10112x128xf32, #tpu.memory_space<vmem_shared>>, %arg13: memref<!tpu.dma_semaphore, #tpu.memory_space<semaphore_mem>>) attributes {dimension_semantics = [#tpu.dimension_semantics<core_parallel>, #tpu.dimension_semantics<subcore_parallel>], iteration_bounds = array<i64: 2, 16>, scalar_prefetch = 0 : i64, scratch_operands = 5 : i64, tpu.core_type = #tpu.core_type<sc_vector_subcore>, window_params = [{transform_indices = #map}, {transform_indices = #map}, {transform_indices = #map}, {transform_indices = #map}, {transform_indices = #map}, {transform_indices = #map}, {transform_indices = #map}]} {
    %mul3A = arith.constant 632 : i32
    %mul3A_0 = arith.muli %arg1, %mul3A : i32
    "tpu.region"() ({
      %run_scoped3A = tpu.sem_alloc : memref<!tpu.dma_semaphore, #tpu.memory_space<semaphore_mem>>
      %dma_start3A = arith.constant 0 : i32
      %dma_start3A_20 = tpu.memref_slice %arg12[%mul3A_0, %dma_start3A] : memref<10112x128xf32, #tpu.memory_space<vmem_shared>> -> memref<632x128xf32, #tpu.memory_space<vmem_shared>>
      %dma_start3A_21 = arith.constant 0 : i32
      %dma_start3A_22 = tpu.memref_slice %arg6[%mul3A_0, %dma_start3A_21] : memref<10112x128xf32, #tpu.memory_space<hbm>> -> memref<632x128xf32, #tpu.memory_space<hbm>>
      tpu.enqueue_dma source(%dma_start3A_22 : memref<632x128xf32, #tpu.memory_space<hbm>>) target(%dma_start3A_20 : memref<632x128xf32, #tpu.memory_space<vmem_shared>>) target_semaphore(%run_scoped3A : memref<!tpu.dma_semaphore, #tpu.memory_space<semaphore_mem>>)
      %dma_wait3A = arith.constant 0 : i32
      %dma_wait3A_23 = tpu.memref_slice %arg12[%mul3A_0, %dma_wait3A] : memref<10112x128xf32, #tpu.memory_space<vmem_shared>> -> memref<632x128xf32, #tpu.memory_space<vmem_shared>>
      %dma_wait3A_24 = arith.constant 0 : i32
      %dma_wait3A_25 = tpu.memref_slice %arg6[%mul3A_0, %dma_wait3A_24] : memref<10112x128xf32, #tpu.memory_space<hbm>> -> memref<632x128xf32, #tpu.memory_space<hbm>>
      tpu.wait_dma2 semaphore(%run_scoped3A : memref<!tpu.dma_semaphore, #tpu.memory_space<semaphore_mem>>) src(%dma_wait3A_25 : memref<632x128xf32, #tpu.memory_space<hbm>>) dst(%dma_wait3A_23 : memref<632x128xf32, #tpu.memory_space<vmem_shared>>)
      tpu.yield
    }) : () -> ()
    %barrier3A = arith.constant 0 : index
    tpu.barrier barrier_id(%barrier3A)
    %eq3A = arith.constant 0 : i32
    %eq3A_1 = arith.cmpi eq, %arg0, %eq3A : i32
    %convert_element_type3A = arith.extui %eq3A_1 : i1 to i32
    %cond3A = arith.constant 0 : i32
    %cond3A_2 = arith.cmpi ne, %convert_element_type3A, %cond3A : i32
    scf.if %cond3A_2 {
      %scan3A = arith.constant 0 : i32
      %scan3A_20 = arith.constant 0 : i32
      %scan3A_21 = arith.constant 16 : i32
      %scan3A_22 = arith.addi %scan3A_20, %scan3A_21 : i32
      %scan3A_23 = arith.constant 1 : i32
      scf.for %scan3A_25 = %scan3A_20 to %scan3A_22 step %scan3A_23  : i32 {
        %mul3A_26 = arith.constant 16 : i32
        %mul3A_27 = arith.muli %arg1, %mul3A_26 : i32
        %add3A = arith.addi %mul3A_27, %scan3A_25 : i32
        "tpu.region"() ({
          %run_scoped3A = tpu.sem_alloc : memref<!tpu.dma_semaphore, #tpu.memory_space<semaphore_mem>>
          %dma_start3A_32 = arith.constant 0 : i32
          %dma_start3A_33 = tpu.memref_slice %arg4[%add3A, %dma_start3A_32] : memref<256x128xi32, #tpu.memory_space<hbm>> -> memref<1x128xi32, #tpu.memory_space<hbm>>
          %dma_start3A_34 = tpu.memref_squeeze %dma_start3A_33 : memref<1x128xi32, #tpu.memory_space<hbm>> -> memref<128xi32, #tpu.memory_space<hbm>>
          %dma_start3A_35 = arith.constant 0 : i32
          %dma_start3A_36 = tpu.memref_slice %arg4[%add3A, %dma_start3A_35] : memref<256x128xi32, #tpu.memory_space<hbm>> -> memref<1x128xi32, #tpu.memory_space<hbm>>
          %dma_start3A_37 = tpu.memref_squeeze %dma_start3A_36 : memref<1x128xi32, #tpu.memory_space<hbm>> -> memref<128xi32, #tpu.memory_space<hbm>>
          tpu.enqueue_dma source(%dma_start3A_37 : memref<128xi32, #tpu.memory_space<hbm>>) target(%arg9 : memref<128xi32, #tpu.memory_space<vmem>>) target_semaphore(%run_scoped3A : memref<!tpu.dma_semaphore, #tpu.memory_space<semaphore_mem>>)
          %dma_wait3A_38 = arith.constant 0 : i32
          %dma_wait3A_39 = tpu.memref_slice %arg4[%add3A, %dma_wait3A_38] : memref<256x128xi32, #tpu.memory_space<hbm>> -> memref<1x128xi32, #tpu.memory_space<hbm>>
          %dma_wait3A_40 = tpu.memref_squeeze %dma_wait3A_39 : memref<1x128xi32, #tpu.memory_space<hbm>> -> memref<128xi32, #tpu.memory_space<hbm>>
          %dma_wait3A_41 = arith.constant 0 : i32
          %dma_wait3A_42 = tpu.memref_slice %arg4[%add3A, %dma_wait3A_41] : memref<256x128xi32, #tpu.memory_space<hbm>> -> memref<1x128xi32, #tpu.memory_space<hbm>>
          %dma_wait3A_43 = tpu.memref_squeeze %dma_wait3A_42 : memref<1x128xi32, #tpu.memory_space<hbm>> -> memref<128xi32, #tpu.memory_space<hbm>>
          tpu.wait_dma2 semaphore(%run_scoped3A : memref<!tpu.dma_semaphore, #tpu.memory_space<semaphore_mem>>) src(%dma_wait3A_43 : memref<128xi32, #tpu.memory_space<hbm>>) dst(%arg9 : memref<128xi32, #tpu.memory_space<vmem>>)
          tpu.yield
        }) : () -> ()
        %dma_start3A = arith.constant 0 : i32
        %dma_start3A_28 = arith.constant 0 : i32
        %dma_start3A_29 = tpu.memref_slice %arg2[%dma_start3A, %dma_start3A_28] : memref<10000x128xf32, #tpu.memory_space<hbm>> -> memref<10000x128xf32, #tpu.memory_space<hbm>>
        tpu.enqueue_indirect_dma source(%dma_start3A_29 : memref<10000x128xf32, #tpu.memory_space<hbm>>) target(%arg11 : memref<128x128xf32, #tpu.memory_space<vmem>>) offsets(%arg9 : memref<128xi32, #tpu.memory_space<vmem>>) semaphore(%arg13 : memref<!tpu.dma_semaphore, #tpu.memory_space<semaphore_mem>>)
        %dma_wait3A = arith.constant 0 : i32
        %dma_wait3A_30 = arith.constant 0 : i32
        %dma_wait3A_31 = tpu.memref_slice %arg2[%dma_wait3A, %dma_wait3A_30] : memref<10000x128xf32, #tpu.memory_space<hbm>> -> memref<10000x128xf32, #tpu.memory_space<hbm>>
        tpu.wait_indirect_dma semaphore(%arg13 : memref<!tpu.dma_semaphore, #tpu.memory_space<semaphore_mem>>) src(%dma_wait3A_31 : memref<10000x128xf32, #tpu.memory_space<hbm>>) dst(%arg11 : memref<128x128xf32, #tpu.memory_space<vmem>>)
        "tpu.region"() ({
          %run_scoped3A = tpu.sem_alloc : memref<!tpu.dma_semaphore, #tpu.memory_space<semaphore_mem>>
          %dma_start3A_32 = arith.constant 0 : i32
          %dma_start3A_33 = tpu.memref_slice %arg5[%add3A, %dma_start3A_32] : memref<256x128xi32, #tpu.memory_space<hbm>> -> memref<1x128xi32, #tpu.memory_space<hbm>>
          %dma_start3A_34 = tpu.memref_squeeze %dma_start3A_33 : memref<1x128xi32, #tpu.memory_space<hbm>> -> memref<128xi32, #tpu.memory_space<hbm>>
          %dma_start3A_35 = arith.constant 0 : i32
          %dma_start3A_36 = tpu.memref_slice %arg5[%add3A, %dma_start3A_35] : memref<256x128xi32, #tpu.memory_space<hbm>> -> memref<1x128xi32, #tpu.memory_space<hbm>>
          %dma_start3A_37 = tpu.memref_squeeze %dma_start3A_36 : memref<1x128xi32, #tpu.memory_space<hbm>> -> memref<128xi32, #tpu.memory_space<hbm>>
          tpu.enqueue_dma source(%dma_start3A_37 : memref<128xi32, #tpu.memory_space<hbm>>) target(%arg10 : memref<128xi32, #tpu.memory_space<vmem>>) target_semaphore(%run_scoped3A : memref<!tpu.dma_semaphore, #tpu.memory_space<semaphore_mem>>)
          %dma_wait3A_38 = arith.constant 0 : i32
          %dma_wait3A_39 = tpu.memref_slice %arg5[%add3A, %dma_wait3A_38] : memref<256x128xi32, #tpu.memory_space<hbm>> -> memref<1x128xi32, #tpu.memory_space<hbm>>
          %dma_wait3A_40 = tpu.memref_squeeze %dma_wait3A_39 : memref<1x128xi32, #tpu.memory_space<hbm>> -> memref<128xi32, #tpu.memory_space<hbm>>
          %dma_wait3A_41 = arith.constant 0 : i32
          %dma_wait3A_42 = tpu.memref_slice %arg5[%add3A, %dma_wait3A_41] : memref<256x128xi32, #tpu.memory_space<hbm>> -> memref<1x128xi32, #tpu.memory_space<hbm>>
          %dma_wait3A_43 = tpu.memref_squeeze %dma_wait3A_42 : memref<1x128xi32, #tpu.memory_space<hbm>> -> memref<128xi32, #tpu.memory_space<hbm>>
          tpu.wait_dma2 semaphore(%run_scoped3A : memref<!tpu.dma_semaphore, #tpu.memory_space<semaphore_mem>>) src(%dma_wait3A_43 : memref<128xi32, #tpu.memory_space<hbm>>) dst(%arg10 : memref<128xi32, #tpu.memory_space<vmem>>)
          tpu.yield
        }) : () -> ()
        "tpu.region"() ({
          %run_scoped3A = tpu.sem_alloc : memref<!tpu.dma_semaphore, #tpu.memory_space<semaphore_mem>>
          %dma_start3A_32 = arith.constant 0 : i32
          %dma_start3A_33 = arith.constant 0 : i32
          %dma_start3A_34 = tpu.memref_slice %arg12[%dma_start3A_32, %dma_start3A_33] : memref<10112x128xf32, #tpu.memory_space<vmem_shared>> -> memref<10112x128xf32, #tpu.memory_space<vmem_shared>>
          tpu.enqueue_indirect_dma source(%arg11 : memref<128x128xf32, #tpu.memory_space<vmem>>) target(%dma_start3A_34 : memref<10112x128xf32, #tpu.memory_space<vmem_shared>>) offsets(%arg10 : memref<128xi32, #tpu.memory_space<vmem>>) semaphore(%run_scoped3A : memref<!tpu.dma_semaphore, #tpu.memory_space<semaphore_mem>>) {add = true}
          %dma_wait3A_35 = arith.constant 0 : i32
          %dma_wait3A_36 = arith.constant 0 : i32
          %dma_wait3A_37 = tpu.memref_slice %arg12[%dma_wait3A_35, %dma_wait3A_36] : memref<10112x128xf32, #tpu.memory_space<vmem_shared>> -> memref<10112x128xf32, #tpu.memory_space<vmem_shared>>
          tpu.wait_indirect_dma semaphore(%run_scoped3A : memref<!tpu.dma_semaphore, #tpu.memory_space<semaphore_mem>>) src(%arg11 : memref<128x128xf32, #tpu.memory_space<vmem>>) dst(%dma_wait3A_37 : memref<10112x128xf32, #tpu.memory_space<vmem_shared>>)
          tpu.yield
        }) : () -> ()
      }
      %scan3A_24 = arith.constant 16 : i32
    } else {
    }
    %eq3A_3 = arith.constant 1 : i32
    %eq3A_4 = arith.cmpi eq, %arg0, %eq3A_3 : i32
    %convert_element_type3A_5 = arith.extui %eq3A_4 : i1 to i32
    %cond3A_6 = arith.constant 0 : i32
    %cond3A_7 = arith.cmpi ne, %convert_element_type3A_5, %cond3A_6 : i32
    scf.if %cond3A_7 {
      %scan3A = arith.constant 0 : i32
      %scan3A_20 = arith.constant 0 : i32
      %scan3A_21 = arith.constant 16 : i32
      %scan3A_22 = arith.addi %scan3A_20, %scan3A_21 : i32
      %scan3A_23 = arith.constant 1 : i32
      scf.for %scan3A_25 = %scan3A_20 to %scan3A_22 step %scan3A_23  : i32 {
        %mul3A_26 = arith.constant 16 : i32
        %mul3A_27 = arith.muli %arg1, %mul3A_26 : i32
        %add3A = arith.addi %mul3A_27, %scan3A_25 : i32
        "tpu.region"() ({
          %run_scoped3A = tpu.sem_alloc : memref<!tpu.dma_semaphore, #tpu.memory_space<semaphore_mem>>
          %dma_start3A_32 = arith.constant 0 : i32
          %dma_start3A_33 = tpu.memref_slice %arg4[%add3A, %dma_start3A_32] : memref<256x128xi32, #tpu.memory_space<hbm>> -> memref<1x128xi32, #tpu.memory_space<hbm>>
          %dma_start3A_34 = tpu.memref_squeeze %dma_start3A_33 : memref<1x128xi32, #tpu.memory_space<hbm>> -> memref<128xi32, #tpu.memory_space<hbm>>
          %dma_start3A_35 = arith.constant 0 : i32
          %dma_start3A_36 = tpu.memref_slice %arg4[%add3A, %dma_start3A_35] : memref<256x128xi32, #tpu.memory_space<hbm>> -> memref<1x128xi32, #tpu.memory_space<hbm>>
          %dma_start3A_37 = tpu.memref_squeeze %dma_start3A_36 : memref<1x128xi32, #tpu.memory_space<hbm>> -> memref<128xi32, #tpu.memory_space<hbm>>
          tpu.enqueue_dma source(%dma_start3A_37 : memref<128xi32, #tpu.memory_space<hbm>>) target(%arg9 : memref<128xi32, #tpu.memory_space<vmem>>) target_semaphore(%run_scoped3A : memref<!tpu.dma_semaphore, #tpu.memory_space<semaphore_mem>>)
          %dma_wait3A_38 = arith.constant 0 : i32
          %dma_wait3A_39 = tpu.memref_slice %arg4[%add3A, %dma_wait3A_38] : memref<256x128xi32, #tpu.memory_space<hbm>> -> memref<1x128xi32, #tpu.memory_space<hbm>>
          %dma_wait3A_40 = tpu.memref_squeeze %dma_wait3A_39 : memref<1x128xi32, #tpu.memory_space<hbm>> -> memref<128xi32, #tpu.memory_space<hbm>>
          %dma_wait3A_41 = arith.constant 0 : i32
          %dma_wait3A_42 = tpu.memref_slice %arg4[%add3A, %dma_wait3A_41] : memref<256x128xi32, #tpu.memory_space<hbm>> -> memref<1x128xi32, #tpu.memory_space<hbm>>
          %dma_wait3A_43 = tpu.memref_squeeze %dma_wait3A_42 : memref<1x128xi32, #tpu.memory_space<hbm>> -> memref<128xi32, #tpu.memory_space<hbm>>
          tpu.wait_dma2 semaphore(%run_scoped3A : memref<!tpu.dma_semaphore, #tpu.memory_space<semaphore_mem>>) src(%dma_wait3A_43 : memref<128xi32, #tpu.memory_space<hbm>>) dst(%arg9 : memref<128xi32, #tpu.memory_space<vmem>>)
          tpu.yield
        }) : () -> ()
        %dma_start3A = arith.constant 0 : i32
        %dma_start3A_28 = arith.constant 0 : i32
        %dma_start3A_29 = tpu.memref_slice %arg3[%dma_start3A, %dma_start3A_28] : memref<10000x128xf32, #tpu.memory_space<hbm>> -> memref<10000x128xf32, #tpu.memory_space<hbm>>
        tpu.enqueue_indirect_dma source(%dma_start3A_29 : memref<10000x128xf32, #tpu.memory_space<hbm>>) target(%arg11 : memref<128x128xf32, #tpu.memory_space<vmem>>) offsets(%arg9 : memref<128xi32, #tpu.memory_space<vmem>>) semaphore(%arg13 : memref<!tpu.dma_semaphore, #tpu.memory_space<semaphore_mem>>)
        %dma_wait3A = arith.constant 0 : i32
        %dma_wait3A_30 = arith.constant 0 : i32
        %dma_wait3A_31 = tpu.memref_slice %arg3[%dma_wait3A, %dma_wait3A_30] : memref<10000x128xf32, #tpu.memory_space<hbm>> -> memref<10000x128xf32, #tpu.memory_space<hbm>>
        tpu.wait_indirect_dma semaphore(%arg13 : memref<!tpu.dma_semaphore, #tpu.memory_space<semaphore_mem>>) src(%dma_wait3A_31 : memref<10000x128xf32, #tpu.memory_space<hbm>>) dst(%arg11 : memref<128x128xf32, #tpu.memory_space<vmem>>)
        "tpu.region"() ({
          %run_scoped3A = tpu.sem_alloc : memref<!tpu.dma_semaphore, #tpu.memory_space<semaphore_mem>>
          %dma_start3A_32 = arith.constant 0 : i32
          %dma_start3A_33 = tpu.memref_slice %arg5[%add3A, %dma_start3A_32] : memref<256x128xi32, #tpu.memory_space<hbm>> -> memref<1x128xi32, #tpu.memory_space<hbm>>
          %dma_start3A_34 = tpu.memref_squeeze %dma_start3A_33 : memref<1x128xi32, #tpu.memory_space<hbm>> -> memref<128xi32, #tpu.memory_space<hbm>>
          %dma_start3A_35 = arith.constant 0 : i32
          %dma_start3A_36 = tpu.memref_slice %arg5[%add3A, %dma_start3A_35] : memref<256x128xi32, #tpu.memory_space<hbm>> -> memref<1x128xi32, #tpu.memory_space<hbm>>
          %dma_start3A_37 = tpu.memref_squeeze %dma_start3A_36 : memref<1x128xi32, #tpu.memory_space<hbm>> -> memref<128xi32, #tpu.memory_space<hbm>>
          tpu.enqueue_dma source(%dma_start3A_37 : memref<128xi32, #tpu.memory_space<hbm>>) target(%arg10 : memref<128xi32, #tpu.memory_space<vmem>>) target_semaphore(%run_scoped3A : memref<!tpu.dma_semaphore, #tpu.memory_space<semaphore_mem>>)
          %dma_wait3A_38 = arith.constant 0 : i32
          %dma_wait3A_39 = tpu.memref_slice %arg5[%add3A, %dma_wait3A_38] : memref<256x128xi32, #tpu.memory_space<hbm>> -> memref<1x128xi32, #tpu.memory_space<hbm>>
          %dma_wait3A_40 = tpu.memref_squeeze %dma_wait3A_39 : memref<1x128xi32, #tpu.memory_space<hbm>> -> memref<128xi32, #tpu.memory_space<hbm>>
          %dma_wait3A_41 = arith.constant 0 : i32
          %dma_wait3A_42 = tpu.memref_slice %arg5[%add3A, %dma_wait3A_41] : memref<256x128xi32, #tpu.memory_space<hbm>> -> memref<1x128xi32, #tpu.memory_space<hbm>>
          %dma_wait3A_43 = tpu.memref_squeeze %dma_wait3A_42 : memref<1x128xi32, #tpu.memory_space<hbm>> -> memref<128xi32, #tpu.memory_space<hbm>>
          tpu.wait_dma2 semaphore(%run_scoped3A : memref<!tpu.dma_semaphore, #tpu.memory_space<semaphore_mem>>) src(%dma_wait3A_43 : memref<128xi32, #tpu.memory_space<hbm>>) dst(%arg10 : memref<128xi32, #tpu.memory_space<vmem>>)
          tpu.yield
        }) : () -> ()
        "tpu.region"() ({
          %run_scoped3A = tpu.sem_alloc : memref<!tpu.dma_semaphore, #tpu.memory_space<semaphore_mem>>
          %dma_start3A_32 = arith.constant 0 : i32
          %dma_start3A_33 = arith.constant 0 : i32
          %dma_start3A_34 = tpu.memref_slice %arg12[%dma_start3A_32, %dma_start3A_33] : memref<10112x128xf32, #tpu.memory_space<vmem_shared>> -> memref<10112x128xf32, #tpu.memory_space<vmem_shared>>
          tpu.enqueue_indirect_dma source(%arg11 : memref<128x128xf32, #tpu.memory_space<vmem>>) target(%dma_start3A_34 : memref<10112x128xf32, #tpu.memory_space<vmem_shared>>) offsets(%arg10 : memref<128xi32, #tpu.memory_space<vmem>>) semaphore(%run_scoped3A : memref<!tpu.dma_semaphore, #tpu.memory_space<semaphore_mem>>) {add = true}
          %dma_wait3A_35 = arith.constant 0 : i32
          %dma_wait3A_36 = arith.constant 0 : i32
          %dma_wait3A_37 = tpu.memref_slice %arg12[%dma_wait3A_35, %dma_wait3A_36] : memref<10112x128xf32, #tpu.memory_space<vmem_shared>> -> memref<10112x128xf32, #tpu.memory_space<vmem_shared>>
          tpu.wait_indirect_dma semaphore(%run_scoped3A : memref<!tpu.dma_semaphore, #tpu.memory_space<semaphore_mem>>) src(%arg11 : memref<128x128xf32, #tpu.memory_space<vmem>>) dst(%dma_wait3A_37 : memref<10112x128xf32, #tpu.memory_space<vmem_shared>>)
          tpu.yield
        }) : () -> ()
      }
      %scan3A_24 = arith.constant 16 : i32
    } else {
    }
    %barrier3A_8 = arith.constant 0 : index
    tpu.barrier barrier_id(%barrier3A_8)
    %min3A = arith.constant 9368 : i32
    %min3A_9 = arith.minsi %mul3A_0, %min3A : i32
    %eq3A_10 = arith.constant 0 : i32
    %eq3A_11 = arith.cmpi eq, %arg0, %eq3A_10 : i32
    %convert_element_type3A_12 = arith.extui %eq3A_11 : i1 to i32
    %cond3A_13 = arith.constant 0 : i32
    %cond3A_14 = arith.cmpi ne, %convert_element_type3A_12, %cond3A_13 : i32
    scf.if %cond3A_14 {
      "tpu.region"() ({
        %run_scoped3A = tpu.sem_alloc : memref<!tpu.dma_semaphore, #tpu.memory_space<semaphore_mem>>
        %dma_start3A = arith.constant 0 : i32
        %dma_start3A_20 = tpu.memref_slice %arg7[%min3A_9, %dma_start3A] : memref<10000x128xf32, #tpu.memory_space<hbm>> -> memref<632x128xf32, #tpu.memory_space<hbm>>
        %dma_start3A_21 = arith.constant 0 : i32
        %dma_start3A_22 = tpu.memref_slice %arg12[%min3A_9, %dma_start3A_21] : memref<10112x128xf32, #tpu.memory_space<vmem_shared>> -> memref<632x128xf32, #tpu.memory_space<vmem_shared>>
        tpu.enqueue_dma source(%dma_start3A_22 : memref<632x128xf32, #tpu.memory_space<vmem_shared>>) target(%dma_start3A_20 : memref<632x128xf32, #tpu.memory_space<hbm>>) target_semaphore(%run_scoped3A : memref<!tpu.dma_semaphore, #tpu.memory_space<semaphore_mem>>)
        %dma_wait3A = arith.constant 0 : i32
        %dma_wait3A_23 = tpu.memref_slice %arg7[%min3A_9, %dma_wait3A] : memref<10000x128xf32, #tpu.memory_space<hbm>> -> memref<632x128xf32, #tpu.memory_space<hbm>>
        %dma_wait3A_24 = arith.constant 0 : i32
        %dma_wait3A_25 = tpu.memref_slice %arg12[%min3A_9, %dma_wait3A_24] : memref<10112x128xf32, #tpu.memory_space<vmem_shared>> -> memref<632x128xf32, #tpu.memory_space<vmem_shared>>
        tpu.wait_dma2 semaphore(%run_scoped3A : memref<!tpu.dma_semaphore, #tpu.memory_space<semaphore_mem>>) src(%dma_wait3A_25 : memref<632x128xf32, #tpu.memory_space<vmem_shared>>) dst(%dma_wait3A_23 : memref<632x128xf32, #tpu.memory_space<hbm>>)
        tpu.yield
      }) : () -> ()
    } else {
    }
    %eq3A_15 = arith.constant 1 : i32
    %eq3A_16 = arith.cmpi eq, %arg0, %eq3A_15 : i32
    %convert_element_type3A_17 = arith.extui %eq3A_16 : i1 to i32
    %cond3A_18 = arith.constant 0 : i32
    %cond3A_19 = arith.cmpi ne, %convert_element_type3A_17, %cond3A_18 : i32
    scf.if %cond3A_19 {
      "tpu.region"() ({
        %run_scoped3A = tpu.sem_alloc : memref<!tpu.dma_semaphore, #tpu.memory_space<semaphore_mem>>
        %dma_start3A = arith.constant 0 : i32
        %dma_start3A_20 = tpu.memref_slice %arg8[%min3A_9, %dma_start3A] : memref<10000x128xf32, #tpu.memory_space<hbm>> -> memref<632x128xf32, #tpu.memory_space<hbm>>
        %dma_start3A_21 = arith.constant 0 : i32
        %dma_start3A_22 = tpu.memref_slice %arg12[%min3A_9, %dma_start3A_21] : memref<10112x128xf32, #tpu.memory_space<vmem_shared>> -> memref<632x128xf32, #tpu.memory_space<vmem_shared>>
        tpu.enqueue_dma source(%dma_start3A_22 : memref<632x128xf32, #tpu.memory_space<vmem_shared>>) target(%dma_start3A_20 : memref<632x128xf32, #tpu.memory_space<hbm>>) target_semaphore(%run_scoped3A : memref<!tpu.dma_semaphore, #tpu.memory_space<semaphore_mem>>)
        %dma_wait3A = arith.constant 0 : i32
        %dma_wait3A_23 = tpu.memref_slice %arg8[%min3A_9, %dma_wait3A] : memref<10000x128xf32, #tpu.memory_space<hbm>> -> memref<632x128xf32, #tpu.memory_space<hbm>>
        %dma_wait3A_24 = arith.constant 0 : i32
        %dma_wait3A_25 = tpu.memref_slice %arg12[%min3A_9, %dma_wait3A_24] : memref<10112x128xf32, #tpu.memory_space<vmem_shared>> -> memref<632x128xf32, #tpu.memory_space<vmem_shared>>
        tpu.wait_dma2 semaphore(%run_scoped3A : memref<!tpu.dma_semaphore, #tpu.memory_space<semaphore_mem>>) src(%dma_wait3A_25 : memref<632x128xf32, #tpu.memory_space<vmem_shared>>) dst(%dma_wait3A_23 : memref<632x128xf32, #tpu.memory_space<hbm>>)
        tpu.yield
      }) : () -> ()
    } else {
    }
    return
  }
}

#map = affine_map<(d0, d1) -> (0, 0)>
module attributes {stable_mosaic.version = 14 : i64} {
  func.func @k(%arg0: i32, %arg1: i32, %arg2: memref<10000x128xf32, #tpu.memory_space<hbm>>, %arg3: memref<10000x128xf32, #tpu.memory_space<hbm>>, %arg4: memref<480x128xi32, #tpu.memory_space<hbm>>, %arg5: memref<480x128xi32, #tpu.memory_space<hbm>>, %arg6: memref<10112x128xf32, #tpu.memory_space<hbm>>, %arg7: memref<10000x128xf32, #tpu.memory_space<hbm>>, %arg8: memref<10000x128xf32, #tpu.memory_space<hbm>>, %arg9: memref<128xi32, #tpu.memory_space<vmem>>, %arg10: memref<128xi32, #tpu.memory_space<vmem>>, %arg11: memref<128x128xf32, #tpu.memory_space<vmem>>, %arg12: memref<10112x128xf32, #tpu.memory_space<vmem_shared>>, %arg13: memref<!tpu.dma_semaphore, #tpu.memory_space<semaphore_mem>>) attributes {dimension_semantics = [#tpu.dimension_semantics<core_parallel>, #tpu.dimension_semantics<subcore_parallel>], iteration_bounds = array<i64: 2, 16>, scalar_prefetch = 0 : i64, scratch_operands = 5 : i64, tpu.core_type = #tpu.core_type<sc_vector_subcore>, window_params = [{transform_indices = #map}, {transform_indices = #map}, {transform_indices = #map}, {transform_indices = #map}, {transform_indices = #map}, {transform_indices = #map}, {transform_indices = #map}]} {
    %mul3A = arith.constant 632 : i32
    %mul3A_0 = arith.muli %arg1, %mul3A : i32
    "tpu.region"() ({
      %run_scoped3A = tpu.sem_alloc : memref<!tpu.dma_semaphore, #tpu.memory_space<semaphore_mem>>
      %dma_start3A = arith.constant 0 : i32
      %dma_start3A_20 = tpu.memref_slice %arg12[%mul3A_0, %dma_start3A] : memref<10112x128xf32, #tpu.memory_space<vmem_shared>> -> memref<632x128xf32, #tpu.memory_space<vmem_shared>>
      %dma_start3A_21 = arith.constant 0 : i32
      %dma_start3A_22 = tpu.memref_slice %arg6[%mul3A_0, %dma_start3A_21] : memref<10112x128xf32, #tpu.memory_space<hbm>> -> memref<632x128xf32, #tpu.memory_space<hbm>>
      tpu.enqueue_dma source(%dma_start3A_22 : memref<632x128xf32, #tpu.memory_space<hbm>>) target(%dma_start3A_20 : memref<632x128xf32, #tpu.memory_space<vmem_shared>>) target_semaphore(%run_scoped3A : memref<!tpu.dma_semaphore, #tpu.memory_space<semaphore_mem>>)
      %dma_wait3A = arith.constant 0 : i32
      %dma_wait3A_23 = tpu.memref_slice %arg12[%mul3A_0, %dma_wait3A] : memref<10112x128xf32, #tpu.memory_space<vmem_shared>> -> memref<632x128xf32, #tpu.memory_space<vmem_shared>>
      %dma_wait3A_24 = arith.constant 0 : i32
      %dma_wait3A_25 = tpu.memref_slice %arg6[%mul3A_0, %dma_wait3A_24] : memref<10112x128xf32, #tpu.memory_space<hbm>> -> memref<632x128xf32, #tpu.memory_space<hbm>>
      tpu.wait_dma2 semaphore(%run_scoped3A : memref<!tpu.dma_semaphore, #tpu.memory_space<semaphore_mem>>) src(%dma_wait3A_25 : memref<632x128xf32, #tpu.memory_space<hbm>>) dst(%dma_wait3A_23 : memref<632x128xf32, #tpu.memory_space<vmem_shared>>)
      tpu.yield
    }) : () -> ()
    %barrier3A = arith.constant 0 : index
    tpu.barrier barrier_id(%barrier3A)
    %eq3A = arith.constant 0 : i32
    %eq3A_1 = arith.cmpi eq, %arg0, %eq3A : i32
    %convert_element_type3A = arith.extui %eq3A_1 : i1 to i32
    %cond3A = arith.constant 0 : i32
    %cond3A_2 = arith.cmpi ne, %convert_element_type3A, %cond3A : i32
    scf.if %cond3A_2 {
      %scan3A = arith.constant 0 : i32
      %scan3A_20 = arith.constant 0 : i32
      %scan3A_21 = arith.constant 30 : i32
      %scan3A_22 = arith.addi %scan3A_20, %scan3A_21 : i32
      %scan3A_23 = arith.constant 1 : i32
      scf.for %scan3A_25 = %scan3A_20 to %scan3A_22 step %scan3A_23  : i32 {
        %mul3A_26 = arith.constant 30 : i32
        %mul3A_27 = arith.muli %arg1, %mul3A_26 : i32
        %add3A = arith.addi %mul3A_27, %scan3A_25 : i32
        "tpu.region"() ({
          %run_scoped3A = tpu.sem_alloc : memref<!tpu.dma_semaphore, #tpu.memory_space<semaphore_mem>>
          %dma_start3A_32 = arith.constant 0 : i32
          %dma_start3A_33 = tpu.memref_slice %arg4[%add3A, %dma_start3A_32] : memref<480x128xi32, #tpu.memory_space<hbm>> -> memref<1x128xi32, #tpu.memory_space<hbm>>
          %dma_start3A_34 = tpu.memref_squeeze %dma_start3A_33 : memref<1x128xi32, #tpu.memory_space<hbm>> -> memref<128xi32, #tpu.memory_space<hbm>>
          %dma_start3A_35 = arith.constant 0 : i32
          %dma_start3A_36 = tpu.memref_slice %arg4[%add3A, %dma_start3A_35] : memref<480x128xi32, #tpu.memory_space<hbm>> -> memref<1x128xi32, #tpu.memory_space<hbm>>
          %dma_start3A_37 = tpu.memref_squeeze %dma_start3A_36 : memref<1x128xi32, #tpu.memory_space<hbm>> -> memref<128xi32, #tpu.memory_space<hbm>>
          tpu.enqueue_dma source(%dma_start3A_37 : memref<128xi32, #tpu.memory_space<hbm>>) target(%arg9 : memref<128xi32, #tpu.memory_space<vmem>>) target_semaphore(%run_scoped3A : memref<!tpu.dma_semaphore, #tpu.memory_space<semaphore_mem>>)
          %dma_wait3A_38 = arith.constant 0 : i32
          %dma_wait3A_39 = tpu.memref_slice %arg4[%add3A, %dma_wait3A_38] : memref<480x128xi32, #tpu.memory_space<hbm>> -> memref<1x128xi32, #tpu.memory_space<hbm>>
          %dma_wait3A_40 = tpu.memref_squeeze %dma_wait3A_39 : memref<1x128xi32, #tpu.memory_space<hbm>> -> memref<128xi32, #tpu.memory_space<hbm>>
          %dma_wait3A_41 = arith.constant 0 : i32
          %dma_wait3A_42 = tpu.memref_slice %arg4[%add3A, %dma_wait3A_41] : memref<480x128xi32, #tpu.memory_space<hbm>> -> memref<1x128xi32, #tpu.memory_space<hbm>>
          %dma_wait3A_43 = tpu.memref_squeeze %dma_wait3A_42 : memref<1x128xi32, #tpu.memory_space<hbm>> -> memref<128xi32, #tpu.memory_space<hbm>>
          tpu.wait_dma2 semaphore(%run_scoped3A : memref<!tpu.dma_semaphore, #tpu.memory_space<semaphore_mem>>) src(%dma_wait3A_43 : memref<128xi32, #tpu.memory_space<hbm>>) dst(%arg9 : memref<128xi32, #tpu.memory_space<vmem>>)
          tpu.yield
        }) : () -> ()
        %dma_start3A = arith.constant 0 : i32
        %dma_start3A_28 = arith.constant 0 : i32
        %dma_start3A_29 = tpu.memref_slice %arg2[%dma_start3A, %dma_start3A_28] : memref<10000x128xf32, #tpu.memory_space<hbm>> -> memref<10000x128xf32, #tpu.memory_space<hbm>>
        tpu.enqueue_indirect_dma source(%dma_start3A_29 : memref<10000x128xf32, #tpu.memory_space<hbm>>) target(%arg11 : memref<128x128xf32, #tpu.memory_space<vmem>>) offsets(%arg9 : memref<128xi32, #tpu.memory_space<vmem>>) semaphore(%arg13 : memref<!tpu.dma_semaphore, #tpu.memory_space<semaphore_mem>>)
        %dma_wait3A = arith.constant 0 : i32
        %dma_wait3A_30 = arith.constant 0 : i32
        %dma_wait3A_31 = tpu.memref_slice %arg2[%dma_wait3A, %dma_wait3A_30] : memref<10000x128xf32, #tpu.memory_space<hbm>> -> memref<10000x128xf32, #tpu.memory_space<hbm>>
        tpu.wait_indirect_dma semaphore(%arg13 : memref<!tpu.dma_semaphore, #tpu.memory_space<semaphore_mem>>) src(%dma_wait3A_31 : memref<10000x128xf32, #tpu.memory_space<hbm>>) dst(%arg11 : memref<128x128xf32, #tpu.memory_space<vmem>>)
        "tpu.region"() ({
          %run_scoped3A = tpu.sem_alloc : memref<!tpu.dma_semaphore, #tpu.memory_space<semaphore_mem>>
          %dma_start3A_32 = arith.constant 0 : i32
          %dma_start3A_33 = tpu.memref_slice %arg5[%add3A, %dma_start3A_32] : memref<480x128xi32, #tpu.memory_space<hbm>> -> memref<1x128xi32, #tpu.memory_space<hbm>>
          %dma_start3A_34 = tpu.memref_squeeze %dma_start3A_33 : memref<1x128xi32, #tpu.memory_space<hbm>> -> memref<128xi32, #tpu.memory_space<hbm>>
          %dma_start3A_35 = arith.constant 0 : i32
          %dma_start3A_36 = tpu.memref_slice %arg5[%add3A, %dma_start3A_35] : memref<480x128xi32, #tpu.memory_space<hbm>> -> memref<1x128xi32, #tpu.memory_space<hbm>>
          %dma_start3A_37 = tpu.memref_squeeze %dma_start3A_36 : memref<1x128xi32, #tpu.memory_space<hbm>> -> memref<128xi32, #tpu.memory_space<hbm>>
          tpu.enqueue_dma source(%dma_start3A_37 : memref<128xi32, #tpu.memory_space<hbm>>) target(%arg10 : memref<128xi32, #tpu.memory_space<vmem>>) target_semaphore(%run_scoped3A : memref<!tpu.dma_semaphore, #tpu.memory_space<semaphore_mem>>)
          %dma_wait3A_38 = arith.constant 0 : i32
          %dma_wait3A_39 = tpu.memref_slice %arg5[%add3A, %dma_wait3A_38] : memref<480x128xi32, #tpu.memory_space<hbm>> -> memref<1x128xi32, #tpu.memory_space<hbm>>
          %dma_wait3A_40 = tpu.memref_squeeze %dma_wait3A_39 : memref<1x128xi32, #tpu.memory_space<hbm>> -> memref<128xi32, #tpu.memory_space<hbm>>
          %dma_wait3A_41 = arith.constant 0 : i32
          %dma_wait3A_42 = tpu.memref_slice %arg5[%add3A, %dma_wait3A_41] : memref<480x128xi32, #tpu.memory_space<hbm>> -> memref<1x128xi32, #tpu.memory_space<hbm>>
          %dma_wait3A_43 = tpu.memref_squeeze %dma_wait3A_42 : memref<1x128xi32, #tpu.memory_space<hbm>> -> memref<128xi32, #tpu.memory_space<hbm>>
          tpu.wait_dma2 semaphore(%run_scoped3A : memref<!tpu.dma_semaphore, #tpu.memory_space<semaphore_mem>>) src(%dma_wait3A_43 : memref<128xi32, #tpu.memory_space<hbm>>) dst(%arg10 : memref<128xi32, #tpu.memory_space<vmem>>)
          tpu.yield
        }) : () -> ()
        "tpu.region"() ({
          %run_scoped3A = tpu.sem_alloc : memref<!tpu.dma_semaphore, #tpu.memory_space<semaphore_mem>>
          %dma_start3A_32 = arith.constant 0 : i32
          %dma_start3A_33 = arith.constant 0 : i32
          %dma_start3A_34 = tpu.memref_slice %arg12[%dma_start3A_32, %dma_start3A_33] : memref<10112x128xf32, #tpu.memory_space<vmem_shared>> -> memref<10112x128xf32, #tpu.memory_space<vmem_shared>>
          tpu.enqueue_indirect_dma source(%arg11 : memref<128x128xf32, #tpu.memory_space<vmem>>) target(%dma_start3A_34 : memref<10112x128xf32, #tpu.memory_space<vmem_shared>>) offsets(%arg10 : memref<128xi32, #tpu.memory_space<vmem>>) semaphore(%run_scoped3A : memref<!tpu.dma_semaphore, #tpu.memory_space<semaphore_mem>>) {add = true}
          %dma_wait3A_35 = arith.constant 0 : i32
          %dma_wait3A_36 = arith.constant 0 : i32
          %dma_wait3A_37 = tpu.memref_slice %arg12[%dma_wait3A_35, %dma_wait3A_36] : memref<10112x128xf32, #tpu.memory_space<vmem_shared>> -> memref<10112x128xf32, #tpu.memory_space<vmem_shared>>
          tpu.wait_indirect_dma semaphore(%run_scoped3A : memref<!tpu.dma_semaphore, #tpu.memory_space<semaphore_mem>>) src(%arg11 : memref<128x128xf32, #tpu.memory_space<vmem>>) dst(%dma_wait3A_37 : memref<10112x128xf32, #tpu.memory_space<vmem_shared>>)
          tpu.yield
        }) : () -> ()
      }
      %scan3A_24 = arith.constant 30 : i32
    } else {
    }
    %eq3A_3 = arith.constant 1 : i32
    %eq3A_4 = arith.cmpi eq, %arg0, %eq3A_3 : i32
    %convert_element_type3A_5 = arith.extui %eq3A_4 : i1 to i32
    %cond3A_6 = arith.constant 0 : i32
    %cond3A_7 = arith.cmpi ne, %convert_element_type3A_5, %cond3A_6 : i32
    scf.if %cond3A_7 {
      %scan3A = arith.constant 0 : i32
      %scan3A_20 = arith.constant 0 : i32
      %scan3A_21 = arith.constant 30 : i32
      %scan3A_22 = arith.addi %scan3A_20, %scan3A_21 : i32
      %scan3A_23 = arith.constant 1 : i32
      scf.for %scan3A_25 = %scan3A_20 to %scan3A_22 step %scan3A_23  : i32 {
        %mul3A_26 = arith.constant 30 : i32
        %mul3A_27 = arith.muli %arg1, %mul3A_26 : i32
        %add3A = arith.addi %mul3A_27, %scan3A_25 : i32
        "tpu.region"() ({
          %run_scoped3A = tpu.sem_alloc : memref<!tpu.dma_semaphore, #tpu.memory_space<semaphore_mem>>
          %dma_start3A_32 = arith.constant 0 : i32
          %dma_start3A_33 = tpu.memref_slice %arg4[%add3A, %dma_start3A_32] : memref<480x128xi32, #tpu.memory_space<hbm>> -> memref<1x128xi32, #tpu.memory_space<hbm>>
          %dma_start3A_34 = tpu.memref_squeeze %dma_start3A_33 : memref<1x128xi32, #tpu.memory_space<hbm>> -> memref<128xi32, #tpu.memory_space<hbm>>
          %dma_start3A_35 = arith.constant 0 : i32
          %dma_start3A_36 = tpu.memref_slice %arg4[%add3A, %dma_start3A_35] : memref<480x128xi32, #tpu.memory_space<hbm>> -> memref<1x128xi32, #tpu.memory_space<hbm>>
          %dma_start3A_37 = tpu.memref_squeeze %dma_start3A_36 : memref<1x128xi32, #tpu.memory_space<hbm>> -> memref<128xi32, #tpu.memory_space<hbm>>
          tpu.enqueue_dma source(%dma_start3A_37 : memref<128xi32, #tpu.memory_space<hbm>>) target(%arg9 : memref<128xi32, #tpu.memory_space<vmem>>) target_semaphore(%run_scoped3A : memref<!tpu.dma_semaphore, #tpu.memory_space<semaphore_mem>>)
          %dma_wait3A_38 = arith.constant 0 : i32
          %dma_wait3A_39 = tpu.memref_slice %arg4[%add3A, %dma_wait3A_38] : memref<480x128xi32, #tpu.memory_space<hbm>> -> memref<1x128xi32, #tpu.memory_space<hbm>>
          %dma_wait3A_40 = tpu.memref_squeeze %dma_wait3A_39 : memref<1x128xi32, #tpu.memory_space<hbm>> -> memref<128xi32, #tpu.memory_space<hbm>>
          %dma_wait3A_41 = arith.constant 0 : i32
          %dma_wait3A_42 = tpu.memref_slice %arg4[%add3A, %dma_wait3A_41] : memref<480x128xi32, #tpu.memory_space<hbm>> -> memref<1x128xi32, #tpu.memory_space<hbm>>
          %dma_wait3A_43 = tpu.memref_squeeze %dma_wait3A_42 : memref<1x128xi32, #tpu.memory_space<hbm>> -> memref<128xi32, #tpu.memory_space<hbm>>
          tpu.wait_dma2 semaphore(%run_scoped3A : memref<!tpu.dma_semaphore, #tpu.memory_space<semaphore_mem>>) src(%dma_wait3A_43 : memref<128xi32, #tpu.memory_space<hbm>>) dst(%arg9 : memref<128xi32, #tpu.memory_space<vmem>>)
          tpu.yield
        }) : () -> ()
        %dma_start3A = arith.constant 0 : i32
        %dma_start3A_28 = arith.constant 0 : i32
        %dma_start3A_29 = tpu.memref_slice %arg3[%dma_start3A, %dma_start3A_28] : memref<10000x128xf32, #tpu.memory_space<hbm>> -> memref<10000x128xf32, #tpu.memory_space<hbm>>
        tpu.enqueue_indirect_dma source(%dma_start3A_29 : memref<10000x128xf32, #tpu.memory_space<hbm>>) target(%arg11 : memref<128x128xf32, #tpu.memory_space<vmem>>) offsets(%arg9 : memref<128xi32, #tpu.memory_space<vmem>>) semaphore(%arg13 : memref<!tpu.dma_semaphore, #tpu.memory_space<semaphore_mem>>)
        %dma_wait3A = arith.constant 0 : i32
        %dma_wait3A_30 = arith.constant 0 : i32
        %dma_wait3A_31 = tpu.memref_slice %arg3[%dma_wait3A, %dma_wait3A_30] : memref<10000x128xf32, #tpu.memory_space<hbm>> -> memref<10000x128xf32, #tpu.memory_space<hbm>>
        tpu.wait_indirect_dma semaphore(%arg13 : memref<!tpu.dma_semaphore, #tpu.memory_space<semaphore_mem>>) src(%dma_wait3A_31 : memref<10000x128xf32, #tpu.memory_space<hbm>>) dst(%arg11 : memref<128x128xf32, #tpu.memory_space<vmem>>)
        "tpu.region"() ({
          %run_scoped3A = tpu.sem_alloc : memref<!tpu.dma_semaphore, #tpu.memory_space<semaphore_mem>>
          %dma_start3A_32 = arith.constant 0 : i32
          %dma_start3A_33 = tpu.memref_slice %arg5[%add3A, %dma_start3A_32] : memref<480x128xi32, #tpu.memory_space<hbm>> -> memref<1x128xi32, #tpu.memory_space<hbm>>
          %dma_start3A_34 = tpu.memref_squeeze %dma_start3A_33 : memref<1x128xi32, #tpu.memory_space<hbm>> -> memref<128xi32, #tpu.memory_space<hbm>>
          %dma_start3A_35 = arith.constant 0 : i32
          %dma_start3A_36 = tpu.memref_slice %arg5[%add3A, %dma_start3A_35] : memref<480x128xi32, #tpu.memory_space<hbm>> -> memref<1x128xi32, #tpu.memory_space<hbm>>
          %dma_start3A_37 = tpu.memref_squeeze %dma_start3A_36 : memref<1x128xi32, #tpu.memory_space<hbm>> -> memref<128xi32, #tpu.memory_space<hbm>>
          tpu.enqueue_dma source(%dma_start3A_37 : memref<128xi32, #tpu.memory_space<hbm>>) target(%arg10 : memref<128xi32, #tpu.memory_space<vmem>>) target_semaphore(%run_scoped3A : memref<!tpu.dma_semaphore, #tpu.memory_space<semaphore_mem>>)
          %dma_wait3A_38 = arith.constant 0 : i32
          %dma_wait3A_39 = tpu.memref_slice %arg5[%add3A, %dma_wait3A_38] : memref<480x128xi32, #tpu.memory_space<hbm>> -> memref<1x128xi32, #tpu.memory_space<hbm>>
          %dma_wait3A_40 = tpu.memref_squeeze %dma_wait3A_39 : memref<1x128xi32, #tpu.memory_space<hbm>> -> memref<128xi32, #tpu.memory_space<hbm>>
          %dma_wait3A_41 = arith.constant 0 : i32
          %dma_wait3A_42 = tpu.memref_slice %arg5[%add3A, %dma_wait3A_41] : memref<480x128xi32, #tpu.memory_space<hbm>> -> memref<1x128xi32, #tpu.memory_space<hbm>>
          %dma_wait3A_43 = tpu.memref_squeeze %dma_wait3A_42 : memref<1x128xi32, #tpu.memory_space<hbm>> -> memref<128xi32, #tpu.memory_space<hbm>>
          tpu.wait_dma2 semaphore(%run_scoped3A : memref<!tpu.dma_semaphore, #tpu.memory_space<semaphore_mem>>) src(%dma_wait3A_43 : memref<128xi32, #tpu.memory_space<hbm>>) dst(%arg10 : memref<128xi32, #tpu.memory_space<vmem>>)
          tpu.yield
        }) : () -> ()
        "tpu.region"() ({
          %run_scoped3A = tpu.sem_alloc : memref<!tpu.dma_semaphore, #tpu.memory_space<semaphore_mem>>
          %dma_start3A_32 = arith.constant 0 : i32
          %dma_start3A_33 = arith.constant 0 : i32
          %dma_start3A_34 = tpu.memref_slice %arg12[%dma_start3A_32, %dma_start3A_33] : memref<10112x128xf32, #tpu.memory_space<vmem_shared>> -> memref<10112x128xf32, #tpu.memory_space<vmem_shared>>
          tpu.enqueue_indirect_dma source(%arg11 : memref<128x128xf32, #tpu.memory_space<vmem>>) target(%dma_start3A_34 : memref<10112x128xf32, #tpu.memory_space<vmem_shared>>) offsets(%arg10 : memref<128xi32, #tpu.memory_space<vmem>>) semaphore(%run_scoped3A : memref<!tpu.dma_semaphore, #tpu.memory_space<semaphore_mem>>) {add = true}
          %dma_wait3A_35 = arith.constant 0 : i32
          %dma_wait3A_36 = arith.constant 0 : i32
          %dma_wait3A_37 = tpu.memref_slice %arg12[%dma_wait3A_35, %dma_wait3A_36] : memref<10112x128xf32, #tpu.memory_space<vmem_shared>> -> memref<10112x128xf32, #tpu.memory_space<vmem_shared>>
          tpu.wait_indirect_dma semaphore(%run_scoped3A : memref<!tpu.dma_semaphore, #tpu.memory_space<semaphore_mem>>) src(%arg11 : memref<128x128xf32, #tpu.memory_space<vmem>>) dst(%dma_wait3A_37 : memref<10112x128xf32, #tpu.memory_space<vmem_shared>>)
          tpu.yield
        }) : () -> ()
      }
      %scan3A_24 = arith.constant 30 : i32
    } else {
    }
    %barrier3A_8 = arith.constant 0 : index
    tpu.barrier barrier_id(%barrier3A_8)
    %min3A = arith.constant 9368 : i32
    %min3A_9 = arith.minsi %mul3A_0, %min3A : i32
    %eq3A_10 = arith.constant 0 : i32
    %eq3A_11 = arith.cmpi eq, %arg0, %eq3A_10 : i32
    %convert_element_type3A_12 = arith.extui %eq3A_11 : i1 to i32
    %cond3A_13 = arith.constant 0 : i32
    %cond3A_14 = arith.cmpi ne, %convert_element_type3A_12, %cond3A_13 : i32
    scf.if %cond3A_14 {
      "tpu.region"() ({
        %run_scoped3A = tpu.sem_alloc : memref<!tpu.dma_semaphore, #tpu.memory_space<semaphore_mem>>
        %dma_start3A = arith.constant 0 : i32
        %dma_start3A_20 = tpu.memref_slice %arg7[%min3A_9, %dma_start3A] : memref<10000x128xf32, #tpu.memory_space<hbm>> -> memref<632x128xf32, #tpu.memory_space<hbm>>
        %dma_start3A_21 = arith.constant 0 : i32
        %dma_start3A_22 = tpu.memref_slice %arg12[%min3A_9, %dma_start3A_21] : memref<10112x128xf32, #tpu.memory_space<vmem_shared>> -> memref<632x128xf32, #tpu.memory_space<vmem_shared>>
        tpu.enqueue_dma source(%dma_start3A_22 : memref<632x128xf32, #tpu.memory_space<vmem_shared>>) target(%dma_start3A_20 : memref<632x128xf32, #tpu.memory_space<hbm>>) target_semaphore(%run_scoped3A : memref<!tpu.dma_semaphore, #tpu.memory_space<semaphore_mem>>)
        %dma_wait3A = arith.constant 0 : i32
        %dma_wait3A_23 = tpu.memref_slice %arg7[%min3A_9, %dma_wait3A] : memref<10000x128xf32, #tpu.memory_space<hbm>> -> memref<632x128xf32, #tpu.memory_space<hbm>>
        %dma_wait3A_24 = arith.constant 0 : i32
        %dma_wait3A_25 = tpu.memref_slice %arg12[%min3A_9, %dma_wait3A_24] : memref<10112x128xf32, #tpu.memory_space<vmem_shared>> -> memref<632x128xf32, #tpu.memory_space<vmem_shared>>
        tpu.wait_dma2 semaphore(%run_scoped3A : memref<!tpu.dma_semaphore, #tpu.memory_space<semaphore_mem>>) src(%dma_wait3A_25 : memref<632x128xf32, #tpu.memory_space<vmem_shared>>) dst(%dma_wait3A_23 : memref<632x128xf32, #tpu.memory_space<hbm>>)
        tpu.yield
      }) : () -> ()
    } else {
    }
    %eq3A_15 = arith.constant 1 : i32
    %eq3A_16 = arith.cmpi eq, %arg0, %eq3A_15 : i32
    %convert_element_type3A_17 = arith.extui %eq3A_16 : i1 to i32
    %cond3A_18 = arith.constant 0 : i32
    %cond3A_19 = arith.cmpi ne, %convert_element_type3A_17, %cond3A_18 : i32
    scf.if %cond3A_19 {
      "tpu.region"() ({
        %run_scoped3A = tpu.sem_alloc : memref<!tpu.dma_semaphore, #tpu.memory_space<semaphore_mem>>
        %dma_start3A = arith.constant 0 : i32
        %dma_start3A_20 = tpu.memref_slice %arg8[%min3A_9, %dma_start3A] : memref<10000x128xf32, #tpu.memory_space<hbm>> -> memref<632x128xf32, #tpu.memory_space<hbm>>
        %dma_start3A_21 = arith.constant 0 : i32
        %dma_start3A_22 = tpu.memref_slice %arg12[%min3A_9, %dma_start3A_21] : memref<10112x128xf32, #tpu.memory_space<vmem_shared>> -> memref<632x128xf32, #tpu.memory_space<vmem_shared>>
        tpu.enqueue_dma source(%dma_start3A_22 : memref<632x128xf32, #tpu.memory_space<vmem_shared>>) target(%dma_start3A_20 : memref<632x128xf32, #tpu.memory_space<hbm>>) target_semaphore(%run_scoped3A : memref<!tpu.dma_semaphore, #tpu.memory_space<semaphore_mem>>)
        %dma_wait3A = arith.constant 0 : i32
        %dma_wait3A_23 = tpu.memref_slice %arg8[%min3A_9, %dma_wait3A] : memref<10000x128xf32, #tpu.memory_space<hbm>> -> memref<632x128xf32, #tpu.memory_space<hbm>>
        %dma_wait3A_24 = arith.constant 0 : i32
        %dma_wait3A_25 = tpu.memref_slice %arg12[%min3A_9, %dma_wait3A_24] : memref<10112x128xf32, #tpu.memory_space<vmem_shared>> -> memref<632x128xf32, #tpu.memory_space<vmem_shared>>
        tpu.wait_dma2 semaphore(%run_scoped3A : memref<!tpu.dma_semaphore, #tpu.memory_space<semaphore_mem>>) src(%dma_wait3A_25 : memref<632x128xf32, #tpu.memory_space<vmem_shared>>) dst(%dma_wait3A_23 : memref<632x128xf32, #tpu.memory_space<hbm>>)
        tpu.yield
      }) : () -> ()
    } else {
    }
    return
  }
}

#map = affine_map<(d0, d1) -> (0, 0)>
module attributes {stable_mosaic.version = 14 : i64} {
  func.func @k(%arg0: i32, %arg1: i32, %arg2: memref<10000x128xf32, #tpu.memory_space<hbm>>, %arg3: memref<10000x128xf32, #tpu.memory_space<hbm>>, %arg4: memref<480x128xi32, #tpu.memory_space<hbm>>, %arg5: memref<480x128xi32, #tpu.memory_space<hbm>>, %arg6: memref<10112x128xf32, #tpu.memory_space<hbm>>, %arg7: memref<10000x128xf32, #tpu.memory_space<hbm>>, %arg8: memref<10000x128xf32, #tpu.memory_space<hbm>>, %arg9: memref<128xi32, #tpu.memory_space<vmem>>, %arg10: memref<128xi32, #tpu.memory_space<vmem>>, %arg11: memref<128x128xf32, #tpu.memory_space<vmem>>, %arg12: memref<10112x128xf32, #tpu.memory_space<vmem_shared>>, %arg13: memref<!tpu.dma_semaphore, #tpu.memory_space<semaphore_mem>>) attributes {dimension_semantics = [#tpu.dimension_semantics<core_parallel>, #tpu.dimension_semantics<subcore_parallel>], iteration_bounds = array<i64: 2, 16>, scalar_prefetch = 0 : i64, scratch_operands = 5 : i64, tpu.core_type = #tpu.core_type<sc_vector_subcore>, window_params = [{transform_indices = #map}, {transform_indices = #map}, {transform_indices = #map}, {transform_indices = #map}, {transform_indices = #map}, {transform_indices = #map}, {transform_indices = #map}]} {
    %mul3A = arith.constant 632 : i32
    %mul3A_0 = arith.muli %arg1, %mul3A : i32
    "tpu.region"() ({
      %run_scoped3A = tpu.sem_alloc : memref<!tpu.dma_semaphore, #tpu.memory_space<semaphore_mem>>
      %dma_start3A = arith.constant 0 : i32
      %dma_start3A_20 = tpu.memref_slice %arg12[%mul3A_0, %dma_start3A] : memref<10112x128xf32, #tpu.memory_space<vmem_shared>> -> memref<632x128xf32, #tpu.memory_space<vmem_shared>>
      %dma_start3A_21 = arith.constant 0 : i32
      %dma_start3A_22 = tpu.memref_slice %arg6[%mul3A_0, %dma_start3A_21] : memref<10112x128xf32, #tpu.memory_space<hbm>> -> memref<632x128xf32, #tpu.memory_space<hbm>>
      tpu.enqueue_dma source(%dma_start3A_22 : memref<632x128xf32, #tpu.memory_space<hbm>>) target(%dma_start3A_20 : memref<632x128xf32, #tpu.memory_space<vmem_shared>>) target_semaphore(%run_scoped3A : memref<!tpu.dma_semaphore, #tpu.memory_space<semaphore_mem>>)
      %dma_wait3A = arith.constant 0 : i32
      %dma_wait3A_23 = tpu.memref_slice %arg12[%mul3A_0, %dma_wait3A] : memref<10112x128xf32, #tpu.memory_space<vmem_shared>> -> memref<632x128xf32, #tpu.memory_space<vmem_shared>>
      %dma_wait3A_24 = arith.constant 0 : i32
      %dma_wait3A_25 = tpu.memref_slice %arg6[%mul3A_0, %dma_wait3A_24] : memref<10112x128xf32, #tpu.memory_space<hbm>> -> memref<632x128xf32, #tpu.memory_space<hbm>>
      tpu.wait_dma2 semaphore(%run_scoped3A : memref<!tpu.dma_semaphore, #tpu.memory_space<semaphore_mem>>) src(%dma_wait3A_25 : memref<632x128xf32, #tpu.memory_space<hbm>>) dst(%dma_wait3A_23 : memref<632x128xf32, #tpu.memory_space<vmem_shared>>)
      tpu.yield
    }) : () -> ()
    %barrier3A = arith.constant 0 : index
    tpu.barrier barrier_id(%barrier3A)
    %eq3A = arith.constant 0 : i32
    %eq3A_1 = arith.cmpi eq, %arg0, %eq3A : i32
    %convert_element_type3A = arith.extui %eq3A_1 : i1 to i32
    %cond3A = arith.constant 0 : i32
    %cond3A_2 = arith.cmpi ne, %convert_element_type3A, %cond3A : i32
    scf.if %cond3A_2 {
      %scan3A = arith.constant 0 : i32
      %scan3A_20 = arith.constant 0 : i32
      %scan3A_21 = arith.constant 30 : i32
      %scan3A_22 = arith.addi %scan3A_20, %scan3A_21 : i32
      %scan3A_23 = arith.constant 1 : i32
      scf.for %scan3A_25 = %scan3A_20 to %scan3A_22 step %scan3A_23  : i32 {
        %mul3A_26 = arith.constant 30 : i32
        %mul3A_27 = arith.muli %arg1, %mul3A_26 : i32
        %add3A = arith.addi %mul3A_27, %scan3A_25 : i32
        "tpu.region"() ({
          %run_scoped3A = tpu.sem_alloc : memref<!tpu.dma_semaphore, #tpu.memory_space<semaphore_mem>>
          %dma_start3A_32 = arith.constant 0 : i32
          %dma_start3A_33 = tpu.memref_slice %arg4[%add3A, %dma_start3A_32] : memref<480x128xi32, #tpu.memory_space<hbm>> -> memref<1x128xi32, #tpu.memory_space<hbm>>
          %dma_start3A_34 = tpu.memref_squeeze %dma_start3A_33 : memref<1x128xi32, #tpu.memory_space<hbm>> -> memref<128xi32, #tpu.memory_space<hbm>>
          %dma_start3A_35 = arith.constant 0 : i32
          %dma_start3A_36 = tpu.memref_slice %arg4[%add3A, %dma_start3A_35] : memref<480x128xi32, #tpu.memory_space<hbm>> -> memref<1x128xi32, #tpu.memory_space<hbm>>
          %dma_start3A_37 = tpu.memref_squeeze %dma_start3A_36 : memref<1x128xi32, #tpu.memory_space<hbm>> -> memref<128xi32, #tpu.memory_space<hbm>>
          tpu.enqueue_dma source(%dma_start3A_37 : memref<128xi32, #tpu.memory_space<hbm>>) target(%arg9 : memref<128xi32, #tpu.memory_space<vmem>>) target_semaphore(%run_scoped3A : memref<!tpu.dma_semaphore, #tpu.memory_space<semaphore_mem>>)
          %dma_wait3A_38 = arith.constant 0 : i32
          %dma_wait3A_39 = tpu.memref_slice %arg4[%add3A, %dma_wait3A_38] : memref<480x128xi32, #tpu.memory_space<hbm>> -> memref<1x128xi32, #tpu.memory_space<hbm>>
          %dma_wait3A_40 = tpu.memref_squeeze %dma_wait3A_39 : memref<1x128xi32, #tpu.memory_space<hbm>> -> memref<128xi32, #tpu.memory_space<hbm>>
          %dma_wait3A_41 = arith.constant 0 : i32
          %dma_wait3A_42 = tpu.memref_slice %arg4[%add3A, %dma_wait3A_41] : memref<480x128xi32, #tpu.memory_space<hbm>> -> memref<1x128xi32, #tpu.memory_space<hbm>>
          %dma_wait3A_43 = tpu.memref_squeeze %dma_wait3A_42 : memref<1x128xi32, #tpu.memory_space<hbm>> -> memref<128xi32, #tpu.memory_space<hbm>>
          tpu.wait_dma2 semaphore(%run_scoped3A : memref<!tpu.dma_semaphore, #tpu.memory_space<semaphore_mem>>) src(%dma_wait3A_43 : memref<128xi32, #tpu.memory_space<hbm>>) dst(%arg9 : memref<128xi32, #tpu.memory_space<vmem>>)
          tpu.yield
        }) : () -> ()
        %dma_start3A = arith.constant 0 : i32
        %dma_start3A_28 = arith.constant 0 : i32
        %dma_start3A_29 = tpu.memref_slice %arg2[%dma_start3A, %dma_start3A_28] : memref<10000x128xf32, #tpu.memory_space<hbm>> -> memref<10000x128xf32, #tpu.memory_space<hbm>>
        tpu.enqueue_indirect_dma source(%dma_start3A_29 : memref<10000x128xf32, #tpu.memory_space<hbm>>) target(%arg11 : memref<128x128xf32, #tpu.memory_space<vmem>>) offsets(%arg9 : memref<128xi32, #tpu.memory_space<vmem>>) semaphore(%arg13 : memref<!tpu.dma_semaphore, #tpu.memory_space<semaphore_mem>>)
        %dma_wait3A = arith.constant 0 : i32
        %dma_wait3A_30 = arith.constant 0 : i32
        %dma_wait3A_31 = tpu.memref_slice %arg2[%dma_wait3A, %dma_wait3A_30] : memref<10000x128xf32, #tpu.memory_space<hbm>> -> memref<10000x128xf32, #tpu.memory_space<hbm>>
        tpu.wait_indirect_dma semaphore(%arg13 : memref<!tpu.dma_semaphore, #tpu.memory_space<semaphore_mem>>) src(%dma_wait3A_31 : memref<10000x128xf32, #tpu.memory_space<hbm>>) dst(%arg11 : memref<128x128xf32, #tpu.memory_space<vmem>>)
        "tpu.region"() ({
          %run_scoped3A = tpu.sem_alloc : memref<!tpu.dma_semaphore, #tpu.memory_space<semaphore_mem>>
          %dma_start3A_32 = arith.constant 0 : i32
          %dma_start3A_33 = tpu.memref_slice %arg5[%add3A, %dma_start3A_32] : memref<480x128xi32, #tpu.memory_space<hbm>> -> memref<1x128xi32, #tpu.memory_space<hbm>>
          %dma_start3A_34 = tpu.memref_squeeze %dma_start3A_33 : memref<1x128xi32, #tpu.memory_space<hbm>> -> memref<128xi32, #tpu.memory_space<hbm>>
          %dma_start3A_35 = arith.constant 0 : i32
          %dma_start3A_36 = tpu.memref_slice %arg5[%add3A, %dma_start3A_35] : memref<480x128xi32, #tpu.memory_space<hbm>> -> memref<1x128xi32, #tpu.memory_space<hbm>>
          %dma_start3A_37 = tpu.memref_squeeze %dma_start3A_36 : memref<1x128xi32, #tpu.memory_space<hbm>> -> memref<128xi32, #tpu.memory_space<hbm>>
          tpu.enqueue_dma source(%dma_start3A_37 : memref<128xi32, #tpu.memory_space<hbm>>) target(%arg10 : memref<128xi32, #tpu.memory_space<vmem>>) target_semaphore(%run_scoped3A : memref<!tpu.dma_semaphore, #tpu.memory_space<semaphore_mem>>)
          %dma_wait3A_38 = arith.constant 0 : i32
          %dma_wait3A_39 = tpu.memref_slice %arg5[%add3A, %dma_wait3A_38] : memref<480x128xi32, #tpu.memory_space<hbm>> -> memref<1x128xi32, #tpu.memory_space<hbm>>
          %dma_wait3A_40 = tpu.memref_squeeze %dma_wait3A_39 : memref<1x128xi32, #tpu.memory_space<hbm>> -> memref<128xi32, #tpu.memory_space<hbm>>
          %dma_wait3A_41 = arith.constant 0 : i32
          %dma_wait3A_42 = tpu.memref_slice %arg5[%add3A, %dma_wait3A_41] : memref<480x128xi32, #tpu.memory_space<hbm>> -> memref<1x128xi32, #tpu.memory_space<hbm>>
          %dma_wait3A_43 = tpu.memref_squeeze %dma_wait3A_42 : memref<1x128xi32, #tpu.memory_space<hbm>> -> memref<128xi32, #tpu.memory_space<hbm>>
          tpu.wait_dma2 semaphore(%run_scoped3A : memref<!tpu.dma_semaphore, #tpu.memory_space<semaphore_mem>>) src(%dma_wait3A_43 : memref<128xi32, #tpu.memory_space<hbm>>) dst(%arg10 : memref<128xi32, #tpu.memory_space<vmem>>)
          tpu.yield
        }) : () -> ()
        "tpu.region"() ({
          %run_scoped3A = tpu.sem_alloc : memref<!tpu.dma_semaphore, #tpu.memory_space<semaphore_mem>>
          %dma_start3A_32 = arith.constant 0 : i32
          %dma_start3A_33 = arith.constant 0 : i32
          %dma_start3A_34 = tpu.memref_slice %arg12[%dma_start3A_32, %dma_start3A_33] : memref<10112x128xf32, #tpu.memory_space<vmem_shared>> -> memref<10112x128xf32, #tpu.memory_space<vmem_shared>>
          tpu.enqueue_indirect_dma source(%arg11 : memref<128x128xf32, #tpu.memory_space<vmem>>) target(%dma_start3A_34 : memref<10112x128xf32, #tpu.memory_space<vmem_shared>>) offsets(%arg10 : memref<128xi32, #tpu.memory_space<vmem>>) semaphore(%run_scoped3A : memref<!tpu.dma_semaphore, #tpu.memory_space<semaphore_mem>>) {add = true}
          %dma_wait3A_35 = arith.constant 0 : i32
          %dma_wait3A_36 = arith.constant 0 : i32
          %dma_wait3A_37 = tpu.memref_slice %arg12[%dma_wait3A_35, %dma_wait3A_36] : memref<10112x128xf32, #tpu.memory_space<vmem_shared>> -> memref<10112x128xf32, #tpu.memory_space<vmem_shared>>
          tpu.wait_indirect_dma semaphore(%run_scoped3A : memref<!tpu.dma_semaphore, #tpu.memory_space<semaphore_mem>>) src(%arg11 : memref<128x128xf32, #tpu.memory_space<vmem>>) dst(%dma_wait3A_37 : memref<10112x128xf32, #tpu.memory_space<vmem_shared>>)
          tpu.yield
        }) : () -> ()
      }
      %scan3A_24 = arith.constant 30 : i32
    } else {
    }
    %eq3A_3 = arith.constant 1 : i32
    %eq3A_4 = arith.cmpi eq, %arg0, %eq3A_3 : i32
    %convert_element_type3A_5 = arith.extui %eq3A_4 : i1 to i32
    %cond3A_6 = arith.constant 0 : i32
    %cond3A_7 = arith.cmpi ne, %convert_element_type3A_5, %cond3A_6 : i32
    scf.if %cond3A_7 {
      %scan3A = arith.constant 0 : i32
      %scan3A_20 = arith.constant 0 : i32
      %scan3A_21 = arith.constant 30 : i32
      %scan3A_22 = arith.addi %scan3A_20, %scan3A_21 : i32
      %scan3A_23 = arith.constant 1 : i32
      scf.for %scan3A_25 = %scan3A_20 to %scan3A_22 step %scan3A_23  : i32 {
        %mul3A_26 = arith.constant 30 : i32
        %mul3A_27 = arith.muli %arg1, %mul3A_26 : i32
        %add3A = arith.addi %mul3A_27, %scan3A_25 : i32
        "tpu.region"() ({
          %run_scoped3A = tpu.sem_alloc : memref<!tpu.dma_semaphore, #tpu.memory_space<semaphore_mem>>
          %dma_start3A_32 = arith.constant 0 : i32
          %dma_start3A_33 = tpu.memref_slice %arg4[%add3A, %dma_start3A_32] : memref<480x128xi32, #tpu.memory_space<hbm>> -> memref<1x128xi32, #tpu.memory_space<hbm>>
          %dma_start3A_34 = tpu.memref_squeeze %dma_start3A_33 : memref<1x128xi32, #tpu.memory_space<hbm>> -> memref<128xi32, #tpu.memory_space<hbm>>
          %dma_start3A_35 = arith.constant 0 : i32
          %dma_start3A_36 = tpu.memref_slice %arg4[%add3A, %dma_start3A_35] : memref<480x128xi32, #tpu.memory_space<hbm>> -> memref<1x128xi32, #tpu.memory_space<hbm>>
          %dma_start3A_37 = tpu.memref_squeeze %dma_start3A_36 : memref<1x128xi32, #tpu.memory_space<hbm>> -> memref<128xi32, #tpu.memory_space<hbm>>
          tpu.enqueue_dma source(%dma_start3A_37 : memref<128xi32, #tpu.memory_space<hbm>>) target(%arg9 : memref<128xi32, #tpu.memory_space<vmem>>) target_semaphore(%run_scoped3A : memref<!tpu.dma_semaphore, #tpu.memory_space<semaphore_mem>>)
          %dma_wait3A_38 = arith.constant 0 : i32
          %dma_wait3A_39 = tpu.memref_slice %arg4[%add3A, %dma_wait3A_38] : memref<480x128xi32, #tpu.memory_space<hbm>> -> memref<1x128xi32, #tpu.memory_space<hbm>>
          %dma_wait3A_40 = tpu.memref_squeeze %dma_wait3A_39 : memref<1x128xi32, #tpu.memory_space<hbm>> -> memref<128xi32, #tpu.memory_space<hbm>>
          %dma_wait3A_41 = arith.constant 0 : i32
          %dma_wait3A_42 = tpu.memref_slice %arg4[%add3A, %dma_wait3A_41] : memref<480x128xi32, #tpu.memory_space<hbm>> -> memref<1x128xi32, #tpu.memory_space<hbm>>
          %dma_wait3A_43 = tpu.memref_squeeze %dma_wait3A_42 : memref<1x128xi32, #tpu.memory_space<hbm>> -> memref<128xi32, #tpu.memory_space<hbm>>
          tpu.wait_dma2 semaphore(%run_scoped3A : memref<!tpu.dma_semaphore, #tpu.memory_space<semaphore_mem>>) src(%dma_wait3A_43 : memref<128xi32, #tpu.memory_space<hbm>>) dst(%arg9 : memref<128xi32, #tpu.memory_space<vmem>>)
          tpu.yield
        }) : () -> ()
        %dma_start3A = arith.constant 0 : i32
        %dma_start3A_28 = arith.constant 0 : i32
        %dma_start3A_29 = tpu.memref_slice %arg3[%dma_start3A, %dma_start3A_28] : memref<10000x128xf32, #tpu.memory_space<hbm>> -> memref<10000x128xf32, #tpu.memory_space<hbm>>
        tpu.enqueue_indirect_dma source(%dma_start3A_29 : memref<10000x128xf32, #tpu.memory_space<hbm>>) target(%arg11 : memref<128x128xf32, #tpu.memory_space<vmem>>) offsets(%arg9 : memref<128xi32, #tpu.memory_space<vmem>>) semaphore(%arg13 : memref<!tpu.dma_semaphore, #tpu.memory_space<semaphore_mem>>)
        %dma_wait3A = arith.constant 0 : i32
        %dma_wait3A_30 = arith.constant 0 : i32
        %dma_wait3A_31 = tpu.memref_slice %arg3[%dma_wait3A, %dma_wait3A_30] : memref<10000x128xf32, #tpu.memory_space<hbm>> -> memref<10000x128xf32, #tpu.memory_space<hbm>>
        tpu.wait_indirect_dma semaphore(%arg13 : memref<!tpu.dma_semaphore, #tpu.memory_space<semaphore_mem>>) src(%dma_wait3A_31 : memref<10000x128xf32, #tpu.memory_space<hbm>>) dst(%arg11 : memref<128x128xf32, #tpu.memory_space<vmem>>)
        "tpu.region"() ({
          %run_scoped3A = tpu.sem_alloc : memref<!tpu.dma_semaphore, #tpu.memory_space<semaphore_mem>>
          %dma_start3A_32 = arith.constant 0 : i32
          %dma_start3A_33 = tpu.memref_slice %arg5[%add3A, %dma_start3A_32] : memref<480x128xi32, #tpu.memory_space<hbm>> -> memref<1x128xi32, #tpu.memory_space<hbm>>
          %dma_start3A_34 = tpu.memref_squeeze %dma_start3A_33 : memref<1x128xi32, #tpu.memory_space<hbm>> -> memref<128xi32, #tpu.memory_space<hbm>>
          %dma_start3A_35 = arith.constant 0 : i32
          %dma_start3A_36 = tpu.memref_slice %arg5[%add3A, %dma_start3A_35] : memref<480x128xi32, #tpu.memory_space<hbm>> -> memref<1x128xi32, #tpu.memory_space<hbm>>
          %dma_start3A_37 = tpu.memref_squeeze %dma_start3A_36 : memref<1x128xi32, #tpu.memory_space<hbm>> -> memref<128xi32, #tpu.memory_space<hbm>>
          tpu.enqueue_dma source(%dma_start3A_37 : memref<128xi32, #tpu.memory_space<hbm>>) target(%arg10 : memref<128xi32, #tpu.memory_space<vmem>>) target_semaphore(%run_scoped3A : memref<!tpu.dma_semaphore, #tpu.memory_space<semaphore_mem>>)
          %dma_wait3A_38 = arith.constant 0 : i32
          %dma_wait3A_39 = tpu.memref_slice %arg5[%add3A, %dma_wait3A_38] : memref<480x128xi32, #tpu.memory_space<hbm>> -> memref<1x128xi32, #tpu.memory_space<hbm>>
          %dma_wait3A_40 = tpu.memref_squeeze %dma_wait3A_39 : memref<1x128xi32, #tpu.memory_space<hbm>> -> memref<128xi32, #tpu.memory_space<hbm>>
          %dma_wait3A_41 = arith.constant 0 : i32
          %dma_wait3A_42 = tpu.memref_slice %arg5[%add3A, %dma_wait3A_41] : memref<480x128xi32, #tpu.memory_space<hbm>> -> memref<1x128xi32, #tpu.memory_space<hbm>>
          %dma_wait3A_43 = tpu.memref_squeeze %dma_wait3A_42 : memref<1x128xi32, #tpu.memory_space<hbm>> -> memref<128xi32, #tpu.memory_space<hbm>>
          tpu.wait_dma2 semaphore(%run_scoped3A : memref<!tpu.dma_semaphore, #tpu.memory_space<semaphore_mem>>) src(%dma_wait3A_43 : memref<128xi32, #tpu.memory_space<hbm>>) dst(%arg10 : memref<128xi32, #tpu.memory_space<vmem>>)
          tpu.yield
        }) : () -> ()
        "tpu.region"() ({
          %run_scoped3A = tpu.sem_alloc : memref<!tpu.dma_semaphore, #tpu.memory_space<semaphore_mem>>
          %dma_start3A_32 = arith.constant 0 : i32
          %dma_start3A_33 = arith.constant 0 : i32
          %dma_start3A_34 = tpu.memref_slice %arg12[%dma_start3A_32, %dma_start3A_33] : memref<10112x128xf32, #tpu.memory_space<vmem_shared>> -> memref<10112x128xf32, #tpu.memory_space<vmem_shared>>
          tpu.enqueue_indirect_dma source(%arg11 : memref<128x128xf32, #tpu.memory_space<vmem>>) target(%dma_start3A_34 : memref<10112x128xf32, #tpu.memory_space<vmem_shared>>) offsets(%arg10 : memref<128xi32, #tpu.memory_space<vmem>>) semaphore(%run_scoped3A : memref<!tpu.dma_semaphore, #tpu.memory_space<semaphore_mem>>) {add = true}
          %dma_wait3A_35 = arith.constant 0 : i32
          %dma_wait3A_36 = arith.constant 0 : i32
          %dma_wait3A_37 = tpu.memref_slice %arg12[%dma_wait3A_35, %dma_wait3A_36] : memref<10112x128xf32, #tpu.memory_space<vmem_shared>> -> memref<10112x128xf32, #tpu.memory_space<vmem_shared>>
          tpu.wait_indirect_dma semaphore(%run_scoped3A : memref<!tpu.dma_semaphore, #tpu.memory_space<semaphore_mem>>) src(%arg11 : memref<128x128xf32, #tpu.memory_space<vmem>>) dst(%dma_wait3A_37 : memref<10112x128xf32, #tpu.memory_space<vmem_shared>>)
          tpu.yield
        }) : () -> ()
      }
      %scan3A_24 = arith.constant 30 : i32
    } else {
    }
    %barrier3A_8 = arith.constant 0 : index
    tpu.barrier barrier_id(%barrier3A_8)
    %min3A = arith.constant 9368 : i32
    %min3A_9 = arith.minsi %mul3A_0, %min3A : i32
    %eq3A_10 = arith.constant 0 : i32
    %eq3A_11 = arith.cmpi eq, %arg0, %eq3A_10 : i32
    %convert_element_type3A_12 = arith.extui %eq3A_11 : i1 to i32
    %cond3A_13 = arith.constant 0 : i32
    %cond3A_14 = arith.cmpi ne, %convert_element_type3A_12, %cond3A_13 : i32
    scf.if %cond3A_14 {
      "tpu.region"() ({
        %run_scoped3A = tpu.sem_alloc : memref<!tpu.dma_semaphore, #tpu.memory_space<semaphore_mem>>
        %dma_start3A = arith.constant 0 : i32
        %dma_start3A_20 = tpu.memref_slice %arg7[%min3A_9, %dma_start3A] : memref<10000x128xf32, #tpu.memory_space<hbm>> -> memref<632x128xf32, #tpu.memory_space<hbm>>
        %dma_start3A_21 = arith.constant 0 : i32
        %dma_start3A_22 = tpu.memref_slice %arg12[%min3A_9, %dma_start3A_21] : memref<10112x128xf32, #tpu.memory_space<vmem_shared>> -> memref<632x128xf32, #tpu.memory_space<vmem_shared>>
        tpu.enqueue_dma source(%dma_start3A_22 : memref<632x128xf32, #tpu.memory_space<vmem_shared>>) target(%dma_start3A_20 : memref<632x128xf32, #tpu.memory_space<hbm>>) target_semaphore(%run_scoped3A : memref<!tpu.dma_semaphore, #tpu.memory_space<semaphore_mem>>)
        %dma_wait3A = arith.constant 0 : i32
        %dma_wait3A_23 = tpu.memref_slice %arg7[%min3A_9, %dma_wait3A] : memref<10000x128xf32, #tpu.memory_space<hbm>> -> memref<632x128xf32, #tpu.memory_space<hbm>>
        %dma_wait3A_24 = arith.constant 0 : i32
        %dma_wait3A_25 = tpu.memref_slice %arg12[%min3A_9, %dma_wait3A_24] : memref<10112x128xf32, #tpu.memory_space<vmem_shared>> -> memref<632x128xf32, #tpu.memory_space<vmem_shared>>
        tpu.wait_dma2 semaphore(%run_scoped3A : memref<!tpu.dma_semaphore, #tpu.memory_space<semaphore_mem>>) src(%dma_wait3A_25 : memref<632x128xf32, #tpu.memory_space<vmem_shared>>) dst(%dma_wait3A_23 : memref<632x128xf32, #tpu.memory_space<hbm>>)
        tpu.yield
      }) : () -> ()
    } else {
    }
    %eq3A_15 = arith.constant 1 : i32
    %eq3A_16 = arith.cmpi eq, %arg0, %eq3A_15 : i32
    %convert_element_type3A_17 = arith.extui %eq3A_16 : i1 to i32
    %cond3A_18 = arith.constant 0 : i32
    %cond3A_19 = arith.cmpi ne, %convert_element_type3A_17, %cond3A_18 : i32
    scf.if %cond3A_19 {
      "tpu.region"() ({
        %run_scoped3A = tpu.sem_alloc : memref<!tpu.dma_semaphore, #tpu.memory_space<semaphore_mem>>
        %dma_start3A = arith.constant 0 : i32
        %dma_start3A_20 = tpu.memref_slice %arg8[%min3A_9, %dma_start3A] : memref<10000x128xf32, #tpu.memory_space<hbm>> -> memref<632x128xf32, #tpu.memory_space<hbm>>
        %dma_start3A_21 = arith.constant 0 : i32
        %dma_start3A_22 = tpu.memref_slice %arg12[%min3A_9, %dma_start3A_21] : memref<10112x128xf32, #tpu.memory_space<vmem_shared>> -> memref<632x128xf32, #tpu.memory_space<vmem_shared>>
        tpu.enqueue_dma source(%dma_start3A_22 : memref<632x128xf32, #tpu.memory_space<vmem_shared>>) target(%dma_start3A_20 : memref<632x128xf32, #tpu.memory_space<hbm>>) target_semaphore(%run_scoped3A : memref<!tpu.dma_semaphore, #tpu.memory_space<semaphore_mem>>)
        %dma_wait3A = arith.constant 0 : i32
        %dma_wait3A_23 = tpu.memref_slice %arg8[%min3A_9, %dma_wait3A] : memref<10000x128xf32, #tpu.memory_space<hbm>> -> memref<632x128xf32, #tpu.memory_space<hbm>>
        %dma_wait3A_24 = arith.constant 0 : i32
        %dma_wait3A_25 = tpu.memref_slice %arg12[%min3A_9, %dma_wait3A_24] : memref<10112x128xf32, #tpu.memory_space<vmem_shared>> -> memref<632x128xf32, #tpu.memory_space<vmem_shared>>
        tpu.wait_dma2 semaphore(%run_scoped3A : memref<!tpu.dma_semaphore, #tpu.memory_space<semaphore_mem>>) src(%dma_wait3A_25 : memref<632x128xf32, #tpu.memory_space<vmem_shared>>) dst(%dma_wait3A_23 : memref<632x128xf32, #tpu.memory_space<hbm>>)
        tpu.yield
      }) : () -> ()
    } else {
    }
    return
  }
}

module attributes {stable_mosaic.version = 14 : i64} {
  func.func @body(%arg0: i32, %arg1: memref<4096x8xf32, #tpu.memory_space<vmem>>, %arg2: memref<8x256xf32, #tpu.memory_space<vmem>>, %arg3: memref<4096x128xf32, #tpu.memory_space<vmem>>, %arg4: memref<4096x128xf32, #tpu.memory_space<vmem>>) attributes {dimension_semantics = [#tpu.dimension_semantics<arbitrary>], iteration_bounds = array<i64: 40>, scalar_prefetch = 0 : i64, scratch_operands = 0 : i64, tpu.core_type = #tpu.core_type<tc>, window_params = [{transform_indices = @transform_0, window_bounds = array<i64: 4096, 8>}, {pipeline_mode = #tpu.pipeline_mode<synchronous>, transform_indices = @transform_1, window_bounds = array<i64: 8, 256>}, {transform_indices = @transform_2, window_bounds = array<i64: 4096, 128>}, {transform_indices = @transform_3, window_bounds = array<i64: 4096, 128>}]} {
    %get3A = arith.constant 0 : index
    %get3A_0 = arith.constant 0 : index
    %get3A_1 = vector.load %arg1[%get3A, %get3A_0] : memref<4096x8xf32, #tpu.memory_space<vmem>>, vector<4096x8xf32>
    %get3A_2 = arith.constant 0 : index
    %get3A_3 = arith.constant 0 : index
    %get3A_4 = vector.load %arg2[%get3A_2, %get3A_3] : memref<8x256xf32, #tpu.memory_space<vmem>>, vector<8x256xf32>
    %dot_general3A = arith.constant dense<0.000000e+00> : vector<4096x256xf32>
    %dot_general3A_5 = tpu.matmul %get3A_1, %get3A_4, %dot_general3A {dimension_numbers = #tpu.dot_dimension_numbers<[1], [0], [0], [1], [0, 0, 1, 1], [], []>, transpose_lhs_hint = false} : vector<4096x8xf32>, vector<8x256xf32>, vector<4096x256xf32> -> vector<4096x256xf32>
    %slice3A = vector.extract_strided_slice %dot_general3A_5 {offsets = [0, 0], sizes = [4096, 128], strides = [1, 1]} : vector<4096x256xf32> to vector<4096x128xf32>
    %swap3A = arith.constant 0 : index
    %swap3A_6 = arith.constant 0 : index
    %swap3A_7 = vector.load %arg3[%swap3A, %swap3A_6] : memref<4096x128xf32, #tpu.memory_space<vmem>>, vector<4096x128xf32>
    tpu.vector_store %arg3[%swap3A, %swap3A_6], %slice3A {strides = array<i32>} : memref<4096x128xf32, #tpu.memory_space<vmem>>, vector<4096x128xf32>,
    %slice3A_8 = vector.extract_strided_slice %dot_general3A_5 {offsets = [0, 128], sizes = [4096, 128], strides = [1, 1]} : vector<4096x256xf32> to vector<4096x128xf32>
    %swap3A_9 = arith.constant 0 : index
    %swap3A_10 = arith.constant 0 : index
    %swap3A_11 = vector.load %arg4[%swap3A_9, %swap3A_10] : memref<4096x128xf32, #tpu.memory_space<vmem>>, vector<4096x128xf32>
    tpu.vector_store %arg4[%swap3A_9, %swap3A_10], %slice3A_8 {strides = array<i32>} : memref<4096x128xf32, #tpu.memory_space<vmem>>, vector<4096x128xf32>,
    return
  }
  func.func @transform_0(%arg0: i32) -> (i32, i32) {
    %c0_i32 = arith.constant 0 : i32
    %c0_i32_0 = arith.constant 0 : i32
    return %arg0, %c0_i32 : i32, i32
  }
  func.func @transform_1(%arg0: i32) -> (i32, i32) {
    %c0_i32 = arith.constant 0 : i32
    %c0_i32_0 = arith.constant 0 : i32
    %c0_i32_1 = arith.constant 0 : i32
    return %c0_i32, %c0_i32_0 : i32, i32
  }
  func.func @transform_2(%arg0: i32) -> (i32, i32) {
    %c0_i32 = arith.constant 0 : i32
    %c0_i32_0 = arith.constant 0 : i32
    return %arg0, %c0_i32 : i32, i32
  }
  func.func @transform_3(%arg0: i32) -> (i32, i32) {
    %c0_i32 = arith.constant 0 : i32
    %c0_i32_0 = arith.constant 0 : i32
    return %arg0, %c0_i32 : i32, i32
  }
}

module attributes {stable_mosaic.version = 14 : i64} {
  func.func @body(%arg0: i32, %arg1: memref<400x40xf32, #tpu.memory_space<vmem>>, %arg2: memref<40x256xf32, #tpu.memory_space<vmem>>, %arg3: memref<1x256xf32, #tpu.memory_space<vmem>>, %arg4: memref<400x128xf32, #tpu.memory_space<vmem>>, %arg5: memref<400x128xf32, #tpu.memory_space<vmem>>) attributes {dimension_semantics = [#tpu.dimension_semantics<arbitrary>], iteration_bounds = array<i64: 25>, scalar_prefetch = 0 : i64, scratch_operands = 0 : i64, tpu.core_type = #tpu.core_type<tc>, window_params = [{transform_indices = @transform_0, window_bounds = array<i64: 400, 40>}, {pipeline_mode = #tpu.pipeline_mode<synchronous>, transform_indices = @transform_1, window_bounds = array<i64: 40, 256>}, {pipeline_mode = #tpu.pipeline_mode<synchronous>, transform_indices = @transform_2, window_bounds = array<i64: 1, 256>}, {transform_indices = @transform_3, window_bounds = array<i64: 400, 128>}, {transform_indices = @transform_4, window_bounds = array<i64: 400, 128>}]} {
    %get3A = arith.constant 0 : index
    %get3A_0 = arith.constant 0 : index
    %get3A_1 = vector.load %arg1[%get3A, %get3A_0] : memref<400x40xf32, #tpu.memory_space<vmem>>, vector<400x40xf32>
    %get3A_2 = arith.constant 0 : index
    %get3A_3 = arith.constant 0 : index
    %get3A_4 = vector.load %arg2[%get3A_2, %get3A_3] : memref<40x256xf32, #tpu.memory_space<vmem>>, vector<40x256xf32>
    %dot_general3A = arith.constant dense<0.000000e+00> : vector<400x256xf32>
    %dot_general3A_5 = tpu.matmul %get3A_1, %get3A_4, %dot_general3A {dimension_numbers = #tpu.dot_dimension_numbers<[1], [0], [0], [1], [0, 0, 1, 1], [], []>, transpose_lhs_hint = false} : vector<400x40xf32>, vector<40x256xf32>, vector<400x256xf32> -> vector<400x256xf32>
    %get3A_6 = arith.constant 0 : index
    %get3A_7 = arith.constant 0 : index
    %get3A_8 = vector.load %arg3[%get3A_6, %get3A_7] : memref<1x256xf32, #tpu.memory_space<vmem>>, vector<1x256xf32>
    %add3A = vector.broadcast %get3A_8 : vector<1x256xf32> to vector<400x256xf32>
    %add3A_9 = arith.addf %dot_general3A_5, %add3A : vector<400x256xf32>
    %max3A = arith.constant 0.000000e+00 : f32
    %max3A_10 = vector.broadcast %max3A : f32 to vector<400x256xf32>
    %max3A_11 = arith.maximumf %add3A_9, %max3A_10 : vector<400x256xf32>
    %slice3A = vector.extract_strided_slice %max3A_11 {offsets = [0, 0], sizes = [400, 128], strides = [1, 1]} : vector<400x256xf32> to vector<400x128xf32>
    %swap3A = arith.constant 0 : index
    %swap3A_12 = arith.constant 0 : index
    %swap3A_13 = vector.load %arg4[%swap3A, %swap3A_12] : memref<400x128xf32, #tpu.memory_space<vmem>>, vector<400x128xf32>
    tpu.vector_store %arg4[%swap3A, %swap3A_12], %slice3A {strides = array<i32>} : memref<400x128xf32, #tpu.memory_space<vmem>>, vector<400x128xf32>,
    %slice3A_14 = vector.extract_strided_slice %max3A_11 {offsets = [0, 128], sizes = [400, 128], strides = [1, 1]} : vector<400x256xf32> to vector<400x128xf32>
    %swap3A_15 = arith.constant 0 : index
    %swap3A_16 = arith.constant 0 : index
    %swap3A_17 = vector.load %arg5[%swap3A_15, %swap3A_16] : memref<400x128xf32, #tpu.memory_space<vmem>>, vector<400x128xf32>
    tpu.vector_store %arg5[%swap3A_15, %swap3A_16], %slice3A_14 {strides = array<i32>} : memref<400x128xf32, #tpu.memory_space<vmem>>, vector<400x128xf32>,
    return
  }
  func.func @transform_0(%arg0: i32) -> (i32, i32) {
    %c0_i32 = arith.constant 0 : i32
    %c0_i32_0 = arith.constant 0 : i32
    return %arg0, %c0_i32 : i32, i32
  }
  func.func @transform_1(%arg0: i32) -> (i32, i32) {
    %c0_i32 = arith.constant 0 : i32
    %c0_i32_0 = arith.constant 0 : i32
    %c0_i32_1 = arith.constant 0 : i32
    return %c0_i32, %c0_i32_0 : i32, i32
  }
  func.func @transform_2(%arg0: i32) -> (i32, i32) {
    %c0_i32 = arith.constant 0 : i32
    %c0_i32_0 = arith.constant 0 : i32
    %c0_i32_1 = arith.constant 0 : i32
    return %c0_i32, %c0_i32_0 : i32, i32
  }
  func.func @transform_3(%arg0: i32) -> (i32, i32) {
    %c0_i32 = arith.constant 0 : i32
    %c0_i32_0 = arith.constant 0 : i32
    return %arg0, %c0_i32 : i32, i32
  }
  func.func @transform_4(%arg0: i32) -> (i32, i32) {
    %c0_i32 = arith.constant 0 : i32
    %c0_i32_0 = arith.constant 0 : i32
    return %arg0, %c0_i32 : i32, i32
  }
}

module attributes {stable_mosaic.version = 14 : i64} {
  func.func @body(%arg0: i32, %arg1: memref<400x128xf32, #tpu.memory_space<vmem>>, %arg2: memref<400x128xf32, #tpu.memory_space<vmem>>, %arg3: memref<400x128xf32, #tpu.memory_space<vmem>>, %arg4: memref<400x128xf32, #tpu.memory_space<vmem>>, %arg5: memref<256x512xf32, #tpu.memory_space<vmem>>, %arg6: memref<1x512xf32, #tpu.memory_space<vmem>>, %arg7: memref<512x256xf32, #tpu.memory_space<vmem>>, %arg8: memref<1x256xf32, #tpu.memory_space<vmem>>, %arg9: memref<400x256xf32, #tpu.memory_space<vmem>>, %arg10: memref<8x256xf32, #tpu.memory_space<vmem>>) attributes {dimension_semantics = [#tpu.dimension_semantics<arbitrary>], iteration_bounds = array<i64: 25>, scalar_prefetch = 0 : i64, scratch_operands = 0 : i64, tpu.core_type = #tpu.core_type<tc>, window_params = [{transform_indices = @transform_0, window_bounds = array<i64: 400, 128>}, {transform_indices = @transform_1, window_bounds = array<i64: 400, 128>}, {transform_indices = @transform_2, window_bounds = array<i64: 400, 128>}, {transform_indices = @transform_3, window_bounds = array<i64: 400, 128>}, {pipeline_mode = #tpu.pipeline_mode<synchronous>, transform_indices = @transform_4, window_bounds = array<i64: 256, 512>}, {pipeline_mode = #tpu.pipeline_mode<synchronous>, transform_indices = @transform_5, window_bounds = array<i64: 1, 512>}, {pipeline_mode = #tpu.pipeline_mode<synchronous>, transform_indices = @transform_6, window_bounds = array<i64: 512, 256>}, {pipeline_mode = #tpu.pipeline_mode<synchronous>, transform_indices = @transform_7, window_bounds = array<i64: 1, 256>}, {transform_indices = @transform_8, window_bounds = array<i64: 400, 256>}, {pipeline_mode = #tpu.pipeline_mode<synchronous>, transform_indices = @transform_9, window_bounds = array<i64: 8, 256>}]} {
    %get3A = arith.constant 0 : index
    %get3A_0 = arith.constant 0 : index
    %get3A_1 = vector.load %arg1[%get3A, %get3A_0] : memref<400x128xf32, #tpu.memory_space<vmem>>, vector<400x128xf32>
    %get3A_2 = arith.constant 0 : index
    %get3A_3 = arith.constant 0 : index
    %get3A_4 = vector.load %arg2[%get3A_2, %get3A_3] : memref<400x128xf32, #tpu.memory_space<vmem>>, vector<400x128xf32>
    %concatenate3A = tpu.concatenate %get3A_1, %get3A_4 in 1 : vector<400x128xf32>, vector<400x128xf32> -> vector<400x256xf32>
    %get3A_5 = arith.constant 0 : index
    %get3A_6 = arith.constant 0 : index
    %get3A_7 = vector.load %arg3[%get3A_5, %get3A_6] : memref<400x128xf32, #tpu.memory_space<vmem>>, vector<400x128xf32>
    %get3A_8 = arith.constant 0 : index
    %get3A_9 = arith.constant 0 : index
    %get3A_10 = vector.load %arg4[%get3A_8, %get3A_9] : memref<400x128xf32, #tpu.memory_space<vmem>>, vector<400x128xf32>
    %concatenate3A_11 = tpu.concatenate %get3A_7, %get3A_10 in 1 : vector<400x128xf32>, vector<400x128xf32> -> vector<400x256xf32>
    %add3A = arith.addf %concatenate3A, %concatenate3A_11 : vector<400x256xf32>
    %get3A_12 = arith.constant 0 : index
    %get3A_13 = arith.constant 0 : index
    %get3A_14 = vector.load %arg5[%get3A_12, %get3A_13] : memref<256x512xf32, #tpu.memory_space<vmem>>, vector<256x512xf32>
    %dot_general3A = arith.constant dense<0.000000e+00> : vector<400x512xf32>
    %dot_general3A_15 = tpu.matmul %add3A, %get3A_14, %dot_general3A {dimension_numbers = #tpu.dot_dimension_numbers<[1], [0], [0], [1], [0, 0, 1, 1], [], []>, transpose_lhs_hint = false} : vector<400x256xf32>, vector<256x512xf32>, vector<400x512xf32> -> vector<400x512xf32>
    %get3A_16 = arith.constant 0 : index
    %get3A_17 = arith.constant 0 : index
    %get3A_18 = vector.load %arg6[%get3A_16, %get3A_17] : memref<1x512xf32, #tpu.memory_space<vmem>>, vector<1x512xf32>
    %add3A_19 = vector.broadcast %get3A_18 : vector<1x512xf32> to vector<400x512xf32>
    %add3A_20 = arith.addf %dot_general3A_15, %add3A_19 : vector<400x512xf32>
    %max3A = arith.constant 0.000000e+00 : f32
    %max3A_21 = vector.broadcast %max3A : f32 to vector<400x512xf32>
    %max3A_22 = arith.maximumf %add3A_20, %max3A_21 : vector<400x512xf32>
    %get3A_23 = arith.constant 0 : index
    %get3A_24 = arith.constant 0 : index
    %get3A_25 = vector.load %arg7[%get3A_23, %get3A_24] : memref<512x256xf32, #tpu.memory_space<vmem>>, vector<512x256xf32>
    %dot_general3A_26 = arith.constant dense<0.000000e+00> : vector<400x256xf32>
    %dot_general3A_27 = tpu.matmul %max3A_22, %get3A_25, %dot_general3A_26 {dimension_numbers = #tpu.dot_dimension_numbers<[1], [0], [0], [1], [0, 0, 1, 1], [], []>, transpose_lhs_hint = false} : vector<400x512xf32>, vector<512x256xf32>, vector<400x256xf32> -> vector<400x256xf32>
    %get3A_28 = arith.constant 0 : index
    %get3A_29 = arith.constant 0 : index
    %get3A_30 = vector.load %arg8[%get3A_28, %get3A_29] : memref<1x256xf32, #tpu.memory_space<vmem>>, vector<1x256xf32>
    %add3A_31 = vector.broadcast %get3A_30 : vector<1x256xf32> to vector<400x256xf32>
    %add3A_32 = arith.addf %dot_general3A_27, %add3A_31 : vector<400x256xf32>
    %swap3A = arith.constant 0 : index
    %swap3A_33 = arith.constant 0 : index
    %swap3A_34 = vector.load %arg9[%swap3A, %swap3A_33] : memref<400x256xf32, #tpu.memory_space<vmem>>, vector<400x256xf32>
    tpu.vector_store %arg9[%swap3A, %swap3A_33], %add3A_32 {strides = array<i32>} : memref<400x256xf32, #tpu.memory_space<vmem>>, vector<400x256xf32>,
    %reduce_sum3A = arith.constant dense<0.000000e+00> : vector<256xf32>
    %reduce_sum3A_35 = vector.multi_reduction <add>, %add3A_32, %reduce_sum3A [0] : vector<400x256xf32> to vector<256xf32>
    %broadcast_in_dim3A = vector.shape_cast %reduce_sum3A_35 : vector<256xf32> to vector<1x256xf32>
    %mul3A = arith.mulf %add3A_32, %add3A_32 : vector<400x256xf32>
    %reduce_sum3A_36 = arith.constant dense<0.000000e+00> : vector<256xf32>
    %reduce_sum3A_37 = vector.multi_reduction <add>, %mul3A, %reduce_sum3A_36 [0] : vector<400x256xf32> to vector<256xf32>
    %broadcast_in_dim3A_38 = vector.shape_cast %reduce_sum3A_37 : vector<256xf32> to vector<1x256xf32>
    %broadcast_in_dim3A_39 = arith.constant 0.000000e+00 : f32
    %broadcast_in_dim3A_40 = vector.broadcast %broadcast_in_dim3A_39 : f32 to vector<6x256xf32>
    %concatenate3A_41 = tpu.concatenate %broadcast_in_dim3A, %broadcast_in_dim3A_38, %broadcast_in_dim3A_40 in 0 : vector<1x256xf32>, vector<1x256xf32>, vector<6x256xf32> -> vector<8x256xf32>
    %eq3A = arith.constant 0 : i32
    %eq3A_42 = arith.cmpi eq, %arg0, %eq3A : i32
    %broadcast_in_dim3A_43 = arith.constant 0.000000e+00 : f32
    %broadcast_in_dim3A_44 = vector.broadcast %broadcast_in_dim3A_43 : f32 to vector<8x256xf32>
    %get3A_45 = arith.constant 0 : index
    %get3A_46 = arith.constant 0 : index
    %get3A_47 = vector.load %arg10[%get3A_45, %get3A_46] : memref<8x256xf32, #tpu.memory_space<vmem>>, vector<8x256xf32>
    %select_n3A = arith.select %eq3A_42, %broadcast_in_dim3A_44, %get3A_47 : vector<8x256xf32>
    %add3A_48 = arith.addf %select_n3A, %concatenate3A_41 : vector<8x256xf32>
    %swap3A_49 = arith.constant 0 : index
    %swap3A_50 = arith.constant 0 : index
    %swap3A_51 = vector.load %arg10[%swap3A_49, %swap3A_50] : memref<8x256xf32, #tpu.memory_space<vmem>>, vector<8x256xf32>
    tpu.vector_store %arg10[%swap3A_49, %swap3A_50], %add3A_48 {strides = array<i32>} : memref<8x256xf32, #tpu.memory_space<vmem>>, vector<8x256xf32>,
    return
  }
  func.func @transform_0(%arg0: i32) -> (i32, i32) {
    %c0_i32 = arith.constant 0 : i32
    %c0_i32_0 = arith.constant 0 : i32
    return %arg0, %c0_i32 : i32, i32
  }
  func.func @transform_1(%arg0: i32) -> (i32, i32) {
    %c0_i32 = arith.constant 0 : i32
    %c0_i32_0 = arith.constant 0 : i32
    return %arg0, %c0_i32 : i32, i32
  }
  func.func @transform_2(%arg0: i32) -> (i32, i32) {
    %c0_i32 = arith.constant 0 : i32
    %c0_i32_0 = arith.constant 0 : i32
    return %arg0, %c0_i32 : i32, i32
  }
  func.func @transform_3(%arg0: i32) -> (i32, i32) {
    %c0_i32 = arith.constant 0 : i32
    %c0_i32_0 = arith.constant 0 : i32
    return %arg0, %c0_i32 : i32, i32
  }
  func.func @transform_4(%arg0: i32) -> (i32, i32) {
    %c0_i32 = arith.constant 0 : i32
    %c0_i32_0 = arith.constant 0 : i32
    %c0_i32_1 = arith.constant 0 : i32
    return %c0_i32, %c0_i32_0 : i32, i32
  }
  func.func @transform_5(%arg0: i32) -> (i32, i32) {
    %c0_i32 = arith.constant 0 : i32
    %c0_i32_0 = arith.constant 0 : i32
    %c0_i32_1 = arith.constant 0 : i32
    return %c0_i32, %c0_i32_0 : i32, i32
  }
  func.func @transform_6(%arg0: i32) -> (i32, i32) {
    %c0_i32 = arith.constant 0 : i32
    %c0_i32_0 = arith.constant 0 : i32
    %c0_i32_1 = arith.constant 0 : i32
    return %c0_i32, %c0_i32_0 : i32, i32
  }
  func.func @transform_7(%arg0: i32) -> (i32, i32) {
    %c0_i32 = arith.constant 0 : i32
    %c0_i32_0 = arith.constant 0 : i32
    %c0_i32_1 = arith.constant 0 : i32
    return %c0_i32, %c0_i32_0 : i32, i32
  }
  func.func @transform_8(%arg0: i32) -> (i32, i32) {
    %c0_i32 = arith.constant 0 : i32
    %c0_i32_0 = arith.constant 0 : i32
    return %arg0, %c0_i32 : i32, i32
  }
  func.func @transform_9(%arg0: i32) -> (i32, i32) {
    %c0_i32 = arith.constant 0 : i32
    %c0_i32_0 = arith.constant 0 : i32
    %c0_i32_1 = arith.constant 0 : i32
    return %c0_i32, %c0_i32_0 : i32, i32
  }
}

module attributes {stable_mosaic.version = 14 : i64} {
  func.func @body(%arg0: i32, %arg1: memref<400x256xf32, #tpu.memory_space<vmem>>, %arg2: memref<8x256xf32, #tpu.memory_space<vmem>>, %arg3: memref<1x256xf32, #tpu.memory_space<vmem>>, %arg4: memref<1x256xf32, #tpu.memory_space<vmem>>, %arg5: memref<400x128xf32, #tpu.memory_space<vmem>>, %arg6: memref<400x128xf32, #tpu.memory_space<vmem>>) attributes {dimension_semantics = [#tpu.dimension_semantics<arbitrary>], iteration_bounds = array<i64: 25>, scalar_prefetch = 0 : i64, scratch_operands = 0 : i64, tpu.core_type = #tpu.core_type<tc>, window_params = [{transform_indices = @transform_0, window_bounds = array<i64: 400, 256>}, {pipeline_mode = #tpu.pipeline_mode<synchronous>, transform_indices = @transform_1, window_bounds = array<i64: 8, 256>}, {pipeline_mode = #tpu.pipeline_mode<synchronous>, transform_indices = @transform_2, window_bounds = array<i64: 1, 256>}, {pipeline_mode = #tpu.pipeline_mode<synchronous>, transform_indices = @transform_3, window_bounds = array<i64: 1, 256>}, {transform_indices = @transform_4, window_bounds = array<i64: 400, 128>}, {transform_indices = @transform_5, window_bounds = array<i64: 400, 128>}]} {
    %get3A = arith.constant 0 : index
    %get3A_0 = arith.constant 0 : index
    %get3A_1 = vector.load %arg2[%get3A, %get3A_0] : memref<8x256xf32, #tpu.memory_space<vmem>>, vector<1x256xf32>
    %div3A = arith.constant 1.000000e+04 : f32
    %div3A_2 = vector.broadcast %div3A : f32 to vector<1x256xf32>
    %div3A_3 = arith.divf %get3A_1, %div3A_2 : vector<1x256xf32>
    %get3A_4 = arith.constant 1 : index
    %get3A_5 = arith.constant 0 : index
    %get3A_6 = vector.load %arg2[%get3A_4, %get3A_5] : memref<8x256xf32, #tpu.memory_space<vmem>>, vector<1x256xf32>
    %div3A_7 = arith.constant 1.000000e+04 : f32
    %div3A_8 = vector.broadcast %div3A_7 : f32 to vector<1x256xf32>
    %div3A_9 = arith.divf %get3A_6, %div3A_8 : vector<1x256xf32>
    %mul3A = arith.mulf %div3A_3, %div3A_3 : vector<1x256xf32>
    %sub3A = arith.subf %div3A_9, %mul3A : vector<1x256xf32>
    %get3A_10 = arith.constant 0 : index
    %get3A_11 = arith.constant 0 : index
    %get3A_12 = vector.load %arg1[%get3A_10, %get3A_11] : memref<400x256xf32, #tpu.memory_space<vmem>>, vector<400x256xf32>
    %sub3A_13 = vector.broadcast %div3A_3 : vector<1x256xf32> to vector<400x256xf32>
    %sub3A_14 = arith.subf %get3A_12, %sub3A_13 : vector<400x256xf32>
    %add3A = arith.constant 9.99999974E-6 : f32
    %add3A_15 = vector.broadcast %add3A : f32 to vector<1x256xf32>
    %add3A_16 = arith.addf %sub3A, %add3A_15 : vector<1x256xf32>
    %sqrt3A = math.sqrt %add3A_16 : vector<1x256xf32>
    %div3A_17 = vector.broadcast %sqrt3A : vector<1x256xf32> to vector<400x256xf32>
    %div3A_18 = arith.divf %sub3A_14, %div3A_17 : vector<400x256xf32>
    %get3A_19 = arith.constant 0 : index
    %get3A_20 = arith.constant 0 : index
    %get3A_21 = vector.load %arg3[%get3A_19, %get3A_20] : memref<1x256xf32, #tpu.memory_space<vmem>>, vector<1x256xf32>
    %mul3A_22 = vector.broadcast %get3A_21 : vector<1x256xf32> to vector<400x256xf32>
    %mul3A_23 = arith.mulf %div3A_18, %mul3A_22 : vector<400x256xf32>
    %get3A_24 = arith.constant 0 : index
    %get3A_25 = arith.constant 0 : index
    %get3A_26 = vector.load %arg4[%get3A_24, %get3A_25] : memref<1x256xf32, #tpu.memory_space<vmem>>, vector<1x256xf32>
    %add3A_27 = vector.broadcast %get3A_26 : vector<1x256xf32> to vector<400x256xf32>
    %add3A_28 = arith.addf %mul3A_23, %add3A_27 : vector<400x256xf32>
    %max3A = arith.constant 0.000000e+00 : f32
    %max3A_29 = vector.broadcast %max3A : f32 to vector<400x256xf32>
    %max3A_30 = arith.maximumf %add3A_28, %max3A_29 : vector<400x256xf32>
    %slice3A = vector.extract_strided_slice %max3A_30 {offsets = [0, 0], sizes = [400, 128], strides = [1, 1]} : vector<400x256xf32> to vector<400x128xf32>
    %swap3A = arith.constant 0 : index
    %swap3A_31 = arith.constant 0 : index
    %swap3A_32 = vector.load %arg5[%swap3A, %swap3A_31] : memref<400x128xf32, #tpu.memory_space<vmem>>, vector<400x128xf32>
    tpu.vector_store %arg5[%swap3A, %swap3A_31], %slice3A {strides = array<i32>} : memref<400x128xf32, #tpu.memory_space<vmem>>, vector<400x128xf32>,
    %slice3A_33 = vector.extract_strided_slice %max3A_30 {offsets = [0, 128], sizes = [400, 128], strides = [1, 1]} : vector<400x256xf32> to vector<400x128xf32>
    %swap3A_34 = arith.constant 0 : index
    %swap3A_35 = arith.constant 0 : index
    %swap3A_36 = vector.load %arg6[%swap3A_34, %swap3A_35] : memref<400x128xf32, #tpu.memory_space<vmem>>, vector<400x128xf32>
    tpu.vector_store %arg6[%swap3A_34, %swap3A_35], %slice3A_33 {strides = array<i32>} : memref<400x128xf32, #tpu.memory_space<vmem>>, vector<400x128xf32>,
    return
  }
  func.func @transform_0(%arg0: i32) -> (i32, i32) {
    %c0_i32 = arith.constant 0 : i32
    %c0_i32_0 = arith.constant 0 : i32
    return %arg0, %c0_i32 : i32, i32
  }
  func.func @transform_1(%arg0: i32) -> (i32, i32) {
    %c0_i32 = arith.constant 0 : i32
    %c0_i32_0 = arith.constant 0 : i32
    %c0_i32_1 = arith.constant 0 : i32
    return %c0_i32, %c0_i32_0 : i32, i32
  }
  func.func @transform_2(%arg0: i32) -> (i32, i32) {
    %c0_i32 = arith.constant 0 : i32
    %c0_i32_0 = arith.constant 0 : i32
    %c0_i32_1 = arith.constant 0 : i32
    return %c0_i32, %c0_i32_0 : i32, i32
  }
  func.func @transform_3(%arg0: i32) -> (i32, i32) {
    %c0_i32 = arith.constant 0 : i32
    %c0_i32_0 = arith.constant 0 : i32
    %c0_i32_1 = arith.constant 0 : i32
    return %c0_i32, %c0_i32_0 : i32, i32
  }
  func.func @transform_4(%arg0: i32) -> (i32, i32) {
    %c0_i32 = arith.constant 0 : i32
    %c0_i32_0 = arith.constant 0 : i32
    return %arg0, %c0_i32 : i32, i32
  }
  func.func @transform_5(%arg0: i32) -> (i32, i32) {
    %c0_i32 = arith.constant 0 : i32
    %c0_i32_0 = arith.constant 0 : i32
    return %arg0, %c0_i32 : i32, i32
  }
}

module attributes {stable_mosaic.version = 14 : i64} {
  func.func @body(%arg0: i32, %arg1: memref<400x256xf32, #tpu.memory_space<vmem>>, %arg2: memref<8x256xf32, #tpu.memory_space<vmem>>, %arg3: memref<1x256xf32, #tpu.memory_space<vmem>>, %arg4: memref<1x256xf32, #tpu.memory_space<vmem>>, %arg5: memref<400x128xf32, #tpu.memory_space<vmem>>, %arg6: memref<400x128xf32, #tpu.memory_space<vmem>>) attributes {dimension_semantics = [#tpu.dimension_semantics<arbitrary>], iteration_bounds = array<i64: 25>, scalar_prefetch = 0 : i64, scratch_operands = 0 : i64, tpu.core_type = #tpu.core_type<tc>, window_params = [{transform_indices = @transform_0, window_bounds = array<i64: 400, 256>}, {pipeline_mode = #tpu.pipeline_mode<synchronous>, transform_indices = @transform_1, window_bounds = array<i64: 8, 256>}, {pipeline_mode = #tpu.pipeline_mode<synchronous>, transform_indices = @transform_2, window_bounds = array<i64: 1, 256>}, {pipeline_mode = #tpu.pipeline_mode<synchronous>, transform_indices = @transform_3, window_bounds = array<i64: 1, 256>}, {transform_indices = @transform_4, window_bounds = array<i64: 400, 128>}, {transform_indices = @transform_5, window_bounds = array<i64: 400, 128>}]} {
    %get3A = arith.constant 0 : index
    %get3A_0 = arith.constant 0 : index
    %get3A_1 = vector.load %arg2[%get3A, %get3A_0] : memref<8x256xf32, #tpu.memory_space<vmem>>, vector<1x256xf32>
    %div3A = arith.constant 1.000000e+04 : f32
    %div3A_2 = vector.broadcast %div3A : f32 to vector<1x256xf32>
    %div3A_3 = arith.divf %get3A_1, %div3A_2 : vector<1x256xf32>
    %get3A_4 = arith.constant 1 : index
    %get3A_5 = arith.constant 0 : index
    %get3A_6 = vector.load %arg2[%get3A_4, %get3A_5] : memref<8x256xf32, #tpu.memory_space<vmem>>, vector<1x256xf32>
    %div3A_7 = arith.constant 1.000000e+04 : f32
    %div3A_8 = vector.broadcast %div3A_7 : f32 to vector<1x256xf32>
    %div3A_9 = arith.divf %get3A_6, %div3A_8 : vector<1x256xf32>
    %mul3A = arith.mulf %div3A_3, %div3A_3 : vector<1x256xf32>
    %sub3A = arith.subf %div3A_9, %mul3A : vector<1x256xf32>
    %get3A_10 = arith.constant 0 : index
    %get3A_11 = arith.constant 0 : index
    %get3A_12 = vector.load %arg1[%get3A_10, %get3A_11] : memref<400x256xf32, #tpu.memory_space<vmem>>, vector<400x256xf32>
    %sub3A_13 = vector.broadcast %div3A_3 : vector<1x256xf32> to vector<400x256xf32>
    %sub3A_14 = arith.subf %get3A_12, %sub3A_13 : vector<400x256xf32>
    %add3A = arith.constant 9.99999974E-6 : f32
    %add3A_15 = vector.broadcast %add3A : f32 to vector<1x256xf32>
    %add3A_16 = arith.addf %sub3A, %add3A_15 : vector<1x256xf32>
    %sqrt3A = math.sqrt %add3A_16 : vector<1x256xf32>
    %div3A_17 = vector.broadcast %sqrt3A : vector<1x256xf32> to vector<400x256xf32>
    %div3A_18 = arith.divf %sub3A_14, %div3A_17 : vector<400x256xf32>
    %get3A_19 = arith.constant 0 : index
    %get3A_20 = arith.constant 0 : index
    %get3A_21 = vector.load %arg3[%get3A_19, %get3A_20] : memref<1x256xf32, #tpu.memory_space<vmem>>, vector<1x256xf32>
    %mul3A_22 = vector.broadcast %get3A_21 : vector<1x256xf32> to vector<400x256xf32>
    %mul3A_23 = arith.mulf %div3A_18, %mul3A_22 : vector<400x256xf32>
    %get3A_24 = arith.constant 0 : index
    %get3A_25 = arith.constant 0 : index
    %get3A_26 = vector.load %arg4[%get3A_24, %get3A_25] : memref<1x256xf32, #tpu.memory_space<vmem>>, vector<1x256xf32>
    %add3A_27 = vector.broadcast %get3A_26 : vector<1x256xf32> to vector<400x256xf32>
    %add3A_28 = arith.addf %mul3A_23, %add3A_27 : vector<400x256xf32>
    %slice3A = vector.extract_strided_slice %add3A_28 {offsets = [0, 0], sizes = [400, 128], strides = [1, 1]} : vector<400x256xf32> to vector<400x128xf32>
    %swap3A = arith.constant 0 : index
    %swap3A_29 = arith.constant 0 : index
    %swap3A_30 = vector.load %arg5[%swap3A, %swap3A_29] : memref<400x128xf32, #tpu.memory_space<vmem>>, vector<400x128xf32>
    tpu.vector_store %arg5[%swap3A, %swap3A_29], %slice3A {strides = array<i32>} : memref<400x128xf32, #tpu.memory_space<vmem>>, vector<400x128xf32>,
    %slice3A_31 = vector.extract_strided_slice %add3A_28 {offsets = [0, 128], sizes = [400, 128], strides = [1, 1]} : vector<400x256xf32> to vector<400x128xf32>
    %swap3A_32 = arith.constant 0 : index
    %swap3A_33 = arith.constant 0 : index
    %swap3A_34 = vector.load %arg6[%swap3A_32, %swap3A_33] : memref<400x128xf32, #tpu.memory_space<vmem>>, vector<400x128xf32>
    tpu.vector_store %arg6[%swap3A_32, %swap3A_33], %slice3A_31 {strides = array<i32>} : memref<400x128xf32, #tpu.memory_space<vmem>>, vector<400x128xf32>,
    return
  }
  func.func @transform_0(%arg0: i32) -> (i32, i32) {
    %c0_i32 = arith.constant 0 : i32
    %c0_i32_0 = arith.constant 0 : i32
    return %arg0, %c0_i32 : i32, i32
  }
  func.func @transform_1(%arg0: i32) -> (i32, i32) {
    %c0_i32 = arith.constant 0 : i32
    %c0_i32_0 = arith.constant 0 : i32
    %c0_i32_1 = arith.constant 0 : i32
    return %c0_i32, %c0_i32_0 : i32, i32
  }
  func.func @transform_2(%arg0: i32) -> (i32, i32) {
    %c0_i32 = arith.constant 0 : i32
    %c0_i32_0 = arith.constant 0 : i32
    %c0_i32_1 = arith.constant 0 : i32
    return %c0_i32, %c0_i32_0 : i32, i32
  }
  func.func @transform_3(%arg0: i32) -> (i32, i32) {
    %c0_i32 = arith.constant 0 : i32
    %c0_i32_0 = arith.constant 0 : i32
    %c0_i32_1 = arith.constant 0 : i32
    return %c0_i32, %c0_i32_0 : i32, i32
  }
  func.func @transform_4(%arg0: i32) -> (i32, i32) {
    %c0_i32 = arith.constant 0 : i32
    %c0_i32_0 = arith.constant 0 : i32
    return %arg0, %c0_i32 : i32, i32
  }
  func.func @transform_5(%arg0: i32) -> (i32, i32) {
    %c0_i32 = arith.constant 0 : i32
    %c0_i32_0 = arith.constant 0 : i32
    return %arg0, %c0_i32 : i32, i32
  }
}

module attributes {stable_mosaic.version = 14 : i64} {
  func.func @body(%arg0: i32, %arg1: memref<400x128xf32, #tpu.memory_space<vmem>>, %arg2: memref<400x128xf32, #tpu.memory_space<vmem>>, %arg3: memref<400x128xf32, #tpu.memory_space<vmem>>, %arg4: memref<400x128xf32, #tpu.memory_space<vmem>>, %arg5: memref<400x100xf32, #tpu.memory_space<vmem>>, %arg6: memref<256x256xf32, #tpu.memory_space<vmem>>, %arg7: memref<100x256xf32, #tpu.memory_space<vmem>>, %arg8: memref<256x256xf32, #tpu.memory_space<vmem>>, %arg9: memref<100x256xf32, #tpu.memory_space<vmem>>, %arg10: memref<1x256xf32, #tpu.memory_space<vmem>>, %arg11: memref<400x128xf32, #tpu.memory_space<vmem>>, %arg12: memref<400x128xf32, #tpu.memory_space<vmem>>, %arg13: memref<400x256xf32, #tpu.memory_space<vmem>>) attributes {dimension_semantics = [#tpu.dimension_semantics<arbitrary>], iteration_bounds = array<i64: 25>, scalar_prefetch = 0 : i64, scratch_operands = 0 : i64, tpu.core_type = #tpu.core_type<tc>, window_params = [{transform_indices = @transform_0, window_bounds = array<i64: 400, 128>}, {transform_indices = @transform_1, window_bounds = array<i64: 400, 128>}, {transform_indices = @transform_2, window_bounds = array<i64: 400, 128>}, {transform_indices = @transform_3, window_bounds = array<i64: 400, 128>}, {transform_indices = @transform_4, window_bounds = array<i64: 400, 100>}, {pipeline_mode = #tpu.pipeline_mode<synchronous>, transform_indices = @transform_5, window_bounds = array<i64: 256, 256>}, {pipeline_mode = #tpu.pipeline_mode<synchronous>, transform_indices = @transform_6, window_bounds = array<i64: 100, 256>}, {pipeline_mode = #tpu.pipeline_mode<synchronous>, transform_indices = @transform_7, window_bounds = array<i64: 256, 256>}, {pipeline_mode = #tpu.pipeline_mode<synchronous>, transform_indices = @transform_8, window_bounds = array<i64: 100, 256>}, {pipeline_mode = #tpu.pipeline_mode<synchronous>, transform_indices = @transform_9, window_bounds = array<i64: 1, 256>}, {transform_indices = @transform_10, window_bounds = array<i64: 400, 128>}, {transform_indices = @transform_11, window_bounds = array<i64: 400, 128>}, {transform_indices = @transform_12, window_bounds = array<i64: 400, 256>}]} {
    %get3A = arith.constant 0 : index
    %get3A_0 = arith.constant 0 : index
    %get3A_1 = vector.load %arg3[%get3A, %get3A_0] : memref<400x128xf32, #tpu.memory_space<vmem>>, vector<400x128xf32>
    %slice3A = vector.extract_strided_slice %get3A_1 {offsets = [0, 0], sizes = [400, 1], strides = [1, 1]} : vector<400x128xf32> to vector<400x1xf32>
    %get3A_2 = arith.constant 0 : index
    %get3A_3 = arith.constant 0 : index
    %get3A_4 = vector.load %arg4[%get3A_2, %get3A_3] : memref<400x128xf32, #tpu.memory_space<vmem>>, vector<400x128xf32>
    %slice3A_5 = vector.extract_strided_slice %get3A_4 {offsets = [0, 0], sizes = [400, 1], strides = [1, 1]} : vector<400x128xf32> to vector<400x1xf32>
    %add3A = arith.addf %slice3A, %slice3A_5 : vector<400x1xf32>
    %max3A = arith.constant 1.000000e+00 : f32
    %max3A_6 = vector.broadcast %max3A : f32 to vector<400x1xf32>
    %max3A_7 = arith.maximumf %add3A, %max3A_6 : vector<400x1xf32>
    %get3A_8 = arith.constant 0 : index
    %get3A_9 = arith.constant 0 : index
    %get3A_10 = vector.load %arg1[%get3A_8, %get3A_9] : memref<400x128xf32, #tpu.memory_space<vmem>>, vector<400x128xf32>
    %get3A_11 = arith.constant 0 : index
    %get3A_12 = arith.constant 0 : index
    %get3A_13 = vector.load %arg2[%get3A_11, %get3A_12] : memref<400x128xf32, #tpu.memory_space<vmem>>, vector<400x128xf32>
    %concatenate3A = tpu.concatenate %get3A_10, %get3A_13 in 1 : vector<400x128xf32>, vector<400x128xf32> -> vector<400x256xf32>
    %div3A = vector.broadcast %max3A_7 : vector<400x1xf32> to vector<400x256xf32>
    %div3A_14 = arith.divf %concatenate3A, %div3A : vector<400x256xf32>
    %get3A_15 = arith.constant 0 : index
    %get3A_16 = arith.constant 0 : index
    %get3A_17 = vector.load %arg6[%get3A_15, %get3A_16] : memref<256x256xf32, #tpu.memory_space<vmem>>, vector<256x256xf32>
    %dot_general3A = arith.constant dense<0.000000e+00> : vector<400x256xf32>
    %dot_general3A_18 = tpu.matmul %div3A_14, %get3A_17, %dot_general3A {dimension_numbers = #tpu.dot_dimension_numbers<[1], [0], [0], [1], [0, 0, 1, 1], [], []>, transpose_lhs_hint = false} : vector<400x256xf32>, vector<256x256xf32>, vector<400x256xf32> -> vector<400x256xf32>
    %get3A_19 = arith.constant 0 : index
    %get3A_20 = arith.constant 0 : index
    %get3A_21 = vector.load %arg5[%get3A_19, %get3A_20] : memref<400x100xf32, #tpu.memory_space<vmem>>, vector<400x100xf32>
    %get3A_22 = arith.constant 0 : index
    %get3A_23 = arith.constant 0 : index
    %get3A_24 = vector.load %arg7[%get3A_22, %get3A_23] : memref<100x256xf32, #tpu.memory_space<vmem>>, vector<100x256xf32>
    %dot_general3A_25 = arith.constant dense<0.000000e+00> : vector<400x256xf32>
    %dot_general3A_26 = tpu.matmul %get3A_21, %get3A_24, %dot_general3A_25 {dimension_numbers = #tpu.dot_dimension_numbers<[1], [0], [0], [1], [0, 0, 1, 1], [], []>, transpose_lhs_hint = false} : vector<400x100xf32>, vector<100x256xf32>, vector<400x256xf32> -> vector<400x256xf32>
    %add3A_27 = arith.addf %dot_general3A_18, %dot_general3A_26 : vector<400x256xf32>
    %get3A_28 = arith.constant 0 : index
    %get3A_29 = arith.constant 0 : index
    %get3A_30 = vector.load %arg8[%get3A_28, %get3A_29] : memref<256x256xf32, #tpu.memory_space<vmem>>, vector<256x256xf32>
    %dot_general3A_31 = arith.constant dense<0.000000e+00> : vector<400x256xf32>
    %dot_general3A_32 = tpu.matmul %div3A_14, %get3A_30, %dot_general3A_31 {dimension_numbers = #tpu.dot_dimension_numbers<[1], [0], [0], [1], [0, 0, 1, 1], [], []>, transpose_lhs_hint = false} : vector<400x256xf32>, vector<256x256xf32>, vector<400x256xf32> -> vector<400x256xf32>
    %get3A_33 = arith.constant 0 : index
    %get3A_34 = arith.constant 0 : index
    %get3A_35 = vector.load %arg5[%get3A_33, %get3A_34] : memref<400x100xf32, #tpu.memory_space<vmem>>, vector<400x100xf32>
    %get3A_36 = arith.constant 0 : index
    %get3A_37 = arith.constant 0 : index
    %get3A_38 = vector.load %arg9[%get3A_36, %get3A_37] : memref<100x256xf32, #tpu.memory_space<vmem>>, vector<100x256xf32>
    %dot_general3A_39 = arith.constant dense<0.000000e+00> : vector<400x256xf32>
    %dot_general3A_40 = tpu.matmul %get3A_35, %get3A_38, %dot_general3A_39 {dimension_numbers = #tpu.dot_dimension_numbers<[1], [0], [0], [1], [0, 0, 1, 1], [], []>, transpose_lhs_hint = false} : vector<400x100xf32>, vector<100x256xf32>, vector<400x256xf32> -> vector<400x256xf32>
    %add3A_41 = arith.addf %dot_general3A_32, %dot_general3A_40 : vector<400x256xf32>
    %get3A_42 = arith.constant 0 : index
    %get3A_43 = arith.constant 0 : index
    %get3A_44 = vector.load %arg10[%get3A_42, %get3A_43] : memref<1x256xf32, #tpu.memory_space<vmem>>, vector<1x256xf32>
    %add3A_45 = vector.broadcast %get3A_44 : vector<1x256xf32> to vector<400x256xf32>
    %add3A_46 = arith.addf %add3A_41, %add3A_45 : vector<400x256xf32>
    %slice3A_47 = vector.extract_strided_slice %add3A_27 {offsets = [0, 0], sizes = [400, 128], strides = [1, 1]} : vector<400x256xf32> to vector<400x128xf32>
    %swap3A = arith.constant 0 : index
    %swap3A_48 = arith.constant 0 : index
    %swap3A_49 = vector.load %arg11[%swap3A, %swap3A_48] : memref<400x128xf32, #tpu.memory_space<vmem>>, vector<400x128xf32>
    tpu.vector_store %arg11[%swap3A, %swap3A_48], %slice3A_47 {strides = array<i32>} : memref<400x128xf32, #tpu.memory_space<vmem>>, vector<400x128xf32>,
    %slice3A_50 = vector.extract_strided_slice %add3A_27 {offsets = [0, 128], sizes = [400, 128], strides = [1, 1]} : vector<400x256xf32> to vector<400x128xf32>
    %swap3A_51 = arith.constant 0 : index
    %swap3A_52 = arith.constant 0 : index
    %swap3A_53 = vector.load %arg12[%swap3A_51, %swap3A_52] : memref<400x128xf32, #tpu.memory_space<vmem>>, vector<400x128xf32>
    tpu.vector_store %arg12[%swap3A_51, %swap3A_52], %slice3A_50 {strides = array<i32>} : memref<400x128xf32, #tpu.memory_space<vmem>>, vector<400x128xf32>,
    %swap3A_54 = arith.constant 0 : index
    %swap3A_55 = arith.constant 0 : index
    %swap3A_56 = vector.load %arg13[%swap3A_54, %swap3A_55] : memref<400x256xf32, #tpu.memory_space<vmem>>, vector<400x256xf32>
    tpu.vector_store %arg13[%swap3A_54, %swap3A_55], %add3A_46 {strides = array<i32>} : memref<400x256xf32, #tpu.memory_space<vmem>>, vector<400x256xf32>,
    return
  }
  func.func @transform_0(%arg0: i32) -> (i32, i32) {
    %c0_i32 = arith.constant 0 : i32
    %c0_i32_0 = arith.constant 0 : i32
    return %arg0, %c0_i32 : i32, i32
  }
  func.func @transform_1(%arg0: i32) -> (i32, i32) {
    %c0_i32 = arith.constant 0 : i32
    %c0_i32_0 = arith.constant 0 : i32
    return %arg0, %c0_i32 : i32, i32
  }
  func.func @transform_2(%arg0: i32) -> (i32, i32) {
    %c0_i32 = arith.constant 0 : i32
    %c0_i32_0 = arith.constant 0 : i32
    return %arg0, %c0_i32 : i32, i32
  }
  func.func @transform_3(%arg0: i32) -> (i32, i32) {
    %c0_i32 = arith.constant 0 : i32
    %c0_i32_0 = arith.constant 0 : i32
    return %arg0, %c0_i32 : i32, i32
  }
  func.func @transform_4(%arg0: i32) -> (i32, i32) {
    %c0_i32 = arith.constant 0 : i32
    %c0_i32_0 = arith.constant 0 : i32
    return %arg0, %c0_i32 : i32, i32
  }
  func.func @transform_5(%arg0: i32) -> (i32, i32) {
    %c0_i32 = arith.constant 0 : i32
    %c0_i32_0 = arith.constant 0 : i32
    %c0_i32_1 = arith.constant 0 : i32
    return %c0_i32, %c0_i32_0 : i32, i32
  }
  func.func @transform_6(%arg0: i32) -> (i32, i32) {
    %c0_i32 = arith.constant 0 : i32
    %c0_i32_0 = arith.constant 0 : i32
    %c0_i32_1 = arith.constant 0 : i32
    return %c0_i32, %c0_i32_0 : i32, i32
  }
  func.func @transform_7(%arg0: i32) -> (i32, i32) {
    %c0_i32 = arith.constant 0 : i32
    %c0_i32_0 = arith.constant 0 : i32
    %c0_i32_1 = arith.constant 0 : i32
    return %c0_i32, %c0_i32_0 : i32, i32
  }
  func.func @transform_8(%arg0: i32) -> (i32, i32) {
    %c0_i32 = arith.constant 0 : i32
    %c0_i32_0 = arith.constant 0 : i32
    %c0_i32_1 = arith.constant 0 : i32
    return %c0_i32, %c0_i32_0 : i32, i32
  }
  func.func @transform_9(%arg0: i32) -> (i32, i32) {
    %c0_i32 = arith.constant 0 : i32
    %c0_i32_0 = arith.constant 0 : i32
    %c0_i32_1 = arith.constant 0 : i32
    return %c0_i32, %c0_i32_0 : i32, i32
  }
  func.func @transform_10(%arg0: i32) -> (i32, i32) {
    %c0_i32 = arith.constant 0 : i32
    %c0_i32_0 = arith.constant 0 : i32
    return %arg0, %c0_i32 : i32, i32
  }
  func.func @transform_11(%arg0: i32) -> (i32, i32) {
    %c0_i32 = arith.constant 0 : i32
    %c0_i32_0 = arith.constant 0 : i32
    return %arg0, %c0_i32 : i32, i32
  }
  func.func @transform_12(%arg0: i32) -> (i32, i32) {
    %c0_i32 = arith.constant 0 : i32
    %c0_i32_0 = arith.constant 0 : i32
    return %arg0, %c0_i32 : i32, i32
  }
}

module attributes {stable_mosaic.version = 14 : i64} {
  func.func @body(%arg0: i32, %arg1: memref<400x128xf32, #tpu.memory_space<vmem>>, %arg2: memref<400x128xf32, #tpu.memory_space<vmem>>, %arg3: memref<400x256xf32, #tpu.memory_space<vmem>>, %arg4: memref<256x256xf32, #tpu.memory_space<vmem>>, %arg5: memref<256x256xf32, #tpu.memory_space<vmem>>, %arg6: memref<1x256xf32, #tpu.memory_space<vmem>>, %arg7: memref<400x128xf32, #tpu.memory_space<vmem>>, %arg8: memref<400x128xf32, #tpu.memory_space<vmem>>, %arg9: memref<400x256xf32, #tpu.memory_space<vmem>>) attributes {dimension_semantics = [#tpu.dimension_semantics<arbitrary>], iteration_bounds = array<i64: 25>, scalar_prefetch = 0 : i64, scratch_operands = 0 : i64, tpu.core_type = #tpu.core_type<tc>, window_params = [{transform_indices = @transform_0, window_bounds = array<i64: 400, 128>}, {transform_indices = @transform_1, window_bounds = array<i64: 400, 128>}, {transform_indices = @transform_2, window_bounds = array<i64: 400, 256>}, {pipeline_mode = #tpu.pipeline_mode<synchronous>, transform_indices = @transform_3, window_bounds = array<i64: 256, 256>}, {pipeline_mode = #tpu.pipeline_mode<synchronous>, transform_indices = @transform_4, window_bounds = array<i64: 256, 256>}, {pipeline_mode = #tpu.pipeline_mode<synchronous>, transform_indices = @transform_5, window_bounds = array<i64: 1, 256>}, {transform_indices = @transform_6, window_bounds = array<i64: 400, 128>}, {transform_indices = @transform_7, window_bounds = array<i64: 400, 128>}, {transform_indices = @transform_8, window_bounds = array<i64: 400, 256>}]} {
    %get3A = arith.constant 0 : index
    %get3A_0 = arith.constant 0 : index
    %get3A_1 = vector.load %arg1[%get3A, %get3A_0] : memref<400x128xf32, #tpu.memory_space<vmem>>, vector<400x128xf32>
    %get3A_2 = arith.constant 0 : index
    %get3A_3 = arith.constant 0 : index
    %get3A_4 = vector.load %arg2[%get3A_2, %get3A_3] : memref<400x128xf32, #tpu.memory_space<vmem>>, vector<400x128xf32>
    %concatenate3A = tpu.concatenate %get3A_1, %get3A_4 in 1 : vector<400x128xf32>, vector<400x128xf32> -> vector<400x256xf32>
    %get3A_5 = arith.constant 0 : index
    %get3A_6 = arith.constant 0 : index
    %get3A_7 = vector.load %arg3[%get3A_5, %get3A_6] : memref<400x256xf32, #tpu.memory_space<vmem>>, vector<400x256xf32>
    %add3A = arith.addf %concatenate3A, %get3A_7 : vector<400x256xf32>
    %max3A = arith.constant 0.000000e+00 : f32
    %max3A_8 = vector.broadcast %max3A : f32 to vector<400x256xf32>
    %max3A_9 = arith.maximumf %add3A, %max3A_8 : vector<400x256xf32>
    %get3A_10 = arith.constant 0 : index
    %get3A_11 = arith.constant 0 : index
    %get3A_12 = vector.load %arg4[%get3A_10, %get3A_11] : memref<256x256xf32, #tpu.memory_space<vmem>>, vector<256x256xf32>
    %dot_general3A = arith.constant dense<0.000000e+00> : vector<400x256xf32>
    %dot_general3A_13 = tpu.matmul %max3A_9, %get3A_12, %dot_general3A {dimension_numbers = #tpu.dot_dimension_numbers<[1], [0], [0], [1], [0, 0, 1, 1], [], []>, transpose_lhs_hint = false} : vector<400x256xf32>, vector<256x256xf32>, vector<400x256xf32> -> vector<400x256xf32>
    %get3A_14 = arith.constant 0 : index
    %get3A_15 = arith.constant 0 : index
    %get3A_16 = vector.load %arg5[%get3A_14, %get3A_15] : memref<256x256xf32, #tpu.memory_space<vmem>>, vector<256x256xf32>
    %dot_general3A_17 = arith.constant dense<0.000000e+00> : vector<400x256xf32>
    %dot_general3A_18 = tpu.matmul %max3A_9, %get3A_16, %dot_general3A_17 {dimension_numbers = #tpu.dot_dimension_numbers<[1], [0], [0], [1], [0, 0, 1, 1], [], []>, transpose_lhs_hint = false} : vector<400x256xf32>, vector<256x256xf32>, vector<400x256xf32> -> vector<400x256xf32>
    %get3A_19 = arith.constant 0 : index
    %get3A_20 = arith.constant 0 : index
    %get3A_21 = vector.load %arg6[%get3A_19, %get3A_20] : memref<1x256xf32, #tpu.memory_space<vmem>>, vector<1x256xf32>
    %add3A_22 = vector.broadcast %get3A_21 : vector<1x256xf32> to vector<400x256xf32>
    %add3A_23 = arith.addf %dot_general3A_18, %add3A_22 : vector<400x256xf32>
    %slice3A = vector.extract_strided_slice %dot_general3A_13 {offsets = [0, 0], sizes = [400, 128], strides = [1, 1]} : vector<400x256xf32> to vector<400x128xf32>
    %swap3A = arith.constant 0 : index
    %swap3A_24 = arith.constant 0 : index
    %swap3A_25 = vector.load %arg7[%swap3A, %swap3A_24] : memref<400x128xf32, #tpu.memory_space<vmem>>, vector<400x128xf32>
    tpu.vector_store %arg7[%swap3A, %swap3A_24], %slice3A {strides = array<i32>} : memref<400x128xf32, #tpu.memory_space<vmem>>, vector<400x128xf32>,
    %slice3A_26 = vector.extract_strided_slice %dot_general3A_13 {offsets = [0, 128], sizes = [400, 128], strides = [1, 1]} : vector<400x256xf32> to vector<400x128xf32>
    %swap3A_27 = arith.constant 0 : index
    %swap3A_28 = arith.constant 0 : index
    %swap3A_29 = vector.load %arg8[%swap3A_27, %swap3A_28] : memref<400x128xf32, #tpu.memory_space<vmem>>, vector<400x128xf32>
    tpu.vector_store %arg8[%swap3A_27, %swap3A_28], %slice3A_26 {strides = array<i32>} : memref<400x128xf32, #tpu.memory_space<vmem>>, vector<400x128xf32>,
    %swap3A_30 = arith.constant 0 : index
    %swap3A_31 = arith.constant 0 : index
    %swap3A_32 = vector.load %arg9[%swap3A_30, %swap3A_31] : memref<400x256xf32, #tpu.memory_space<vmem>>, vector<400x256xf32>
    tpu.vector_store %arg9[%swap3A_30, %swap3A_31], %add3A_23 {strides = array<i32>} : memref<400x256xf32, #tpu.memory_space<vmem>>, vector<400x256xf32>,
    return
  }
  func.func @transform_0(%arg0: i32) -> (i32, i32) {
    %c0_i32 = arith.constant 0 : i32
    %c0_i32_0 = arith.constant 0 : i32
    return %arg0, %c0_i32 : i32, i32
  }
  func.func @transform_1(%arg0: i32) -> (i32, i32) {
    %c0_i32 = arith.constant 0 : i32
    %c0_i32_0 = arith.constant 0 : i32
    return %arg0, %c0_i32 : i32, i32
  }
  func.func @transform_2(%arg0: i32) -> (i32, i32) {
    %c0_i32 = arith.constant 0 : i32
    %c0_i32_0 = arith.constant 0 : i32
    return %arg0, %c0_i32 : i32, i32
  }
  func.func @transform_3(%arg0: i32) -> (i32, i32) {
    %c0_i32 = arith.constant 0 : i32
    %c0_i32_0 = arith.constant 0 : i32
    %c0_i32_1 = arith.constant 0 : i32
    return %c0_i32, %c0_i32_0 : i32, i32
  }
  func.func @transform_4(%arg0: i32) -> (i32, i32) {
    %c0_i32 = arith.constant 0 : i32
    %c0_i32_0 = arith.constant 0 : i32
    %c0_i32_1 = arith.constant 0 : i32
    return %c0_i32, %c0_i32_0 : i32, i32
  }
  func.func @transform_5(%arg0: i32) -> (i32, i32) {
    %c0_i32 = arith.constant 0 : i32
    %c0_i32_0 = arith.constant 0 : i32
    %c0_i32_1 = arith.constant 0 : i32
    return %c0_i32, %c0_i32_0 : i32, i32
  }
  func.func @transform_6(%arg0: i32) -> (i32, i32) {
    %c0_i32 = arith.constant 0 : i32
    %c0_i32_0 = arith.constant 0 : i32
    return %arg0, %c0_i32 : i32, i32
  }
  func.func @transform_7(%arg0: i32) -> (i32, i32) {
    %c0_i32 = arith.constant 0 : i32
    %c0_i32_0 = arith.constant 0 : i32
    return %arg0, %c0_i32 : i32, i32
  }
  func.func @transform_8(%arg0: i32) -> (i32, i32) {
    %c0_i32 = arith.constant 0 : i32
    %c0_i32_0 = arith.constant 0 : i32
    return %arg0, %c0_i32 : i32, i32
  }
}

module attributes {stable_mosaic.version = 14 : i64} {
  func.func @body(%arg0: i32, %arg1: memref<400x128xf32, #tpu.memory_space<vmem>>, %arg2: memref<400x128xf32, #tpu.memory_space<vmem>>, %arg3: memref<400x128xf32, #tpu.memory_space<vmem>>, %arg4: memref<400x128xf32, #tpu.memory_space<vmem>>, %arg5: memref<400x256xf32, #tpu.memory_space<vmem>>, %arg6: memref<1x1x400xi32, #tpu.memory_space<vmem>>, %arg7: memref<1x1x400xi32, #tpu.memory_space<vmem>>, %arg8: memref<256x256xf32, #tpu.memory_space<vmem>>, %arg9: memref<256x256xf32, #tpu.memory_space<vmem>>, %arg10: memref<1x256xf32, #tpu.memory_space<vmem>>, %arg11: memref<256x128xf32, #tpu.memory_space<vmem>>, %arg12: memref<1x128xf32, #tpu.memory_space<vmem>>, %arg13: memref<128x64xf32, #tpu.memory_space<vmem>>, %arg14: memref<1x64xf32, #tpu.memory_space<vmem>>, %arg15: memref<64x1xf32, #tpu.memory_space<vmem>>, %arg16: memref<1x1xf32, #tpu.memory_space<vmem>>, %arg17: memref<256x1xf32, #tpu.memory_space<vmem>>, %arg18: memref<256x256xf32, #tpu.memory_space<vmem>>, %arg19: memref<256x256xf32, #tpu.memory_space<vmem>>, %arg20: memref<256x1xf32, #tpu.memory_space<vmem>>, %arg21: memref<256x1xf32, #tpu.memory_space<vmem>>) attributes {dimension_semantics = [#tpu.dimension_semantics<arbitrary>], iteration_bounds = array<i64: 25>, scalar_prefetch = 0 : i64, scratch_operands = 4 : i64, tpu.core_type = #tpu.core_type<tc>, window_params = [{transform_indices = @transform_0, window_bounds = array<i64: 400, 128>}, {transform_indices = @transform_1, window_bounds = array<i64: 400, 128>}, {transform_indices = @transform_2, window_bounds = array<i64: 400, 128>}, {transform_indices = @transform_3, window_bounds = array<i64: 400, 128>}, {transform_indices = @transform_4, window_bounds = array<i64: 400, 256>}, {transform_indices = @transform_5, window_bounds = array<i64: 1, 1, 400>}, {transform_indices = @transform_6, window_bounds = array<i64: 1, 1, 400>}, {pipeline_mode = #tpu.pipeline_mode<synchronous>, transform_indices = @transform_7, window_bounds = array<i64: 256, 256>}, {pipeline_mode = #tpu.pipeline_mode<synchronous>, transform_indices = @transform_8, window_bounds = array<i64: 256, 256>}, {pipeline_mode = #tpu.pipeline_mode<synchronous>, transform_indices = @transform_9, window_bounds = array<i64: 1, 256>}, {pipeline_mode = #tpu.pipeline_mode<synchronous>, transform_indices = @transform_10, window_bounds = array<i64: 256, 128>}, {pipeline_mode = #tpu.pipeline_mode<synchronous>, transform_indices = @transform_11, window_bounds = array<i64: 1, 128>}, {pipeline_mode = #tpu.pipeline_mode<synchronous>, transform_indices = @transform_12, window_bounds = array<i64: 128, 64>}, {pipeline_mode = #tpu.pipeline_mode<synchronous>, transform_indices = @transform_13, window_bounds = array<i64: 1, 64>}, {pipeline_mode = #tpu.pipeline_mode<synchronous>, transform_indices = @transform_14, window_bounds = array<i64: 64, 1>}, {pipeline_mode = #tpu.pipeline_mode<synchronous>, transform_indices = @transform_15, window_bounds = array<i64: 1, 1>}, {pipeline_mode = #tpu.pipeline_mode<synchronous>, transform_indices = @transform_16, window_bounds = array<i64: 256, 1>}]} {
    %eq3A = arith.constant 0 : i32
    %eq3A_0 = arith.cmpi eq, %arg0, %eq3A : i32
    %convert_element_type3A = arith.extui %eq3A_0 : i1 to i32
    %cond3A = arith.constant 0 : i32
    %cond3A_1 = arith.cmpi ne, %convert_element_type3A, %cond3A : i32
    scf.if %cond3A_1 {
      %broadcast_in_dim3A_75 = arith.constant 0.000000e+00 : f32
      %broadcast_in_dim3A_76 = vector.broadcast %broadcast_in_dim3A_75 : f32 to vector<256x256xf32>
      %swap3A_77 = arith.constant 0 : index
      %swap3A_78 = arith.constant 0 : index
      %swap3A_79 = vector.load %arg18[%swap3A_77, %swap3A_78] : memref<256x256xf32, #tpu.memory_space<vmem>>, vector<256x256xf32>
      tpu.vector_store %arg18[%swap3A_77, %swap3A_78], %broadcast_in_dim3A_76 {strides = array<i32>} : memref<256x256xf32, #tpu.memory_space<vmem>>, vector<256x256xf32>,
      %broadcast_in_dim3A_80 = arith.constant 0.000000e+00 : f32
      %broadcast_in_dim3A_81 = vector.broadcast %broadcast_in_dim3A_80 : f32 to vector<256x256xf32>
      %swap3A_82 = arith.constant 0 : index
      %swap3A_83 = arith.constant 0 : index
      %swap3A_84 = vector.load %arg19[%swap3A_82, %swap3A_83] : memref<256x256xf32, #tpu.memory_space<vmem>>, vector<256x256xf32>
      tpu.vector_store %arg19[%swap3A_82, %swap3A_83], %broadcast_in_dim3A_81 {strides = array<i32>} : memref<256x256xf32, #tpu.memory_space<vmem>>, vector<256x256xf32>,
      %broadcast_in_dim3A_85 = arith.constant 0.000000e+00 : f32
      %broadcast_in_dim3A_86 = vector.broadcast %broadcast_in_dim3A_85 : f32 to vector<256x1xf32>
      %swap3A_87 = arith.constant 0 : index
      %swap3A_88 = arith.constant 0 : index
      %swap3A_89 = vector.load %arg20[%swap3A_87, %swap3A_88] : memref<256x1xf32, #tpu.memory_space<vmem>>, vector<256x1xf32>
      tpu.vector_store %arg20[%swap3A_87, %swap3A_88], %broadcast_in_dim3A_86 {strides = array<i32>} : memref<256x1xf32, #tpu.memory_space<vmem>>, vector<256x1xf32>,
      %broadcast_in_dim3A_90 = arith.constant 0.000000e+00 : f32
      %broadcast_in_dim3A_91 = vector.broadcast %broadcast_in_dim3A_90 : f32 to vector<256x1xf32>
      %swap3A_92 = arith.constant 0 : index
      %swap3A_93 = arith.constant 0 : index
      %swap3A_94 = vector.load %arg21[%swap3A_92, %swap3A_93] : memref<256x1xf32, #tpu.memory_space<vmem>>, vector<256x1xf32>
      tpu.vector_store %arg21[%swap3A_92, %swap3A_93], %broadcast_in_dim3A_91 {strides = array<i32>} : memref<256x1xf32, #tpu.memory_space<vmem>>, vector<256x1xf32>,
    } else {
    }
    %get3A = arith.constant 0 : index
    %get3A_2 = arith.constant 0 : index
    %get3A_3 = vector.load %arg1[%get3A, %get3A_2] : memref<400x128xf32, #tpu.memory_space<vmem>>, vector<400x128xf32>
    %get3A_4 = arith.constant 0 : index
    %get3A_5 = arith.constant 0 : index
    %get3A_6 = vector.load %arg2[%get3A_4, %get3A_5] : memref<400x128xf32, #tpu.memory_space<vmem>>, vector<400x128xf32>
    %concatenate3A = tpu.concatenate %get3A_3, %get3A_6 in 1 : vector<400x128xf32>, vector<400x128xf32> -> vector<400x256xf32>
    %get3A_7 = arith.constant 0 : index
    %get3A_8 = arith.constant 0 : index
    %get3A_9 = vector.load %arg3[%get3A_7, %get3A_8] : memref<400x128xf32, #tpu.memory_space<vmem>>, vector<400x128xf32>
    %get3A_10 = arith.constant 0 : index
    %get3A_11 = arith.constant 0 : index
    %get3A_12 = vector.load %arg4[%get3A_10, %get3A_11] : memref<400x128xf32, #tpu.memory_space<vmem>>, vector<400x128xf32>
    %concatenate3A_13 = tpu.concatenate %get3A_9, %get3A_12 in 1 : vector<400x128xf32>, vector<400x128xf32> -> vector<400x256xf32>
    %get3A_14 = arith.constant 0 : index
    %get3A_15 = arith.constant 0 : index
    %get3A_16 = vector.load %arg5[%get3A_14, %get3A_15] : memref<400x256xf32, #tpu.memory_space<vmem>>, vector<400x256xf32>
    %add3A = arith.addf %concatenate3A_13, %get3A_16 : vector<400x256xf32>
    %max3A = arith.constant 0.000000e+00 : f32
    %max3A_17 = vector.broadcast %max3A : f32 to vector<400x256xf32>
    %max3A_18 = arith.maximumf %add3A, %max3A_17 : vector<400x256xf32>
    %iota3A = tpu.iota {dimensions = array<i32: 0>} : vector<256x400xi32>
    %get3A_19 = arith.constant 0 : index
    %get3A_20 = arith.constant 0 : index
    %get3A_21 = arith.constant 0 : index
    %get3A_22 = vector.load %arg6[%get3A_19, %get3A_20, %get3A_21] : memref<1x1x400xi32, #tpu.memory_space<vmem>>, vector<1x1x400xi32>
    %reshape3A = vector.shape_cast %get3A_22 : vector<1x1x400xi32> to vector<1x400xi32>
    %eq3A_23 = vector.broadcast %reshape3A : vector<1x400xi32> to vector<256x400xi32>
    %eq3A_24 = arith.cmpi eq, %eq3A_23, %iota3A : vector<256x400xi32>
    %convert_element_type3A_25 = arith.extui %eq3A_24 : vector<256x400xi1> to vector<256x400xi32>
    %convert_element_type3A_26 = arith.sitofp %convert_element_type3A_25 : vector<256x400xi32> to vector<256x400xf32>
    %get3A_27 = arith.constant 0 : index
    %get3A_28 = arith.constant 0 : index
    %get3A_29 = arith.constant 0 : index
    %get3A_30 = vector.load %arg7[%get3A_27, %get3A_28, %get3A_29] : memref<1x1x400xi32, #tpu.memory_space<vmem>>, vector<1x1x400xi32>
    %reshape3A_31 = vector.shape_cast %get3A_30 : vector<1x1x400xi32> to vector<1x400xi32>
    %eq3A_32 = vector.broadcast %reshape3A_31 : vector<1x400xi32> to vector<256x400xi32>
    %eq3A_33 = arith.cmpi eq, %eq3A_32, %iota3A : vector<256x400xi32>
    %convert_element_type3A_34 = arith.extui %eq3A_33 : vector<256x400xi1> to vector<256x400xi32>
    %convert_element_type3A_35 = arith.sitofp %convert_element_type3A_34 : vector<256x400xi32> to vector<256x400xf32>
    %get3A_36 = arith.constant 0 : index
    %get3A_37 = arith.constant 0 : index
    %get3A_38 = vector.load %arg18[%get3A_36, %get3A_37] : memref<256x256xf32, #tpu.memory_space<vmem>>, vector<256x256xf32>
    %dot_general3A = arith.constant dense<0.000000e+00> : vector<256x256xf32>
    %dot_general3A_39 = tpu.matmul %convert_element_type3A_26, %concatenate3A, %dot_general3A {dimension_numbers = #tpu.dot_dimension_numbers<[1], [0], [0], [1], [0, 0, 1, 1], [], []>, precision = #tpu.contract_precision<fp32>, transpose_lhs_hint = false} : vector<256x400xf32>, vector<400x256xf32>, vector<256x256xf32> -> vector<256x256xf32>
    %add3A_40 = arith.addf %get3A_38, %dot_general3A_39 : vector<256x256xf32>
    %swap3A = arith.constant 0 : index
    %swap3A_41 = arith.constant 0 : index
    %swap3A_42 = vector.load %arg18[%swap3A, %swap3A_41] : memref<256x256xf32, #tpu.memory_space<vmem>>, vector<256x256xf32>
    tpu.vector_store %arg18[%swap3A, %swap3A_41], %add3A_40 {strides = array<i32>} : memref<256x256xf32, #tpu.memory_space<vmem>>, vector<256x256xf32>,
    %get3A_43 = arith.constant 0 : index
    %get3A_44 = arith.constant 0 : index
    %get3A_45 = vector.load %arg19[%get3A_43, %get3A_44] : memref<256x256xf32, #tpu.memory_space<vmem>>, vector<256x256xf32>
    %dot_general3A_46 = arith.constant dense<0.000000e+00> : vector<256x256xf32>
    %dot_general3A_47 = tpu.matmul %convert_element_type3A_35, %max3A_18, %dot_general3A_46 {dimension_numbers = #tpu.dot_dimension_numbers<[1], [0], [0], [1], [0, 0, 1, 1], [], []>, precision = #tpu.contract_precision<fp32>, transpose_lhs_hint = false} : vector<256x400xf32>, vector<400x256xf32>, vector<256x256xf32> -> vector<256x256xf32>
    %add3A_48 = arith.addf %get3A_45, %dot_general3A_47 : vector<256x256xf32>
    %swap3A_49 = arith.constant 0 : index
    %swap3A_50 = arith.constant 0 : index
    %swap3A_51 = vector.load %arg19[%swap3A_49, %swap3A_50] : memref<256x256xf32, #tpu.memory_space<vmem>>, vector<256x256xf32>
    tpu.vector_store %arg19[%swap3A_49, %swap3A_50], %add3A_48 {strides = array<i32>} : memref<256x256xf32, #tpu.memory_space<vmem>>, vector<256x256xf32>,
    %get3A_52 = arith.constant 0 : index
    %get3A_53 = arith.constant 0 : index
    %get3A_54 = vector.load %arg20[%get3A_52, %get3A_53] : memref<256x1xf32, #tpu.memory_space<vmem>>, vector<256x1xf32>
    %reduce_sum3A = arith.constant dense<0.000000e+00> : vector<256xf32>
    %reduce_sum3A_55 = vector.multi_reduction <add>, %convert_element_type3A_26, %reduce_sum3A [1] : vector<256x400xf32> to vector<256xf32>
    %broadcast_in_dim3A = vector.shape_cast %reduce_sum3A_55 : vector<256xf32> to vector<256x1xf32>
    %add3A_56 = arith.addf %get3A_54, %broadcast_in_dim3A : vector<256x1xf32>
    %swap3A_57 = arith.constant 0 : index
    %swap3A_58 = arith.constant 0 : index
    %swap3A_59 = vector.load %arg20[%swap3A_57, %swap3A_58] : memref<256x1xf32, #tpu.memory_space<vmem>>, vector<256x1xf32>
    tpu.vector_store %arg20[%swap3A_57, %swap3A_58], %add3A_56 {strides = array<i32>} : memref<256x1xf32, #tpu.memory_space<vmem>>, vector<256x1xf32>,
    %get3A_60 = arith.constant 0 : index
    %get3A_61 = arith.constant 0 : index
    %get3A_62 = vector.load %arg21[%get3A_60, %get3A_61] : memref<256x1xf32, #tpu.memory_space<vmem>>, vector<256x1xf32>
    %reduce_sum3A_63 = arith.constant dense<0.000000e+00> : vector<256xf32>
    %reduce_sum3A_64 = vector.multi_reduction <add>, %convert_element_type3A_35, %reduce_sum3A_63 [1] : vector<256x400xf32> to vector<256xf32>
    %broadcast_in_dim3A_65 = vector.shape_cast %reduce_sum3A_64 : vector<256xf32> to vector<256x1xf32>
    %add3A_66 = arith.addf %get3A_62, %broadcast_in_dim3A_65 : vector<256x1xf32>
    %swap3A_67 = arith.constant 0 : index
    %swap3A_68 = arith.constant 0 : index
    %swap3A_69 = vector.load %arg21[%swap3A_67, %swap3A_68] : memref<256x1xf32, #tpu.memory_space<vmem>>, vector<256x1xf32>
    tpu.vector_store %arg21[%swap3A_67, %swap3A_68], %add3A_66 {strides = array<i32>} : memref<256x1xf32, #tpu.memory_space<vmem>>, vector<256x1xf32>,
    %eq3A_70 = arith.constant 24 : i32
    %eq3A_71 = arith.cmpi eq, %arg0, %eq3A_70 : i32
    %convert_element_type3A_72 = arith.extui %eq3A_71 : i1 to i32
    %cond3A_73 = arith.constant 0 : i32
    %cond3A_74 = arith.cmpi ne, %convert_element_type3A_72, %cond3A_73 : i32
    scf.if %cond3A_74 {
      %get3A_75 = arith.constant 0 : index
      %get3A_76 = arith.constant 0 : index
      %get3A_77 = vector.load %arg18[%get3A_75, %get3A_76] : memref<256x256xf32, #tpu.memory_space<vmem>>, vector<256x256xf32>
      %get3A_78 = arith.constant 0 : index
      %get3A_79 = arith.constant 0 : index
      %get3A_80 = vector.load %arg20[%get3A_78, %get3A_79] : memref<256x1xf32, #tpu.memory_space<vmem>>, vector<256x1xf32>
      %max3A_81 = arith.constant 1.000000e+00 : f32
      %max3A_82 = vector.broadcast %max3A_81 : f32 to vector<256x1xf32>
      %max3A_83 = arith.maximumf %get3A_80, %max3A_82 : vector<256x1xf32>
      %div3A = vector.broadcast %max3A_83 : vector<256x1xf32> to vector<256x256xf32>
      %div3A_84 = arith.divf %get3A_77, %div3A : vector<256x256xf32>
      %get3A_85 = arith.constant 0 : index
      %get3A_86 = arith.constant 0 : index
      %get3A_87 = vector.load %arg19[%get3A_85, %get3A_86] : memref<256x256xf32, #tpu.memory_space<vmem>>, vector<256x256xf32>
      %get3A_88 = arith.constant 0 : index
      %get3A_89 = arith.constant 0 : index
      %get3A_90 = vector.load %arg21[%get3A_88, %get3A_89] : memref<256x1xf32, #tpu.memory_space<vmem>>, vector<256x1xf32>
      %max3A_91 = arith.constant 1.000000e+00 : f32
      %max3A_92 = vector.broadcast %max3A_91 : f32 to vector<256x1xf32>
      %max3A_93 = arith.maximumf %get3A_90, %max3A_92 : vector<256x1xf32>
      %div3A_94 = vector.broadcast %max3A_93 : vector<256x1xf32> to vector<256x256xf32>
      %div3A_95 = arith.divf %get3A_87, %div3A_94 : vector<256x256xf32>
      %get3A_96 = arith.constant 0 : index
      %get3A_97 = arith.constant 0 : index
      %get3A_98 = vector.load %arg8[%get3A_96, %get3A_97] : memref<256x256xf32, #tpu.memory_space<vmem>>, vector<256x256xf32>
      %dot_general3A_99 = arith.constant dense<0.000000e+00> : vector<256x256xf32>
      %dot_general3A_100 = tpu.matmul %div3A_84, %get3A_98, %dot_general3A_99 {dimension_numbers = #tpu.dot_dimension_numbers<[1], [0], [0], [1], [0, 0, 1, 1], [], []>, transpose_lhs_hint = false} : vector<256x256xf32>, vector<256x256xf32>, vector<256x256xf32> -> vector<256x256xf32>
      %get3A_101 = arith.constant 0 : index
      %get3A_102 = arith.constant 0 : index
      %get3A_103 = vector.load %arg9[%get3A_101, %get3A_102] : memref<256x256xf32, #tpu.memory_space<vmem>>, vector<256x256xf32>
      %dot_general3A_104 = arith.constant dense<0.000000e+00> : vector<256x256xf32>
      %dot_general3A_105 = tpu.matmul %div3A_95, %get3A_103, %dot_general3A_104 {dimension_numbers = #tpu.dot_dimension_numbers<[1], [0], [0], [1], [0, 0, 1, 1], [], []>, transpose_lhs_hint = false} : vector<256x256xf32>, vector<256x256xf32>, vector<256x256xf32> -> vector<256x256xf32>
      %add3A_106 = arith.addf %dot_general3A_100, %dot_general3A_105 : vector<256x256xf32>
      %get3A_107 = arith.constant 0 : index
      %get3A_108 = arith.constant 0 : index
      %get3A_109 = vector.load %arg10[%get3A_107, %get3A_108] : memref<1x256xf32, #tpu.memory_space<vmem>>, vector<1x256xf32>
      %add3A_110 = vector.broadcast %get3A_109 : vector<1x256xf32> to vector<256x256xf32>
      %add3A_111 = arith.addf %add3A_106, %add3A_110 : vector<256x256xf32>
      %max3A_112 = arith.constant 0.000000e+00 : f32
      %max3A_113 = vector.broadcast %max3A_112 : f32 to vector<256x256xf32>
      %max3A_114 = arith.maximumf %add3A_111, %max3A_113 : vector<256x256xf32>
      %get3A_115 = arith.constant 0 : index
      %get3A_116 = arith.constant 0 : index
      %get3A_117 = vector.load %arg11[%get3A_115, %get3A_116] : memref<256x128xf32, #tpu.memory_space<vmem>>, vector<256x128xf32>
      %dot_general3A_118 = arith.constant dense<0.000000e+00> : vector<256x128xf32>
      %dot_general3A_119 = tpu.matmul %max3A_114, %get3A_117, %dot_general3A_118 {dimension_numbers = #tpu.dot_dimension_numbers<[1], [0], [0], [1], [0, 0, 1, 1], [], []>, transpose_lhs_hint = false} : vector<256x256xf32>, vector<256x128xf32>, vector<256x128xf32> -> vector<256x128xf32>
      %get3A_120 = arith.constant 0 : index
      %get3A_121 = arith.constant 0 : index
      %get3A_122 = vector.load %arg12[%get3A_120, %get3A_121] : memref<1x128xf32, #tpu.memory_space<vmem>>, vector<1x128xf32>
      %add3A_123 = vector.broadcast %get3A_122 : vector<1x128xf32> to vector<256x128xf32>
      %add3A_124 = arith.addf %dot_general3A_119, %add3A_123 : vector<256x128xf32>
      %max3A_125 = arith.constant 0.000000e+00 : f32
      %max3A_126 = vector.broadcast %max3A_125 : f32 to vector<256x128xf32>
      %max3A_127 = arith.maximumf %add3A_124, %max3A_126 : vector<256x128xf32>
      %get3A_128 = arith.constant 0 : index
      %get3A_129 = arith.constant 0 : index
      %get3A_130 = vector.load %arg13[%get3A_128, %get3A_129] : memref<128x64xf32, #tpu.memory_space<vmem>>, vector<128x64xf32>
      %dot_general3A_131 = arith.constant dense<0.000000e+00> : vector<256x64xf32>
      %dot_general3A_132 = tpu.matmul %max3A_127, %get3A_130, %dot_general3A_131 {dimension_numbers = #tpu.dot_dimension_numbers<[1], [0], [0], [1], [0, 0, 1, 1], [], []>, transpose_lhs_hint = false} : vector<256x128xf32>, vector<128x64xf32>, vector<256x64xf32> -> vector<256x64xf32>
      %get3A_133 = arith.constant 0 : index
      %get3A_134 = arith.constant 0 : index
      %get3A_135 = vector.load %arg14[%get3A_133, %get3A_134] : memref<1x64xf32, #tpu.memory_space<vmem>>, vector<1x64xf32>
      %add3A_136 = vector.broadcast %get3A_135 : vector<1x64xf32> to vector<256x64xf32>
      %add3A_137 = arith.addf %dot_general3A_132, %add3A_136 : vector<256x64xf32>
      %max3A_138 = arith.constant 0.000000e+00 : f32
      %max3A_139 = vector.broadcast %max3A_138 : f32 to vector<256x64xf32>
      %max3A_140 = arith.maximumf %add3A_137, %max3A_139 : vector<256x64xf32>
      %get3A_141 = arith.constant 0 : index
      %get3A_142 = arith.constant 0 : index
      %get3A_143 = vector.load %arg15[%get3A_141, %get3A_142] : memref<64x1xf32, #tpu.memory_space<vmem>>, vector<64x1xf32>
      %dot_general3A_144 = arith.constant dense<0.000000e+00> : vector<256x1xf32>
      %dot_general3A_145 = tpu.matmul %max3A_140, %get3A_143, %dot_general3A_144 {dimension_numbers = #tpu.dot_dimension_numbers<[1], [0], [0], [1], [0, 0, 1, 1], [], []>, transpose_lhs_hint = false} : vector<256x64xf32>, vector<64x1xf32>, vector<256x1xf32> -> vector<256x1xf32>
      %get3A_146 = arith.constant 0 : index
      %get3A_147 = arith.constant 0 : index
      %get3A_148 = vector.load %arg16[%get3A_146, %get3A_147] : memref<1x1xf32, #tpu.memory_space<vmem>>, vector<1x1xf32>
      %add3A_149 = vector.broadcast %get3A_148 : vector<1x1xf32> to vector<256x1xf32>
      %add3A_150 = arith.addf %dot_general3A_145, %add3A_149 : vector<256x1xf32>
      %swap3A_151 = arith.constant 0 : index
      %swap3A_152 = arith.constant 0 : index
      %swap3A_153 = vector.load %arg17[%swap3A_151, %swap3A_152] : memref<256x1xf32, #tpu.memory_space<vmem>>, vector<256x1xf32>
      tpu.vector_store %arg17[%swap3A_151, %swap3A_152], %add3A_150 {strides = array<i32>} : memref<256x1xf32, #tpu.memory_space<vmem>>, vector<256x1xf32>,
    } else {
    }
    return
  }
  func.func @transform_0(%arg0: i32) -> (i32, i32) {
    %c0_i32 = arith.constant 0 : i32
    %c0_i32_0 = arith.constant 0 : i32
    return %arg0, %c0_i32 : i32, i32
  }
  func.func @transform_1(%arg0: i32) -> (i32, i32) {
    %c0_i32 = arith.constant 0 : i32
    %c0_i32_0 = arith.constant 0 : i32
    return %arg0, %c0_i32 : i32, i32
  }
  func.func @transform_2(%arg0: i32) -> (i32, i32) {
    %c0_i32 = arith.constant 0 : i32
    %c0_i32_0 = arith.constant 0 : i32
    return %arg0, %c0_i32 : i32, i32
  }
  func.func @transform_3(%arg0: i32) -> (i32, i32) {
    %c0_i32 = arith.constant 0 : i32
    %c0_i32_0 = arith.constant 0 : i32
    return %arg0, %c0_i32 : i32, i32
  }
  func.func @transform_4(%arg0: i32) -> (i32, i32) {
    %c0_i32 = arith.constant 0 : i32
    %c0_i32_0 = arith.constant 0 : i32
    return %arg0, %c0_i32 : i32, i32
  }
  func.func @transform_5(%arg0: i32) -> (i32, i32, i32) {
    %c0_i32 = arith.constant 0 : i32
    %c0_i32_0 = arith.constant 0 : i32
    %c0_i32_1 = arith.constant 0 : i32
    return %arg0, %c0_i32, %c0_i32_0 : i32, i32, i32
  }
  func.func @transform_6(%arg0: i32) -> (i32, i32, i32) {
    %c0_i32 = arith.constant 0 : i32
    %c0_i32_0 = arith.constant 0 : i32
    %c0_i32_1 = arith.constant 0 : i32
    return %arg0, %c0_i32, %c0_i32_0 : i32, i32, i32
  }
  func.func @transform_7(%arg0: i32) -> (i32, i32) {
    %c0_i32 = arith.constant 0 : i32
    %c0_i32_0 = arith.constant 0 : i32
    %c0_i32_1 = arith.constant 0 : i32
    return %c0_i32, %c0_i32_0 : i32, i32
  }
  func.func @transform_8(%arg0: i32) -> (i32, i32) {
    %c0_i32 = arith.constant 0 : i32
    %c0_i32_0 = arith.constant 0 : i32
    %c0_i32_1 = arith.constant 0 : i32
    return %c0_i32, %c0_i32_0 : i32, i32
  }
  func.func @transform_9(%arg0: i32) -> (i32, i32) {
    %c0_i32 = arith.constant 0 : i32
    %c0_i32_0 = arith.constant 0 : i32
    %c0_i32_1 = arith.constant 0 : i32
    return %c0_i32, %c0_i32_0 : i32, i32
  }
  func.func @transform_10(%arg0: i32) -> (i32, i32) {
    %c0_i32 = arith.constant 0 : i32
    %c0_i32_0 = arith.constant 0 : i32
    %c0_i32_1 = arith.constant 0 : i32
    return %c0_i32, %c0_i32_0 : i32, i32
  }
  func.func @transform_11(%arg0: i32) -> (i32, i32) {
    %c0_i32 = arith.constant 0 : i32
    %c0_i32_0 = arith.constant 0 : i32
    %c0_i32_1 = arith.constant 0 : i32
    return %c0_i32, %c0_i32_0 : i32, i32
  }
  func.func @transform_12(%arg0: i32) -> (i32, i32) {
    %c0_i32 = arith.constant 0 : i32
    %c0_i32_0 = arith.constant 0 : i32
    %c0_i32_1 = arith.constant 0 : i32
    return %c0_i32, %c0_i32_0 : i32, i32
  }
  func.func @transform_13(%arg0: i32) -> (i32, i32) {
    %c0_i32 = arith.constant 0 : i32
    %c0_i32_0 = arith.constant 0 : i32
    %c0_i32_1 = arith.constant 0 : i32
    return %c0_i32, %c0_i32_0 : i32, i32
  }
  func.func @transform_14(%arg0: i32) -> (i32, i32) {
    %c0_i32 = arith.constant 0 : i32
    %c0_i32_0 = arith.constant 0 : i32
    %c0_i32_1 = arith.constant 0 : i32
    return %c0_i32, %c0_i32_0 : i32, i32
  }
  func.func @transform_15(%arg0: i32) -> (i32, i32) {
    %c0_i32 = arith.constant 0 : i32
    %c0_i32_0 = arith.constant 0 : i32
    %c0_i32_1 = arith.constant 0 : i32
    return %c0_i32, %c0_i32_0 : i32, i32
  }
  func.func @transform_16(%arg0: i32) -> (i32, i32) {
    %c0_i32 = arith.constant 0 : i32
    %c0_i32_0 = arith.constant 0 : i32
    %c0_i32_1 = arith.constant 0 : i32
    return %c0_i32, %c0_i32_0 : i32, i32
  }
}

</mosaic_0001>

<sc_bundles>
// kernel: kernel.22.cloned.1.call-start
scs
__scs_entry_jumppad:
0x0: {  	(pc) =	sbr.rel $0x88, $3  }
0x1: {  	(tag) =	ssettag $0x0;
	lr =	simm.s32 $0x1  }
0x2: {  	[smem:$0x3F81] =	sst lr;
	_ =	strace $0xD0000000  }
0x3: {  	_ = 	snop  }
0x4: {  	_ = 	snop  }
0x5: {  	_ = 	snop  }
0x6: {  	_ = 	snop  }
0x7: {  	_ = 	snop  }
__scs_overlays_trampoline_lowered:
0x8: {  	[smem:$0x3F90] =	sst s0  }
0x9: {  	[smem:$0x3F91] =	sst s1  }
0xa: {  	[smem:$0x3F92] =	sst s2  }
0xb: {  	[smem:$0x3F93] =	sst s3  }
0xc: {  	[smem:$0x3F94] =	sst s4  }
0xd: {  	[smem:$0x3F95] =	sst s5  }
0xe: {  	[smem:$0x3F96] =	sst s6  }
0xf: {  	[smem:$0x3F97] =	sst s7  }
0x10: {  	[smem:$0x3F98] =	sst s8  }
0x11: {  	[smem:$0x3F99] =	sst s9;
	s0 =	simm.s32 @!p0 $0x0  }
0x12: {  	s1 =	sld [smem:$0x3F7F];
	s0 =	simm.s32 @p0 $0x1  }
0x13: {  	[smem:$0x3F9A] =	sst s0;
	s0 =	simm.s32 @!p1 $0x0  }
0x14: {  	s2 =	sld [smem:$0x3F7E];
	s0 =	simm.s32 @p1 $0x1  }
0x15: {  	[smem:$0x3F9B] =	sst s0;
	s0 =	simm.s32 @!p2 $0x0  }
0x16: {  	s3 =	sld [smem:$0x3FDB];
	s0 =	simm.s32 @p2 $0x1  }
0x17: {  	s4 =	simm.s32 $0x1BF5;
	[smem:$0x3F9D] =	sst s0  }
0x18: {  	s0 =	sld [smem:$0x3F80];
	_ =	swait.ge [sflag:s4], $0x0  }
0x19: {  	s7 =	sld [smem:$0x3F81]  }
0x1a: {  	s8 =	sadd.s32 $0xFFFFE003, lr  }
0x1b: {  	s9 =	sadd.s32 $0xFFFFFEF7, lr;
	s5 =	simm.s32 $0xFFFFFFFF;
	p2 =	slt.u32 s8, $0xFFFFF086  }
0x1c: {  	p1 =	slt.u32 s9, $0xF7A;
	s5 =	simm.s32 @!p2 $0x0  }
0x1d: {  	s5 =	simm.s32 @p1 $0x1;
	p0 =	seq.s32 s7, s2  }
0x1e: {  	s7 =	smul.u32 @!p0 $0xF7A, s2;
	p2 =	seq.s32 @!p0 s5, $0x0  }
0x1f: {  	s9 =	smul.u32 $0xF7A, s1;
	s8 =	simm.s32 @!p0 $0x1BF5;
	p2 =	por !p2, p0  }
0x20: {  	[sflag:s8] =	ssyncset.s32 @!p0 $0xFFFFF086;
	s6 =	sadd.s32 @!p0 s3, s7;
	s7 =	simm.s32 @!p0 $0x108  }
0x21: {  	s3 =	sadd.s32 s3, s9;
	s6 =	sadd.s32 @!p0 $0x88, s6;
	s7 =	simm.s32 @p2 $0x1082  }
0x22: {  	[simem:s7], [sflag:s8] =	dma.local @!p0 [hbm:s6], $0xF7A  }
0x23: {  	s9 =	sor.u32 $0xD0000000, s2;
	s6 =	simm.s32 $0x108;
	_ =	swait.ge @!p0 [sflag:s8], $0x0  }
0x24: {  	s3 =	sadd.s32 $0x88, s3;
	s6 =	simm.s32 @!p1 $0x1082;
	[sflag:s4] =	ssyncset.s32 $0xFFFFF086  }
0x25: {  	[simem:s6], [sflag:s4] =	dma.local [hbm:s3], $0xF7A  }
0x26: {  	[smem:$0x3F81] =	sst s1;
	(tag) =	ssettag s2;
	_ =	strace s9  }
0x27: {  	s1 =	sld [smem:$0x3F91]  }
0x28: {  	s2 =	sld [smem:$0x3F92]  }
0x29: {  	s4 =	sld [smem:$0x3F94]  }
0x2a: {  	p0 =	seq.s32 s5, $0x0;
	s5 =	sld [smem:$0x3F95]  }
0x2b: {  	s6 =	sld [smem:$0x3F96]  }
0x2c: {  	s7 =	sld [smem:$0x3F97]  }
0x2d: {  	s3 =	simm.s32 $0x108;
	s8 =	sld [smem:$0x3F98]  }
0x2e: {  	s3 =	simm.s32 @!p0 $0x1082;
	s9 =	sld [smem:$0x3F99]  }
0x2f: {  	lr =	sadd.s32 s0, s3;
	s0 =	sld [smem:$0x3F90]  }
0x30: {  	s3 =	sld [smem:$0x3F93]  }
0x31: {  	[smem:$0x3F9C] =	sst s10  }
0x32: {  	s10 =	sld [smem:$0x3F9A];
	_ =	sdelay $0x3  }
0x33: {  	p0 =	seq.s32 s10, $0x1;
	s10 =	sld [smem:$0x3F9C];
	_ =	sdelay $0x3  }
0x34: {  	[smem:$0x3F9C] =	sst s10  }
0x35: {  	s10 =	sld [smem:$0x3F9B];
	_ =	sdelay $0x3  }
0x36: {  	p1 =	seq.s32 s10, $0x1;
	s10 =	sld [smem:$0x3F9C];
	_ =	sdelay $0x3  }
0x37: {  	[smem:$0x3F9C] =	sst s10  }
0x38: {  	s10 =	sld [smem:$0x3F9D]  }
0x39: {  	_ = 	snop;
	(pc) =	sbr.ind lr, $3  }
0x3a: {  	_ = 	snop  }
0x3b: {  	_ = 	snop  }
0x3c: {  	p2 =	seq.s32 s10, $0x1;
	s10 =	sld [smem:$0x3F9C]  }
0x3d: {  	_ =	shalt  }
0x3e: {  	_ =	shalt  }
0x3f: {  	_ =	shalt  }
0x40: {  	_ =	shalt  }
0x41: {  	_ =	shalt  }
0x42: {  	_ =	shalt  }
0x43: {  	_ =	shalt  }
0x44: {  	_ =	shalt  }
0x45: {  	_ =	shalt  }
0x46: {  	_ =	shalt  }
0x47: {  	_ =	shalt  }
0x48: {  	_ =	shalt  }
0x49: {  	_ =	shalt  }
0x4a: {  	_ =	shalt  }
0x4b: {  	_ =	shalt  }
0x4c: {  	_ =	shalt  }
0x4d: {  	_ =	shalt  }
0x4e: {  	_ =	shalt  }
0x4f: {  	_ =	shalt  }
0x50: {  	_ =	shalt  }
0x51: {  	_ =	shalt  }
0x52: {  	_ =	shalt  }
0x53: {  	_ =	shalt  }
0x54: {  	_ =	shalt  }
0x55: {  	_ =	shalt  }
0x56: {  	_ =	shalt  }
0x57: {  	_ =	shalt  }
0x58: {  	_ =	shalt  }
0x59: {  	_ =	shalt  }
0x5a: {  	_ =	shalt  }
0x5b: {  	_ =	shalt  }
0x5c: {  	_ =	shalt  }
0x5d: {  	_ =	shalt  }
0x5e: {  	_ =	shalt  }
0x5f: {  	_ =	shalt  }
0x60: {  	_ =	shalt  }
0x61: {  	_ =	shalt  }
0x62: {  	_ =	shalt  }
0x63: {  	_ =	shalt  }
0x64: {  	_ =	shalt  }
0x65: {  	_ =	shalt  }
0x66: {  	_ =	shalt  }
0x67: {  	_ =	shalt  }
0x68: {  	_ =	shalt  }
0x69: {  	_ =	shalt  }
0x6a: {  	_ =	shalt  }
0x6b: {  	_ =	shalt  }
0x6c: {  	_ =	shalt  }
0x6d: {  	_ =	shalt  }
0x6e: {  	_ =	shalt  }
0x6f: {  	_ =	shalt  }
0x70: {  	_ =	shalt  }
0x71: {  	_ =	shalt  }
0x72: {  	_ =	shalt  }
0x73: {  	_ =	shalt  }
0x74: {  	_ =	shalt  }
0x75: {  	_ =	shalt  }
0x76: {  	_ =	shalt  }
0x77: {  	_ =	shalt  }
0x78: {  	_ =	shalt  }
0x79: {  	_ =	shalt  }
0x7a: {  	_ =	shalt  }
0x7b: {  	_ =	shalt  }
0x7c: {  	_ =	shalt  }
0x7d: {  	_ =	shalt  }
0x7e: {  	_ =	shalt  }
0x7f: {  	_ =	shalt  }
0x80: {  	_ =	shalt  }
0x81: {  	_ =	shalt  }
0x82: {  	_ =	shalt  }
0x83: {  	_ =	shalt  }
0x84: {  	_ =	shalt  }
0x85: {  	_ =	shalt  }
0x86: {  	_ =	shalt  }
0x87: {  	_ =	shalt  }
.Lfunc_end0:
.L_simem_size_0:
called_computation_lowered:
.L_overlay_start_0:
0x88: {  	s2 =	sld [smem:$0x3FD9]  }
0x89: {  	s3 =	sld [smem:$0x3FFE];
	_ =	sdelay $0x1  }
0x8a: {  	s1 =	srdreg.scid  }
0x8b: {  	s0 =	sand.u32 $0x1, s1  }
0x8c: {  	s17 =	sshll.u32 s0, $0xA;
	s2 =	sadd.s32 s3, s2  }
0x8d: {  	s2 =	sadd.s32 s2, s17  }
0x8e: {  	[smem:$0x3FA8] =	sst s2  }
0x8f: {  	_ = 	snop  }
0x90: {  	(tm) =	ssettm $0x1  }
0x91: {  	s18 =	sld [smem:$0x3FFB];
	_ =	sdelay $0x3  }
0x92: {  	_ =	strace s18  }
0x93: {  	s2 =	sld [smem:$0x3FFC];
	_ =	sdelay $0x3  }
0x94: {  	_ =	strace s2  }
0x95: {  	s2 =	sld [smem:$0x3FFD];
	_ =	sdelay $0x3  }
0x96: {  	_ =	strace s2  }
0x97: {  	_ =	strace $0x8FFFFFFF  }
0x98: {  	s19 =	sld [smem:$0x3FDB];
	_ =	sdelay $0x1  }
0x99: {  	s20 =	simm.s32 $_scs_section_size  }
0x9a: {  	s4 =	simm.s32 $_size__tile_overlayer_lowered;
	s5 =	simm.s32 $_tile_overlayer_lowered  }
0x9b: {  	s6 =	simm.s32 $0x1BFF;
	s21 =	sshll.u32 s5, $0x1;
	s3 =	sadd.s32 s20, s19  }
0x9c: {  	s22 =	simm.s32 $0x0;
	s4 =	sshll.u32 s4, $0x1;
	s5 =	sadd.s32 s21, s3  }
0x9d: {  	[timem:s22], [sflag:s6] =	dma.local [hbm:s5], s4  }
0x9e: {  	_ =	swait.ge [sflag:s6], s4  }
0x9f: {  	s4 =	ssub.s32 $0x0, s4;
	[sflag:s6] =	ssyncset.done $0x0  }
0xa0: {  	[sflag:s6] =	ssyncadd.s32 s4;
	_ =	sdelay $0x1  }
0xa1: {  	s23 =	simm.s32 $0x1B8B  }
0xa2: {  	_ =	swait.ge [sflag:s23], $0x1  }
0xa3: {  	[sflag:s23] =	ssyncset.done $0x0  }
0xa4: {  	[sflag:s23] =	ssyncadd.s32 $0xFFFFFFFF  }
0xa5: {  	s4 =	sld [smem:$0x0]  }
0xa6: {  	s5 =	sand.u32 $0xFFFFFFFE, s1  }
0xa7: {  	p0 =	sne.s32 s1, s5  }
0xa8: {  	s5 =	sshll.u32 @p0 s5, $0xE  }
0xa9: {  	s5 =	sadd.s32 @p0 $0x11B8D, s5;
	s6 =	sshll.u32 @p0 s4, $0x11  }
0xaa: {  	s5 =	sor.u32 @p0 s6, s5  }
0xab: {  	[sflag:s5] =	ssyncadd.remote.s32 @p0 $0x1;
	_ =	sdelay $0x1  }
0xac: {  	s5 =	simm.s32 @p0 $0x1B8D  }
0xad: {  	_ =	swait.eq @p0 [sflag:s5], $0x1  }
0xae: {  	[sflag:s5] =	ssyncadd.s32 @p0 $0xFFFFFFFF  }
0xaf: {  	s6 =	sshll.u32 @!p0 s1, $0xE  }
0xb0: {  	s6 =	sor.u32 @!p0 $0x4000, s6;
	s5 =	simm.s32 @!p0 $0x1B8D  }
0xb1: {  	s4 =	sshll.u32 @!p0 s4, $0x11;
	s6 =	sadd.s32 @!p0 $0x11B8D, s6;
	_ =	swait.eq @!p0 [sflag:s5], $0x1  }
0xb2: {  	s4 =	sor.u32 @!p0 s4, s6;
	[sflag:s5] =	ssyncadd.s32 @!p0 $0xFFFFFFFF  }
0xb3: {  	s25 =	simm.s32 $0x1B8E;
	s24 =	sld [smem:$0x3FFE];
	[sflag:s4] =	ssyncadd.remote.s32 @!p0 $0x1  }
0xb4: {  	s26 =	simm.s32 $execute0_lowered;
	[smem:$0x3FD2] =	sst s25  }
0xb5: {  	s5 =	sshll.u32 s26, $0x1;
	_ =	strace $0x8000004F;
	[dreg:$0x1] =	wrdreg $0xFFFFFFFF  }
0xb6: {  	s28 =	simm.s32 $_size_execute0_lowered;
	s3 =	sadd.s32 s3, s5;
	[dreg:$0x0] =	wrdreg $0x0  }
0xb7: {  	s5 =	sshll.u32 s28, $0x1;
	[dreg:$0x2] =	wrdreg s3  }
0xb8: {  	[dreg:$0x3] =	wrdreg s5  }
0xb9: {  	[dreg:$0x4] =	wrdreg $0xC0  }
0xba: {  	_ =	task [dreg:s22], $0x5FFFF  }
0xbb: {  	[dreg:$0x1] =	wrdreg $0xFFFFFFFF  }
0xbc: {  	[dreg:$0x0] =	wrdreg $0x60  }
0xbd: {  	[dreg:$0x2] =	wrdreg s24  }
0xbe: {  	[dreg:$0x3] =	wrdreg $0x40800  }
0xbf: {  	[dreg:$0x4] =	wrdreg $0x9  }
0xc0: {  	_ =	task.clear_ibuf [dreg:s22], $0x5FFFF;
	_ =	strace $0x9000004F  }
0xc1: {  	s29 =	simm.s32 $0x9;
	_ =	strace $0x80000051  }
0xc2: {  	_ =	swait.ge [sflag:s29], $0x1  }
0xc3: {  	[sflag:s29] =	ssyncadd.s32 $0xFFFFFFFF  }
0xc4: {  	_ =	strace $0x90000051  }
0xc5: {  	_ =	sfence  }
0xc6: {  	s30 =	sld [smem:$0x0];
	_ =	sdelay $0x2  }
0xc7: {  	s31 =	sshll.u32 s1, $0xD;
	s1 =	sshrl.u32 s1, $0x2  }
0xc8: {  	s4 =	sand.u32 $0x4000, s31;
	s1 =	sadd.s32 s1, s30  }
0xc9: {  	s0 =	sor.u32 s4, s0;
	s1 =	sshll.u32 s1, $0x11  }
0xca: {  	s0 =	sor.u32 s1, s0  }
0xcb: {  	s0 =	sadd.s32 $0x8F2B, s0  }
0xcc: {  	[sflag:s0] =	ssyncadd.remote.s32 $0x1  }
0xcd: {  	_ =	sfence.sel $0xFFFF  }
0xce: {  	[dreg:$0x0] =	wrdreg $0xFFFFFFFF;
	(pc) =	sbr.abs _section_cstart, $3  }
0xcf: {  	[dreg:$0x1] =	wrdreg $0xFFFFFFFF  }
0xd0: {  	_ =	task.clear_ibuf [dreg:s22], $0x2FFFF;
	_ =	strace $0x9FFFFFFF  }
0xd1: {  	(tm) =	ssettm $0x7FFFFFFF  }
tec
execute0_lowered:
.L_overlay_start_1:
0x0: {  	(tag) =	ssettag $0x1  }
0x1: {  	s18 =	rddreg [dreg:$0x0];
	s0 =	stileid.u32  }
0x2: {  	s2 =	rddreg [dreg:$0x1];
	s4 =	smul.u32 $0x2780, s0  }
0x3: {  	s1 =	rddreg [dreg:$0x2];
	s3 =	simm.s32 $0x0;
	s5 =	smul.u32 $0x4F000, s0  }
0x4: {  	[smem:$0x7FF] =	sst s3  }
0x5: {  	s29 =	sshll.u32 s0, $0x6;
	s4 =	sadd.s32 s4, s18;
	s5 =	sshrl.u32 s5, $0x2  }
0x6: {  	_ =	strace $0x80000050;
	s6 =	sadd.s32 s5, s2;
	s4 =	sadd.s32 $0x68C00, s4  }
0x7: {  	s5 =	sor.u32 $0x1C01, s29;
	s7 =	sshrl.u32 s6, $0x3;
	s6 =	simm.s32 $0x1  }
0x8: {  	[spmem:s7], [sflag:s5] =	dma.local [hbm:s4], $0x2780  }
0x9: {  	_ =	swait.ge [sflag:s6], $0x2780  }
0xa: {  	s9 =	srdreg.scid;
	[sflag:s6] =	ssyncset.done $0x0  }
0xb: {  	s8 =	sadd.s32 $0xE1600, s18;
	s10 =	sshll.u32 s0, $0x7;
	[sflag:s6] =	ssyncadd.s32 $0xFFFFD880  }
0xc: {  	s19 =	sand.u32 $0x1, s9;
	s9 =	simm.s32 $0x80;
	[bflag:$0x0] =	sbarrier.arrive $0xFFFF  }
0xd: {  	[tilespmem:s9], [sflag:$0x1] =	stream.linear.gather [hbm4b:s8+s3], $0x4000, $0x38;
	[tilespmem:$0x17C80] =	vst v63  }
0xe: {  	s10 =	sadd.s32 s10, s18;
	s11 =	sshll.u32 s19, $0xB;
	_ =	swait.ge [sflag:s6], $0x4000  }
0xf: {  	s17 =	sadd.s32 s11, s10;
	[sflag:s6] =	ssyncset.done $0x0  }
0x10: {  	s10 =	sadd.s32 $0xDF600, s17;
	[sflag:s6] =	ssyncadd.s32 $0xFFFFC000  }
0x11: {  	[tilespmem:s3], [sflag:$0x1] =	stream.linear.gather [hbm4b:s10+s3], $0x80, $0x38;
	[tilespmem:$0x17C80] =	vst v63  }
0x12: {  	_ =	swait.ge [sflag:s6], $0x80  }
0x13: {  	[sflag:s6] =	ssyncset.done $0x0  }
0x14: {  	[sflag:s6] =	ssyncadd.s32 $0xFFFFFF80  }
0x15: {  	[spmem:s2] =	stream.indirect.scatter.add.f32 [tilespmem:s9], [sflag:$0x1], $0x80, s3, s9, $0xb8;
	[tilespmem:$0x17C80] =	vst v63  }
0x16: {  	_ =	swait.ge [sflag:s6], $0x4000  }
0x17: {  	[sflag:s6] =	ssyncset.done $0x0  }
0x18: {  	s11 =	sadd.s32 $0xDF610, s17;
	[sflag:s6] =	ssyncadd.s32 $0xFFFFC000  }
0x19: {  	[tilespmem:s3], [sflag:$0x1] =	stream.linear.gather [hbm4b:s11+s3], $0x80, $0x38;
	[tilespmem:$0x17C80] =	vst v63  }
0x1a: {  	_ =	swait.ge [sflag:s6], $0x80  }
0x1b: {  	[sflag:s6] =	ssyncset.done $0x0  }
0x1c: {  	[sflag:s6] =	ssyncadd.s32 $0xFFFFFF80  }
0x1d: {  	[spmem:s2] =	stream.indirect.scatter.add.f32 [tilespmem:s9], [sflag:$0x1], $0x80, s3, s9, $0xb8;
	[tilespmem:$0x17C80] =	vst v63  }
0x1e: {  	_ =	swait.ge [sflag:s6], $0x4000  }
0x1f: {  	[sflag:s6] =	ssyncset.done $0x0  }
0x20: {  	s12 =	sadd.s32 $0xDF620, s17;
	[sflag:s6] =	ssyncadd.s32 $0xFFFFC000  }
0x21: {  	[tilespmem:s3], [sflag:$0x1] =	stream.linear.gather [hbm4b:s12+s3], $0x80, $0x38;
	[tilespmem:$0x17C80] =	vst v63  }
0x22: {  	_ =	swait.ge [sflag:s6], $0x80  }
0x23: {  	[sflag:s6] =	ssyncset.done $0x0  }
0x24: {  	[sflag:s6] =	ssyncadd.s32 $0xFFFFFF80  }
0x25: {  	[spmem:s2] =	stream.indirect.scatter.add.f32 [tilespmem:s9], [sflag:$0x1], $0x80, s3, s9, $0xb8;
	[tilespmem:$0x17C80] =	vst v63  }
0x26: {  	_ =	swait.ge [sflag:s6], $0x4000  }
0x27: {  	[sflag:s6] =	ssyncset.done $0x0  }
0x28: {  	s13 =	sadd.s32 $0xDF630, s17;
	[sflag:s6] =	ssyncadd.s32 $0xFFFFC000  }
0x29: {  	[tilespmem:s3], [sflag:$0x1] =	stream.linear.gather [hbm4b:s13+s3], $0x80, $0x38;
	[tilespmem:$0x17C80] =	vst v63  }
0x2a: {  	_ =	swait.ge [sflag:s6], $0x80  }
0x2b: {  	[sflag:s6] =	ssyncset.done $0x0  }
0x2c: {  	[sflag:s6] =	ssyncadd.s32 $0xFFFFFF80  }
0x2d: {  	[spmem:s2] =	stream.indirect.scatter.add.f32 [tilespmem:s9], [sflag:$0x1], $0x80, s3, s9, $0xb8;
	[tilespmem:$0x17C80] =	vst v63  }
0x2e: {  	_ =	swait.ge [sflag:s6], $0x4000  }
0x2f: {  	[sflag:s6] =	ssyncset.done $0x0  }
0x30: {  	s14 =	sadd.s32 $0xDF640, s17;
	[sflag:s6] =	ssyncadd.s32 $0xFFFFC000  }
0x31: {  	[tilespmem:s3], [sflag:$0x1] =	stream.linear.gather [hbm4b:s14+s3], $0x80, $0x38;
	[tilespmem:$0x17C80] =	vst v63  }
0x32: {  	_ =	swait.ge [sflag:s6], $0x80  }
0x33: {  	[sflag:s6] =	ssyncset.done $0x0  }
0x34: {  	[sflag:s6] =	ssyncadd.s32 $0xFFFFFF80  }
0x35: {  	[spmem:s2] =	stream.indirect.scatter.add.f32 [tilespmem:s9], [sflag:$0x1], $0x80, s3, s9, $0xb8;
	[tilespmem:$0x17C80] =	vst v63  }
0x36: {  	_ =	swait.ge [sflag:s6], $0x4000  }
0x37: {  	[sflag:s6] =	ssyncset.done $0x0  }
0x38: {  	s15 =	sadd.s32 $0xDF650, s17;
	[sflag:s6] =	ssyncadd.s32 $0xFFFFC000  }
0x39: {  	[tilespmem:s3], [sflag:$0x1] =	stream.linear.gather [hbm4b:s15+s3], $0x80, $0x38;
	[tilespmem:$0x17C80] =	vst v63  }
0x3a: {  	_ =	swait.ge [sflag:s6], $0x80  }
0x3b: {  	[sflag:s6] =	ssyncset.done $0x0  }
0x3c: {  	[sflag:s6] =	ssyncadd.s32 $0xFFFFFF80  }
0x3d: {  	[spmem:s2] =	stream.indirect.scatter.add.f32 [tilespmem:s9], [sflag:$0x1], $0x80, s3, s9, $0xb8;
	[tilespmem:$0x17C80] =	vst v63  }
0x3e: {  	_ =	swait.ge [sflag:s6], $0x4000  }
0x3f: {  	[sflag:s6] =	ssyncset.done $0x0  }
0x40: {  	s16 =	sadd.s32 $0xDF660, s17;
	[sflag:s6] =	ssyncadd.s32 $0xFFFFC000  }
0x41: {  	[tilespmem:s3], [sflag:$0x1] =	stream.linear.gather [hbm4b:s16+s3], $0x80, $0x38;
	[tilespmem:$0x17C80] =	vst v63  }
0x42: {  	_ =	swait.ge [sflag:s6], $0x80  }
0x43: {  	[sflag:s6] =	ssyncset.done $0x0  }
0x44: {  	[sflag:s6] =	ssyncadd.s32 $0xFFFFFF80  }
0x45: {  	[spmem:s2] =	stream.indirect.scatter.add.f32 [tilespmem:s9], [sflag:$0x1], $0x80, s3, s9, $0xb8;
	[tilespmem:$0x17C80] =	vst v63  }
0x46: {  	_ =	swait.ge [sflag:s6], $0x4000  }
0x47: {  	s30 =	smul.u32 $0x278, s0;
	s20 =	ssub.s32 $0x2, s19;
	[sflag:s6] =	ssyncset.done $0x0  }
0x48: {  	p0 =	seq.s32 s19, $0x1;
	s17 =	sadd.s32 $0xDF670, s17;
	[sflag:s6] =	ssyncadd.s32 $0xFFFFC000  }
0x49: {  	[tilespmem:s3], [sflag:$0x1] =	stream.linear.gather [hbm4b:s17+s3], $0x80, $0x38;
	[tilespmem:$0x17C80] =	vst v63  }
0x4a: {  	s19 =	simm.s32 $0x116800;
	s21 =	sshrl.u32 s20, $0x1;
	_ =	swait.ge [sflag:s6], $0x80  }
0x4b: {  	s19 =	simm.s32 @!p0 $0xEF600;
	s20 =	ssub.s32 s20, s21;
	[sflag:s6] =	ssyncset.done $0x0  }
0x4c: {  	s21 =	smin.u32 s30, $0x2498;
	s18 =	sadd.s32 s19, s18;
	[sflag:s6] =	ssyncadd.s32 $0xFFFFFF80  }
0x4d: {  	[spmem:s2] =	stream.indirect.scatter.add.f32 [tilespmem:s9], [sflag:$0x1], $0x80, s3, s9, $0xb8;
	[tilespmem:$0x17C80] =	vst v63  }
0x4e: {  	s31 =	sshll.u32 s21, $0x7;
	s20 =	smax.u32 s20, $0x1;
	_ =	swait.ge [sflag:s6], $0x4000  }
0x4f: {  	s21 =	sshll.u32 s21, $0x4;
	p0 =	sne.s32 s20, $0x1;
	[sflag:s6] =	ssyncset.done $0x0  }
.Ltmp0:
0x50: {  	s19 =	sadd.s32 s31, s2;
	[sflag:s6] =	ssyncadd.s32 $0xFFFFC000;
	(pc) =	sbr.rel @!p0 .LBB2_2-.Ltmp0, $4  }
0x51: {  	s18 =	sadd.s32 s18, s21;
	s19 =	sshrl.u32 s19, $0x3;
	[bflag:$0x0] =	sbarrier.arrive $0xFFFF  }
0x52: {  	[hbm:s18], [sflag:s5] =	dma.local [spmem:s19], $0x2780  }
0x53: {  	_ =	swait.ge [sflag:s6], $0x2780  }
0x54: {  	s20 =	sadd.s32 $0xFFFFFFFF, s20;
	[sflag:s6] =	ssyncset.done $0x0  }
.LBB2_1:
0x55: {  	p0 =	sne.s32 s20, $0x1;
	s20 =	sadd.s32 $0xFFFFFFFF, s20;
	[sflag:s6] =	ssyncadd.s32 $0xFFFFD880  }
0x56: {  	[spmem:s7], [sflag:s5] =	dma.local [hbm:s4], $0x2780  }
0x57: {  	_ =	swait.ge [sflag:s6], $0x2780  }
0x58: {  	[sflag:s6] =	ssyncset.done $0x0  }
0x59: {  	[sflag:s6] =	ssyncadd.s32 $0xFFFFD880  }
0x5a: {  	[bflag:$0x0] =	sbarrier.arrive $0xFFFF  }
0x5b: {  	[tilespmem:s9], [sflag:$0x1] =	stream.linear.gather [hbm4b:s8+s3], $0x4000, $0x38;
	[tilespmem:$0x17C80] =	vst v63  }
0x5c: {  	_ =	swait.ge [sflag:s6], $0x4000  }
0x5d: {  	[sflag:s6] =	ssyncset.done $0x0  }
0x5e: {  	[sflag:s6] =	ssyncadd.s32 $0xFFFFC000  }
0x5f: {  	[tilespmem:s3], [sflag:$0x1] =	stream.linear.gather [hbm4b:s10+s3], $0x80, $0x38;
	[tilespmem:$0x17C80] =	vst v63  }
0x60: {  	_ =	swait.ge [sflag:s6], $0x80  }
0x61: {  	[sflag:s6] =	ssyncset.done $0x0  }
0x62: {  	[sflag:s6] =	ssyncadd.s32 $0xFFFFFF80  }
0x63: {  	[spmem:s2] =	stream.indirect.scatter.add.f32 [tilespmem:s9], [sflag:$0x1], $0x80, s3, s9, $0xb8;
	[tilespmem:$0x17C80] =	vst v63  }
0x64: {  	_ =	swait.ge [sflag:s6], $0x4000  }
0x65: {  	[sflag:s6] =	ssyncset.done $0x0  }
0x66: {  	[sflag:s6] =	ssyncadd.s32 $0xFFFFC000  }
0x67: {  	[tilespmem:s3], [sflag:$0x1] =	stream.linear.gather [hbm4b:s11+s3], $0x80, $0x38;
	[tilespmem:$0x17C80] =	vst v63  }
0x68: {  	_ =	swait.ge [sflag:s6], $0x80  }
0x69: {  	[sflag:s6] =	ssyncset.done $0x0  }
0x6a: {  	[sflag:s6] =	ssyncadd.s32 $0xFFFFFF80  }
0x6b: {  	[spmem:s2] =	stream.indirect.scatter.add.f32 [tilespmem:s9], [sflag:$0x1], $0x80, s3, s9, $0xb8;
	[tilespmem:$0x17C80] =	vst v63  }
0x6c: {  	_ =	swait.ge [sflag:s6], $0x4000  }
0x6d: {  	[sflag:s6] =	ssyncset.done $0x0  }
0x6e: {  	[sflag:s6] =	ssyncadd.s32 $0xFFFFC000  }
0x6f: {  	[tilespmem:s3], [sflag:$0x1] =	stream.linear.gather [hbm4b:s12+s3], $0x80, $0x38;
	[tilespmem:$0x17C80] =	vst v63  }
0x70: {  	_ =	swait.ge [sflag:s6], $0x80  }
0x71: {  	[sflag:s6] =	ssyncset.done $0x0  }
0x72: {  	[sflag:s6] =	ssyncadd.s32 $0xFFFFFF80  }
0x73: {  	[spmem:s2] =	stream.indirect.scatter.add.f32 [tilespmem:s9], [sflag:$0x1], $0x80, s3, s9, $0xb8;
	[tilespmem:$0x17C80] =	vst v63  }
0x74: {  	_ =	swait.ge [sflag:s6], $0x4000  }
0x75: {  	[sflag:s6] =	ssyncset.done $0x0  }
0x76: {  	[sflag:s6] =	ssyncadd.s32 $0xFFFFC000  }
0x77: {  	[tilespmem:s3], [sflag:$0x1] =	stream.linear.gather [hbm4b:s13+s3], $0x80, $0x38;
	[tilespmem:$0x17C80] =	vst v63  }
0x78: {  	_ =	swait.ge [sflag:s6], $0x80  }
0x79: {  	[sflag:s6] =	ssyncset.done $0x0  }
0x7a: {  	[sflag:s6] =	ssyncadd.s32 $0xFFFFFF80  }
0x7b: {  	[spmem:s2] =	stream.indirect.scatter.add.f32 [tilespmem:s9], [sflag:$0x1], $0x80, s3, s9, $0xb8;
	[tilespmem:$0x17C80] =	vst v63  }
0x7c: {  	_ =	swait.ge [sflag:s6], $0x4000  }
0x7d: {  	[sflag:s6] =	ssyncset.done $0x0  }
0x7e: {  	[sflag:s6] =	ssyncadd.s32 $0xFFFFC000  }
0x7f: {  	[tilespmem:s3], [sflag:$0x1] =	stream.linear.gather [hbm4b:s14+s3], $0x80, $0x38;
	[tilespmem:$0x17C80] =	vst v63  }
0x80: {  	_ =	swait.ge [sflag:s6], $0x80  }
0x81: {  	[sflag:s6] =	ssyncset.done $0x0  }
0x82: {  	[sflag:s6] =	ssyncadd.s32 $0xFFFFFF80  }
0x83: {  	[spmem:s2] =	stream.indirect.scatter.add.f32 [tilespmem:s9], [sflag:$0x1], $0x80, s3, s9, $0xb8;
	[tilespmem:$0x17C80] =	vst v63  }
0x84: {  	_ =	swait.ge [sflag:s6], $0x4000  }
0x85: {  	[sflag:s6] =	ssyncset.done $0x0  }
0x86: {  	[sflag:s6] =	ssyncadd.s32 $0xFFFFC000  }
0x87: {  	[tilespmem:s3], [sflag:$0x1] =	stream.linear.gather [hbm4b:s15+s3], $0x80, $0x38;
	[tilespmem:$0x17C80] =	vst v63  }
0x88: {  	_ =	swait.ge [sflag:s6], $0x80  }
0x89: {  	[sflag:s6] =	ssyncset.done $0x0  }
0x8a: {  	[sflag:s6] =	ssyncadd.s32 $0xFFFFFF80  }
0x8b: {  	[spmem:s2] =	stream.indirect.scatter.add.f32 [tilespmem:s9], [sflag:$0x1], $0x80, s3, s9, $0xb8;
	[tilespmem:$0x17C80] =	vst v63  }
0x8c: {  	_ =	swait.ge [sflag:s6], $0x4000  }
0x8d: {  	[sflag:s6] =	ssyncset.done $0x0  }
0x8e: {  	[sflag:s6] =	ssyncadd.s32 $0xFFFFC000  }
0x8f: {  	[tilespmem:s3], [sflag:$0x1] =	stream.linear.gather [hbm4b:s16+s3], $0x80, $0x38;
	[tilespmem:$0x17C80] =	vst v63  }
0x90: {  	_ =	swait.ge [sflag:s6], $0x80  }
0x91: {  	[sflag:s6] =	ssyncset.done $0x0  }
0x92: {  	[sflag:s6] =	ssyncadd.s32 $0xFFFFFF80  }
0x93: {  	[spmem:s2] =	stream.indirect.scatter.add.f32 [tilespmem:s9], [sflag:$0x1], $0x80, s3, s9, $0xb8;
	[tilespmem:$0x17C80] =	vst v63  }
0x94: {  	_ =	swait.ge [sflag:s6], $0x4000  }
0x95: {  	[sflag:s6] =	ssyncset.done $0x0  }
0x96: {  	[sflag:s6] =	ssyncadd.s32 $0xFFFFC000  }
0x97: {  	[tilespmem:s3], [sflag:$0x1] =	stream.linear.gather [hbm4b:s17+s3], $0x80, $0x38;
	[tilespmem:$0x17C80] =	vst v63  }
0x98: {  	_ =	swait.ge [sflag:s6], $0x80  }
0x99: {  	[sflag:s6] =	ssyncset.done $0x0  }
0x9a: {  	[sflag:s6] =	ssyncadd.s32 $0xFFFFFF80  }
0x9b: {  	[spmem:s2] =	stream.indirect.scatter.add.f32 [tilespmem:s9], [sflag:$0x1], $0x80, s3, s9, $0xb8;
	[tilespmem:$0x17C80] =	vst v63  }
0x9c: {  	_ =	swait.ge [sflag:s6], $0x4000  }
0x9d: {  	[sflag:s6] =	ssyncset.done $0x0  }
.Ltmp1:
0x9e: {  	[sflag:s6] =	ssyncadd.s32 $0xFFFFC000;
	(pc) =	sbr.rel @p0 .LBB2_1-.Ltmp1, $4  }
0x9f: {  	[bflag:$0x0] =	sbarrier.arrive $0xFFFF  }
0xa0: {  	[hbm:s18], [sflag:s5] =	dma.local [spmem:s19], $0x2780  }
0xa1: {  	_ =	swait.ge [sflag:s6], $0x2780  }
0xa2: {  	[sflag:s6] =	ssyncset.done $0x0  }
.LBB2_2:
0xa3: {  	[sflag:s6] =	ssyncadd.s32 $0xFFFFD880  }
0xa4: {  	_ =	sfence.sel $0x180000  }
0xa5: {  	[bflag:$0x0] =	sbarrier.arrive $0xFFFF  }
0xa6: {  	p0 =	sne.s32 s0, $0x0;
	_ =	strace $0x90000050  }
0xa7: {  	s0 =	sadd.s32 @!p0 $0x100000, s1;
	[bflag:$0x2] =	sbarrier.arrive $0xFFFF  }
0xa8: {  	[sflag:s0] =	ssyncadd.tile.s32 @!p0 $0x1;
	_ =	shalt  }
.Lfunc_end2:
_tile_overlayer_lowered:
.L_overlay_start_2:
0xa9: {  	(tag) =	ssettag $0x2  }
0xaa: {  	s0 =	rddreg [dreg:$0x0];
	s2 =	stileid.u32  }
0xab: {  	s1 =	rddreg [dreg:$0x1];
	p0 =	sne.s32 s2, $0x0  }
0xac: {  	s3 =	rddreg [dreg:$0x2];
	[bflag:$0x3] =	sbarrier.arrive $0xFFFF;
	s2 =	simm.s32 @!p0 $0x1C01  }
0xad: {  	[timem:s3], [sflag:s2] =	dma.local @!p0 [hbm:s0], s1  }
0xae: {  	s0 =	simm.s32 @!p0 $0x1  }
0xaf: {  	_ =	swait.ge @!p0 [sflag:s0], s1  }
0xb0: {  	s1 =	ssub.s32 @!p0 $0x0, s1;
	[sflag:s0] =	ssyncset.done @!p0 $0x0  }
0xb1: {  	[sflag:s0] =	ssyncadd.s32 @!p0 s1  }
0xb2: {  	[bflag:$0x3] =	sbarrier.arrive $0xFFFF  }
0xb3: {  	_ =	shalt  }

// kernel: kernel.25.cloned.1.call-start
scs
__scs_entry_jumppad:
0x0: {  	(pc) =	sbr.rel $0x88, $3  }
0x1: {  	(tag) =	ssettag $0x0;
	lr =	simm.s32 $0x1  }
0x2: {  	[smem:$0x3F81] =	sst lr;
	_ =	strace $0xD0000000  }
0x3: {  	_ = 	snop  }
0x4: {  	_ = 	snop  }
0x5: {  	_ = 	snop  }
0x6: {  	_ = 	snop  }
0x7: {  	_ = 	snop  }
__scs_overlays_trampoline_lowered:
0x8: {  	[smem:$0x3F90] =	sst s0  }
0x9: {  	[smem:$0x3F91] =	sst s1  }
0xa: {  	[smem:$0x3F92] =	sst s2  }
0xb: {  	[smem:$0x3F93] =	sst s3  }
0xc: {  	[smem:$0x3F94] =	sst s4  }
0xd: {  	[smem:$0x3F95] =	sst s5  }
0xe: {  	[smem:$0x3F96] =	sst s6  }
0xf: {  	[smem:$0x3F97] =	sst s7  }
0x10: {  	[smem:$0x3F98] =	sst s8  }
0x11: {  	[smem:$0x3F99] =	sst s9;
	s0 =	simm.s32 @!p0 $0x0  }
0x12: {  	s1 =	sld [smem:$0x3F7F];
	s0 =	simm.s32 @p0 $0x1  }
0x13: {  	[smem:$0x3F9A] =	sst s0;
	s0 =	simm.s32 @!p1 $0x0  }
0x14: {  	s2 =	sld [smem:$0x3F7E];
	s0 =	simm.s32 @p1 $0x1  }
0x15: {  	[smem:$0x3F9B] =	sst s0;
	s0 =	simm.s32 @!p2 $0x0  }
0x16: {  	s3 =	sld [smem:$0x3FDB];
	s0 =	simm.s32 @p2 $0x1  }
0x17: {  	s4 =	simm.s32 $0x1BF5;
	[smem:$0x3F9D] =	sst s0  }
0x18: {  	s0 =	sld [smem:$0x3F80];
	_ =	swait.ge [sflag:s4], $0x0  }
0x19: {  	s7 =	sld [smem:$0x3F81]  }
0x1a: {  	s8 =	sadd.s32 $0xFFFFE003, lr  }
0x1b: {  	s9 =	sadd.s32 $0xFFFFFEF7, lr;
	s5 =	simm.s32 $0xFFFFFFFF;
	p2 =	slt.u32 s8, $0xFFFFF086  }
0x1c: {  	p1 =	slt.u32 s9, $0xF7A;
	s5 =	simm.s32 @!p2 $0x0  }
0x1d: {  	s5 =	simm.s32 @p1 $0x1;
	p0 =	seq.s32 s7, s2  }
0x1e: {  	s7 =	smul.u32 @!p0 $0xF7A, s2;
	p2 =	seq.s32 @!p0 s5, $0x0  }
0x1f: {  	s9 =	smul.u32 $0xF7A, s1;
	s8 =	simm.s32 @!p0 $0x1BF5;
	p2 =	por !p2, p0  }
0x20: {  	[sflag:s8] =	ssyncset.s32 @!p0 $0xFFFFF086;
	s6 =	sadd.s32 @!p0 s3, s7;
	s7 =	simm.s32 @!p0 $0x108  }
0x21: {  	s3 =	sadd.s32 s3, s9;
	s6 =	sadd.s32 @!p0 $0x88, s6;
	s7 =	simm.s32 @p2 $0x1082  }
0x22: {  	[simem:s7], [sflag:s8] =	dma.local @!p0 [hbm:s6], $0xF7A  }
0x23: {  	s9 =	sor.u32 $0xD0000000, s2;
	s6 =	simm.s32 $0x108;
	_ =	swait.ge @!p0 [sflag:s8], $0x0  }
0x24: {  	s3 =	sadd.s32 $0x88, s3;
	s6 =	simm.s32 @!p1 $0x1082;
	[sflag:s4] =	ssyncset.s32 $0xFFFFF086  }
0x25: {  	[simem:s6], [sflag:s4] =	dma.local [hbm:s3], $0xF7A  }
0x26: {  	[smem:$0x3F81] =	sst s1;
	(tag) =	ssettag s2;
	_ =	strace s9  }
0x27: {  	s1 =	sld [smem:$0x3F91]  }
0x28: {  	s2 =	sld [smem:$0x3F92]  }
0x29: {  	s4 =	sld [smem:$0x3F94]  }
0x2a: {  	p0 =	seq.s32 s5, $0x0;
	s5 =	sld [smem:$0x3F95]  }
0x2b: {  	s6 =	sld [smem:$0x3F96]  }
0x2c: {  	s7 =	sld [smem:$0x3F97]  }
0x2d: {  	s3 =	simm.s32 $0x108;
	s8 =	sld [smem:$0x3F98]  }
0x2e: {  	s3 =	simm.s32 @!p0 $0x1082;
	s9 =	sld [smem:$0x3F99]  }
0x2f: {  	lr =	sadd.s32 s0, s3;
	s0 =	sld [smem:$0x3F90]  }
0x30: {  	s3 =	sld [smem:$0x3F93]  }
0x31: {  	[smem:$0x3F9C] =	sst s10  }
0x32: {  	s10 =	sld [smem:$0x3F9A];
	_ =	sdelay $0x3  }
0x33: {  	p0 =	seq.s32 s10, $0x1;
	s10 =	sld [smem:$0x3F9C];
	_ =	sdelay $0x3  }
0x34: {  	[smem:$0x3F9C] =	sst s10  }
0x35: {  	s10 =	sld [smem:$0x3F9B];
	_ =	sdelay $0x3  }
0x36: {  	p1 =	seq.s32 s10, $0x1;
	s10 =	sld [smem:$0x3F9C];
	_ =	sdelay $0x3  }
0x37: {  	[smem:$0x3F9C] =	sst s10  }
0x38: {  	s10 =	sld [smem:$0x3F9D]  }
0x39: {  	_ = 	snop;
	(pc) =	sbr.ind lr, $3  }
0x3a: {  	_ = 	snop  }
0x3b: {  	_ = 	snop  }
0x3c: {  	p2 =	seq.s32 s10, $0x1;
	s10 =	sld [smem:$0x3F9C]  }
0x3d: {  	_ =	shalt  }
0x3e: {  	_ =	shalt  }
0x3f: {  	_ =	shalt  }
0x40: {  	_ =	shalt  }
0x41: {  	_ =	shalt  }
0x42: {  	_ =	shalt  }
0x43: {  	_ =	shalt  }
0x44: {  	_ =	shalt  }
0x45: {  	_ =	shalt  }
0x46: {  	_ =	shalt  }
0x47: {  	_ =	shalt  }
0x48: {  	_ =	shalt  }
0x49: {  	_ =	shalt  }
0x4a: {  	_ =	shalt  }
0x4b: {  	_ =	shalt  }
0x4c: {  	_ =	shalt  }
0x4d: {  	_ =	shalt  }
0x4e: {  	_ =	shalt  }
0x4f: {  	_ =	shalt  }
0x50: {  	_ =	shalt  }
0x51: {  	_ =	shalt  }
0x52: {  	_ =	shalt  }
0x53: {  	_ =	shalt  }
0x54: {  	_ =	shalt  }
0x55: {  	_ =	shalt  }
0x56: {  	_ =	shalt  }
0x57: {  	_ =	shalt  }
0x58: {  	_ =	shalt  }
0x59: {  	_ =	shalt  }
0x5a: {  	_ =	shalt  }
0x5b: {  	_ =	shalt  }
0x5c: {  	_ =	shalt  }
0x5d: {  	_ =	shalt  }
0x5e: {  	_ =	shalt  }
0x5f: {  	_ =	shalt  }
0x60: {  	_ =	shalt  }
0x61: {  	_ =	shalt  }
0x62: {  	_ =	shalt  }
0x63: {  	_ =	shalt  }
0x64: {  	_ =	shalt  }
0x65: {  	_ =	shalt  }
0x66: {  	_ =	shalt  }
0x67: {  	_ =	shalt  }
0x68: {  	_ =	shalt  }
0x69: {  	_ =	shalt  }
0x6a: {  	_ =	shalt  }
0x6b: {  	_ =	shalt  }
0x6c: {  	_ =	shalt  }
0x6d: {  	_ =	shalt  }
0x6e: {  	_ =	shalt  }
0x6f: {  	_ =	shalt  }
0x70: {  	_ =	shalt  }
0x71: {  	_ =	shalt  }
0x72: {  	_ =	shalt  }
0x73: {  	_ =	shalt  }
0x74: {  	_ =	shalt  }
0x75: {  	_ =	shalt  }
0x76: {  	_ =	shalt  }
0x77: {  	_ =	shalt  }
0x78: {  	_ =	shalt  }
0x79: {  	_ =	shalt  }
0x7a: {  	_ =	shalt  }
0x7b: {  	_ =	shalt  }
0x7c: {  	_ =	shalt  }
0x7d: {  	_ =	shalt  }
0x7e: {  	_ =	shalt  }
0x7f: {  	_ =	shalt  }
0x80: {  	_ =	shalt  }
0x81: {  	_ =	shalt  }
0x82: {  	_ =	shalt  }
0x83: {  	_ =	shalt  }
0x84: {  	_ =	shalt  }
0x85: {  	_ =	shalt  }
0x86: {  	_ =	shalt  }
0x87: {  	_ =	shalt  }
.Lfunc_end0:
.L_simem_size_0:
called_computation.1_lowered:
.L_overlay_start_0:
0x88: {  	s2 =	sld [smem:$0x3FD9]  }
0x89: {  	s3 =	sld [smem:$0x3FFE];
	_ =	sdelay $0x1  }
0x8a: {  	s1 =	srdreg.scid  }
0x8b: {  	s0 =	sand.u32 $0x1, s1  }
0x8c: {  	s16 =	sshll.u32 s0, $0xA;
	s2 =	sadd.s32 s3, s2  }
0x8d: {  	s2 =	sadd.s32 s2, s16  }
0x8e: {  	[smem:$0x3FA8] =	sst s2  }
0x8f: {  	_ = 	snop  }
0x90: {  	(tm) =	ssettm $0x1  }
0x91: {  	s17 =	sld [smem:$0x3FFB];
	_ =	sdelay $0x3  }
0x92: {  	_ =	strace s17  }
0x93: {  	s2 =	sld [smem:$0x3FFC];
	_ =	sdelay $0x3  }
0x94: {  	_ =	strace s2  }
0x95: {  	s2 =	sld [smem:$0x3FFD];
	_ =	sdelay $0x3  }
0x96: {  	_ =	strace s2  }
0x97: {  	_ =	strace $0x8FFFFFFF  }
0x98: {  	s18 =	sld [smem:$0x3FDB];
	_ =	sdelay $0x1  }
0x99: {  	s19 =	simm.s32 $_scs_section_size  }
0x9a: {  	s4 =	simm.s32 $_size__tile_overlayer_lowered;
	s5 =	simm.s32 $_tile_overlayer_lowered  }
0x9b: {  	s22 =	simm.s32 $0x1BFF;
	s21 =	sshll.u32 s5, $0x1;
	s2 =	sadd.s32 s19, s18  }
0x9c: {  	s6 =	simm.s32 $0x0;
	s20 =	sshll.u32 s4, $0x1;
	s4 =	sadd.s32 s21, s2  }
0x9d: {  	[timem:s6], [sflag:s22] =	dma.local [hbm:s4], s20  }
0x9e: {  	_ =	swait.ge [sflag:s22], s20  }
0x9f: {  	s3 =	ssub.s32 $0x0, s20;
	[sflag:s22] =	ssyncset.done $0x0  }
0xa0: {  	[sflag:s22] =	ssyncadd.s32 s3;
	_ =	sdelay $0x1  }
0xa1: {  	s23 =	simm.s32 $0x1B8B  }
0xa2: {  	_ =	swait.ge [sflag:s23], $0x1  }
0xa3: {  	[sflag:s23] =	ssyncset.done $0x0  }
0xa4: {  	s25 =	simm.s32 $0x1B8E;
	s24 =	sld [smem:$0x3FFE];
	[sflag:s23] =	ssyncadd.s32 $0xFFFFFFFF  }
0xa5: {  	s26 =	simm.s32 $execute0_lowered;
	[smem:$0x3FD2] =	sst s25  }
0xa6: {  	s4 =	sshll.u32 s26, $0x1;
	_ =	strace $0x80000046;
	[dreg:$0x1] =	wrdreg $0xFFFFFFFF  }
0xa7: {  	s28 =	simm.s32 $_size_execute0_lowered;
	s2 =	sadd.s32 s2, s4;
	[dreg:$0x0] =	wrdreg $0x0  }
0xa8: {  	s4 =	sshll.u32 s28, $0x1;
	[dreg:$0x2] =	wrdreg s2  }
0xa9: {  	[dreg:$0x3] =	wrdreg s4  }
0xaa: {  	[dreg:$0x4] =	wrdreg $0xC0  }
0xab: {  	_ =	task [dreg:s6], $0x5FFFF  }
0xac: {  	[dreg:$0x1] =	wrdreg $0xFFFFFFFF  }
0xad: {  	[dreg:$0x0] =	wrdreg $0x60  }
0xae: {  	[dreg:$0x2] =	wrdreg s24  }
0xaf: {  	[dreg:$0x3] =	wrdreg $0x81000  }
0xb0: {  	[dreg:$0x4] =	wrdreg $0x9  }
0xb1: {  	_ =	task.clear_ibuf [dreg:s6], $0x5FFFF;
	_ =	strace $0x90000046  }
0xb2: {  	s29 =	simm.s32 $0x9;
	_ =	strace $0x80000048  }
0xb3: {  	_ =	swait.ge [sflag:s29], $0x1  }
0xb4: {  	[sflag:s29] =	ssyncadd.s32 $0xFFFFFFFF  }
0xb5: {  	_ =	strace $0x90000048  }
0xb6: {  	_ =	sfence  }
0xb7: {  	s30 =	sld [smem:$0x0];
	_ =	sdelay $0x2  }
0xb8: {  	s31 =	sshll.u32 s1, $0xD;
	s1 =	sshrl.u32 s1, $0x2  }
0xb9: {  	s3 =	sand.u32 $0x4000, s31;
	s1 =	sadd.s32 s1, s30  }
0xba: {  	s0 =	sor.u32 s3, s0;
	s1 =	sshll.u32 s1, $0x11  }
0xbb: {  	s0 =	sor.u32 s1, s0  }
0xbc: {  	s0 =	sadd.s32 $0x8F2B, s0  }
0xbd: {  	[sflag:s0] =	ssyncadd.remote.s32 $0x1  }
0xbe: {  	_ =	sfence.sel $0xFFFF  }
0xbf: {  	[dreg:$0x0] =	wrdreg $0xFFFFFFFF;
	(pc) =	sbr.abs _section_cstart, $3  }
0xc0: {  	[dreg:$0x1] =	wrdreg $0xFFFFFFFF  }
0xc1: {  	_ =	task.clear_ibuf [dreg:s6], $0x2FFFF;
	_ =	strace $0x9FFFFFFF  }
0xc2: {  	(tm) =	ssettm $0x7FFFFFFF  }
0xc3: {  	_ =	shalt  }
tec
execute0_lowered:
.L_overlay_start_1:
0x0: {  	(tag) =	ssettag $0x1  }
0x1: {  	s9 =	rddreg [dreg:$0x0]  }
0x2: {  	s2 =	rddreg [dreg:$0x1]  }
0x3: {  	s3 =	simm.s32 $0x0;
	s1 =	stileid.u32;
	s10 =	srdreg.scid  }
0x4: {  	s19 =	simm.s32 $0x80;
	s20 =	simm.s32 $0x100;
	s21 =	simm.s32 $0x4100  }
0x5: {  	s22 =	simm.s32 $0x1;
	s23 =	simm.s32 $0x2;
	s6 =	smul.u32 $0x28000, s1  }
0x6: {  	s25 =	simm.s32 $0x0;
	[smem:$0x7FF] =	sst s3;
	s8 =	smul.u32 $0x2780, s1  }
0x7: {  	s4 =	sadd.s32 $0x41A00, s9;
	s5 =	sadd.s32 $0x1A800, s9;
	s28 =	smul.u32 $0x278, s1  }
0x8: {  	s7 =	sadd.s32 $0x10800, s9;
	s17 =	sand.u32 $0x1, s10;
	s13 =	smul.u32 $0x4F000, s1  }
0x9: {  	s31 =	sshll.u32 s1, $0x6;
	_ =	strace $0x80000047;
	s12 =	ssub.s32 $0x2, s17  }
0xa: {  	p0 =	sne.s32 s17, $0x0;
	s16 =	sadd.s32 s6, s9;
	s6 =	sadd.s32 $0x15800, s9  }
0xb: {  	s11 =	sadd.s32 s8, s9;
	s8 =	sadd.s32 $0x90400, s9;
	s9 =	sadd.s32 $0xB7600, s9  }
0xc: {  	s14 =	sshrl.u32 s12, $0x1;
	s29 =	sshrl.u32 s13, $0x2;
	s30 =	smin.u32 s28, $0x2498  }
.Ltmp0:
0xd: {  	s14 =	ssub.s32 s12, s14;
	s18 =	sadd.s32 s29, s2;
	(pc) =	sbr.rel .LBB2_1-.Ltmp0, $4  }
0xe: {  	s15 =	sshll.u32 s30, $0x7;
	s10 =	sadd.s32 $0x68C00, s11;
	s11 =	sor.u32 $0x1C03, s31  }
0xf: {  	s12 =	sshll.u32 s30, $0x4;
	s13 =	smax.u32 s14, $0x1;
	s14 =	sadd.s32 $0x782400, s16  }
0x10: {  	s24 =	sadd.s32 s15, s2;
	s15 =	smul.u32 $0x500, s1;
	s16 =	sadd.s32 $0x502400, s16  }
0x11: {  	s17 =	sshrl.u32 s18, $0x3;
	s18 =	simm.s32 $0x3;
	s24 =	sshrl.u32 s24, $0x3  }
.LBB2_7:
0x12: {  	s0 =	sadd.s32 s6, s28;
	[sflag:s18] =	ssyncadd.s32 $0xFFFFC000  }
0x13: {  	[tilespmem:s3], [sflag:$0x3] =	stream.linear.gather [hbm4b:s0+s3], $0x80, $0x38;
	[tilespmem:$0x1BD00] =	vst v63  }
0x14: {  	_ =	swait.ge [sflag:s18], $0x80  }
0x15: {  	[sflag:s18] =	ssyncset.done $0x0  }
0x16: {  	[sflag:s18] =	ssyncadd.s32 $0xFFFFFF80  }
0x17: {  	[tilespmem:s20], [sflag:$0x1] =	stream.indirect.gather [hbm4b:s5+s19], $0x80, s3, s19, $0xb8;
	[tilespmem:$0x1BD00] =	vst v63  }
0x18: {  	_ = 	snop  }
0x19: {  	[tilespmem:s21], [sflag:$0x2] =	stream.linear.gather [hbm4b:s26+s3], $0x4000, $0x38;
	[tilespmem:$0x1BD00] =	vst v63  }
0x1a: {  	s31 =	sadd.s32 s7, s28  }
0x1b: {  	[tilespmem:s19], [sflag:$0x3] =	stream.linear.gather [hbm4b:s31+s3], $0x80, $0x38;
	[tilespmem:$0x1BD00] =	vst v63  }
0x1c: {  	_ =	swait.ge [sflag:s18], $0x80  }
0x1d: {  	[sflag:s18] =	ssyncset.done $0x0  }
0x1e: {  	[sflag:s18] =	ssyncadd.s32 $0xFFFFFF80  }
0x1f: {  	_ =	swait.ge [sflag:s22], $0x4000  }
0x20: {  	[sflag:s22] =	ssyncset.done $0x0  }
0x21: {  	[sflag:s22] =	ssyncadd.s32 $0xFFFFC000  }
0x22: {  	[spmem:s2] =	stream.indirect.scatter.add.f32 [tilespmem:s20], [sflag:$0x3], $0x80, s19, s19, $0xb8;
	[tilespmem:$0x1BD00] =	vst v63  }
0x23: {  	_ =	swait.ge [sflag:s18], $0x4000  }
0x24: {  	[sflag:s18] =	ssyncset.done $0x0  }
0x25: {  	[sflag:s18] =	ssyncadd.s32 $0xFFFFC000  }
0x26: {  	_ =	swait.ge [sflag:s23], $0x4000  }
0x27: {  	[sflag:s23] =	ssyncset.done $0x0  }
0x28: {  	[sflag:s23] =	ssyncadd.s32 $0xFFFFC000  }
0x29: {  	[spmem:s2] =	stream.indirect.scatter.add.f32 [tilespmem:s21], [sflag:$0x3], $0x80, s19, s19, $0xb8;
	[tilespmem:$0x1BD00] =	vst v63  }
0x2a: {  	_ =	swait.ge [sflag:s18], $0x4000  }
0x2b: {  	[sflag:s18] =	ssyncset.done $0x0  }
0x2c: {  	s26 =	smov.u32 s9;
	[sflag:s18] =	ssyncadd.s32 $0xFFFFC000  }
.LBB2_8:
0x2d: {  	s25 =	sadd.s32 $0x1, s25  }
0x2e: {  	p1 =	sne.s32 s25, s13  }
.Ltmp1:
0x2f: {  	s0 =	sadd.s32 s26, s12;
	[bflag:$0x0] =	sbarrier.arrive $0xFFFF;
	(pc) =	sbr.rel @!p1 .LBB2_9-.Ltmp1, $4  }
0x30: {  	[hbm:s0], [sflag:s11] =	dma.local [spmem:s24], $0x2780  }
0x31: {  	_ =	swait.ge [sflag:s18], $0x2780  }
0x32: {  	[sflag:s18] =	ssyncset.done $0x0  }
0x33: {  	[sflag:s18] =	ssyncadd.s32 $0xFFFFD880  }
.LBB2_1:
0x34: {  	[spmem:s17], [sflag:s11] =	dma.local [hbm:s10], $0x2780  }
.Ltmp2:
0x35: {  	_ =	swait.ge [sflag:s18], $0x2780;
	(pc) =	sbr.rel @p0 .LBB2_5-.Ltmp2, $3  }
0x36: {  	[sflag:s18] =	ssyncset.done $0x0  }
0x37: {  	[sflag:s18] =	ssyncadd.s32 $0xFFFFD880  }
0x38: {  	[bflag:$0x0] =	sbarrier.arrive $0xFFFF;
	_ =	sdelay $0x1  }
0x39: {  	s26 =	sadd.s32 $0x0, s15  }
0x3a: {  	s28 =	sand.u32 $0x70, s3;
	s26 =	sand.u32 $0xFF80, s26  }
0x3b: {  	s26 =	sor.u32 s28, s26  }
0x3c: {  	s28 =	sadd.s32 s6, s26  }
0x3d: {  	[tilespmem:s3], [sflag:$0x3] =	stream.linear.gather [hbm4b:s28+s3], $0x80, $0x38;
	[tilespmem:$0x1BD00] =	vst v63  }
0x3e: {  	_ =	swait.ge [sflag:s18], $0x80  }
0x3f: {  	[sflag:s18] =	ssyncset.done $0x0  }
0x40: {  	[sflag:s18] =	ssyncadd.s32 $0xFFFFFF80  }
0x41: {  	[tilespmem:s20], [sflag:$0x1] =	stream.indirect.gather [hbm4b:s4+s19], $0x80, s3, s19, $0xb8;
	[tilespmem:$0x1BD00] =	vst v63  }
0x42: {  	_ = 	snop  }
0x43: {  	[tilespmem:s21], [sflag:$0x2] =	stream.linear.gather [hbm4b:s16+s3], $0x4000, $0x38;
	[tilespmem:$0x1BD00] =	vst v63  }
0x44: {  	s26 =	sadd.s32 s7, s26  }
0x45: {  	[tilespmem:s19], [sflag:$0x3] =	stream.linear.gather [hbm4b:s26+s3], $0x80, $0x38;
	[tilespmem:$0x1BD00] =	vst v63  }
0x46: {  	_ =	swait.ge [sflag:s18], $0x80  }
0x47: {  	[sflag:s18] =	ssyncset.done $0x0  }
0x48: {  	[sflag:s18] =	ssyncadd.s32 $0xFFFFFF80  }
0x49: {  	_ =	swait.ge [sflag:s22], $0x4000  }
0x4a: {  	[sflag:s22] =	ssyncset.done $0x0  }
0x4b: {  	[sflag:s22] =	ssyncadd.s32 $0xFFFFC000  }
0x4c: {  	[spmem:s2] =	stream.indirect.scatter.add.f32 [tilespmem:s20], [sflag:$0x3], $0x80, s19, s19, $0xb8;
	[tilespmem:$0x1BD00] =	vst v63  }
0x4d: {  	_ =	swait.ge [sflag:s18], $0x4000  }
0x4e: {  	[sflag:s18] =	ssyncset.done $0x0  }
0x4f: {  	[sflag:s18] =	ssyncadd.s32 $0xFFFFC000  }
0x50: {  	_ =	swait.ge [sflag:s23], $0x4000  }
0x51: {  	s31 =	simm.s32 $0x10;
	[sflag:s23] =	ssyncset.done $0x0  }
0x52: {  	s29 =	simm.s32 $0x20;
	s28 =	sadd.s32 $0x10, s15;
	[sflag:s23] =	ssyncadd.s32 $0xFFFFC000  }
0x53: {  	[spmem:s2] =	stream.indirect.scatter.add.f32 [tilespmem:s21], [sflag:$0x3], $0x80, s19, s19, $0xb8;
	[tilespmem:$0x1BD00] =	vst v63  }
0x54: {  	s28 =	sand.u32 $0xFF80, s28;
	s26 =	sand.u32 $0x70, s31;
	_ =	swait.ge [sflag:s18], $0x4000  }
0x55: {  	s28 =	sor.u32 s26, s28;
	s26 =	sadd.s32 $0x800, s16;
	[sflag:s18] =	ssyncset.done $0x0  }
.LBB2_3:
0x56: {  	s30 =	sadd.s32 s6, s28  }
0x57: {  	[sflag:s18] =	ssyncadd.s32 $0xFFFFC000;
	s31 =	smov.u32 s29;
	s0 =	sadd.s32 $0x10, s29  }
0x58: {  	[tilespmem:s3], [sflag:$0x3] =	stream.linear.gather [hbm4b:s30+s3], $0x80, $0x38;
	[tilespmem:$0x1BD00] =	vst v63  }
0x59: {  	p1 =	seq.s32 s29, $0x4F0;
	_ =	swait.ge [sflag:s18], $0x80  }
0x5a: {  	[sflag:s18] =	ssyncset.done $0x0  }
0x5b: {  	[sflag:s18] =	ssyncadd.s32 $0xFFFFFF80  }
0x5c: {  	[tilespmem:s20], [sflag:$0x1] =	stream.indirect.gather [hbm4b:s4+s19], $0x80, s3, s19, $0xb8;
	[tilespmem:$0x1BD00] =	vst v63  }
0x5d: {  	_ = 	snop  }
0x5e: {  	[tilespmem:s21], [sflag:$0x2] =	stream.linear.gather [hbm4b:s26+s3], $0x4000, $0x38;
	[tilespmem:$0x1BD00] =	vst v63  }
0x5f: {  	s28 =	sadd.s32 s7, s28  }
0x60: {  	[tilespmem:s19], [sflag:$0x3] =	stream.linear.gather [hbm4b:s28+s3], $0x80, $0x38;
	[tilespmem:$0x1BD00] =	vst v63  }
0x61: {  	_ =	swait.ge [sflag:s18], $0x80  }
0x62: {  	[sflag:s18] =	ssyncset.done $0x0  }
0x63: {  	[sflag:s18] =	ssyncadd.s32 $0xFFFFFF80  }
0x64: {  	_ =	swait.ge [sflag:s22], $0x4000  }
0x65: {  	[sflag:s22] =	ssyncset.done $0x0  }
0x66: {  	[sflag:s22] =	ssyncadd.s32 $0xFFFFC000  }
0x67: {  	[spmem:s2] =	stream.indirect.scatter.add.f32 [tilespmem:s20], [sflag:$0x3], $0x80, s19, s19, $0xb8;
	[tilespmem:$0x1BD00] =	vst v63  }
0x68: {  	_ =	swait.ge [sflag:s18], $0x4000  }
0x69: {  	[sflag:s18] =	ssyncset.done $0x0  }
0x6a: {  	[sflag:s18] =	ssyncadd.s32 $0xFFFFC000  }
0x6b: {  	_ =	swait.ge [sflag:s23], $0x4000  }
.Ltmp3:
0x6c: {  	[sflag:s23] =	ssyncset.done $0x0;
	(pc) =	sbr.rel @!p1 .LBB2_3-.Ltmp3, $4  }
0x6d: {  	s29 =	sand.u32 $0x70, s31;
	s28 =	sadd.s32 s31, s15;
	[sflag:s23] =	ssyncadd.s32 $0xFFFFC000  }
0x6e: {  	[spmem:s2] =	stream.indirect.scatter.add.f32 [tilespmem:s21], [sflag:$0x3], $0x80, s19, s19, $0xb8;
	[tilespmem:$0x1BD00] =	vst v63  }
0x6f: {  	s26 =	sadd.s32 $0x800, s26;
	s28 =	sand.u32 $0xFF80, s28;
	_ =	swait.ge [sflag:s18], $0x4000  }
0x70: {  	s28 =	sor.u32 s29, s28;
	s29 =	smov.u32 s0;
	[sflag:s18] =	ssyncset.done $0x0  }
0x71: {  	s0 =	sadd.s32 s6, s28;
	[sflag:s18] =	ssyncadd.s32 $0xFFFFC000  }
0x72: {  	[tilespmem:s3], [sflag:$0x3] =	stream.linear.gather [hbm4b:s0+s3], $0x80, $0x38;
	[tilespmem:$0x1BD00] =	vst v63  }
0x73: {  	_ =	swait.ge [sflag:s18], $0x80  }
0x74: {  	[sflag:s18] =	ssyncset.done $0x0  }
0x75: {  	[sflag:s18] =	ssyncadd.s32 $0xFFFFFF80  }
0x76: {  	[tilespmem:s20], [sflag:$0x1] =	stream.indirect.gather [hbm4b:s4+s19], $0x80, s3, s19, $0xb8;
	[tilespmem:$0x1BD00] =	vst v63  }
0x77: {  	_ = 	snop  }
0x78: {  	[tilespmem:s21], [sflag:$0x2] =	stream.linear.gather [hbm4b:s26+s3], $0x4000, $0x38;
	[tilespmem:$0x1BD00] =	vst v63  }
0x79: {  	s31 =	sadd.s32 s7, s28  }
0x7a: {  	[tilespmem:s19], [sflag:$0x3] =	stream.linear.gather [hbm4b:s31+s3], $0x80, $0x38;
	[tilespmem:$0x1BD00] =	vst v63  }
0x7b: {  	_ =	swait.ge [sflag:s18], $0x80  }
0x7c: {  	[sflag:s18] =	ssyncset.done $0x0  }
0x7d: {  	[sflag:s18] =	ssyncadd.s32 $0xFFFFFF80  }
0x7e: {  	_ =	swait.ge [sflag:s22], $0x4000  }
0x7f: {  	[sflag:s22] =	ssyncset.done $0x0  }
0x80: {  	[sflag:s22] =	ssyncadd.s32 $0xFFFFC000  }
0x81: {  	[spmem:s2] =	stream.indirect.scatter.add.f32 [tilespmem:s20], [sflag:$0x3], $0x80, s19, s19, $0xb8;
	[tilespmem:$0x1BD00] =	vst v63  }
0x82: {  	_ =	swait.ge [sflag:s18], $0x4000  }
0x83: {  	[sflag:s18] =	ssyncset.done $0x0  }
0x84: {  	[sflag:s18] =	ssyncadd.s32 $0xFFFFC000  }
0x85: {  	_ =	swait.ge [sflag:s23], $0x4000  }
0x86: {  	[sflag:s23] =	ssyncset.done $0x0  }
.Ltmp4:
0x87: {  	[sflag:s23] =	ssyncadd.s32 $0xFFFFC000;
	(pc) =	sbr.rel .LBB2_8-.Ltmp4, $4  }
0x88: {  	[spmem:s2] =	stream.indirect.scatter.add.f32 [tilespmem:s21], [sflag:$0x3], $0x80, s19, s19, $0xb8;
	[tilespmem:$0x1BD00] =	vst v63  }
0x89: {  	_ =	swait.ge [sflag:s18], $0x4000  }
0x8a: {  	[sflag:s18] =	ssyncset.done $0x0  }
0x8b: {  	s26 =	smov.u32 s8;
	[sflag:s18] =	ssyncadd.s32 $0xFFFFC000  }
.LBB2_5:
0x8c: {  	s0 =	sadd.s32 $0x0, s15  }
0x8d: {  	s26 =	sand.u32 $0x70, s3;
	s0 =	sand.u32 $0xFF80, s0  }
0x8e: {  	s0 =	sor.u32 s26, s0  }
0x8f: {  	s26 =	sadd.s32 s6, s0  }
0x90: {  	[tilespmem:s3], [sflag:$0x3] =	stream.linear.gather [hbm4b:s26+s3], $0x80, $0x38;
	[tilespmem:$0x1BD00] =	vst v63  }
0x91: {  	_ =	swait.ge [sflag:s18], $0x80  }
0x92: {  	[sflag:s18] =	ssyncset.done $0x0  }
0x93: {  	[sflag:s18] =	ssyncadd.s32 $0xFFFFFF80  }
0x94: {  	[tilespmem:s20], [sflag:$0x1] =	stream.indirect.gather [hbm4b:s5+s19], $0x80, s3, s19, $0xb8;
	[tilespmem:$0x1BD00] =	vst v63  }
0x95: {  	_ = 	snop  }
0x96: {  	[tilespmem:s21], [sflag:$0x2] =	stream.linear.gather [hbm4b:s14+s3], $0x4000, $0x38;
	[tilespmem:$0x1BD00] =	vst v63  }
0x97: {  	s0 =	sadd.s32 s7, s0  }
0x98: {  	[tilespmem:s19], [sflag:$0x3] =	stream.linear.gather [hbm4b:s0+s3], $0x80, $0x38;
	[tilespmem:$0x1BD00] =	vst v63  }
0x99: {  	_ =	swait.ge [sflag:s18], $0x80  }
0x9a: {  	[sflag:s18] =	ssyncset.done $0x0  }
0x9b: {  	[sflag:s18] =	ssyncadd.s32 $0xFFFFFF80  }
0x9c: {  	_ =	swait.ge [sflag:s22], $0x4000  }
0x9d: {  	[sflag:s22] =	ssyncset.done $0x0  }
0x9e: {  	[sflag:s22] =	ssyncadd.s32 $0xFFFFC000  }
0x9f: {  	[spmem:s2] =	stream.indirect.scatter.add.f32 [tilespmem:s20], [sflag:$0x3], $0x80, s19, s19, $0xb8;
	[tilespmem:$0x1BD00] =	vst v63  }
0xa0: {  	_ =	swait.ge [sflag:s18], $0x4000  }
0xa1: {  	[sflag:s18] =	ssyncset.done $0x0  }
0xa2: {  	[sflag:s18] =	ssyncadd.s32 $0xFFFFC000  }
0xa3: {  	_ =	swait.ge [sflag:s23], $0x4000  }
0xa4: {  	s30 =	simm.s32 $0x10;
	[sflag:s23] =	ssyncset.done $0x0  }
0xa5: {  	s29 =	simm.s32 $0x20;
	s31 =	sadd.s32 $0x10, s15;
	[sflag:s23] =	ssyncadd.s32 $0xFFFFC000  }
0xa6: {  	[spmem:s2] =	stream.indirect.scatter.add.f32 [tilespmem:s21], [sflag:$0x3], $0x80, s19, s19, $0xb8;
	[tilespmem:$0x1BD00] =	vst v63  }
0xa7: {  	s26 =	sand.u32 $0xFF80, s31;
	s0 =	sand.u32 $0x70, s30;
	_ =	swait.ge [sflag:s18], $0x4000  }
0xa8: {  	s28 =	sor.u32 s0, s26;
	s26 =	sadd.s32 $0x800, s14;
	[sflag:s18] =	ssyncset.done $0x0  }
.LBB2_6:
0xa9: {  	s0 =	sadd.s32 s6, s28  }
0xaa: {  	[sflag:s18] =	ssyncadd.s32 $0xFFFFC000;
	s30 =	smov.u32 s29;
	s31 =	sadd.s32 $0x10, s29  }
0xab: {  	[tilespmem:s3], [sflag:$0x3] =	stream.linear.gather [hbm4b:s0+s3], $0x80, $0x38;
	[tilespmem:$0x1BD00] =	vst v63  }
0xac: {  	p1 =	sne.s32 s29, $0x4F0;
	_ =	swait.ge [sflag:s18], $0x80  }
0xad: {  	[sflag:s18] =	ssyncset.done $0x0  }
0xae: {  	[sflag:s18] =	ssyncadd.s32 $0xFFFFFF80  }
0xaf: {  	[tilespmem:s20], [sflag:$0x1] =	stream.indirect.gather [hbm4b:s5+s19], $0x80, s3, s19, $0xb8;
	[tilespmem:$0x1BD00] =	vst v63  }
0xb0: {  	_ = 	snop  }
0xb1: {  	[tilespmem:s21], [sflag:$0x2] =	stream.linear.gather [hbm4b:s26+s3], $0x4000, $0x38;
	[tilespmem:$0x1BD00] =	vst v63  }
0xb2: {  	s0 =	sadd.s32 s7, s28  }
0xb3: {  	[tilespmem:s19], [sflag:$0x3] =	stream.linear.gather [hbm4b:s0+s3], $0x80, $0x38;
	[tilespmem:$0x1BD00] =	vst v63  }
0xb4: {  	_ =	swait.ge [sflag:s18], $0x80  }
0xb5: {  	[sflag:s18] =	ssyncset.done $0x0  }
0xb6: {  	[sflag:s18] =	ssyncadd.s32 $0xFFFFFF80  }
0xb7: {  	_ =	swait.ge [sflag:s22], $0x4000  }
0xb8: {  	[sflag:s22] =	ssyncset.done $0x0  }
0xb9: {  	[sflag:s22] =	ssyncadd.s32 $0xFFFFC000  }
0xba: {  	[spmem:s2] =	stream.indirect.scatter.add.f32 [tilespmem:s20], [sflag:$0x3], $0x80, s19, s19, $0xb8;
	[tilespmem:$0x1BD00] =	vst v63  }
0xbb: {  	_ =	swait.ge [sflag:s18], $0x4000  }
0xbc: {  	[sflag:s18] =	ssyncset.done $0x0  }
0xbd: {  	[sflag:s18] =	ssyncadd.s32 $0xFFFFC000  }
0xbe: {  	_ =	swait.ge [sflag:s23], $0x4000  }
.Ltmp5:
0xbf: {  	[sflag:s23] =	ssyncset.done $0x0;
	(pc) =	sbr.rel @p1 .LBB2_6-.Ltmp5, $4  }
0xc0: {  	s28 =	sand.u32 $0x70, s30;
	s0 =	sadd.s32 s30, s15;
	[sflag:s23] =	ssyncadd.s32 $0xFFFFC000  }
0xc1: {  	[spmem:s2] =	stream.indirect.scatter.add.f32 [tilespmem:s21], [sflag:$0x3], $0x80, s19, s19, $0xb8;
	[tilespmem:$0x1BD00] =	vst v63  }
0xc2: {  	s29 =	smov.u32 s31;
	s0 =	sand.u32 $0xFF80, s0;
	_ =	swait.ge [sflag:s18], $0x4000  }
0xc3: {  	s26 =	sadd.s32 $0x800, s26;
	s28 =	sor.u32 s28, s0;
	[sflag:s18] =	ssyncset.done $0x0  }
.Ltmp6:
0xc4: {  	_ = 	snop;
	(pc) =	sbr.rel .LBB2_7-.Ltmp6, $1  }
0xc5: {  	_ =	sdelay $0x3  }
.LBB2_9:
0xc6: {  	_ =	sfence.sel $0x180000  }
0xc7: {  	[bflag:$0x0] =	sbarrier.arrive $0xFFFF  }
0xc8: {  	_ =	strace $0x90000047  }
0xc9: {  	[bflag:$0x2] =	sbarrier.arrive $0xFFFF  }
0xca: {  	p0 =	sne.s32 s1, $0x0;
	s0 =	rddreg [dreg:$0x2]  }
0xcb: {  	s0 =	sadd.s32 @!p0 $0x100000, s0  }
0xcc: {  	[sflag:s0] =	ssyncadd.tile.s32 @!p0 $0x1;
	_ =	shalt  }
.Lfunc_end2:
_tile_overlayer_lowered:
.L_overlay_start_2:
0xcd: {  	(tag) =	ssettag $0x2  }
0xce: {  	s0 =	rddreg [dreg:$0x0];
	s2 =	stileid.u32  }
0xcf: {  	s1 =	rddreg [dreg:$0x1];
	p0 =	sne.s32 s2, $0x0  }
0xd0: {  	s3 =	rddreg [dreg:$0x2];
	[bflag:$0x3] =	sbarrier.arrive $0xFFFF;
	s2 =	simm.s32 @!p0 $0x1C03  }
0xd1: {  	[timem:s3], [sflag:s2] =	dma.local @!p0 [hbm:s0], s1  }
0xd2: {  	s0 =	simm.s32 @!p0 $0x3  }
0xd3: {  	_ =	swait.ge @!p0 [sflag:s0], s1  }
0xd4: {  	s1 =	ssub.s32 @!p0 $0x0, s1;
	[sflag:s0] =	ssyncset.done @!p0 $0x0  }
0xd5: {  	[sflag:s0] =	ssyncadd.s32 @!p0 s1  }
0xd6: {  	[bflag:$0x3] =	sbarrier.arrive $0xFFFF  }
0xd7: {  	_ =	shalt  }

// kernel: kernel.28.cloned.1.call-start
scs
__scs_entry_jumppad:
0x0: {  	(pc) =	sbr.rel $0x88, $3  }
0x1: {  	(tag) =	ssettag $0x0;
	lr =	simm.s32 $0x1  }
0x2: {  	[smem:$0x3F81] =	sst lr;
	_ =	strace $0xD0000000  }
0x3: {  	_ = 	snop  }
0x4: {  	_ = 	snop  }
0x5: {  	_ = 	snop  }
0x6: {  	_ = 	snop  }
0x7: {  	_ = 	snop  }
__scs_overlays_trampoline_lowered:
0x8: {  	[smem:$0x3F90] =	sst s0  }
0x9: {  	[smem:$0x3F91] =	sst s1  }
0xa: {  	[smem:$0x3F92] =	sst s2  }
0xb: {  	[smem:$0x3F93] =	sst s3  }
0xc: {  	[smem:$0x3F94] =	sst s4  }
0xd: {  	[smem:$0x3F95] =	sst s5  }
0xe: {  	[smem:$0x3F96] =	sst s6  }
0xf: {  	[smem:$0x3F97] =	sst s7  }
0x10: {  	[smem:$0x3F98] =	sst s8  }
0x11: {  	[smem:$0x3F99] =	sst s9;
	s0 =	simm.s32 @!p0 $0x0  }
0x12: {  	s1 =	sld [smem:$0x3F7F];
	s0 =	simm.s32 @p0 $0x1  }
0x13: {  	[smem:$0x3F9A] =	sst s0;
	s0 =	simm.s32 @!p1 $0x0  }
0x14: {  	s2 =	sld [smem:$0x3F7E];
	s0 =	simm.s32 @p1 $0x1  }
0x15: {  	[smem:$0x3F9B] =	sst s0;
	s0 =	simm.s32 @!p2 $0x0  }
0x16: {  	s3 =	sld [smem:$0x3FDB];
	s0 =	simm.s32 @p2 $0x1  }
0x17: {  	s4 =	simm.s32 $0x1BF5;
	[smem:$0x3F9D] =	sst s0  }
0x18: {  	s0 =	sld [smem:$0x3F80];
	_ =	swait.ge [sflag:s4], $0x0  }
0x19: {  	s7 =	sld [smem:$0x3F81]  }
0x1a: {  	s8 =	sadd.s32 $0xFFFFE003, lr  }
0x1b: {  	s9 =	sadd.s32 $0xFFFFFEF7, lr;
	s5 =	simm.s32 $0xFFFFFFFF;
	p2 =	slt.u32 s8, $0xFFFFF086  }
0x1c: {  	p1 =	slt.u32 s9, $0xF7A;
	s5 =	simm.s32 @!p2 $0x0  }
0x1d: {  	s5 =	simm.s32 @p1 $0x1;
	p0 =	seq.s32 s7, s2  }
0x1e: {  	s7 =	smul.u32 @!p0 $0xF7A, s2;
	p2 =	seq.s32 @!p0 s5, $0x0  }
0x1f: {  	s9 =	smul.u32 $0xF7A, s1;
	s8 =	simm.s32 @!p0 $0x1BF5;
	p2 =	por !p2, p0  }
0x20: {  	[sflag:s8] =	ssyncset.s32 @!p0 $0xFFFFF086;
	s6 =	sadd.s32 @!p0 s3, s7;
	s7 =	simm.s32 @!p0 $0x108  }
0x21: {  	s3 =	sadd.s32 s3, s9;
	s6 =	sadd.s32 @!p0 $0x88, s6;
	s7 =	simm.s32 @p2 $0x1082  }
0x22: {  	[simem:s7], [sflag:s8] =	dma.local @!p0 [hbm:s6], $0xF7A  }
0x23: {  	s9 =	sor.u32 $0xD0000000, s2;
	s6 =	simm.s32 $0x108;
	_ =	swait.ge @!p0 [sflag:s8], $0x0  }
0x24: {  	s3 =	sadd.s32 $0x88, s3;
	s6 =	simm.s32 @!p1 $0x1082;
	[sflag:s4] =	ssyncset.s32 $0xFFFFF086  }
0x25: {  	[simem:s6], [sflag:s4] =	dma.local [hbm:s3], $0xF7A  }
0x26: {  	[smem:$0x3F81] =	sst s1;
	(tag) =	ssettag s2;
	_ =	strace s9  }
0x27: {  	s1 =	sld [smem:$0x3F91]  }
0x28: {  	s2 =	sld [smem:$0x3F92]  }
0x29: {  	s4 =	sld [smem:$0x3F94]  }
0x2a: {  	p0 =	seq.s32 s5, $0x0;
	s5 =	sld [smem:$0x3F95]  }
0x2b: {  	s6 =	sld [smem:$0x3F96]  }
0x2c: {  	s7 =	sld [smem:$0x3F97]  }
0x2d: {  	s3 =	simm.s32 $0x108;
	s8 =	sld [smem:$0x3F98]  }
0x2e: {  	s3 =	simm.s32 @!p0 $0x1082;
	s9 =	sld [smem:$0x3F99]  }
0x2f: {  	lr =	sadd.s32 s0, s3;
	s0 =	sld [smem:$0x3F90]  }
0x30: {  	s3 =	sld [smem:$0x3F93]  }
0x31: {  	[smem:$0x3F9C] =	sst s10  }
0x32: {  	s10 =	sld [smem:$0x3F9A];
	_ =	sdelay $0x3  }
0x33: {  	p0 =	seq.s32 s10, $0x1;
	s10 =	sld [smem:$0x3F9C];
	_ =	sdelay $0x3  }
0x34: {  	[smem:$0x3F9C] =	sst s10  }
0x35: {  	s10 =	sld [smem:$0x3F9B];
	_ =	sdelay $0x3  }
0x36: {  	p1 =	seq.s32 s10, $0x1;
	s10 =	sld [smem:$0x3F9C];
	_ =	sdelay $0x3  }
0x37: {  	[smem:$0x3F9C] =	sst s10  }
0x38: {  	s10 =	sld [smem:$0x3F9D]  }
0x39: {  	_ = 	snop;
	(pc) =	sbr.ind lr, $3  }
0x3a: {  	_ = 	snop  }
0x3b: {  	_ = 	snop  }
0x3c: {  	p2 =	seq.s32 s10, $0x1;
	s10 =	sld [smem:$0x3F9C]  }
0x3d: {  	_ =	shalt  }
0x3e: {  	_ =	shalt  }
0x3f: {  	_ =	shalt  }
0x40: {  	_ =	shalt  }
0x41: {  	_ =	shalt  }
0x42: {  	_ =	shalt  }
0x43: {  	_ =	shalt  }
0x44: {  	_ =	shalt  }
0x45: {  	_ =	shalt  }
0x46: {  	_ =	shalt  }
0x47: {  	_ =	shalt  }
0x48: {  	_ =	shalt  }
0x49: {  	_ =	shalt  }
0x4a: {  	_ =	shalt  }
0x4b: {  	_ =	shalt  }
0x4c: {  	_ =	shalt  }
0x4d: {  	_ =	shalt  }
0x4e: {  	_ =	shalt  }
0x4f: {  	_ =	shalt  }
0x50: {  	_ =	shalt  }
0x51: {  	_ =	shalt  }
0x52: {  	_ =	shalt  }
0x53: {  	_ =	shalt  }
0x54: {  	_ =	shalt  }
0x55: {  	_ =	shalt  }
0x56: {  	_ =	shalt  }
0x57: {  	_ =	shalt  }
0x58: {  	_ =	shalt  }
0x59: {  	_ =	shalt  }
0x5a: {  	_ =	shalt  }
0x5b: {  	_ =	shalt  }
0x5c: {  	_ =	shalt  }
0x5d: {  	_ =	shalt  }
0x5e: {  	_ =	shalt  }
0x5f: {  	_ =	shalt  }
0x60: {  	_ =	shalt  }
0x61: {  	_ =	shalt  }
0x62: {  	_ =	shalt  }
0x63: {  	_ =	shalt  }
0x64: {  	_ =	shalt  }
0x65: {  	_ =	shalt  }
0x66: {  	_ =	shalt  }
0x67: {  	_ =	shalt  }
0x68: {  	_ =	shalt  }
0x69: {  	_ =	shalt  }
0x6a: {  	_ =	shalt  }
0x6b: {  	_ =	shalt  }
0x6c: {  	_ =	shalt  }
0x6d: {  	_ =	shalt  }
0x6e: {  	_ =	shalt  }
0x6f: {  	_ =	shalt  }
0x70: {  	_ =	shalt  }
0x71: {  	_ =	shalt  }
0x72: {  	_ =	shalt  }
0x73: {  	_ =	shalt  }
0x74: {  	_ =	shalt  }
0x75: {  	_ =	shalt  }
0x76: {  	_ =	shalt  }
0x77: {  	_ =	shalt  }
0x78: {  	_ =	shalt  }
0x79: {  	_ =	shalt  }
0x7a: {  	_ =	shalt  }
0x7b: {  	_ =	shalt  }
0x7c: {  	_ =	shalt  }
0x7d: {  	_ =	shalt  }
0x7e: {  	_ =	shalt  }
0x7f: {  	_ =	shalt  }
0x80: {  	_ =	shalt  }
0x81: {  	_ =	shalt  }
0x82: {  	_ =	shalt  }
0x83: {  	_ =	shalt  }
0x84: {  	_ =	shalt  }
0x85: {  	_ =	shalt  }
0x86: {  	_ =	shalt  }
0x87: {  	_ =	shalt  }
.Lfunc_end0:
.L_simem_size_0:
called_computation.2_lowered:
.L_overlay_start_0:
0x88: {  	s2 =	sld [smem:$0x3FD9]  }
0x89: {  	s3 =	sld [smem:$0x3FFE];
	_ =	sdelay $0x1  }
0x8a: {  	s1 =	srdreg.scid  }
0x8b: {  	s0 =	sand.u32 $0x1, s1  }
0x8c: {  	s16 =	sshll.u32 s0, $0xA;
	s2 =	sadd.s32 s3, s2  }
0x8d: {  	s2 =	sadd.s32 s2, s16  }
0x8e: {  	[smem:$0x3FA8] =	sst s2  }
0x8f: {  	_ = 	snop  }
0x90: {  	(tm) =	ssettm $0x1  }
0x91: {  	s17 =	sld [smem:$0x3FFB];
	_ =	sdelay $0x3  }
0x92: {  	_ =	strace s17  }
0x93: {  	s2 =	sld [smem:$0x3FFC];
	_ =	sdelay $0x3  }
0x94: {  	_ =	strace s2  }
0x95: {  	s2 =	sld [smem:$0x3FFD];
	_ =	sdelay $0x3  }
0x96: {  	_ =	strace s2  }
0x97: {  	_ =	strace $0x8FFFFFFF  }
0x98: {  	s18 =	sld [smem:$0x3FDB];
	_ =	sdelay $0x1  }
0x99: {  	s19 =	simm.s32 $_scs_section_size  }
0x9a: {  	s4 =	simm.s32 $_size__tile_overlayer_lowered;
	s5 =	simm.s32 $_tile_overlayer_lowered  }
0x9b: {  	s22 =	simm.s32 $0x1BFF;
	s21 =	sshll.u32 s5, $0x1;
	s2 =	sadd.s32 s19, s18  }
0x9c: {  	s6 =	simm.s32 $0x0;
	s20 =	sshll.u32 s4, $0x1;
	s4 =	sadd.s32 s21, s2  }
0x9d: {  	[timem:s6], [sflag:s22] =	dma.local [hbm:s4], s20  }
0x9e: {  	_ =	swait.ge [sflag:s22], s20  }
0x9f: {  	s3 =	ssub.s32 $0x0, s20;
	[sflag:s22] =	ssyncset.done $0x0  }
0xa0: {  	[sflag:s22] =	ssyncadd.s32 s3;
	_ =	sdelay $0x1  }
0xa1: {  	s23 =	simm.s32 $0x1B8B  }
0xa2: {  	_ =	swait.ge [sflag:s23], $0x1  }
0xa3: {  	[sflag:s23] =	ssyncset.done $0x0  }
0xa4: {  	s25 =	simm.s32 $0x1B8E;
	s24 =	sld [smem:$0x3FFE];
	[sflag:s23] =	ssyncadd.s32 $0xFFFFFFFF  }
0xa5: {  	s26 =	simm.s32 $execute0_lowered;
	[smem:$0x3FD2] =	sst s25  }
0xa6: {  	s4 =	sshll.u32 s26, $0x1;
	_ =	strace $0x80000049;
	[dreg:$0x1] =	wrdreg $0xFFFFFFFF  }
0xa7: {  	s28 =	simm.s32 $_size_execute0_lowered;
	s2 =	sadd.s32 s2, s4;
	[dreg:$0x0] =	wrdreg $0x0  }
0xa8: {  	s4 =	sshll.u32 s28, $0x1;
	[dreg:$0x2] =	wrdreg s2  }
0xa9: {  	[dreg:$0x3] =	wrdreg s4  }
0xaa: {  	[dreg:$0x4] =	wrdreg $0xC0  }
0xab: {  	_ =	task [dreg:s6], $0x5FFFF  }
0xac: {  	[dreg:$0x1] =	wrdreg $0xFFFFFFFF  }
0xad: {  	[dreg:$0x0] =	wrdreg $0x60  }
0xae: {  	[dreg:$0x2] =	wrdreg s24  }
0xaf: {  	[dreg:$0x3] =	wrdreg $0x81000  }
0xb0: {  	[dreg:$0x4] =	wrdreg $0x9  }
0xb1: {  	_ =	task.clear_ibuf [dreg:s6], $0x5FFFF;
	_ =	strace $0x90000049  }
0xb2: {  	s29 =	simm.s32 $0x9;
	_ =	strace $0x8000004B  }
0xb3: {  	_ =	swait.ge [sflag:s29], $0x1  }
0xb4: {  	[sflag:s29] =	ssyncadd.s32 $0xFFFFFFFF  }
0xb5: {  	_ =	strace $0x9000004B  }
0xb6: {  	_ =	sfence  }
0xb7: {  	s30 =	sld [smem:$0x0];
	_ =	sdelay $0x2  }
0xb8: {  	s31 =	sshll.u32 s1, $0xD;
	s1 =	sshrl.u32 s1, $0x2  }
0xb9: {  	s3 =	sand.u32 $0x4000, s31;
	s1 =	sadd.s32 s1, s30  }
0xba: {  	s0 =	sor.u32 s3, s0;
	s1 =	sshll.u32 s1, $0x11  }
0xbb: {  	s0 =	sor.u32 s1, s0  }
0xbc: {  	s0 =	sadd.s32 $0x8F2B, s0  }
0xbd: {  	[sflag:s0] =	ssyncadd.remote.s32 $0x1  }
0xbe: {  	_ =	sfence.sel $0xFFFF  }
0xbf: {  	[dreg:$0x0] =	wrdreg $0xFFFFFFFF;
	(pc) =	sbr.abs _section_cstart, $3  }
0xc0: {  	[dreg:$0x1] =	wrdreg $0xFFFFFFFF  }
0xc1: {  	_ =	task.clear_ibuf [dreg:s6], $0x2FFFF;
	_ =	strace $0x9FFFFFFF  }
0xc2: {  	(tm) =	ssettm $0x7FFFFFFF  }
0xc3: {  	_ =	shalt  }
tec
execute0_lowered:
.L_overlay_start_1:
0x0: {  	(tag) =	ssettag $0x1  }
0x1: {  	s9 =	rddreg [dreg:$0x0]  }
0x2: {  	s2 =	rddreg [dreg:$0x1]  }
0x3: {  	s3 =	simm.s32 $0x0;
	s1 =	stileid.u32;
	s10 =	srdreg.scid  }
0x4: {  	s19 =	simm.s32 $0x80;
	s20 =	simm.s32 $0x100;
	s21 =	simm.s32 $0x4100  }
0x5: {  	s22 =	simm.s32 $0x1;
	s23 =	simm.s32 $0x2;
	s6 =	smul.u32 $0x28000, s1  }
0x6: {  	s25 =	simm.s32 $0x0;
	[smem:$0x7FF] =	sst s3;
	s8 =	smul.u32 $0x2780, s1  }
0x7: {  	s4 =	sadd.s32 $0x1A800, s9;
	s5 =	sadd.s32 $0x41A00, s9;
	s28 =	smul.u32 $0x278, s1  }
0x8: {  	s7 =	sadd.s32 $0x10800, s9;
	s17 =	sand.u32 $0x1, s10;
	s13 =	smul.u32 $0x4F000, s1  }
0x9: {  	s31 =	sshll.u32 s1, $0x6;
	_ =	strace $0x8000004A;
	s12 =	ssub.s32 $0x2, s17  }
0xa: {  	p0 =	sne.s32 s17, $0x0;
	s16 =	sadd.s32 s6, s9;
	s6 =	sadd.s32 $0x15800, s9  }
0xb: {  	s11 =	sadd.s32 s8, s9;
	s8 =	sadd.s32 $0x90400, s9;
	s9 =	sadd.s32 $0xB7600, s9  }
0xc: {  	s14 =	sshrl.u32 s12, $0x1;
	s29 =	sshrl.u32 s13, $0x2;
	s30 =	smin.u32 s28, $0x2498  }
.Ltmp0:
0xd: {  	s14 =	ssub.s32 s12, s14;
	s18 =	sadd.s32 s29, s2;
	(pc) =	sbr.rel .LBB2_1-.Ltmp0, $4  }
0xe: {  	s15 =	sshll.u32 s30, $0x7;
	s10 =	sadd.s32 $0x68C00, s11;
	s11 =	sor.u32 $0x1C03, s31  }
0xf: {  	s12 =	sshll.u32 s30, $0x4;
	s13 =	smax.u32 s14, $0x1;
	s14 =	sadd.s32 $0xC82400, s16  }
0x10: {  	s24 =	sadd.s32 s15, s2;
	s15 =	smul.u32 $0x500, s1;
	s16 =	sadd.s32 $0xA02400, s16  }
0x11: {  	s17 =	sshrl.u32 s18, $0x3;
	s18 =	simm.s32 $0x3;
	s24 =	sshrl.u32 s24, $0x3  }
.LBB2_7:
0x12: {  	s0 =	sadd.s32 s6, s28;
	[sflag:s18] =	ssyncadd.s32 $0xFFFFC000  }
0x13: {  	[tilespmem:s3], [sflag:$0x3] =	stream.linear.gather [hbm4b:s0+s3], $0x80, $0x38;
	[tilespmem:$0x1BD00] =	vst v63  }
0x14: {  	_ =	swait.ge [sflag:s18], $0x80  }
0x15: {  	[sflag:s18] =	ssyncset.done $0x0  }
0x16: {  	[sflag:s18] =	ssyncadd.s32 $0xFFFFFF80  }
0x17: {  	[tilespmem:s20], [sflag:$0x1] =	stream.indirect.gather [hbm4b:s5+s19], $0x80, s3, s19, $0xb8;
	[tilespmem:$0x1BD00] =	vst v63  }
0x18: {  	_ = 	snop  }
0x19: {  	[tilespmem:s21], [sflag:$0x2] =	stream.linear.gather [hbm4b:s26+s3], $0x4000, $0x38;
	[tilespmem:$0x1BD00] =	vst v63  }
0x1a: {  	s31 =	sadd.s32 s7, s28  }
0x1b: {  	[tilespmem:s19], [sflag:$0x3] =	stream.linear.gather [hbm4b:s31+s3], $0x80, $0x38;
	[tilespmem:$0x1BD00] =	vst v63  }
0x1c: {  	_ =	swait.ge [sflag:s18], $0x80  }
0x1d: {  	[sflag:s18] =	ssyncset.done $0x0  }
0x1e: {  	[sflag:s18] =	ssyncadd.s32 $0xFFFFFF80  }
0x1f: {  	_ =	swait.ge [sflag:s22], $0x4000  }
0x20: {  	[sflag:s22] =	ssyncset.done $0x0  }
0x21: {  	[sflag:s22] =	ssyncadd.s32 $0xFFFFC000  }
0x22: {  	[spmem:s2] =	stream.indirect.scatter.add.f32 [tilespmem:s20], [sflag:$0x3], $0x80, s19, s19, $0xb8;
	[tilespmem:$0x1BD00] =	vst v63  }
0x23: {  	_ =	swait.ge [sflag:s18], $0x4000  }
0x24: {  	[sflag:s18] =	ssyncset.done $0x0  }
0x25: {  	[sflag:s18] =	ssyncadd.s32 $0xFFFFC000  }
0x26: {  	_ =	swait.ge [sflag:s23], $0x4000  }
0x27: {  	[sflag:s23] =	ssyncset.done $0x0  }
0x28: {  	[sflag:s23] =	ssyncadd.s32 $0xFFFFC000  }
0x29: {  	[spmem:s2] =	stream.indirect.scatter.add.f32 [tilespmem:s21], [sflag:$0x3], $0x80, s19, s19, $0xb8;
	[tilespmem:$0x1BD00] =	vst v63  }
0x2a: {  	_ =	swait.ge [sflag:s18], $0x4000  }
0x2b: {  	[sflag:s18] =	ssyncset.done $0x0  }
0x2c: {  	s26 =	smov.u32 s9;
	[sflag:s18] =	ssyncadd.s32 $0xFFFFC000  }
.LBB2_8:
0x2d: {  	s25 =	sadd.s32 $0x1, s25  }
0x2e: {  	p1 =	sne.s32 s25, s13  }
.Ltmp1:
0x2f: {  	s0 =	sadd.s32 s26, s12;
	[bflag:$0x0] =	sbarrier.arrive $0xFFFF;
	(pc) =	sbr.rel @!p1 .LBB2_9-.Ltmp1, $4  }
0x30: {  	[hbm:s0], [sflag:s11] =	dma.local [spmem:s24], $0x2780  }
0x31: {  	_ =	swait.ge [sflag:s18], $0x2780  }
0x32: {  	[sflag:s18] =	ssyncset.done $0x0  }
0x33: {  	[sflag:s18] =	ssyncadd.s32 $0xFFFFD880  }
.LBB2_1:
0x34: {  	[spmem:s17], [sflag:s11] =	dma.local [hbm:s10], $0x2780  }
.Ltmp2:
0x35: {  	_ =	swait.ge [sflag:s18], $0x2780;
	(pc) =	sbr.rel @p0 .LBB2_5-.Ltmp2, $3  }
0x36: {  	[sflag:s18] =	ssyncset.done $0x0  }
0x37: {  	[sflag:s18] =	ssyncadd.s32 $0xFFFFD880  }
0x38: {  	[bflag:$0x0] =	sbarrier.arrive $0xFFFF;
	_ =	sdelay $0x1  }
0x39: {  	s26 =	sadd.s32 $0x0, s15  }
0x3a: {  	s28 =	sand.u32 $0x70, s3;
	s26 =	sand.u32 $0xFF80, s26  }
0x3b: {  	s26 =	sor.u32 s28, s26  }
0x3c: {  	s28 =	sadd.s32 s6, s26  }
0x3d: {  	[tilespmem:s3], [sflag:$0x3] =	stream.linear.gather [hbm4b:s28+s3], $0x80, $0x38;
	[tilespmem:$0x1BD00] =	vst v63  }
0x3e: {  	_ =	swait.ge [sflag:s18], $0x80  }
0x3f: {  	[sflag:s18] =	ssyncset.done $0x0  }
0x40: {  	[sflag:s18] =	ssyncadd.s32 $0xFFFFFF80  }
0x41: {  	[tilespmem:s20], [sflag:$0x1] =	stream.indirect.gather [hbm4b:s4+s19], $0x80, s3, s19, $0xb8;
	[tilespmem:$0x1BD00] =	vst v63  }
0x42: {  	_ = 	snop  }
0x43: {  	[tilespmem:s21], [sflag:$0x2] =	stream.linear.gather [hbm4b:s16+s3], $0x4000, $0x38;
	[tilespmem:$0x1BD00] =	vst v63  }
0x44: {  	s26 =	sadd.s32 s7, s26  }
0x45: {  	[tilespmem:s19], [sflag:$0x3] =	stream.linear.gather [hbm4b:s26+s3], $0x80, $0x38;
	[tilespmem:$0x1BD00] =	vst v63  }
0x46: {  	_ =	swait.ge [sflag:s18], $0x80  }
0x47: {  	[sflag:s18] =	ssyncset.done $0x0  }
0x48: {  	[sflag:s18] =	ssyncadd.s32 $0xFFFFFF80  }
0x49: {  	_ =	swait.ge [sflag:s22], $0x4000  }
0x4a: {  	[sflag:s22] =	ssyncset.done $0x0  }
0x4b: {  	[sflag:s22] =	ssyncadd.s32 $0xFFFFC000  }
0x4c: {  	[spmem:s2] =	stream.indirect.scatter.add.f32 [tilespmem:s20], [sflag:$0x3], $0x80, s19, s19, $0xb8;
	[tilespmem:$0x1BD00] =	vst v63  }
0x4d: {  	_ =	swait.ge [sflag:s18], $0x4000  }
0x4e: {  	[sflag:s18] =	ssyncset.done $0x0  }
0x4f: {  	[sflag:s18] =	ssyncadd.s32 $0xFFFFC000  }
0x50: {  	_ =	swait.ge [sflag:s23], $0x4000  }
0x51: {  	s31 =	simm.s32 $0x10;
	[sflag:s23] =	ssyncset.done $0x0  }
0x52: {  	s29 =	simm.s32 $0x20;
	s28 =	sadd.s32 $0x10, s15;
	[sflag:s23] =	ssyncadd.s32 $0xFFFFC000  }
0x53: {  	[spmem:s2] =	stream.indirect.scatter.add.f32 [tilespmem:s21], [sflag:$0x3], $0x80, s19, s19, $0xb8;
	[tilespmem:$0x1BD00] =	vst v63  }
0x54: {  	s28 =	sand.u32 $0xFF80, s28;
	s26 =	sand.u32 $0x70, s31;
	_ =	swait.ge [sflag:s18], $0x4000  }
0x55: {  	s28 =	sor.u32 s26, s28;
	s26 =	sadd.s32 $0x800, s16;
	[sflag:s18] =	ssyncset.done $0x0  }
.LBB2_3:
0x56: {  	s30 =	sadd.s32 s6, s28  }
0x57: {  	[sflag:s18] =	ssyncadd.s32 $0xFFFFC000;
	s31 =	smov.u32 s29;
	s0 =	sadd.s32 $0x10, s29  }
0x58: {  	[tilespmem:s3], [sflag:$0x3] =	stream.linear.gather [hbm4b:s30+s3], $0x80, $0x38;
	[tilespmem:$0x1BD00] =	vst v63  }
0x59: {  	p1 =	seq.s32 s29, $0x4F0;
	_ =	swait.ge [sflag:s18], $0x80  }
0x5a: {  	[sflag:s18] =	ssyncset.done $0x0  }
0x5b: {  	[sflag:s18] =	ssyncadd.s32 $0xFFFFFF80  }
0x5c: {  	[tilespmem:s20], [sflag:$0x1] =	stream.indirect.gather [hbm4b:s4+s19], $0x80, s3, s19, $0xb8;
	[tilespmem:$0x1BD00] =	vst v63  }
0x5d: {  	_ = 	snop  }
0x5e: {  	[tilespmem:s21], [sflag:$0x2] =	stream.linear.gather [hbm4b:s26+s3], $0x4000, $0x38;
	[tilespmem:$0x1BD00] =	vst v63  }
0x5f: {  	s28 =	sadd.s32 s7, s28  }
0x60: {  	[tilespmem:s19], [sflag:$0x3] =	stream.linear.gather [hbm4b:s28+s3], $0x80, $0x38;
	[tilespmem:$0x1BD00] =	vst v63  }
0x61: {  	_ =	swait.ge [sflag:s18], $0x80  }
0x62: {  	[sflag:s18] =	ssyncset.done $0x0  }
0x63: {  	[sflag:s18] =	ssyncadd.s32 $0xFFFFFF80  }
0x64: {  	_ =	swait.ge [sflag:s22], $0x4000  }
0x65: {  	[sflag:s22] =	ssyncset.done $0x0  }
0x66: {  	[sflag:s22] =	ssyncadd.s32 $0xFFFFC000  }
0x67: {  	[spmem:s2] =	stream.indirect.scatter.add.f32 [tilespmem:s20], [sflag:$0x3], $0x80, s19, s19, $0xb8;
	[tilespmem:$0x1BD00] =	vst v63  }
0x68: {  	_ =	swait.ge [sflag:s18], $0x4000  }
0x69: {  	[sflag:s18] =	ssyncset.done $0x0  }
0x6a: {  	[sflag:s18] =	ssyncadd.s32 $0xFFFFC000  }
0x6b: {  	_ =	swait.ge [sflag:s23], $0x4000  }
.Ltmp3:
0x6c: {  	[sflag:s23] =	ssyncset.done $0x0;
	(pc) =	sbr.rel @!p1 .LBB2_3-.Ltmp3, $4  }
0x6d: {  	s29 =	sand.u32 $0x70, s31;
	s28 =	sadd.s32 s31, s15;
	[sflag:s23] =	ssyncadd.s32 $0xFFFFC000  }
0x6e: {  	[spmem:s2] =	stream.indirect.scatter.add.f32 [tilespmem:s21], [sflag:$0x3], $0x80, s19, s19, $0xb8;
	[tilespmem:$0x1BD00] =	vst v63  }
0x6f: {  	s26 =	sadd.s32 $0x800, s26;
	s28 =	sand.u32 $0xFF80, s28;
	_ =	swait.ge [sflag:s18], $0x4000  }
0x70: {  	s28 =	sor.u32 s29, s28;
	s29 =	smov.u32 s0;
	[sflag:s18] =	ssyncset.done $0x0  }
0x71: {  	s0 =	sadd.s32 s6, s28;
	[sflag:s18] =	ssyncadd.s32 $0xFFFFC000  }
0x72: {  	[tilespmem:s3], [sflag:$0x3] =	stream.linear.gather [hbm4b:s0+s3], $0x80, $0x38;
	[tilespmem:$0x1BD00] =	vst v63  }
0x73: {  	_ =	swait.ge [sflag:s18], $0x80  }
0x74: {  	[sflag:s18] =	ssyncset.done $0x0  }
0x75: {  	[sflag:s18] =	ssyncadd.s32 $0xFFFFFF80  }
0x76: {  	[tilespmem:s20], [sflag:$0x1] =	stream.indirect.gather [hbm4b:s4+s19], $0x80, s3, s19, $0xb8;
	[tilespmem:$0x1BD00] =	vst v63  }
0x77: {  	_ = 	snop  }
0x78: {  	[tilespmem:s21], [sflag:$0x2] =	stream.linear.gather [hbm4b:s26+s3], $0x4000, $0x38;
	[tilespmem:$0x1BD00] =	vst v63  }
0x79: {  	s31 =	sadd.s32 s7, s28  }
0x7a: {  	[tilespmem:s19], [sflag:$0x3] =	stream.linear.gather [hbm4b:s31+s3], $0x80, $0x38;
	[tilespmem:$0x1BD00] =	vst v63  }
0x7b: {  	_ =	swait.ge [sflag:s18], $0x80  }
0x7c: {  	[sflag:s18] =	ssyncset.done $0x0  }
0x7d: {  	[sflag:s18] =	ssyncadd.s32 $0xFFFFFF80  }
0x7e: {  	_ =	swait.ge [sflag:s22], $0x4000  }
0x7f: {  	[sflag:s22] =	ssyncset.done $0x0  }
0x80: {  	[sflag:s22] =	ssyncadd.s32 $0xFFFFC000  }
0x81: {  	[spmem:s2] =	stream.indirect.scatter.add.f32 [tilespmem:s20], [sflag:$0x3], $0x80, s19, s19, $0xb8;
	[tilespmem:$0x1BD00] =	vst v63  }
0x82: {  	_ =	swait.ge [sflag:s18], $0x4000  }
0x83: {  	[sflag:s18] =	ssyncset.done $0x0  }
0x84: {  	[sflag:s18] =	ssyncadd.s32 $0xFFFFC000  }
0x85: {  	_ =	swait.ge [sflag:s23], $0x4000  }
0x86: {  	[sflag:s23] =	ssyncset.done $0x0  }
.Ltmp4:
0x87: {  	[sflag:s23] =	ssyncadd.s32 $0xFFFFC000;
	(pc) =	sbr.rel .LBB2_8-.Ltmp4, $4  }
0x88: {  	[spmem:s2] =	stream.indirect.scatter.add.f32 [tilespmem:s21], [sflag:$0x3], $0x80, s19, s19, $0xb8;
	[tilespmem:$0x1BD00] =	vst v63  }
0x89: {  	_ =	swait.ge [sflag:s18], $0x4000  }
0x8a: {  	[sflag:s18] =	ssyncset.done $0x0  }
0x8b: {  	s26 =	smov.u32 s8;
	[sflag:s18] =	ssyncadd.s32 $0xFFFFC000  }
.LBB2_5:
0x8c: {  	s0 =	sadd.s32 $0x0, s15  }
0x8d: {  	s26 =	sand.u32 $0x70, s3;
	s0 =	sand.u32 $0xFF80, s0  }
0x8e: {  	s0 =	sor.u32 s26, s0  }
0x8f: {  	s26 =	sadd.s32 s6, s0  }
0x90: {  	[tilespmem:s3], [sflag:$0x3] =	stream.linear.gather [hbm4b:s26+s3], $0x80, $0x38;
	[tilespmem:$0x1BD00] =	vst v63  }
0x91: {  	_ =	swait.ge [sflag:s18], $0x80  }
0x92: {  	[sflag:s18] =	ssyncset.done $0x0  }
0x93: {  	[sflag:s18] =	ssyncadd.s32 $0xFFFFFF80  }
0x94: {  	[tilespmem:s20], [sflag:$0x1] =	stream.indirect.gather [hbm4b:s5+s19], $0x80, s3, s19, $0xb8;
	[tilespmem:$0x1BD00] =	vst v63  }
0x95: {  	_ = 	snop  }
0x96: {  	[tilespmem:s21], [sflag:$0x2] =	stream.linear.gather [hbm4b:s14+s3], $0x4000, $0x38;
	[tilespmem:$0x1BD00] =	vst v63  }
0x97: {  	s0 =	sadd.s32 s7, s0  }
0x98: {  	[tilespmem:s19], [sflag:$0x3] =	stream.linear.gather [hbm4b:s0+s3], $0x80, $0x38;
	[tilespmem:$0x1BD00] =	vst v63  }
0x99: {  	_ =	swait.ge [sflag:s18], $0x80  }
0x9a: {  	[sflag:s18] =	ssyncset.done $0x0  }
0x9b: {  	[sflag:s18] =	ssyncadd.s32 $0xFFFFFF80  }
0x9c: {  	_ =	swait.ge [sflag:s22], $0x4000  }
0x9d: {  	[sflag:s22] =	ssyncset.done $0x0  }
0x9e: {  	[sflag:s22] =	ssyncadd.s32 $0xFFFFC000  }
0x9f: {  	[spmem:s2] =	stream.indirect.scatter.add.f32 [tilespmem:s20], [sflag:$0x3], $0x80, s19, s19, $0xb8;
	[tilespmem:$0x1BD00] =	vst v63  }
0xa0: {  	_ =	swait.ge [sflag:s18], $0x4000  }
0xa1: {  	[sflag:s18] =	ssyncset.done $0x0  }
0xa2: {  	[sflag:s18] =	ssyncadd.s32 $0xFFFFC000  }
0xa3: {  	_ =	swait.ge [sflag:s23], $0x4000  }
0xa4: {  	s30 =	simm.s32 $0x10;
	[sflag:s23] =	ssyncset.done $0x0  }
0xa5: {  	s29 =	simm.s32 $0x20;
	s31 =	sadd.s32 $0x10, s15;
	[sflag:s23] =	ssyncadd.s32 $0xFFFFC000  }
0xa6: {  	[spmem:s2] =	stream.indirect.scatter.add.f32 [tilespmem:s21], [sflag:$0x3], $0x80, s19, s19, $0xb8;
	[tilespmem:$0x1BD00] =	vst v63  }
0xa7: {  	s26 =	sand.u32 $0xFF80, s31;
	s0 =	sand.u32 $0x70, s30;
	_ =	swait.ge [sflag:s18], $0x4000  }
0xa8: {  	s28 =	sor.u32 s0, s26;
	s26 =	sadd.s32 $0x800, s14;
	[sflag:s18] =	ssyncset.done $0x0  }
.LBB2_6:
0xa9: {  	s0 =	sadd.s32 s6, s28  }
0xaa: {  	[sflag:s18] =	ssyncadd.s32 $0xFFFFC000;
	s30 =	smov.u32 s29;
	s31 =	sadd.s32 $0x10, s29  }
0xab: {  	[tilespmem:s3], [sflag:$0x3] =	stream.linear.gather [hbm4b:s0+s3], $0x80, $0x38;
	[tilespmem:$0x1BD00] =	vst v63  }
0xac: {  	p1 =	sne.s32 s29, $0x4F0;
	_ =	swait.ge [sflag:s18], $0x80  }
0xad: {  	[sflag:s18] =	ssyncset.done $0x0  }
0xae: {  	[sflag:s18] =	ssyncadd.s32 $0xFFFFFF80  }
0xaf: {  	[tilespmem:s20], [sflag:$0x1] =	stream.indirect.gather [hbm4b:s5+s19], $0x80, s3, s19, $0xb8;
	[tilespmem:$0x1BD00] =	vst v63  }
0xb0: {  	_ = 	snop  }
0xb1: {  	[tilespmem:s21], [sflag:$0x2] =	stream.linear.gather [hbm4b:s26+s3], $0x4000, $0x38;
	[tilespmem:$0x1BD00] =	vst v63  }
0xb2: {  	s0 =	sadd.s32 s7, s28  }
0xb3: {  	[tilespmem:s19], [sflag:$0x3] =	stream.linear.gather [hbm4b:s0+s3], $0x80, $0x38;
	[tilespmem:$0x1BD00] =	vst v63  }
0xb4: {  	_ =	swait.ge [sflag:s18], $0x80  }
0xb5: {  	[sflag:s18] =	ssyncset.done $0x0  }
0xb6: {  	[sflag:s18] =	ssyncadd.s32 $0xFFFFFF80  }
0xb7: {  	_ =	swait.ge [sflag:s22], $0x4000  }
0xb8: {  	[sflag:s22] =	ssyncset.done $0x0  }
0xb9: {  	[sflag:s22] =	ssyncadd.s32 $0xFFFFC000  }
0xba: {  	[spmem:s2] =	stream.indirect.scatter.add.f32 [tilespmem:s20], [sflag:$0x3], $0x80, s19, s19, $0xb8;
	[tilespmem:$0x1BD00] =	vst v63  }
0xbb: {  	_ =	swait.ge [sflag:s18], $0x4000  }
0xbc: {  	[sflag:s18] =	ssyncset.done $0x0  }
0xbd: {  	[sflag:s18] =	ssyncadd.s32 $0xFFFFC000  }
0xbe: {  	_ =	swait.ge [sflag:s23], $0x4000  }
.Ltmp5:
0xbf: {  	[sflag:s23] =	ssyncset.done $0x0;
	(pc) =	sbr.rel @p1 .LBB2_6-.Ltmp5, $4  }
0xc0: {  	s28 =	sand.u32 $0x70, s30;
	s0 =	sadd.s32 s30, s15;
	[sflag:s23] =	ssyncadd.s32 $0xFFFFC000  }
0xc1: {  	[spmem:s2] =	stream.indirect.scatter.add.f32 [tilespmem:s21], [sflag:$0x3], $0x80, s19, s19, $0xb8;
	[tilespmem:$0x1BD00] =	vst v63  }
0xc2: {  	s29 =	smov.u32 s31;
	s0 =	sand.u32 $0xFF80, s0;
	_ =	swait.ge [sflag:s18], $0x4000  }
0xc3: {  	s26 =	sadd.s32 $0x800, s26;
	s28 =	sor.u32 s28, s0;
	[sflag:s18] =	ssyncset.done $0x0  }
.Ltmp6:
0xc4: {  	_ = 	snop;
	(pc) =	sbr.rel .LBB2_7-.Ltmp6, $1  }
0xc5: {  	_ =	sdelay $0x3  }
.LBB2_9:
0xc6: {  	_ =	sfence.sel $0x180000  }
0xc7: {  	[bflag:$0x0] =	sbarrier.arrive $0xFFFF  }
0xc8: {  	_ =	strace $0x9000004A  }
0xc9: {  	[bflag:$0x2] =	sbarrier.arrive $0xFFFF  }
0xca: {  	p0 =	sne.s32 s1, $0x0;
	s0 =	rddreg [dreg:$0x2]  }
0xcb: {  	s0 =	sadd.s32 @!p0 $0x100000, s0  }
0xcc: {  	[sflag:s0] =	ssyncadd.tile.s32 @!p0 $0x1;
	_ =	shalt  }
.Lfunc_end2:
_tile_overlayer_lowered:
.L_overlay_start_2:
0xcd: {  	(tag) =	ssettag $0x2  }
0xce: {  	s0 =	rddreg [dreg:$0x0];
	s2 =	stileid.u32  }
0xcf: {  	s1 =	rddreg [dreg:$0x1];
	p0 =	sne.s32 s2, $0x0  }
0xd0: {  	s3 =	rddreg [dreg:$0x2];
	[bflag:$0x3] =	sbarrier.arrive $0xFFFF;
	s2 =	simm.s32 @!p0 $0x1C03  }
0xd1: {  	[timem:s3], [sflag:s2] =	dma.local @!p0 [hbm:s0], s1  }
0xd2: {  	s0 =	simm.s32 @!p0 $0x3  }
0xd3: {  	_ =	swait.ge @!p0 [sflag:s0], s1  }
0xd4: {  	s1 =	ssub.s32 @!p0 $0x0, s1;
	[sflag:s0] =	ssyncset.done @!p0 $0x0  }
0xd5: {  	[sflag:s0] =	ssyncadd.s32 @!p0 s1  }
0xd6: {  	[bflag:$0x3] =	sbarrier.arrive $0xFFFF  }
0xd7: {  	_ =	shalt  }

// kernel: kernel.31.cloned.1.call-start
scs
__scs_entry_jumppad:
0x0: {  	(pc) =	sbr.rel $0x88, $3  }
0x1: {  	(tag) =	ssettag $0x0;
	lr =	simm.s32 $0x1  }
0x2: {  	[smem:$0x3F81] =	sst lr;
	_ =	strace $0xD0000000  }
0x3: {  	_ = 	snop  }
0x4: {  	_ = 	snop  }
0x5: {  	_ = 	snop  }
0x6: {  	_ = 	snop  }
0x7: {  	_ = 	snop  }
__scs_overlays_trampoline_lowered:
0x8: {  	[smem:$0x3F90] =	sst s0  }
0x9: {  	[smem:$0x3F91] =	sst s1  }
0xa: {  	[smem:$0x3F92] =	sst s2  }
0xb: {  	[smem:$0x3F93] =	sst s3  }
0xc: {  	[smem:$0x3F94] =	sst s4  }
0xd: {  	[smem:$0x3F95] =	sst s5  }
0xe: {  	[smem:$0x3F96] =	sst s6  }
0xf: {  	[smem:$0x3F97] =	sst s7  }
0x10: {  	[smem:$0x3F98] =	sst s8  }
0x11: {  	[smem:$0x3F99] =	sst s9;
	s0 =	simm.s32 @!p0 $0x0  }
0x12: {  	s1 =	sld [smem:$0x3F7F];
	s0 =	simm.s32 @p0 $0x1  }
0x13: {  	[smem:$0x3F9A] =	sst s0;
	s0 =	simm.s32 @!p1 $0x0  }
0x14: {  	s2 =	sld [smem:$0x3F7E];
	s0 =	simm.s32 @p1 $0x1  }
0x15: {  	[smem:$0x3F9B] =	sst s0;
	s0 =	simm.s32 @!p2 $0x0  }
0x16: {  	s3 =	sld [smem:$0x3FDB];
	s0 =	simm.s32 @p2 $0x1  }
0x17: {  	s4 =	simm.s32 $0x1BF5;
	[smem:$0x3F9D] =	sst s0  }
0x18: {  	s0 =	sld [smem:$0x3F80];
	_ =	swait.ge [sflag:s4], $0x0  }
0x19: {  	s7 =	sld [smem:$0x3F81]  }
0x1a: {  	s8 =	sadd.s32 $0xFFFFE003, lr  }
0x1b: {  	s9 =	sadd.s32 $0xFFFFFEF7, lr;
	s5 =	simm.s32 $0xFFFFFFFF;
	p2 =	slt.u32 s8, $0xFFFFF086  }
0x1c: {  	p1 =	slt.u32 s9, $0xF7A;
	s5 =	simm.s32 @!p2 $0x0  }
0x1d: {  	s5 =	simm.s32 @p1 $0x1;
	p0 =	seq.s32 s7, s2  }
0x1e: {  	s7 =	smul.u32 @!p0 $0xF7A, s2;
	p2 =	seq.s32 @!p0 s5, $0x0  }
0x1f: {  	s9 =	smul.u32 $0xF7A, s1;
	s8 =	simm.s32 @!p0 $0x1BF5;
	p2 =	por !p2, p0  }
0x20: {  	[sflag:s8] =	ssyncset.s32 @!p0 $0xFFFFF086;
	s6 =	sadd.s32 @!p0 s3, s7;
	s7 =	simm.s32 @!p0 $0x108  }
0x21: {  	s3 =	sadd.s32 s3, s9;
	s6 =	sadd.s32 @!p0 $0x88, s6;
	s7 =	simm.s32 @p2 $0x1082  }
0x22: {  	[simem:s7], [sflag:s8] =	dma.local @!p0 [hbm:s6], $0xF7A  }
0x23: {  	s9 =	sor.u32 $0xD0000000, s2;
	s6 =	simm.s32 $0x108;
	_ =	swait.ge @!p0 [sflag:s8], $0x0  }
0x24: {  	s3 =	sadd.s32 $0x88, s3;
	s6 =	simm.s32 @!p1 $0x1082;
	[sflag:s4] =	ssyncset.s32 $0xFFFFF086  }
0x25: {  	[simem:s6], [sflag:s4] =	dma.local [hbm:s3], $0xF7A  }
0x26: {  	[smem:$0x3F81] =	sst s1;
	(tag) =	ssettag s2;
	_ =	strace s9  }
0x27: {  	s1 =	sld [smem:$0x3F91]  }
0x28: {  	s2 =	sld [smem:$0x3F92]  }
0x29: {  	s4 =	sld [smem:$0x3F94]  }
0x2a: {  	p0 =	seq.s32 s5, $0x0;
	s5 =	sld [smem:$0x3F95]  }
0x2b: {  	s6 =	sld [smem:$0x3F96]  }
0x2c: {  	s7 =	sld [smem:$0x3F97]  }
0x2d: {  	s3 =	simm.s32 $0x108;
	s8 =	sld [smem:$0x3F98]  }
0x2e: {  	s3 =	simm.s32 @!p0 $0x1082;
	s9 =	sld [smem:$0x3F99]  }
0x2f: {  	lr =	sadd.s32 s0, s3;
	s0 =	sld [smem:$0x3F90]  }
0x30: {  	s3 =	sld [smem:$0x3F93]  }
0x31: {  	[smem:$0x3F9C] =	sst s10  }
0x32: {  	s10 =	sld [smem:$0x3F9A];
	_ =	sdelay $0x3  }
0x33: {  	p0 =	seq.s32 s10, $0x1;
	s10 =	sld [smem:$0x3F9C];
	_ =	sdelay $0x3  }
0x34: {  	[smem:$0x3F9C] =	sst s10  }
0x35: {  	s10 =	sld [smem:$0x3F9B];
	_ =	sdelay $0x3  }
0x36: {  	p1 =	seq.s32 s10, $0x1;
	s10 =	sld [smem:$0x3F9C];
	_ =	sdelay $0x3  }
0x37: {  	[smem:$0x3F9C] =	sst s10  }
0x38: {  	s10 =	sld [smem:$0x3F9D]  }
0x39: {  	_ = 	snop;
	(pc) =	sbr.ind lr, $3  }
0x3a: {  	_ = 	snop  }
0x3b: {  	_ = 	snop  }
0x3c: {  	p2 =	seq.s32 s10, $0x1;
	s10 =	sld [smem:$0x3F9C]  }
0x3d: {  	_ =	shalt  }
0x3e: {  	_ =	shalt  }
0x3f: {  	_ =	shalt  }
0x40: {  	_ =	shalt  }
0x41: {  	_ =	shalt  }
0x42: {  	_ =	shalt  }
0x43: {  	_ =	shalt  }
0x44: {  	_ =	shalt  }
0x45: {  	_ =	shalt  }
0x46: {  	_ =	shalt  }
0x47: {  	_ =	shalt  }
0x48: {  	_ =	shalt  }
0x49: {  	_ =	shalt  }
0x4a: {  	_ =	shalt  }
0x4b: {  	_ =	shalt  }
0x4c: {  	_ =	shalt  }
0x4d: {  	_ =	shalt  }
0x4e: {  	_ =	shalt  }
0x4f: {  	_ =	shalt  }
0x50: {  	_ =	shalt  }
0x51: {  	_ =	shalt  }
0x52: {  	_ =	shalt  }
0x53: {  	_ =	shalt  }
0x54: {  	_ =	shalt  }
0x55: {  	_ =	shalt  }
0x56: {  	_ =	shalt  }
0x57: {  	_ =	shalt  }
0x58: {  	_ =	shalt  }
0x59: {  	_ =	shalt  }
0x5a: {  	_ =	shalt  }
0x5b: {  	_ =	shalt  }
0x5c: {  	_ =	shalt  }
0x5d: {  	_ =	shalt  }
0x5e: {  	_ =	shalt  }
0x5f: {  	_ =	shalt  }
0x60: {  	_ =	shalt  }
0x61: {  	_ =	shalt  }
0x62: {  	_ =	shalt  }
0x63: {  	_ =	shalt  }
0x64: {  	_ =	shalt  }
0x65: {  	_ =	shalt  }
0x66: {  	_ =	shalt  }
0x67: {  	_ =	shalt  }
0x68: {  	_ =	shalt  }
0x69: {  	_ =	shalt  }
0x6a: {  	_ =	shalt  }
0x6b: {  	_ =	shalt  }
0x6c: {  	_ =	shalt  }
0x6d: {  	_ =	shalt  }
0x6e: {  	_ =	shalt  }
0x6f: {  	_ =	shalt  }
0x70: {  	_ =	shalt  }
0x71: {  	_ =	shalt  }
0x72: {  	_ =	shalt  }
0x73: {  	_ =	shalt  }
0x74: {  	_ =	shalt  }
0x75: {  	_ =	shalt  }
0x76: {  	_ =	shalt  }
0x77: {  	_ =	shalt  }
0x78: {  	_ =	shalt  }
0x79: {  	_ =	shalt  }
0x7a: {  	_ =	shalt  }
0x7b: {  	_ =	shalt  }
0x7c: {  	_ =	shalt  }
0x7d: {  	_ =	shalt  }
0x7e: {  	_ =	shalt  }
0x7f: {  	_ =	shalt  }
0x80: {  	_ =	shalt  }
0x81: {  	_ =	shalt  }
0x82: {  	_ =	shalt  }
0x83: {  	_ =	shalt  }
0x84: {  	_ =	shalt  }
0x85: {  	_ =	shalt  }
0x86: {  	_ =	shalt  }
0x87: {  	_ =	shalt  }
.Lfunc_end0:
.L_simem_size_0:
called_computation.3_lowered:
.L_overlay_start_0:
0x88: {  	s2 =	sld [smem:$0x3FD9]  }
0x89: {  	s3 =	sld [smem:$0x3FFE];
	_ =	sdelay $0x1  }
0x8a: {  	s1 =	srdreg.scid  }
0x8b: {  	s0 =	sand.u32 $0x1, s1  }
0x8c: {  	s16 =	sshll.u32 s0, $0xA;
	s2 =	sadd.s32 s3, s2  }
0x8d: {  	s2 =	sadd.s32 s2, s16  }
0x8e: {  	[smem:$0x3FA8] =	sst s2  }
0x8f: {  	_ = 	snop  }
0x90: {  	(tm) =	ssettm $0x1  }
0x91: {  	s17 =	sld [smem:$0x3FFB];
	_ =	sdelay $0x3  }
0x92: {  	_ =	strace s17  }
0x93: {  	s2 =	sld [smem:$0x3FFC];
	_ =	sdelay $0x3  }
0x94: {  	_ =	strace s2  }
0x95: {  	s2 =	sld [smem:$0x3FFD];
	_ =	sdelay $0x3  }
0x96: {  	_ =	strace s2  }
0x97: {  	_ =	strace $0x8FFFFFFF  }
0x98: {  	s18 =	sld [smem:$0x3FDB];
	_ =	sdelay $0x1  }
0x99: {  	s19 =	simm.s32 $_scs_section_size  }
0x9a: {  	s4 =	simm.s32 $_size__tile_overlayer_lowered;
	s5 =	simm.s32 $_tile_overlayer_lowered  }
0x9b: {  	s22 =	simm.s32 $0x1BFF;
	s21 =	sshll.u32 s5, $0x1;
	s2 =	sadd.s32 s19, s18  }
0x9c: {  	s6 =	simm.s32 $0x0;
	s20 =	sshll.u32 s4, $0x1;
	s4 =	sadd.s32 s21, s2  }
0x9d: {  	[timem:s6], [sflag:s22] =	dma.local [hbm:s4], s20  }
0x9e: {  	_ =	swait.ge [sflag:s22], s20  }
0x9f: {  	s3 =	ssub.s32 $0x0, s20;
	[sflag:s22] =	ssyncset.done $0x0  }
0xa0: {  	[sflag:s22] =	ssyncadd.s32 s3;
	_ =	sdelay $0x1  }
0xa1: {  	s23 =	simm.s32 $0x1B8B  }
0xa2: {  	_ =	swait.ge [sflag:s23], $0x1  }
0xa3: {  	[sflag:s23] =	ssyncset.done $0x0  }
0xa4: {  	s25 =	simm.s32 $0x1B8E;
	s24 =	sld [smem:$0x3FFE];
	[sflag:s23] =	ssyncadd.s32 $0xFFFFFFFF  }
0xa5: {  	s26 =	simm.s32 $execute0_lowered;
	[smem:$0x3FD2] =	sst s25  }
0xa6: {  	s4 =	sshll.u32 s26, $0x1;
	_ =	strace $0x8000004C;
	[dreg:$0x1] =	wrdreg $0xFFFFFFFF  }
0xa7: {  	s28 =	simm.s32 $_size_execute0_lowered;
	s2 =	sadd.s32 s2, s4;
	[dreg:$0x0] =	wrdreg $0x0  }
0xa8: {  	s4 =	sshll.u32 s28, $0x1;
	[dreg:$0x2] =	wrdreg s2  }
0xa9: {  	[dreg:$0x3] =	wrdreg s4  }
0xaa: {  	[dreg:$0x4] =	wrdreg $0xC0  }
0xab: {  	_ =	task [dreg:s6], $0x5FFFF  }
0xac: {  	[dreg:$0x1] =	wrdreg $0xFFFFFFFF  }
0xad: {  	[dreg:$0x0] =	wrdreg $0x60  }
0xae: {  	[dreg:$0x2] =	wrdreg s24  }
0xaf: {  	[dreg:$0x3] =	wrdreg $0x81000  }
0xb0: {  	[dreg:$0x4] =	wrdreg $0xA  }
0xb1: {  	_ =	task.clear_ibuf [dreg:s6], $0x5FFFF;
	_ =	strace $0x9000004C  }
0xb2: {  	s29 =	simm.s32 $0xA;
	_ =	strace $0x8000004E  }
0xb3: {  	_ =	swait.ge [sflag:s29], $0x1  }
0xb4: {  	[sflag:s29] =	ssyncadd.s32 $0xFFFFFFFF  }
0xb5: {  	_ =	strace $0x9000004E  }
0xb6: {  	_ =	sfence  }
0xb7: {  	s30 =	sld [smem:$0x0];
	_ =	sdelay $0x2  }
0xb8: {  	s31 =	sshll.u32 s1, $0xD;
	s1 =	sshrl.u32 s1, $0x2  }
0xb9: {  	s3 =	sand.u32 $0x4000, s31;
	s1 =	sadd.s32 s1, s30  }
0xba: {  	s0 =	sor.u32 s3, s0;
	s1 =	sshll.u32 s1, $0x11  }
0xbb: {  	s0 =	sor.u32 s1, s0  }
0xbc: {  	s0 =	sadd.s32 $0x8F2B, s0  }
0xbd: {  	[sflag:s0] =	ssyncadd.remote.s32 $0x1  }
0xbe: {  	_ =	sfence.sel $0xFFFF  }
0xbf: {  	[dreg:$0x0] =	wrdreg $0xFFFFFFFF;
	(pc) =	sbr.abs _section_cstart, $3  }
0xc0: {  	[dreg:$0x1] =	wrdreg $0xFFFFFFFF  }
0xc1: {  	_ =	task.clear_ibuf [dreg:s6], $0x2FFFF;
	_ =	strace $0x9FFFFFFF  }
0xc2: {  	(tm) =	ssettm $0x7FFFFFFF  }
0xc3: {  	_ =	shalt  }
tec
execute0_lowered:
.L_overlay_start_1:
0x0: {  	(tag) =	ssettag $0x1  }
0x1: {  	s9 =	rddreg [dreg:$0x0]  }
0x2: {  	s2 =	rddreg [dreg:$0x1]  }
0x3: {  	s3 =	simm.s32 $0x0;
	s1 =	stileid.u32;
	s10 =	srdreg.scid  }
0x4: {  	s19 =	simm.s32 $0x80;
	s20 =	simm.s32 $0x100;
	s21 =	simm.s32 $0x4100  }
0x5: {  	s22 =	simm.s32 $0x1;
	s23 =	simm.s32 $0x2;
	s6 =	smul.u32 $0x28000, s1  }
0x6: {  	s25 =	simm.s32 $0x0;
	[smem:$0x7FF] =	sst s3;
	s8 =	smul.u32 $0x2780, s1  }
0x7: {  	s4 =	sadd.s32 $0x1A800, s9;
	s5 =	sadd.s32 $0x41A00, s9;
	s28 =	smul.u32 $0x278, s1  }
0x8: {  	s7 =	sadd.s32 $0x10800, s9;
	s17 =	sand.u32 $0x1, s10;
	s13 =	smul.u32 $0x4F000, s1  }
0x9: {  	s31 =	sshll.u32 s1, $0x6;
	_ =	strace $0x8000004D;
	s12 =	ssub.s32 $0x2, s17  }
0xa: {  	p0 =	sne.s32 s17, $0x0;
	s16 =	sadd.s32 s6, s9;
	s6 =	sadd.s32 $0x15800, s9  }
0xb: {  	s11 =	sadd.s32 s8, s9;
	s8 =	sadd.s32 $0x90400, s9;
	s9 =	sadd.s32 $0xB7600, s9  }
0xc: {  	s14 =	sshrl.u32 s12, $0x1;
	s29 =	sshrl.u32 s13, $0x2;
	s30 =	smin.u32 s28, $0x2498  }
.Ltmp0:
0xd: {  	s14 =	ssub.s32 s12, s14;
	s18 =	sadd.s32 s29, s2;
	(pc) =	sbr.rel .LBB2_1-.Ltmp0, $4  }
0xe: {  	s15 =	sshll.u32 s30, $0x7;
	s10 =	sadd.s32 $0x68C00, s11;
	s11 =	sor.u32 $0x1C03, s31  }
0xf: {  	s12 =	sshll.u32 s30, $0x4;
	s13 =	smax.u32 s14, $0x1;
	s14 =	sadd.s32 $0x782400, s16  }
0x10: {  	s24 =	sadd.s32 s15, s2;
	s15 =	smul.u32 $0x500, s1;
	s16 =	sadd.s32 $0x502400, s16  }
0x11: {  	s17 =	sshrl.u32 s18, $0x3;
	s18 =	simm.s32 $0x3;
	s24 =	sshrl.u32 s24, $0x3  }
.LBB2_7:
0x12: {  	s0 =	sadd.s32 s6, s28;
	[sflag:s18] =	ssyncadd.s32 $0xFFFFC000  }
0x13: {  	[tilespmem:s3], [sflag:$0x3] =	stream.linear.gather [hbm4b:s0+s3], $0x80, $0x38;
	[tilespmem:$0x1BD00] =	vst v63  }
0x14: {  	_ =	swait.ge [sflag:s18], $0x80  }
0x15: {  	[sflag:s18] =	ssyncset.done $0x0  }
0x16: {  	[sflag:s18] =	ssyncadd.s32 $0xFFFFFF80  }
0x17: {  	[tilespmem:s20], [sflag:$0x1] =	stream.indirect.gather [hbm4b:s5+s19], $0x80, s3, s19, $0xb8;
	[tilespmem:$0x1BD00] =	vst v63  }
0x18: {  	_ = 	snop  }
0x19: {  	[tilespmem:s21], [sflag:$0x2] =	stream.linear.gather [hbm4b:s26+s3], $0x4000, $0x38;
	[tilespmem:$0x1BD00] =	vst v63  }
0x1a: {  	s31 =	sadd.s32 s7, s28  }
0x1b: {  	[tilespmem:s19], [sflag:$0x3] =	stream.linear.gather [hbm4b:s31+s3], $0x80, $0x38;
	[tilespmem:$0x1BD00] =	vst v63  }
0x1c: {  	_ =	swait.ge [sflag:s18], $0x80  }
0x1d: {  	[sflag:s18] =	ssyncset.done $0x0  }
0x1e: {  	[sflag:s18] =	ssyncadd.s32 $0xFFFFFF80  }
0x1f: {  	_ =	swait.ge [sflag:s22], $0x4000  }
0x20: {  	[sflag:s22] =	ssyncset.done $0x0  }
0x21: {  	[sflag:s22] =	ssyncadd.s32 $0xFFFFC000  }
0x22: {  	[spmem:s2] =	stream.indirect.scatter.add.f32 [tilespmem:s20], [sflag:$0x3], $0x80, s19, s19, $0xb8;
	[tilespmem:$0x1BD00] =	vst v63  }
0x23: {  	_ =	swait.ge [sflag:s18], $0x4000  }
0x24: {  	[sflag:s18] =	ssyncset.done $0x0  }
0x25: {  	[sflag:s18] =	ssyncadd.s32 $0xFFFFC000  }
0x26: {  	_ =	swait.ge [sflag:s23], $0x4000  }
0x27: {  	[sflag:s23] =	ssyncset.done $0x0  }
0x28: {  	[sflag:s23] =	ssyncadd.s32 $0xFFFFC000  }
0x29: {  	[spmem:s2] =	stream.indirect.scatter.add.f32 [tilespmem:s21], [sflag:$0x3], $0x80, s19, s19, $0xb8;
	[tilespmem:$0x1BD00] =	vst v63  }
0x2a: {  	_ =	swait.ge [sflag:s18], $0x4000  }
0x2b: {  	[sflag:s18] =	ssyncset.done $0x0  }
0x2c: {  	s26 =	smov.u32 s9;
	[sflag:s18] =	ssyncadd.s32 $0xFFFFC000  }
.LBB2_8:
0x2d: {  	s25 =	sadd.s32 $0x1, s25  }
0x2e: {  	p1 =	sne.s32 s25, s13  }
.Ltmp1:
0x2f: {  	s0 =	sadd.s32 s26, s12;
	[bflag:$0x0] =	sbarrier.arrive $0xFFFF;
	(pc) =	sbr.rel @!p1 .LBB2_9-.Ltmp1, $4  }
0x30: {  	[hbm:s0], [sflag:s11] =	dma.local [spmem:s24], $0x2780  }
0x31: {  	_ =	swait.ge [sflag:s18], $0x2780  }
0x32: {  	[sflag:s18] =	ssyncset.done $0x0  }
0x33: {  	[sflag:s18] =	ssyncadd.s32 $0xFFFFD880  }
.LBB2_1:
0x34: {  	[spmem:s17], [sflag:s11] =	dma.local [hbm:s10], $0x2780  }
.Ltmp2:
0x35: {  	_ =	swait.ge [sflag:s18], $0x2780;
	(pc) =	sbr.rel @p0 .LBB2_5-.Ltmp2, $3  }
0x36: {  	[sflag:s18] =	ssyncset.done $0x0  }
0x37: {  	[sflag:s18] =	ssyncadd.s32 $0xFFFFD880  }
0x38: {  	[bflag:$0x0] =	sbarrier.arrive $0xFFFF;
	_ =	sdelay $0x1  }
0x39: {  	s26 =	sadd.s32 $0x0, s15  }
0x3a: {  	s28 =	sand.u32 $0x70, s3;
	s26 =	sand.u32 $0xFF80, s26  }
0x3b: {  	s26 =	sor.u32 s28, s26  }
0x3c: {  	s28 =	sadd.s32 s6, s26  }
0x3d: {  	[tilespmem:s3], [sflag:$0x3] =	stream.linear.gather [hbm4b:s28+s3], $0x80, $0x38;
	[tilespmem:$0x1BD00] =	vst v63  }
0x3e: {  	_ =	swait.ge [sflag:s18], $0x80  }
0x3f: {  	[sflag:s18] =	ssyncset.done $0x0  }
0x40: {  	[sflag:s18] =	ssyncadd.s32 $0xFFFFFF80  }
0x41: {  	[tilespmem:s20], [sflag:$0x1] =	stream.indirect.gather [hbm4b:s4+s19], $0x80, s3, s19, $0xb8;
	[tilespmem:$0x1BD00] =	vst v63  }
0x42: {  	_ = 	snop  }
0x43: {  	[tilespmem:s21], [sflag:$0x2] =	stream.linear.gather [hbm4b:s16+s3], $0x4000, $0x38;
	[tilespmem:$0x1BD00] =	vst v63  }
0x44: {  	s26 =	sadd.s32 s7, s26  }
0x45: {  	[tilespmem:s19], [sflag:$0x3] =	stream.linear.gather [hbm4b:s26+s3], $0x80, $0x38;
	[tilespmem:$0x1BD00] =	vst v63  }
0x46: {  	_ =	swait.ge [sflag:s18], $0x80  }
0x47: {  	[sflag:s18] =	ssyncset.done $0x0  }
0x48: {  	[sflag:s18] =	ssyncadd.s32 $0xFFFFFF80  }
0x49: {  	_ =	swait.ge [sflag:s22], $0x4000  }
0x4a: {  	[sflag:s22] =	ssyncset.done $0x0  }
0x4b: {  	[sflag:s22] =	ssyncadd.s32 $0xFFFFC000  }
0x4c: {  	[spmem:s2] =	stream.indirect.scatter.add.f32 [tilespmem:s20], [sflag:$0x3], $0x80, s19, s19, $0xb8;
	[tilespmem:$0x1BD00] =	vst v63  }
0x4d: {  	_ =	swait.ge [sflag:s18], $0x4000  }
0x4e: {  	[sflag:s18] =	ssyncset.done $0x0  }
0x4f: {  	[sflag:s18] =	ssyncadd.s32 $0xFFFFC000  }
0x50: {  	_ =	swait.ge [sflag:s23], $0x4000  }
0x51: {  	s31 =	simm.s32 $0x10;
	[sflag:s23] =	ssyncset.done $0x0  }
0x52: {  	s29 =	simm.s32 $0x20;
	s28 =	sadd.s32 $0x10, s15;
	[sflag:s23] =	ssyncadd.s32 $0xFFFFC000  }
0x53: {  	[spmem:s2] =	stream.indirect.scatter.add.f32 [tilespmem:s21], [sflag:$0x3], $0x80, s19, s19, $0xb8;
	[tilespmem:$0x1BD00] =	vst v63  }
0x54: {  	s28 =	sand.u32 $0xFF80, s28;
	s26 =	sand.u32 $0x70, s31;
	_ =	swait.ge [sflag:s18], $0x4000  }
0x55: {  	s28 =	sor.u32 s26, s28;
	s26 =	sadd.s32 $0x800, s16;
	[sflag:s18] =	ssyncset.done $0x0  }
.LBB2_3:
0x56: {  	s30 =	sadd.s32 s6, s28  }
0x57: {  	[sflag:s18] =	ssyncadd.s32 $0xFFFFC000;
	s31 =	smov.u32 s29;
	s0 =	sadd.s32 $0x10, s29  }
0x58: {  	[tilespmem:s3], [sflag:$0x3] =	stream.linear.gather [hbm4b:s30+s3], $0x80, $0x38;
	[tilespmem:$0x1BD00] =	vst v63  }
0x59: {  	p1 =	seq.s32 s29, $0x4F0;
	_ =	swait.ge [sflag:s18], $0x80  }
0x5a: {  	[sflag:s18] =	ssyncset.done $0x0  }
0x5b: {  	[sflag:s18] =	ssyncadd.s32 $0xFFFFFF80  }
0x5c: {  	[tilespmem:s20], [sflag:$0x1] =	stream.indirect.gather [hbm4b:s4+s19], $0x80, s3, s19, $0xb8;
	[tilespmem:$0x1BD00] =	vst v63  }
0x5d: {  	_ = 	snop  }
0x5e: {  	[tilespmem:s21], [sflag:$0x2] =	stream.linear.gather [hbm4b:s26+s3], $0x4000, $0x38;
	[tilespmem:$0x1BD00] =	vst v63  }
0x5f: {  	s28 =	sadd.s32 s7, s28  }
0x60: {  	[tilespmem:s19], [sflag:$0x3] =	stream.linear.gather [hbm4b:s28+s3], $0x80, $0x38;
	[tilespmem:$0x1BD00] =	vst v63  }
0x61: {  	_ =	swait.ge [sflag:s18], $0x80  }
0x62: {  	[sflag:s18] =	ssyncset.done $0x0  }
0x63: {  	[sflag:s18] =	ssyncadd.s32 $0xFFFFFF80  }
0x64: {  	_ =	swait.ge [sflag:s22], $0x4000  }
0x65: {  	[sflag:s22] =	ssyncset.done $0x0  }
0x66: {  	[sflag:s22] =	ssyncadd.s32 $0xFFFFC000  }
0x67: {  	[spmem:s2] =	stream.indirect.scatter.add.f32 [tilespmem:s20], [sflag:$0x3], $0x80, s19, s19, $0xb8;
	[tilespmem:$0x1BD00] =	vst v63  }
0x68: {  	_ =	swait.ge [sflag:s18], $0x4000  }
0x69: {  	[sflag:s18] =	ssyncset.done $0x0  }
0x6a: {  	[sflag:s18] =	ssyncadd.s32 $0xFFFFC000  }
0x6b: {  	_ =	swait.ge [sflag:s23], $0x4000  }
.Ltmp3:
0x6c: {  	[sflag:s23] =	ssyncset.done $0x0;
	(pc) =	sbr.rel @!p1 .LBB2_3-.Ltmp3, $4  }
0x6d: {  	s29 =	sand.u32 $0x70, s31;
	s28 =	sadd.s32 s31, s15;
	[sflag:s23] =	ssyncadd.s32 $0xFFFFC000  }
0x6e: {  	[spmem:s2] =	stream.indirect.scatter.add.f32 [tilespmem:s21], [sflag:$0x3], $0x80, s19, s19, $0xb8;
	[tilespmem:$0x1BD00] =	vst v63  }
0x6f: {  	s26 =	sadd.s32 $0x800, s26;
	s28 =	sand.u32 $0xFF80, s28;
	_ =	swait.ge [sflag:s18], $0x4000  }
0x70: {  	s28 =	sor.u32 s29, s28;
	s29 =	smov.u32 s0;
	[sflag:s18] =	ssyncset.done $0x0  }
0x71: {  	s0 =	sadd.s32 s6, s28;
	[sflag:s18] =	ssyncadd.s32 $0xFFFFC000  }
0x72: {  	[tilespmem:s3], [sflag:$0x3] =	stream.linear.gather [hbm4b:s0+s3], $0x80, $0x38;
	[tilespmem:$0x1BD00] =	vst v63  }
0x73: {  	_ =	swait.ge [sflag:s18], $0x80  }
0x74: {  	[sflag:s18] =	ssyncset.done $0x0  }
0x75: {  	[sflag:s18] =	ssyncadd.s32 $0xFFFFFF80  }
0x76: {  	[tilespmem:s20], [sflag:$0x1] =	stream.indirect.gather [hbm4b:s4+s19], $0x80, s3, s19, $0xb8;
	[tilespmem:$0x1BD00] =	vst v63  }
0x77: {  	_ = 	snop  }
0x78: {  	[tilespmem:s21], [sflag:$0x2] =	stream.linear.gather [hbm4b:s26+s3], $0x4000, $0x38;
	[tilespmem:$0x1BD00] =	vst v63  }
0x79: {  	s31 =	sadd.s32 s7, s28  }
0x7a: {  	[tilespmem:s19], [sflag:$0x3] =	stream.linear.gather [hbm4b:s31+s3], $0x80, $0x38;
	[tilespmem:$0x1BD00] =	vst v63  }
0x7b: {  	_ =	swait.ge [sflag:s18], $0x80  }
0x7c: {  	[sflag:s18] =	ssyncset.done $0x0  }
0x7d: {  	[sflag:s18] =	ssyncadd.s32 $0xFFFFFF80  }
0x7e: {  	_ =	swait.ge [sflag:s22], $0x4000  }
0x7f: {  	[sflag:s22] =	ssyncset.done $0x0  }
0x80: {  	[sflag:s22] =	ssyncadd.s32 $0xFFFFC000  }
0x81: {  	[spmem:s2] =	stream.indirect.scatter.add.f32 [tilespmem:s20], [sflag:$0x3], $0x80, s19, s19, $0xb8;
	[tilespmem:$0x1BD00] =	vst v63  }
0x82: {  	_ =	swait.ge [sflag:s18], $0x4000  }
0x83: {  	[sflag:s18] =	ssyncset.done $0x0  }
0x84: {  	[sflag:s18] =	ssyncadd.s32 $0xFFFFC000  }
0x85: {  	_ =	swait.ge [sflag:s23], $0x4000  }
0x86: {  	[sflag:s23] =	ssyncset.done $0x0  }
.Ltmp4:
0x87: {  	[sflag:s23] =	ssyncadd.s32 $0xFFFFC000;
	(pc) =	sbr.rel .LBB2_8-.Ltmp4, $4  }
0x88: {  	[spmem:s2] =	stream.indirect.scatter.add.f32 [tilespmem:s21], [sflag:$0x3], $0x80, s19, s19, $0xb8;
	[tilespmem:$0x1BD00] =	vst v63  }
0x89: {  	_ =	swait.ge [sflag:s18], $0x4000  }
0x8a: {  	[sflag:s18] =	ssyncset.done $0x0  }
0x8b: {  	s26 =	smov.u32 s8;
	[sflag:s18] =	ssyncadd.s32 $0xFFFFC000  }
.LBB2_5:
0x8c: {  	s0 =	sadd.s32 $0x0, s15  }
0x8d: {  	s26 =	sand.u32 $0x70, s3;
	s0 =	sand.u32 $0xFF80, s0  }
0x8e: {  	s0 =	sor.u32 s26, s0  }
0x8f: {  	s26 =	sadd.s32 s6, s0  }
0x90: {  	[tilespmem:s3], [sflag:$0x3] =	stream.linear.gather [hbm4b:s26+s3], $0x80, $0x38;
	[tilespmem:$0x1BD00] =	vst v63  }
0x91: {  	_ =	swait.ge [sflag:s18], $0x80  }
0x92: {  	[sflag:s18] =	ssyncset.done $0x0  }
0x93: {  	[sflag:s18] =	ssyncadd.s32 $0xFFFFFF80  }
0x94: {  	[tilespmem:s20], [sflag:$0x1] =	stream.indirect.gather [hbm4b:s5+s19], $0x80, s3, s19, $0xb8;
	[tilespmem:$0x1BD00] =	vst v63  }
0x95: {  	_ = 	snop  }
0x96: {  	[tilespmem:s21], [sflag:$0x2] =	stream.linear.gather [hbm4b:s14+s3], $0x4000, $0x38;
	[tilespmem:$0x1BD00] =	vst v63  }
0x97: {  	s0 =	sadd.s32 s7, s0  }
0x98: {  	[tilespmem:s19], [sflag:$0x3] =	stream.linear.gather [hbm4b:s0+s3], $0x80, $0x38;
	[tilespmem:$0x1BD00] =	vst v63  }
0x99: {  	_ =	swait.ge [sflag:s18], $0x80  }
0x9a: {  	[sflag:s18] =	ssyncset.done $0x0  }
0x9b: {  	[sflag:s18] =	ssyncadd.s32 $0xFFFFFF80  }
0x9c: {  	_ =	swait.ge [sflag:s22], $0x4000  }
0x9d: {  	[sflag:s22] =	ssyncset.done $0x0  }
0x9e: {  	[sflag:s22] =	ssyncadd.s32 $0xFFFFC000  }
0x9f: {  	[spmem:s2] =	stream.indirect.scatter.add.f32 [tilespmem:s20], [sflag:$0x3], $0x80, s19, s19, $0xb8;
	[tilespmem:$0x1BD00] =	vst v63  }
0xa0: {  	_ =	swait.ge [sflag:s18], $0x4000  }
0xa1: {  	[sflag:s18] =	ssyncset.done $0x0  }
0xa2: {  	[sflag:s18] =	ssyncadd.s32 $0xFFFFC000  }
0xa3: {  	_ =	swait.ge [sflag:s23], $0x4000  }
0xa4: {  	s30 =	simm.s32 $0x10;
	[sflag:s23] =	ssyncset.done $0x0  }
0xa5: {  	s29 =	simm.s32 $0x20;
	s31 =	sadd.s32 $0x10, s15;
	[sflag:s23] =	ssyncadd.s32 $0xFFFFC000  }
0xa6: {  	[spmem:s2] =	stream.indirect.scatter.add.f32 [tilespmem:s21], [sflag:$0x3], $0x80, s19, s19, $0xb8;
	[tilespmem:$0x1BD00] =	vst v63  }
0xa7: {  	s26 =	sand.u32 $0xFF80, s31;
	s0 =	sand.u32 $0x70, s30;
	_ =	swait.ge [sflag:s18], $0x4000  }
0xa8: {  	s28 =	sor.u32 s0, s26;
	s26 =	sadd.s32 $0x800, s14;
	[sflag:s18] =	ssyncset.done $0x0  }
.LBB2_6:
0xa9: {  	s0 =	sadd.s32 s6, s28  }
0xaa: {  	[sflag:s18] =	ssyncadd.s32 $0xFFFFC000;
	s30 =	smov.u32 s29;
	s31 =	sadd.s32 $0x10, s29  }
0xab: {  	[tilespmem:s3], [sflag:$0x3] =	stream.linear.gather [hbm4b:s0+s3], $0x80, $0x38;
	[tilespmem:$0x1BD00] =	vst v63  }
0xac: {  	p1 =	sne.s32 s29, $0x4F0;
	_ =	swait.ge [sflag:s18], $0x80  }
0xad: {  	[sflag:s18] =	ssyncset.done $0x0  }
0xae: {  	[sflag:s18] =	ssyncadd.s32 $0xFFFFFF80  }
0xaf: {  	[tilespmem:s20], [sflag:$0x1] =	stream.indirect.gather [hbm4b:s5+s19], $0x80, s3, s19, $0xb8;
	[tilespmem:$0x1BD00] =	vst v63  }
0xb0: {  	_ = 	snop  }
0xb1: {  	[tilespmem:s21], [sflag:$0x2] =	stream.linear.gather [hbm4b:s26+s3], $0x4000, $0x38;
	[tilespmem:$0x1BD00] =	vst v63  }
0xb2: {  	s0 =	sadd.s32 s7, s28  }
0xb3: {  	[tilespmem:s19], [sflag:$0x3] =	stream.linear.gather [hbm4b:s0+s3], $0x80, $0x38;
	[tilespmem:$0x1BD00] =	vst v63  }
0xb4: {  	_ =	swait.ge [sflag:s18], $0x80  }
0xb5: {  	[sflag:s18] =	ssyncset.done $0x0  }
0xb6: {  	[sflag:s18] =	ssyncadd.s32 $0xFFFFFF80  }
0xb7: {  	_ =	swait.ge [sflag:s22], $0x4000  }
0xb8: {  	[sflag:s22] =	ssyncset.done $0x0  }
0xb9: {  	[sflag:s22] =	ssyncadd.s32 $0xFFFFC000  }
0xba: {  	[spmem:s2] =	stream.indirect.scatter.add.f32 [tilespmem:s20], [sflag:$0x3], $0x80, s19, s19, $0xb8;
	[tilespmem:$0x1BD00] =	vst v63  }
0xbb: {  	_ =	swait.ge [sflag:s18], $0x4000  }
0xbc: {  	[sflag:s18] =	ssyncset.done $0x0  }
0xbd: {  	[sflag:s18] =	ssyncadd.s32 $0xFFFFC000  }
0xbe: {  	_ =	swait.ge [sflag:s23], $0x4000  }
.Ltmp5:
0xbf: {  	[sflag:s23] =	ssyncset.done $0x0;
	(pc) =	sbr.rel @p1 .LBB2_6-.Ltmp5, $4  }
0xc0: {  	s28 =	sand.u32 $0x70, s30;
	s0 =	sadd.s32 s30, s15;
	[sflag:s23] =	ssyncadd.s32 $0xFFFFC000  }
0xc1: {  	[spmem:s2] =	stream.indirect.scatter.add.f32 [tilespmem:s21], [sflag:$0x3], $0x80, s19, s19, $0xb8;
	[tilespmem:$0x1BD00] =	vst v63  }
0xc2: {  	s29 =	smov.u32 s31;
	s0 =	sand.u32 $0xFF80, s0;
	_ =	swait.ge [sflag:s18], $0x4000  }
0xc3: {  	s26 =	sadd.s32 $0x800, s26;
	s28 =	sor.u32 s28, s0;
	[sflag:s18] =	ssyncset.done $0x0  }
.Ltmp6:
0xc4: {  	_ = 	snop;
	(pc) =	sbr.rel .LBB2_7-.Ltmp6, $1  }
0xc5: {  	_ =	sdelay $0x3  }
.LBB2_9:
0xc6: {  	_ =	sfence.sel $0x180000  }
0xc7: {  	[bflag:$0x0] =	sbarrier.arrive $0xFFFF  }
0xc8: {  	_ =	strace $0x9000004D  }
0xc9: {  	[bflag:$0x2] =	sbarrier.arrive $0xFFFF  }
0xca: {  	p0 =	sne.s32 s1, $0x0;
	s0 =	rddreg [dreg:$0x2]  }
0xcb: {  	s0 =	sadd.s32 @!p0 $0x100000, s0  }
0xcc: {  	[sflag:s0] =	ssyncadd.tile.s32 @!p0 $0x1;
	_ =	shalt  }
.Lfunc_end2:
_tile_overlayer_lowered:
.L_overlay_start_2:
0xcd: {  	(tag) =	ssettag $0x2  }
0xce: {  	s0 =	rddreg [dreg:$0x0];
	s2 =	stileid.u32  }
0xcf: {  	s1 =	rddreg [dreg:$0x1];
	p0 =	sne.s32 s2, $0x0  }
0xd0: {  	s3 =	rddreg [dreg:$0x2];
	[bflag:$0x3] =	sbarrier.arrive $0xFFFF;
	s2 =	simm.s32 @!p0 $0x1C03  }
0xd1: {  	[timem:s3], [sflag:s2] =	dma.local @!p0 [hbm:s0], s1  }
0xd2: {  	s0 =	simm.s32 @!p0 $0x3  }
0xd3: {  	_ =	swait.ge @!p0 [sflag:s0], s1  }
0xd4: {  	s1 =	ssub.s32 @!p0 $0x0, s1;
	[sflag:s0] =	ssyncset.done @!p0 $0x0  }
0xd5: {  	[sflag:s0] =	ssyncadd.s32 @!p0 s1  }
0xd6: {  	[bflag:$0x3] =	sbarrier.arrive $0xFFFF  }
0xd7: {  	_ =	shalt  }

// kernel: kernel.34.cloned.1.call-start
scs
__scs_entry_jumppad:
0x0: {  	(pc) =	sbr.rel $0x88, $3  }
0x1: {  	(tag) =	ssettag $0x0;
	lr =	simm.s32 $0x1  }
0x2: {  	[smem:$0x3F81] =	sst lr;
	_ =	strace $0xD0000000  }
0x3: {  	_ = 	snop  }
0x4: {  	_ = 	snop  }
0x5: {  	_ = 	snop  }
0x6: {  	_ = 	snop  }
0x7: {  	_ = 	snop  }
__scs_overlays_trampoline_lowered:
0x8: {  	[smem:$0x3F90] =	sst s0  }
0x9: {  	[smem:$0x3F91] =	sst s1  }
0xa: {  	[smem:$0x3F92] =	sst s2  }
0xb: {  	[smem:$0x3F93] =	sst s3  }
0xc: {  	[smem:$0x3F94] =	sst s4  }
0xd: {  	[smem:$0x3F95] =	sst s5  }
0xe: {  	[smem:$0x3F96] =	sst s6  }
0xf: {  	[smem:$0x3F97] =	sst s7  }
0x10: {  	[smem:$0x3F98] =	sst s8  }
0x11: {  	[smem:$0x3F99] =	sst s9;
	s0 =	simm.s32 @!p0 $0x0  }
0x12: {  	s1 =	sld [smem:$0x3F7F];
	s0 =	simm.s32 @p0 $0x1  }
0x13: {  	[smem:$0x3F9A] =	sst s0;
	s0 =	simm.s32 @!p1 $0x0  }
0x14: {  	s2 =	sld [smem:$0x3F7E];
	s0 =	simm.s32 @p1 $0x1  }
0x15: {  	[smem:$0x3F9B] =	sst s0;
	s0 =	simm.s32 @!p2 $0x0  }
0x16: {  	s3 =	sld [smem:$0x3FDB];
	s0 =	simm.s32 @p2 $0x1  }
0x17: {  	s4 =	simm.s32 $0x1BF5;
	[smem:$0x3F9D] =	sst s0  }
0x18: {  	s0 =	sld [smem:$0x3F80];
	_ =	swait.ge [sflag:s4], $0x0  }
0x19: {  	s7 =	sld [smem:$0x3F81]  }
0x1a: {  	s8 =	sadd.s32 $0xFFFFE003, lr  }
0x1b: {  	s9 =	sadd.s32 $0xFFFFFEF7, lr;
	s5 =	simm.s32 $0xFFFFFFFF;
	p2 =	slt.u32 s8, $0xFFFFF086  }
0x1c: {  	p1 =	slt.u32 s9, $0xF7A;
	s5 =	simm.s32 @!p2 $0x0  }
0x1d: {  	s5 =	simm.s32 @p1 $0x1;
	p0 =	seq.s32 s7, s2  }
0x1e: {  	s7 =	smul.u32 @!p0 $0xF7A, s2;
	p2 =	seq.s32 @!p0 s5, $0x0  }
0x1f: {  	s9 =	smul.u32 $0xF7A, s1;
	s8 =	simm.s32 @!p0 $0x1BF5;
	p2 =	por !p2, p0  }
0x20: {  	[sflag:s8] =	ssyncset.s32 @!p0 $0xFFFFF086;
	s6 =	sadd.s32 @!p0 s3, s7;
	s7 =	simm.s32 @!p0 $0x108  }
0x21: {  	s3 =	sadd.s32 s3, s9;
	s6 =	sadd.s32 @!p0 $0x88, s6;
	s7 =	simm.s32 @p2 $0x1082  }
0x22: {  	[simem:s7], [sflag:s8] =	dma.local @!p0 [hbm:s6], $0xF7A  }
0x23: {  	s9 =	sor.u32 $0xD0000000, s2;
	s6 =	simm.s32 $0x108;
	_ =	swait.ge @!p0 [sflag:s8], $0x0  }
0x24: {  	s3 =	sadd.s32 $0x88, s3;
	s6 =	simm.s32 @!p1 $0x1082;
	[sflag:s4] =	ssyncset.s32 $0xFFFFF086  }
0x25: {  	[simem:s6], [sflag:s4] =	dma.local [hbm:s3], $0xF7A  }
0x26: {  	[smem:$0x3F81] =	sst s1;
	(tag) =	ssettag s2;
	_ =	strace s9  }
0x27: {  	s1 =	sld [smem:$0x3F91]  }
0x28: {  	s2 =	sld [smem:$0x3F92]  }
0x29: {  	s4 =	sld [smem:$0x3F94]  }
0x2a: {  	p0 =	seq.s32 s5, $0x0;
	s5 =	sld [smem:$0x3F95]  }
0x2b: {  	s6 =	sld [smem:$0x3F96]  }
0x2c: {  	s7 =	sld [smem:$0x3F97]  }
0x2d: {  	s3 =	simm.s32 $0x108;
	s8 =	sld [smem:$0x3F98]  }
0x2e: {  	s3 =	simm.s32 @!p0 $0x1082;
	s9 =	sld [smem:$0x3F99]  }
0x2f: {  	lr =	sadd.s32 s0, s3;
	s0 =	sld [smem:$0x3F90]  }
0x30: {  	s3 =	sld [smem:$0x3F93]  }
0x31: {  	[smem:$0x3F9C] =	sst s10  }
0x32: {  	s10 =	sld [smem:$0x3F9A];
	_ =	sdelay $0x3  }
0x33: {  	p0 =	seq.s32 s10, $0x1;
	s10 =	sld [smem:$0x3F9C];
	_ =	sdelay $0x3  }
0x34: {  	[smem:$0x3F9C] =	sst s10  }
0x35: {  	s10 =	sld [smem:$0x3F9B];
	_ =	sdelay $0x3  }
0x36: {  	p1 =	seq.s32 s10, $0x1;
	s10 =	sld [smem:$0x3F9C];
	_ =	sdelay $0x3  }
0x37: {  	[smem:$0x3F9C] =	sst s10  }
0x38: {  	s10 =	sld [smem:$0x3F9D]  }
0x39: {  	_ = 	snop;
	(pc) =	sbr.ind lr, $3  }
0x3a: {  	_ = 	snop  }
0x3b: {  	_ = 	snop  }
0x3c: {  	p2 =	seq.s32 s10, $0x1;
	s10 =	sld [smem:$0x3F9C]  }
0x3d: {  	_ =	shalt  }
0x3e: {  	_ =	shalt  }
0x3f: {  	_ =	shalt  }
0x40: {  	_ =	shalt  }
0x41: {  	_ =	shalt  }
0x42: {  	_ =	shalt  }
0x43: {  	_ =	shalt  }
0x44: {  	_ =	shalt  }
0x45: {  	_ =	shalt  }
0x46: {  	_ =	shalt  }
0x47: {  	_ =	shalt  }
0x48: {  	_ =	shalt  }
0x49: {  	_ =	shalt  }
0x4a: {  	_ =	shalt  }
0x4b: {  	_ =	shalt  }
0x4c: {  	_ =	shalt  }
0x4d: {  	_ =	shalt  }
0x4e: {  	_ =	shalt  }
0x4f: {  	_ =	shalt  }
0x50: {  	_ =	shalt  }
0x51: {  	_ =	shalt  }
0x52: {  	_ =	shalt  }
0x53: {  	_ =	shalt  }
0x54: {  	_ =	shalt  }
0x55: {  	_ =	shalt  }
0x56: {  	_ =	shalt  }
0x57: {  	_ =	shalt  }
0x58: {  	_ =	shalt  }
0x59: {  	_ =	shalt  }
0x5a: {  	_ =	shalt  }
0x5b: {  	_ =	shalt  }
0x5c: {  	_ =	shalt  }
0x5d: {  	_ =	shalt  }
0x5e: {  	_ =	shalt  }
0x5f: {  	_ =	shalt  }
0x60: {  	_ =	shalt  }
0x61: {  	_ =	shalt  }
0x62: {  	_ =	shalt  }
0x63: {  	_ =	shalt  }
0x64: {  	_ =	shalt  }
0x65: {  	_ =	shalt  }
0x66: {  	_ =	shalt  }
0x67: {  	_ =	shalt  }
0x68: {  	_ =	shalt  }
0x69: {  	_ =	shalt  }
0x6a: {  	_ =	shalt  }
0x6b: {  	_ =	shalt  }
0x6c: {  	_ =	shalt  }
0x6d: {  	_ =	shalt  }
0x6e: {  	_ =	shalt  }
0x6f: {  	_ =	shalt  }
0x70: {  	_ =	shalt  }
0x71: {  	_ =	shalt  }
0x72: {  	_ =	shalt  }
0x73: {  	_ =	shalt  }
0x74: {  	_ =	shalt  }
0x75: {  	_ =	shalt  }
0x76: {  	_ =	shalt  }
0x77: {  	_ =	shalt  }
0x78: {  	_ =	shalt  }
0x79: {  	_ =	shalt  }
0x7a: {  	_ =	shalt  }
0x7b: {  	_ =	shalt  }
0x7c: {  	_ =	shalt  }
0x7d: {  	_ =	shalt  }
0x7e: {  	_ =	shalt  }
0x7f: {  	_ =	shalt  }
0x80: {  	_ =	shalt  }
0x81: {  	_ =	shalt  }
0x82: {  	_ =	shalt  }
0x83: {  	_ =	shalt  }
0x84: {  	_ =	shalt  }
0x85: {  	_ =	shalt  }
0x86: {  	_ =	shalt  }
0x87: {  	_ =	shalt  }
.Lfunc_end0:
.L_simem_size_0:
called_computation.4_lowered:
.L_overlay_start_0:
0x88: {  	s2 =	sld [smem:$0x3FD9]  }
0x89: {  	s3 =	sld [smem:$0x3FFE];
	_ =	sdelay $0x1  }
0x8a: {  	s1 =	srdreg.scid  }
0x8b: {  	s0 =	sand.u32 $0x1, s1  }
0x8c: {  	s17 =	sshll.u32 s0, $0xA;
	s2 =	sadd.s32 s3, s2  }
0x8d: {  	s2 =	sadd.s32 s2, s17  }
0x8e: {  	[smem:$0x3FA8] =	sst s2  }
0x8f: {  	_ = 	snop  }
0x90: {  	(tm) =	ssettm $0x1  }
0x91: {  	s18 =	sld [smem:$0x3FFB];
	_ =	sdelay $0x3  }
0x92: {  	_ =	strace s18  }
0x93: {  	s2 =	sld [smem:$0x3FFC];
	_ =	sdelay $0x3  }
0x94: {  	_ =	strace s2  }
0x95: {  	s2 =	sld [smem:$0x3FFD];
	_ =	sdelay $0x3  }
0x96: {  	_ =	strace s2  }
0x97: {  	_ =	strace $0x8FFFFFFF  }
0x98: {  	s19 =	sld [smem:$0x3FDB];
	_ =	sdelay $0x1  }
0x99: {  	s20 =	simm.s32 $_scs_section_size  }
0x9a: {  	s4 =	simm.s32 $_size__tile_overlayer_lowered;
	s5 =	simm.s32 $_tile_overlayer_lowered  }
0x9b: {  	s6 =	simm.s32 $0x1BFF;
	s21 =	sshll.u32 s5, $0x1;
	s3 =	sadd.s32 s20, s19  }
0x9c: {  	s22 =	simm.s32 $0x0;
	s4 =	sshll.u32 s4, $0x1;
	s5 =	sadd.s32 s21, s3  }
0x9d: {  	[timem:s22], [sflag:s6] =	dma.local [hbm:s5], s4  }
0x9e: {  	_ =	swait.ge [sflag:s6], s4  }
0x9f: {  	s4 =	ssub.s32 $0x0, s4;
	[sflag:s6] =	ssyncset.done $0x0  }
0xa0: {  	[sflag:s6] =	ssyncadd.s32 s4;
	_ =	sdelay $0x1  }
0xa1: {  	s23 =	simm.s32 $0x1B8B  }
0xa2: {  	_ =	swait.ge [sflag:s23], $0x1  }
0xa3: {  	[sflag:s23] =	ssyncset.done $0x0  }
0xa4: {  	[sflag:s23] =	ssyncadd.s32 $0xFFFFFFFF  }
0xa5: {  	s4 =	sld [smem:$0x0]  }
0xa6: {  	s5 =	sand.u32 $0xFFFFFFFE, s1  }
0xa7: {  	p0 =	sne.s32 s1, s5  }
0xa8: {  	s5 =	sshll.u32 @p0 s5, $0xE  }
0xa9: {  	s5 =	sadd.s32 @p0 $0x11B8D, s5;
	s6 =	sshll.u32 @p0 s4, $0x11  }
0xaa: {  	s5 =	sor.u32 @p0 s6, s5  }
0xab: {  	[sflag:s5] =	ssyncadd.remote.s32 @p0 $0x1;
	_ =	sdelay $0x1  }
0xac: {  	s5 =	simm.s32 @p0 $0x1B8D  }
0xad: {  	_ =	swait.eq @p0 [sflag:s5], $0x1  }
0xae: {  	[sflag:s5] =	ssyncadd.s32 @p0 $0xFFFFFFFF  }
0xaf: {  	s6 =	sshll.u32 @!p0 s1, $0xE  }
0xb0: {  	s6 =	sor.u32 @!p0 $0x4000, s6;
	s5 =	simm.s32 @!p0 $0x1B8D  }
0xb1: {  	s4 =	sshll.u32 @!p0 s4, $0x11;
	s6 =	sadd.s32 @!p0 $0x11B8D, s6;
	_ =	swait.eq @!p0 [sflag:s5], $0x1  }
0xb2: {  	s4 =	sor.u32 @!p0 s4, s6;
	[sflag:s5] =	ssyncadd.s32 @!p0 $0xFFFFFFFF  }
0xb3: {  	s25 =	simm.s32 $0x1B8E;
	s24 =	sld [smem:$0x3FFE];
	[sflag:s4] =	ssyncadd.remote.s32 @!p0 $0x1  }
0xb4: {  	s26 =	simm.s32 $execute0_lowered;
	[smem:$0x3FD2] =	sst s25  }
0xb5: {  	s5 =	sshll.u32 s26, $0x1;
	_ =	strace $0x80000052;
	[dreg:$0x1] =	wrdreg $0xFFFFFFFF  }
0xb6: {  	s28 =	simm.s32 $_size_execute0_lowered;
	s3 =	sadd.s32 s3, s5;
	[dreg:$0x0] =	wrdreg $0x0  }
0xb7: {  	s5 =	sshll.u32 s28, $0x1;
	[dreg:$0x2] =	wrdreg s3  }
0xb8: {  	[dreg:$0x3] =	wrdreg s5  }
0xb9: {  	[dreg:$0x4] =	wrdreg $0xC0  }
0xba: {  	_ =	task [dreg:s22], $0x5FFFF  }
0xbb: {  	[dreg:$0x1] =	wrdreg $0xFFFFFFFF  }
0xbc: {  	[dreg:$0x0] =	wrdreg $0x60  }
0xbd: {  	[dreg:$0x2] =	wrdreg s24  }
0xbe: {  	[dreg:$0x3] =	wrdreg $0x41000  }
0xbf: {  	[dreg:$0x4] =	wrdreg $0xA  }
0xc0: {  	_ =	task.clear_ibuf [dreg:s22], $0x5FFFF;
	_ =	strace $0x90000052  }
0xc1: {  	s29 =	simm.s32 $0xA;
	_ =	strace $0x80000054  }
0xc2: {  	_ =	swait.ge [sflag:s29], $0x1  }
0xc3: {  	[sflag:s29] =	ssyncadd.s32 $0xFFFFFFFF  }
0xc4: {  	_ =	strace $0x90000054  }
0xc5: {  	_ =	sfence  }
0xc6: {  	s30 =	sld [smem:$0x0];
	_ =	sdelay $0x2  }
0xc7: {  	s31 =	sshll.u32 s1, $0xD;
	s1 =	sshrl.u32 s1, $0x2  }
0xc8: {  	s4 =	sand.u32 $0x4000, s31;
	s1 =	sadd.s32 s1, s30  }
0xc9: {  	s0 =	sor.u32 s4, s0;
	s1 =	sshll.u32 s1, $0x11  }
0xca: {  	s0 =	sor.u32 s1, s0  }
0xcb: {  	s0 =	sadd.s32 $0x8F2B, s0  }
0xcc: {  	[sflag:s0] =	ssyncadd.remote.s32 $0x1  }
0xcd: {  	_ =	sfence.sel $0xFFFF  }
0xce: {  	[dreg:$0x0] =	wrdreg $0xFFFFFFFF;
	(pc) =	sbr.abs _section_cstart, $3  }
0xcf: {  	[dreg:$0x1] =	wrdreg $0xFFFFFFFF  }
0xd0: {  	_ =	task.clear_ibuf [dreg:s22], $0x2FFFF;
	_ =	strace $0x9FFFFFFF  }
0xd1: {  	(tm) =	ssettm $0x7FFFFFFF  }
tec
execute0_lowered:
.L_overlay_start_1:
0x0: {  	(tag) =	ssettag $0x1  }
0x1: {  	s7 =	rddreg [dreg:$0x0]  }
0x2: {  	s1 =	rddreg [dreg:$0x1]  }
0x3: {  	s0 =	rddreg [dreg:$0x2];
	s2 =	simm.s32 $0x0  }
0x4: {  	s3 =	stileid.u32;
	s9 =	srdreg.scid;
	s16 =	simm.s32 $0x80  }
0x5: {  	s17 =	simm.s32 $0x100;
	s18 =	simm.s32 $0x1;
	s20 =	simm.s32 $0x0  }
0x6: {  	[smem:$0x7FF] =	sst s2;
	s4 =	sadd.s32 $0x90400, s7;
	s8 =	smul.u32 $0x2780, s3  }
0x7: {  	s5 =	sadd.s32 $0xB7600, s7;
	s6 =	sshll.u32 s3, $0x8;
	s26 =	smul.u32 $0x278, s3  }
0x8: {  	s14 =	sand.u32 $0x1, s9;
	s11 =	smul.u32 $0x4F000, s3;
	s30 =	sshll.u32 s3, $0x6  }
0x9: {  	_ =	strace $0x80000053;
	s13 =	sadd.s32 s6, s7;
	s10 =	ssub.s32 $0x2, s14  }
0xa: {  	s6 =	sadd.s32 $0x10800, s7;
	s9 =	sor.u32 $0x1C02, s30;
	p0 =	sne.s32 s14, $0x0  }
0xb: {  	s8 =	sadd.s32 s8, s7;
	s7 =	sadd.s32 $0x37A00, s7;
	s12 =	sshrl.u32 s10, $0x1  }
.Ltmp0:
0xc: {  	s28 =	sshrl.u32 s11, $0x2;
	s29 =	smin.u32 s26, $0x2498;
	(pc) =	sbr.rel .LBB2_1-.Ltmp0, $4  }
0xd: {  	s12 =	ssub.s32 s10, s12;
	s15 =	sadd.s32 s28, s1;
	s31 =	sshll.u32 s29, $0x7  }
0xe: {  	s8 =	sadd.s32 $0x68C00, s8;
	s10 =	sshll.u32 s29, $0x4;
	s19 =	sadd.s32 s31, s1  }
0xf: {  	s11 =	smax.u32 s12, $0x1;
	s12 =	sadd.s32 $0xE0600, s13;
	s13 =	sadd.s32 $0xDF600, s13  }
0x10: {  	s14 =	sshrl.u32 s15, $0x3;
	s15 =	simm.s32 $0x2;
	s19 =	sshrl.u32 s19, $0x3  }
.LBB2_7:
0x11: {  	s22 =	sadd.s32 s21, s12;
	[sflag:s15] =	ssyncadd.s32 $0xFFFFC000  }
0x12: {  	[tilespmem:s2], [sflag:$0x2] =	stream.linear.gather [hbm4b:s22+s2], $0x80, $0x38;
	[tilespmem:$0x17D00] =	vst v63  }
0x13: {  	_ =	swait.ge [sflag:s15], $0x80  }
0x14: {  	[sflag:s15] =	ssyncset.done $0x0  }
0x15: {  	[sflag:s15] =	ssyncadd.s32 $0xFFFFFF80  }
0x16: {  	[tilespmem:s17], [sflag:$0x1] =	stream.indirect.gather [hbm4b:s5+s16], $0x80, s2, s16, $0xb8;
	[tilespmem:$0x17D00] =	vst v63  }
0x17: {  	_ =	swait.ge [sflag:s18], $0x4000  }
0x18: {  	[sflag:s18] =	ssyncset.done $0x0  }
0x19: {  	s31 =	sadd.s32 s21, s13;
	[sflag:s18] =	ssyncadd.s32 $0xFFFFC000  }
0x1a: {  	[tilespmem:s16], [sflag:$0x2] =	stream.linear.gather [hbm4b:s31+s2], $0x80, $0x38;
	[tilespmem:$0x17D00] =	vst v63  }
0x1b: {  	_ =	swait.ge [sflag:s15], $0x80  }
0x1c: {  	[sflag:s15] =	ssyncset.done $0x0  }
0x1d: {  	[sflag:s15] =	ssyncadd.s32 $0xFFFFFF80  }
0x1e: {  	[spmem:s1] =	stream.indirect.scatter.add.f32 [tilespmem:s17], [sflag:$0x2], $0x80, s16, s16, $0xb8;
	[tilespmem:$0x17D00] =	vst v63  }
0x1f: {  	_ =	swait.ge [sflag:s15], $0x4000  }
0x20: {  	[sflag:s15] =	ssyncset.done $0x0  }
0x21: {  	s21 =	smov.u32 s7;
	[sflag:s15] =	ssyncadd.s32 $0xFFFFC000  }
.LBB2_8:
0x22: {  	s20 =	sadd.s32 $0x1, s20  }
0x23: {  	p1 =	sne.s32 s20, s11  }
.Ltmp1:
0x24: {  	s21 =	sadd.s32 s21, s10;
	[bflag:$0x0] =	sbarrier.arrive $0xFFFF;
	(pc) =	sbr.rel @!p1 .LBB2_9-.Ltmp1, $4  }
0x25: {  	[hbm:s21], [sflag:s9] =	dma.local [spmem:s19], $0x2780  }
0x26: {  	_ =	swait.ge [sflag:s15], $0x2780  }
0x27: {  	[sflag:s15] =	ssyncset.done $0x0  }
0x28: {  	[sflag:s15] =	ssyncadd.s32 $0xFFFFD880  }
.LBB2_1:
0x29: {  	[spmem:s14], [sflag:s9] =	dma.local [hbm:s8], $0x2780  }
.Ltmp2:
0x2a: {  	_ =	swait.ge [sflag:s15], $0x2780;
	(pc) =	sbr.rel @p0 .LBB2_5-.Ltmp2, $4  }
0x2b: {  	[sflag:s15] =	ssyncset.done $0x0  }
0x2c: {  	[sflag:s15] =	ssyncadd.s32 $0xFFFFD880  }
0x2d: {  	[bflag:$0x0] =	sbarrier.arrive $0xFFFF  }
0x2e: {  	s21 =	sadd.s32 $0x0, s12  }
0x2f: {  	[tilespmem:s2], [sflag:$0x2] =	stream.linear.gather [hbm4b:s21+s2], $0x80, $0x38;
	[tilespmem:$0x17D00] =	vst v63  }
0x30: {  	_ =	swait.ge [sflag:s15], $0x80  }
0x31: {  	[sflag:s15] =	ssyncset.done $0x0  }
0x32: {  	[sflag:s15] =	ssyncadd.s32 $0xFFFFFF80  }
0x33: {  	[tilespmem:s17], [sflag:$0x1] =	stream.indirect.gather [hbm4b:s4+s16], $0x80, s2, s16, $0xb8;
	[tilespmem:$0x17D00] =	vst v63  }
0x34: {  	_ =	swait.ge [sflag:s18], $0x4000  }
0x35: {  	[sflag:s18] =	ssyncset.done $0x0  }
0x36: {  	s31 =	sadd.s32 $0x0, s13;
	[sflag:s18] =	ssyncadd.s32 $0xFFFFC000  }
0x37: {  	[tilespmem:s16], [sflag:$0x2] =	stream.linear.gather [hbm4b:s31+s2], $0x80, $0x38;
	[tilespmem:$0x17D00] =	vst v63  }
0x38: {  	_ =	swait.ge [sflag:s15], $0x80  }
0x39: {  	[sflag:s15] =	ssyncset.done $0x0  }
0x3a: {  	[sflag:s15] =	ssyncadd.s32 $0xFFFFFF80  }
0x3b: {  	[spmem:s1] =	stream.indirect.scatter.add.f32 [tilespmem:s17], [sflag:$0x2], $0x80, s16, s16, $0xb8;
	[tilespmem:$0x17D00] =	vst v63  }
0x3c: {  	_ =	swait.ge [sflag:s15], $0x4000  }
0x3d: {  	s21 =	simm.s32 $0x10;
	s22 =	simm.s32 $0x20;
	[sflag:s15] =	ssyncset.done $0x0  }
.LBB2_3:
0x3e: {  	s23 =	sadd.s32 s21, s12  }
0x3f: {  	[sflag:s15] =	ssyncadd.s32 $0xFFFFC000;
	s24 =	smov.u32 s22;
	s25 =	sadd.s32 $0x10, s22  }
0x40: {  	[tilespmem:s2], [sflag:$0x2] =	stream.linear.gather [hbm4b:s23+s2], $0x80, $0x38;
	[tilespmem:$0x17D00] =	vst v63  }
0x41: {  	p1 =	seq.s32 s22, $0xF0;
	_ =	swait.ge [sflag:s15], $0x80  }
0x42: {  	[sflag:s15] =	ssyncset.done $0x0  }
0x43: {  	[sflag:s15] =	ssyncadd.s32 $0xFFFFFF80  }
0x44: {  	[tilespmem:s17], [sflag:$0x1] =	stream.indirect.gather [hbm4b:s4+s16], $0x80, s2, s16, $0xb8;
	[tilespmem:$0x17D00] =	vst v63  }
0x45: {  	_ =	swait.ge [sflag:s18], $0x4000  }
0x46: {  	[sflag:s18] =	ssyncset.done $0x0  }
0x47: {  	s22 =	sadd.s32 s21, s13;
	s21 =	smov.u32 s24;
	[sflag:s18] =	ssyncadd.s32 $0xFFFFC000  }
0x48: {  	[tilespmem:s16], [sflag:$0x2] =	stream.linear.gather [hbm4b:s22+s2], $0x80, $0x38;
	[tilespmem:$0x17D00] =	vst v63  }
0x49: {  	_ =	swait.ge [sflag:s15], $0x80  }
.Ltmp3:
0x4a: {  	[sflag:s15] =	ssyncset.done $0x0;
	(pc) =	sbr.rel @!p1 .LBB2_3-.Ltmp3, $4  }
0x4b: {  	[sflag:s15] =	ssyncadd.s32 $0xFFFFFF80  }
0x4c: {  	[spmem:s1] =	stream.indirect.scatter.add.f32 [tilespmem:s17], [sflag:$0x2], $0x80, s16, s16, $0xb8;
	[tilespmem:$0x17D00] =	vst v63  }
0x4d: {  	_ =	swait.ge [sflag:s15], $0x4000  }
0x4e: {  	s22 =	smov.u32 s25;
	[sflag:s15] =	ssyncset.done $0x0  }
0x4f: {  	s22 =	sadd.s32 s21, s12;
	[sflag:s15] =	ssyncadd.s32 $0xFFFFC000  }
0x50: {  	[tilespmem:s2], [sflag:$0x2] =	stream.linear.gather [hbm4b:s22+s2], $0x80, $0x38;
	[tilespmem:$0x17D00] =	vst v63  }
0x51: {  	_ =	swait.ge [sflag:s15], $0x80  }
0x52: {  	[sflag:s15] =	ssyncset.done $0x0  }
0x53: {  	[sflag:s15] =	ssyncadd.s32 $0xFFFFFF80  }
0x54: {  	[tilespmem:s17], [sflag:$0x1] =	stream.indirect.gather [hbm4b:s4+s16], $0x80, s2, s16, $0xb8;
	[tilespmem:$0x17D00] =	vst v63  }
0x55: {  	_ =	swait.ge [sflag:s18], $0x4000  }
0x56: {  	[sflag:s18] =	ssyncset.done $0x0  }
0x57: {  	s31 =	sadd.s32 s21, s13;
	[sflag:s18] =	ssyncadd.s32 $0xFFFFC000  }
0x58: {  	[tilespmem:s16], [sflag:$0x2] =	stream.linear.gather [hbm4b:s31+s2], $0x80, $0x38;
	[tilespmem:$0x17D00] =	vst v63  }
0x59: {  	_ =	swait.ge [sflag:s15], $0x80  }
0x5a: {  	[sflag:s15] =	ssyncset.done $0x0  }
.Ltmp4:
0x5b: {  	[sflag:s15] =	ssyncadd.s32 $0xFFFFFF80;
	(pc) =	sbr.rel .LBB2_8-.Ltmp4, $4  }
0x5c: {  	[spmem:s1] =	stream.indirect.scatter.add.f32 [tilespmem:s17], [sflag:$0x2], $0x80, s16, s16, $0xb8;
	[tilespmem:$0x17D00] =	vst v63  }
0x5d: {  	_ =	swait.ge [sflag:s15], $0x4000  }
0x5e: {  	[sflag:s15] =	ssyncset.done $0x0  }
0x5f: {  	s21 =	smov.u32 s6;
	[sflag:s15] =	ssyncadd.s32 $0xFFFFC000  }
.LBB2_5:
0x60: {  	[tilespmem:s2], [sflag:$0x2] =	stream.linear.gather [hbm4b:s21+s2], $0x80, $0x38;
	[tilespmem:$0x17D00] =	vst v63  }
0x61: {  	_ =	swait.ge [sflag:s15], $0x80  }
0x62: {  	[sflag:s15] =	ssyncset.done $0x0  }
0x63: {  	[sflag:s15] =	ssyncadd.s32 $0xFFFFFF80  }
0x64: {  	[tilespmem:s17], [sflag:$0x1] =	stream.indirect.gather [hbm4b:s5+s16], $0x80, s2, s16, $0xb8;
	[tilespmem:$0x17D00] =	vst v63  }
0x65: {  	_ =	swait.ge [sflag:s18], $0x4000  }
0x66: {  	[sflag:s18] =	ssyncset.done $0x0  }
0x67: {  	s31 =	sadd.s32 $0x0, s13;
	[sflag:s18] =	ssyncadd.s32 $0xFFFFC000  }
0x68: {  	[tilespmem:s16], [sflag:$0x2] =	stream.linear.gather [hbm4b:s31+s2], $0x80, $0x38;
	[tilespmem:$0x17D00] =	vst v63  }
0x69: {  	_ =	swait.ge [sflag:s15], $0x80  }
0x6a: {  	[sflag:s15] =	ssyncset.done $0x0  }
0x6b: {  	[sflag:s15] =	ssyncadd.s32 $0xFFFFFF80  }
0x6c: {  	[spmem:s1] =	stream.indirect.scatter.add.f32 [tilespmem:s17], [sflag:$0x2], $0x80, s16, s16, $0xb8;
	[tilespmem:$0x17D00] =	vst v63  }
0x6d: {  	_ =	swait.ge [sflag:s15], $0x4000  }
0x6e: {  	s21 =	simm.s32 $0x10;
	s22 =	simm.s32 $0x20;
	[sflag:s15] =	ssyncset.done $0x0  }
.LBB2_6:
0x6f: {  	s23 =	sadd.s32 s21, s12  }
0x70: {  	[sflag:s15] =	ssyncadd.s32 $0xFFFFC000;
	s24 =	smov.u32 s22;
	s25 =	sadd.s32 $0x10, s22  }
0x71: {  	[tilespmem:s2], [sflag:$0x2] =	stream.linear.gather [hbm4b:s23+s2], $0x80, $0x38;
	[tilespmem:$0x17D00] =	vst v63  }
0x72: {  	p1 =	sne.s32 s22, $0xF0;
	_ =	swait.ge [sflag:s15], $0x80  }
0x73: {  	[sflag:s15] =	ssyncset.done $0x0  }
0x74: {  	[sflag:s15] =	ssyncadd.s32 $0xFFFFFF80  }
0x75: {  	[tilespmem:s17], [sflag:$0x1] =	stream.indirect.gather [hbm4b:s5+s16], $0x80, s2, s16, $0xb8;
	[tilespmem:$0x17D00] =	vst v63  }
0x76: {  	_ =	swait.ge [sflag:s18], $0x4000  }
0x77: {  	[sflag:s18] =	ssyncset.done $0x0  }
0x78: {  	s22 =	sadd.s32 s21, s13;
	s21 =	smov.u32 s24;
	[sflag:s18] =	ssyncadd.s32 $0xFFFFC000  }
0x79: {  	[tilespmem:s16], [sflag:$0x2] =	stream.linear.gather [hbm4b:s22+s2], $0x80, $0x38;
	[tilespmem:$0x17D00] =	vst v63  }
0x7a: {  	_ =	swait.ge [sflag:s15], $0x80  }
.Ltmp5:
0x7b: {  	[sflag:s15] =	ssyncset.done $0x0;
	(pc) =	sbr.rel @p1 .LBB2_6-.Ltmp5, $4  }
0x7c: {  	[sflag:s15] =	ssyncadd.s32 $0xFFFFFF80  }
0x7d: {  	[spmem:s1] =	stream.indirect.scatter.add.f32 [tilespmem:s17], [sflag:$0x2], $0x80, s16, s16, $0xb8;
	[tilespmem:$0x17D00] =	vst v63  }
0x7e: {  	_ =	swait.ge [sflag:s15], $0x4000  }
0x7f: {  	s22 =	smov.u32 s25;
	[sflag:s15] =	ssyncset.done $0x0  }
.Ltmp6:
0x80: {  	_ = 	snop;
	(pc) =	sbr.rel .LBB2_7-.Ltmp6, $1  }
0x81: {  	_ =	sdelay $0x3  }
.LBB2_9:
0x82: {  	_ =	sfence.sel $0x180000  }
0x83: {  	[bflag:$0x0] =	sbarrier.arrive $0xFFFF  }
0x84: {  	p0 =	sne.s32 s3, $0x0;
	_ =	strace $0x90000053  }
0x85: {  	s0 =	sadd.s32 @!p0 $0x100000, s0;
	[bflag:$0x2] =	sbarrier.arrive $0xFFFF  }
0x86: {  	[sflag:s0] =	ssyncadd.tile.s32 @!p0 $0x1;
	_ =	shalt  }
.Lfunc_end2:
_tile_overlayer_lowered:
.L_overlay_start_2:
0x87: {  	(tag) =	ssettag $0x2  }
0x88: {  	s0 =	rddreg [dreg:$0x0];
	s2 =	stileid.u32  }
0x89: {  	s1 =	rddreg [dreg:$0x1];
	p0 =	sne.s32 s2, $0x0  }
0x8a: {  	s3 =	rddreg [dreg:$0x2];
	[bflag:$0x3] =	sbarrier.arrive $0xFFFF;
	s2 =	simm.s32 @!p0 $0x1C02  }
0x8b: {  	[timem:s3], [sflag:s2] =	dma.local @!p0 [hbm:s0], s1  }
0x8c: {  	s0 =	simm.s32 @!p0 $0x2  }
0x8d: {  	_ =	swait.ge @!p0 [sflag:s0], s1  }
0x8e: {  	s1 =	ssub.s32 @!p0 $0x0, s1;
	[sflag:s0] =	ssyncset.done @!p0 $0x0  }
0x8f: {  	[sflag:s0] =	ssyncadd.s32 @!p0 s1  }
0x90: {  	[bflag:$0x3] =	sbarrier.arrive $0xFFFF  }
0x91: {  	_ =	shalt  }

// kernel: kernel.37.cloned.1.call-start
scs
__scs_entry_jumppad:
0x0: {  	(pc) =	sbr.rel $0x88, $3  }
0x1: {  	(tag) =	ssettag $0x0;
	lr =	simm.s32 $0x1  }
0x2: {  	[smem:$0x3F81] =	sst lr;
	_ =	strace $0xD0000000  }
0x3: {  	_ = 	snop  }
0x4: {  	_ = 	snop  }
0x5: {  	_ = 	snop  }
0x6: {  	_ = 	snop  }
0x7: {  	_ = 	snop  }
__scs_overlays_trampoline_lowered:
0x8: {  	[smem:$0x3F90] =	sst s0  }
0x9: {  	[smem:$0x3F91] =	sst s1  }
0xa: {  	[smem:$0x3F92] =	sst s2  }
0xb: {  	[smem:$0x3F93] =	sst s3  }
0xc: {  	[smem:$0x3F94] =	sst s4  }
0xd: {  	[smem:$0x3F95] =	sst s5  }
0xe: {  	[smem:$0x3F96] =	sst s6  }
0xf: {  	[smem:$0x3F97] =	sst s7  }
0x10: {  	[smem:$0x3F98] =	sst s8  }
0x11: {  	[smem:$0x3F99] =	sst s9;
	s0 =	simm.s32 @!p0 $0x0  }
0x12: {  	s1 =	sld [smem:$0x3F7F];
	s0 =	simm.s32 @p0 $0x1  }
0x13: {  	[smem:$0x3F9A] =	sst s0;
	s0 =	simm.s32 @!p1 $0x0  }
0x14: {  	s2 =	sld [smem:$0x3F7E];
	s0 =	simm.s32 @p1 $0x1  }
0x15: {  	[smem:$0x3F9B] =	sst s0;
	s0 =	simm.s32 @!p2 $0x0  }
0x16: {  	s3 =	sld [smem:$0x3FDB];
	s0 =	simm.s32 @p2 $0x1  }
0x17: {  	s4 =	simm.s32 $0x1BF5;
	[smem:$0x3F9D] =	sst s0  }
0x18: {  	s0 =	sld [smem:$0x3F80];
	_ =	swait.ge [sflag:s4], $0x0  }
0x19: {  	s7 =	sld [smem:$0x3F81]  }
0x1a: {  	s8 =	sadd.s32 $0xFFFFE003, lr  }
0x1b: {  	s9 =	sadd.s32 $0xFFFFFEF7, lr;
	s5 =	simm.s32 $0xFFFFFFFF;
	p2 =	slt.u32 s8, $0xFFFFF086  }
0x1c: {  	p1 =	slt.u32 s9, $0xF7A;
	s5 =	simm.s32 @!p2 $0x0  }
0x1d: {  	s5 =	simm.s32 @p1 $0x1;
	p0 =	seq.s32 s7, s2  }
0x1e: {  	s7 =	smul.u32 @!p0 $0xF7A, s2;
	p2 =	seq.s32 @!p0 s5, $0x0  }
0x1f: {  	s9 =	smul.u32 $0xF7A, s1;
	s8 =	simm.s32 @!p0 $0x1BF5;
	p2 =	por !p2, p0  }
0x20: {  	[sflag:s8] =	ssyncset.s32 @!p0 $0xFFFFF086;
	s6 =	sadd.s32 @!p0 s3, s7;
	s7 =	simm.s32 @!p0 $0x108  }
0x21: {  	s3 =	sadd.s32 s3, s9;
	s6 =	sadd.s32 @!p0 $0x88, s6;
	s7 =	simm.s32 @p2 $0x1082  }
0x22: {  	[simem:s7], [sflag:s8] =	dma.local @!p0 [hbm:s6], $0xF7A  }
0x23: {  	s9 =	sor.u32 $0xD0000000, s2;
	s6 =	simm.s32 $0x108;
	_ =	swait.ge @!p0 [sflag:s8], $0x0  }
0x24: {  	s3 =	sadd.s32 $0x88, s3;
	s6 =	simm.s32 @!p1 $0x1082;
	[sflag:s4] =	ssyncset.s32 $0xFFFFF086  }
0x25: {  	[simem:s6], [sflag:s4] =	dma.local [hbm:s3], $0xF7A  }
0x26: {  	[smem:$0x3F81] =	sst s1;
	(tag) =	ssettag s2;
	_ =	strace s9  }
0x27: {  	s1 =	sld [smem:$0x3F91]  }
0x28: {  	s2 =	sld [smem:$0x3F92]  }
0x29: {  	s4 =	sld [smem:$0x3F94]  }
0x2a: {  	p0 =	seq.s32 s5, $0x0;
	s5 =	sld [smem:$0x3F95]  }
0x2b: {  	s6 =	sld [smem:$0x3F96]  }
0x2c: {  	s7 =	sld [smem:$0x3F97]  }
0x2d: {  	s3 =	simm.s32 $0x108;
	s8 =	sld [smem:$0x3F98]  }
0x2e: {  	s3 =	simm.s32 @!p0 $0x1082;
	s9 =	sld [smem:$0x3F99]  }
0x2f: {  	lr =	sadd.s32 s0, s3;
	s0 =	sld [smem:$0x3F90]  }
0x30: {  	s3 =	sld [smem:$0x3F93]  }
0x31: {  	[smem:$0x3F9C] =	sst s10  }
0x32: {  	s10 =	sld [smem:$0x3F9A];
	_ =	sdelay $0x3  }
0x33: {  	p0 =	seq.s32 s10, $0x1;
	s10 =	sld [smem:$0x3F9C];
	_ =	sdelay $0x3  }
0x34: {  	[smem:$0x3F9C] =	sst s10  }
0x35: {  	s10 =	sld [smem:$0x3F9B];
	_ =	sdelay $0x3  }
0x36: {  	p1 =	seq.s32 s10, $0x1;
	s10 =	sld [smem:$0x3F9C];
	_ =	sdelay $0x3  }
0x37: {  	[smem:$0x3F9C] =	sst s10  }
0x38: {  	s10 =	sld [smem:$0x3F9D]  }
0x39: {  	_ = 	snop;
	(pc) =	sbr.ind lr, $3  }
0x3a: {  	_ = 	snop  }
0x3b: {  	_ = 	snop  }
0x3c: {  	p2 =	seq.s32 s10, $0x1;
	s10 =	sld [smem:$0x3F9C]  }
0x3d: {  	_ =	shalt  }
0x3e: {  	_ =	shalt  }
0x3f: {  	_ =	shalt  }
0x40: {  	_ =	shalt  }
0x41: {  	_ =	shalt  }
0x42: {  	_ =	shalt  }
0x43: {  	_ =	shalt  }
0x44: {  	_ =	shalt  }
0x45: {  	_ =	shalt  }
0x46: {  	_ =	shalt  }
0x47: {  	_ =	shalt  }
0x48: {  	_ =	shalt  }
0x49: {  	_ =	shalt  }
0x4a: {  	_ =	shalt  }
0x4b: {  	_ =	shalt  }
0x4c: {  	_ =	shalt  }
0x4d: {  	_ =	shalt  }
0x4e: {  	_ =	shalt  }
0x4f: {  	_ =	shalt  }
0x50: {  	_ =	shalt  }
0x51: {  	_ =	shalt  }
0x52: {  	_ =	shalt  }
0x53: {  	_ =	shalt  }
0x54: {  	_ =	shalt  }
0x55: {  	_ =	shalt  }
0x56: {  	_ =	shalt  }
0x57: {  	_ =	shalt  }
0x58: {  	_ =	shalt  }
0x59: {  	_ =	shalt  }
0x5a: {  	_ =	shalt  }
0x5b: {  	_ =	shalt  }
0x5c: {  	_ =	shalt  }
0x5d: {  	_ =	shalt  }
0x5e: {  	_ =	shalt  }
0x5f: {  	_ =	shalt  }
0x60: {  	_ =	shalt  }
0x61: {  	_ =	shalt  }
0x62: {  	_ =	shalt  }
0x63: {  	_ =	shalt  }
0x64: {  	_ =	shalt  }
0x65: {  	_ =	shalt  }
0x66: {  	_ =	shalt  }
0x67: {  	_ =	shalt  }
0x68: {  	_ =	shalt  }
0x69: {  	_ =	shalt  }
0x6a: {  	_ =	shalt  }
0x6b: {  	_ =	shalt  }
0x6c: {  	_ =	shalt  }
0x6d: {  	_ =	shalt  }
0x6e: {  	_ =	shalt  }
0x6f: {  	_ =	shalt  }
0x70: {  	_ =	shalt  }
0x71: {  	_ =	shalt  }
0x72: {  	_ =	shalt  }
0x73: {  	_ =	shalt  }
0x74: {  	_ =	shalt  }
0x75: {  	_ =	shalt  }
0x76: {  	_ =	shalt  }
0x77: {  	_ =	shalt  }
0x78: {  	_ =	shalt  }
0x79: {  	_ =	shalt  }
0x7a: {  	_ =	shalt  }
0x7b: {  	_ =	shalt  }
0x7c: {  	_ =	shalt  }
0x7d: {  	_ =	shalt  }
0x7e: {  	_ =	shalt  }
0x7f: {  	_ =	shalt  }
0x80: {  	_ =	shalt  }
0x81: {  	_ =	shalt  }
0x82: {  	_ =	shalt  }
0x83: {  	_ =	shalt  }
0x84: {  	_ =	shalt  }
0x85: {  	_ =	shalt  }
0x86: {  	_ =	shalt  }
0x87: {  	_ =	shalt  }
.Lfunc_end0:
.L_simem_size_0:
called_computation.5_lowered:
.L_overlay_start_0:
0x88: {  	s2 =	sld [smem:$0x3FD9]  }
0x89: {  	s3 =	sld [smem:$0x3FFE];
	_ =	sdelay $0x1  }
0x8a: {  	s1 =	srdreg.scid  }
0x8b: {  	s0 =	sand.u32 $0x1, s1  }
0x8c: {  	s16 =	sshll.u32 s0, $0xA;
	s2 =	sadd.s32 s3, s2  }
0x8d: {  	s2 =	sadd.s32 s2, s16  }
0x8e: {  	[smem:$0x3FA8] =	sst s2  }
0x8f: {  	_ = 	snop  }
0x90: {  	(tm) =	ssettm $0x1  }
0x91: {  	s17 =	sld [smem:$0x3FFB];
	_ =	sdelay $0x3  }
0x92: {  	_ =	strace s17  }
0x93: {  	s2 =	sld [smem:$0x3FFC];
	_ =	sdelay $0x3  }
0x94: {  	_ =	strace s2  }
0x95: {  	s2 =	sld [smem:$0x3FFD];
	_ =	sdelay $0x3  }
0x96: {  	_ =	strace s2  }
0x97: {  	_ =	strace $0x8FFFFFFF  }
0x98: {  	s18 =	sld [smem:$0x3FDB];
	_ =	sdelay $0x1  }
0x99: {  	s19 =	simm.s32 $_scs_section_size  }
0x9a: {  	s4 =	simm.s32 $_size__tile_overlayer_lowered;
	s5 =	simm.s32 $_tile_overlayer_lowered  }
0x9b: {  	s22 =	simm.s32 $0x1BFF;
	s21 =	sshll.u32 s5, $0x1;
	s2 =	sadd.s32 s19, s18  }
0x9c: {  	s6 =	simm.s32 $0x0;
	s20 =	sshll.u32 s4, $0x1;
	s4 =	sadd.s32 s21, s2  }
0x9d: {  	[timem:s6], [sflag:s22] =	dma.local [hbm:s4], s20  }
0x9e: {  	_ =	swait.ge [sflag:s22], s20  }
0x9f: {  	s3 =	ssub.s32 $0x0, s20;
	[sflag:s22] =	ssyncset.done $0x0  }
0xa0: {  	[sflag:s22] =	ssyncadd.s32 s3;
	_ =	sdelay $0x1  }
0xa1: {  	s23 =	simm.s32 $0x1B8B  }
0xa2: {  	_ =	swait.ge [sflag:s23], $0x1  }
0xa3: {  	[sflag:s23] =	ssyncset.done $0x0  }
0xa4: {  	s25 =	simm.s32 $0x1B8E;
	s24 =	sld [smem:$0x3FFE];
	[sflag:s23] =	ssyncadd.s32 $0xFFFFFFFF  }
0xa5: {  	s26 =	simm.s32 $execute0_lowered;
	[smem:$0x3FD2] =	sst s25  }
0xa6: {  	s4 =	sshll.u32 s26, $0x1;
	_ =	strace $0x80000055;
	[dreg:$0x1] =	wrdreg $0xFFFFFFFF  }
0xa7: {  	s28 =	simm.s32 $_size_execute0_lowered;
	s2 =	sadd.s32 s2, s4;
	[dreg:$0x0] =	wrdreg $0x0  }
0xa8: {  	s4 =	sshll.u32 s28, $0x1;
	[dreg:$0x2] =	wrdreg s2  }
0xa9: {  	[dreg:$0x3] =	wrdreg s4  }
0xaa: {  	[dreg:$0x4] =	wrdreg $0xC0  }
0xab: {  	_ =	task [dreg:s6], $0x5FFFF  }
0xac: {  	[dreg:$0x1] =	wrdreg $0xFFFFFFFF  }
0xad: {  	[dreg:$0x0] =	wrdreg $0x60  }
0xae: {  	[dreg:$0x2] =	wrdreg s24  }
0xaf: {  	[dreg:$0x3] =	wrdreg $0x41000  }
0xb0: {  	[dreg:$0x4] =	wrdreg $0x9  }
0xb1: {  	_ =	task.clear_ibuf [dreg:s6], $0x5FFFF;
	_ =	strace $0x90000055  }
0xb2: {  	s29 =	simm.s32 $0x9;
	_ =	strace $0x80000057  }
0xb3: {  	_ =	swait.ge [sflag:s29], $0x1  }
0xb4: {  	[sflag:s29] =	ssyncadd.s32 $0xFFFFFFFF  }
0xb5: {  	_ =	strace $0x90000057  }
0xb6: {  	_ =	sfence  }
0xb7: {  	s30 =	sld [smem:$0x0];
	_ =	sdelay $0x2  }
0xb8: {  	s31 =	sshll.u32 s1, $0xD;
	s1 =	sshrl.u32 s1, $0x2  }
0xb9: {  	s3 =	sand.u32 $0x4000, s31;
	s1 =	sadd.s32 s1, s30  }
0xba: {  	s0 =	sor.u32 s3, s0;
	s1 =	sshll.u32 s1, $0x11  }
0xbb: {  	s0 =	sor.u32 s1, s0  }
0xbc: {  	s0 =	sadd.s32 $0x8F2B, s0  }
0xbd: {  	[sflag:s0] =	ssyncadd.remote.s32 $0x1  }
0xbe: {  	_ =	sfence.sel $0xFFFF  }
0xbf: {  	[dreg:$0x0] =	wrdreg $0xFFFFFFFF;
	(pc) =	sbr.abs _section_cstart, $3  }
0xc0: {  	[dreg:$0x1] =	wrdreg $0xFFFFFFFF  }
0xc1: {  	_ =	task.clear_ibuf [dreg:s6], $0x2FFFF;
	_ =	strace $0x9FFFFFFF  }
0xc2: {  	(tm) =	ssettm $0x7FFFFFFF  }
0xc3: {  	_ =	shalt  }
tec
execute0_lowered:
.L_overlay_start_1:
0x0: {  	(tag) =	ssettag $0x1  }
0x1: {  	s7 =	rddreg [dreg:$0x0]  }
0x2: {  	s2 =	rddreg [dreg:$0x1]  }
0x3: {  	s0 =	rddreg [dreg:$0x2];
	s3 =	simm.s32 $0x0  }
0x4: {  	s1 =	stileid.u32;
	s9 =	srdreg.scid;
	s16 =	simm.s32 $0x80  }
0x5: {  	s17 =	simm.s32 $0x100;
	s18 =	simm.s32 $0x1;
	s6 =	smul.u32 $0x1E0, s1  }
0x6: {  	s20 =	simm.s32 $0x0;
	[smem:$0x7FF] =	sst s3;
	s8 =	smul.u32 $0x2780, s1  }
0x7: {  	s4 =	sadd.s32 $0xDE800, s7;
	s5 =	sadd.s32 $0x105A00, s7;
	s26 =	smul.u32 $0x278, s1  }
0x8: {  	s14 =	sand.u32 $0x1, s9;
	s11 =	smul.u32 $0x4F000, s1;
	s30 =	sshll.u32 s1, $0x6  }
0x9: {  	_ =	strace $0x80000056;
	s10 =	ssub.s32 $0x2, s14;
	s9 =	sor.u32 $0x1C02, s30  }
0xa: {  	p0 =	sne.s32 s14, $0x0;
	s13 =	sadd.s32 s6, s7;
	s8 =	sadd.s32 s8, s7  }
0xb: {  	s6 =	sadd.s32 $0x12CC00, s7;
	s7 =	sadd.s32 $0x153E00, s7;
	s12 =	sshrl.u32 s10, $0x1  }
.Ltmp0:
0xc: {  	s28 =	sshrl.u32 s11, $0x2;
	s29 =	smin.u32 s26, $0x2498;
	(pc) =	sbr.rel .LBB2_1-.Ltmp0, $4  }
0xd: {  	s12 =	ssub.s32 s10, s12;
	s15 =	sadd.s32 s28, s2;
	s31 =	sshll.u32 s29, $0x7  }
0xe: {  	s8 =	sadd.s32 $0x68C00, s8;
	s10 =	sshll.u32 s29, $0x4;
	s19 =	sadd.s32 s31, s2  }
0xf: {  	s11 =	smax.u32 s12, $0x1;
	s12 =	sadd.s32 $0x60A00, s13;
	s13 =	sadd.s32 $0x5EC00, s13  }
0x10: {  	s14 =	sshrl.u32 s15, $0x3;
	s15 =	simm.s32 $0x2;
	s19 =	sshrl.u32 s19, $0x3  }
.LBB2_7:
0x11: {  	s22 =	sadd.s32 s21, s12;
	[sflag:s15] =	ssyncadd.s32 $0xFFFFC000  }
0x12: {  	[tilespmem:s3], [sflag:$0x2] =	stream.linear.gather [hbm4b:s22+s3], $0x80, $0x38;
	[tilespmem:$0x17D00] =	vst v63  }
0x13: {  	_ =	swait.ge [sflag:s15], $0x80  }
0x14: {  	[sflag:s15] =	ssyncset.done $0x0  }
0x15: {  	[sflag:s15] =	ssyncadd.s32 $0xFFFFFF80  }
0x16: {  	[tilespmem:s17], [sflag:$0x1] =	stream.indirect.gather [hbm4b:s5+s16], $0x80, s3, s16, $0xb8;
	[tilespmem:$0x17D00] =	vst v63  }
0x17: {  	_ =	swait.ge [sflag:s18], $0x4000  }
0x18: {  	[sflag:s18] =	ssyncset.done $0x0  }
0x19: {  	s31 =	sadd.s32 s21, s13;
	[sflag:s18] =	ssyncadd.s32 $0xFFFFC000  }
0x1a: {  	[tilespmem:s16], [sflag:$0x2] =	stream.linear.gather [hbm4b:s31+s3], $0x80, $0x38;
	[tilespmem:$0x17D00] =	vst v63  }
0x1b: {  	_ =	swait.ge [sflag:s15], $0x80  }
0x1c: {  	[sflag:s15] =	ssyncset.done $0x0  }
0x1d: {  	[sflag:s15] =	ssyncadd.s32 $0xFFFFFF80  }
0x1e: {  	[spmem:s2] =	stream.indirect.scatter.add.f32 [tilespmem:s17], [sflag:$0x2], $0x80, s16, s16, $0xb8;
	[tilespmem:$0x17D00] =	vst v63  }
0x1f: {  	_ =	swait.ge [sflag:s15], $0x4000  }
0x20: {  	[sflag:s15] =	ssyncset.done $0x0  }
0x21: {  	s21 =	smov.u32 s7;
	[sflag:s15] =	ssyncadd.s32 $0xFFFFC000  }
.LBB2_8:
0x22: {  	s20 =	sadd.s32 $0x1, s20  }
0x23: {  	p1 =	sne.s32 s20, s11  }
.Ltmp1:
0x24: {  	s21 =	sadd.s32 s21, s10;
	[bflag:$0x0] =	sbarrier.arrive $0xFFFF;
	(pc) =	sbr.rel @!p1 .LBB2_9-.Ltmp1, $4  }
0x25: {  	[hbm:s21], [sflag:s9] =	dma.local [spmem:s19], $0x2780  }
0x26: {  	_ =	swait.ge [sflag:s15], $0x2780  }
0x27: {  	[sflag:s15] =	ssyncset.done $0x0  }
0x28: {  	[sflag:s15] =	ssyncadd.s32 $0xFFFFD880  }
.LBB2_1:
0x29: {  	[spmem:s14], [sflag:s9] =	dma.local [hbm:s8], $0x2780  }
.Ltmp2:
0x2a: {  	_ =	swait.ge [sflag:s15], $0x2780;
	(pc) =	sbr.rel @p0 .LBB2_5-.Ltmp2, $4  }
0x2b: {  	[sflag:s15] =	ssyncset.done $0x0  }
0x2c: {  	[sflag:s15] =	ssyncadd.s32 $0xFFFFD880  }
0x2d: {  	[bflag:$0x0] =	sbarrier.arrive $0xFFFF  }
0x2e: {  	s21 =	sadd.s32 $0x0, s12  }
0x2f: {  	[tilespmem:s3], [sflag:$0x2] =	stream.linear.gather [hbm4b:s21+s3], $0x80, $0x38;
	[tilespmem:$0x17D00] =	vst v63  }
0x30: {  	_ =	swait.ge [sflag:s15], $0x80  }
0x31: {  	[sflag:s15] =	ssyncset.done $0x0  }
0x32: {  	[sflag:s15] =	ssyncadd.s32 $0xFFFFFF80  }
0x33: {  	[tilespmem:s17], [sflag:$0x1] =	stream.indirect.gather [hbm4b:s4+s16], $0x80, s3, s16, $0xb8;
	[tilespmem:$0x17D00] =	vst v63  }
0x34: {  	_ =	swait.ge [sflag:s18], $0x4000  }
0x35: {  	[sflag:s18] =	ssyncset.done $0x0  }
0x36: {  	s31 =	sadd.s32 $0x0, s13;
	[sflag:s18] =	ssyncadd.s32 $0xFFFFC000  }
0x37: {  	[tilespmem:s16], [sflag:$0x2] =	stream.linear.gather [hbm4b:s31+s3], $0x80, $0x38;
	[tilespmem:$0x17D00] =	vst v63  }
0x38: {  	_ =	swait.ge [sflag:s15], $0x80  }
0x39: {  	[sflag:s15] =	ssyncset.done $0x0  }
0x3a: {  	[sflag:s15] =	ssyncadd.s32 $0xFFFFFF80  }
0x3b: {  	[spmem:s2] =	stream.indirect.scatter.add.f32 [tilespmem:s17], [sflag:$0x2], $0x80, s16, s16, $0xb8;
	[tilespmem:$0x17D00] =	vst v63  }
0x3c: {  	_ =	swait.ge [sflag:s15], $0x4000  }
0x3d: {  	s21 =	simm.s32 $0x10;
	s22 =	simm.s32 $0x20;
	[sflag:s15] =	ssyncset.done $0x0  }
.LBB2_3:
0x3e: {  	s23 =	sadd.s32 s21, s12  }
0x3f: {  	[sflag:s15] =	ssyncadd.s32 $0xFFFFC000;
	s24 =	smov.u32 s22;
	s25 =	sadd.s32 $0x10, s22  }
0x40: {  	[tilespmem:s3], [sflag:$0x2] =	stream.linear.gather [hbm4b:s23+s3], $0x80, $0x38;
	[tilespmem:$0x17D00] =	vst v63  }
0x41: {  	p1 =	seq.s32 s22, $0x1D0;
	_ =	swait.ge [sflag:s15], $0x80  }
0x42: {  	[sflag:s15] =	ssyncset.done $0x0  }
0x43: {  	[sflag:s15] =	ssyncadd.s32 $0xFFFFFF80  }
0x44: {  	[tilespmem:s17], [sflag:$0x1] =	stream.indirect.gather [hbm4b:s4+s16], $0x80, s3, s16, $0xb8;
	[tilespmem:$0x17D00] =	vst v63  }
0x45: {  	_ =	swait.ge [sflag:s18], $0x4000  }
0x46: {  	[sflag:s18] =	ssyncset.done $0x0  }
0x47: {  	s22 =	sadd.s32 s21, s13;
	s21 =	smov.u32 s24;
	[sflag:s18] =	ssyncadd.s32 $0xFFFFC000  }
0x48: {  	[tilespmem:s16], [sflag:$0x2] =	stream.linear.gather [hbm4b:s22+s3], $0x80, $0x38;
	[tilespmem:$0x17D00] =	vst v63  }
0x49: {  	_ =	swait.ge [sflag:s15], $0x80  }
.Ltmp3:
0x4a: {  	[sflag:s15] =	ssyncset.done $0x0;
	(pc) =	sbr.rel @!p1 .LBB2_3-.Ltmp3, $4  }
0x4b: {  	[sflag:s15] =	ssyncadd.s32 $0xFFFFFF80  }
0x4c: {  	[spmem:s2] =	stream.indirect.scatter.add.f32 [tilespmem:s17], [sflag:$0x2], $0x80, s16, s16, $0xb8;
	[tilespmem:$0x17D00] =	vst v63  }
0x4d: {  	_ =	swait.ge [sflag:s15], $0x4000  }
0x4e: {  	s22 =	smov.u32 s25;
	[sflag:s15] =	ssyncset.done $0x0  }
0x4f: {  	s22 =	sadd.s32 s21, s12;
	[sflag:s15] =	ssyncadd.s32 $0xFFFFC000  }
0x50: {  	[tilespmem:s3], [sflag:$0x2] =	stream.linear.gather [hbm4b:s22+s3], $0x80, $0x38;
	[tilespmem:$0x17D00] =	vst v63  }
0x51: {  	_ =	swait.ge [sflag:s15], $0x80  }
0x52: {  	[sflag:s15] =	ssyncset.done $0x0  }
0x53: {  	[sflag:s15] =	ssyncadd.s32 $0xFFFFFF80  }
0x54: {  	[tilespmem:s17], [sflag:$0x1] =	stream.indirect.gather [hbm4b:s4+s16], $0x80, s3, s16, $0xb8;
	[tilespmem:$0x17D00] =	vst v63  }
0x55: {  	_ =	swait.ge [sflag:s18], $0x4000  }
0x56: {  	[sflag:s18] =	ssyncset.done $0x0  }
0x57: {  	s31 =	sadd.s32 s21, s13;
	[sflag:s18] =	ssyncadd.s32 $0xFFFFC000  }
0x58: {  	[tilespmem:s16], [sflag:$0x2] =	stream.linear.gather [hbm4b:s31+s3], $0x80, $0x38;
	[tilespmem:$0x17D00] =	vst v63  }
0x59: {  	_ =	swait.ge [sflag:s15], $0x80  }
0x5a: {  	[sflag:s15] =	ssyncset.done $0x0  }
.Ltmp4:
0x5b: {  	[sflag:s15] =	ssyncadd.s32 $0xFFFFFF80;
	(pc) =	sbr.rel .LBB2_8-.Ltmp4, $4  }
0x5c: {  	[spmem:s2] =	stream.indirect.scatter.add.f32 [tilespmem:s17], [sflag:$0x2], $0x80, s16, s16, $0xb8;
	[tilespmem:$0x17D00] =	vst v63  }
0x5d: {  	_ =	swait.ge [sflag:s15], $0x4000  }
0x5e: {  	[sflag:s15] =	ssyncset.done $0x0  }
0x5f: {  	s21 =	smov.u32 s6;
	[sflag:s15] =	ssyncadd.s32 $0xFFFFC000  }
.LBB2_5:
0x60: {  	[tilespmem:s3], [sflag:$0x2] =	stream.linear.gather [hbm4b:s21+s3], $0x80, $0x38;
	[tilespmem:$0x17D00] =	vst v63  }
0x61: {  	_ =	swait.ge [sflag:s15], $0x80  }
0x62: {  	[sflag:s15] =	ssyncset.done $0x0  }
0x63: {  	[sflag:s15] =	ssyncadd.s32 $0xFFFFFF80  }
0x64: {  	[tilespmem:s17], [sflag:$0x1] =	stream.indirect.gather [hbm4b:s5+s16], $0x80, s3, s16, $0xb8;
	[tilespmem:$0x17D00] =	vst v63  }
0x65: {  	_ =	swait.ge [sflag:s18], $0x4000  }
0x66: {  	[sflag:s18] =	ssyncset.done $0x0  }
0x67: {  	s31 =	sadd.s32 $0x0, s13;
	[sflag:s18] =	ssyncadd.s32 $0xFFFFC000  }
0x68: {  	[tilespmem:s16], [sflag:$0x2] =	stream.linear.gather [hbm4b:s31+s3], $0x80, $0x38;
	[tilespmem:$0x17D00] =	vst v63  }
0x69: {  	_ =	swait.ge [sflag:s15], $0x80  }
0x6a: {  	[sflag:s15] =	ssyncset.done $0x0  }
0x6b: {  	[sflag:s15] =	ssyncadd.s32 $0xFFFFFF80  }
0x6c: {  	[spmem:s2] =	stream.indirect.scatter.add.f32 [tilespmem:s17], [sflag:$0x2], $0x80, s16, s16, $0xb8;
	[tilespmem:$0x17D00] =	vst v63  }
0x6d: {  	_ =	swait.ge [sflag:s15], $0x4000  }
0x6e: {  	s21 =	simm.s32 $0x10;
	s22 =	simm.s32 $0x20;
	[sflag:s15] =	ssyncset.done $0x0  }
.LBB2_6:
0x6f: {  	s23 =	sadd.s32 s21, s12  }
0x70: {  	[sflag:s15] =	ssyncadd.s32 $0xFFFFC000;
	s24 =	smov.u32 s22;
	s25 =	sadd.s32 $0x10, s22  }
0x71: {  	[tilespmem:s3], [sflag:$0x2] =	stream.linear.gather [hbm4b:s23+s3], $0x80, $0x38;
	[tilespmem:$0x17D00] =	vst v63  }
0x72: {  	p1 =	sne.s32 s22, $0x1D0;
	_ =	swait.ge [sflag:s15], $0x80  }
0x73: {  	[sflag:s15] =	ssyncset.done $0x0  }
0x74: {  	[sflag:s15] =	ssyncadd.s32 $0xFFFFFF80  }
0x75: {  	[tilespmem:s17], [sflag:$0x1] =	stream.indirect.gather [hbm4b:s5+s16], $0x80, s3, s16, $0xb8;
	[tilespmem:$0x17D00] =	vst v63  }
0x76: {  	_ =	swait.ge [sflag:s18], $0x4000  }
0x77: {  	[sflag:s18] =	ssyncset.done $0x0  }
0x78: {  	s22 =	sadd.s32 s21, s13;
	s21 =	smov.u32 s24;
	[sflag:s18] =	ssyncadd.s32 $0xFFFFC000  }
0x79: {  	[tilespmem:s16], [sflag:$0x2] =	stream.linear.gather [hbm4b:s22+s3], $0x80, $0x38;
	[tilespmem:$0x17D00] =	vst v63  }
0x7a: {  	_ =	swait.ge [sflag:s15], $0x80  }
.Ltmp5:
0x7b: {  	[sflag:s15] =	ssyncset.done $0x0;
	(pc) =	sbr.rel @p1 .LBB2_6-.Ltmp5, $4  }
0x7c: {  	[sflag:s15] =	ssyncadd.s32 $0xFFFFFF80  }
0x7d: {  	[spmem:s2] =	stream.indirect.scatter.add.f32 [tilespmem:s17], [sflag:$0x2], $0x80, s16, s16, $0xb8;
	[tilespmem:$0x17D00] =	vst v63  }
0x7e: {  	_ =	swait.ge [sflag:s15], $0x4000  }
0x7f: {  	s22 =	smov.u32 s25;
	[sflag:s15] =	ssyncset.done $0x0  }
.Ltmp6:
0x80: {  	_ = 	snop;
	(pc) =	sbr.rel .LBB2_7-.Ltmp6, $1  }
0x81: {  	_ =	sdelay $0x3  }
.LBB2_9:
0x82: {  	_ =	sfence.sel $0x180000  }
0x83: {  	[bflag:$0x0] =	sbarrier.arrive $0xFFFF  }
0x84: {  	p0 =	sne.s32 s1, $0x0;
	_ =	strace $0x90000056  }
0x85: {  	s0 =	sadd.s32 @!p0 $0x100000, s0;
	[bflag:$0x2] =	sbarrier.arrive $0xFFFF  }
0x86: {  	[sflag:s0] =	ssyncadd.tile.s32 @!p0 $0x1;
	_ =	shalt  }
.Lfunc_end2:
_tile_overlayer_lowered:
.L_overlay_start_2:
0x87: {  	(tag) =	ssettag $0x2  }
0x88: {  	s0 =	rddreg [dreg:$0x0];
	s2 =	stileid.u32  }
0x89: {  	s1 =	rddreg [dreg:$0x1];
	p0 =	sne.s32 s2, $0x0  }
0x8a: {  	s3 =	rddreg [dreg:$0x2];
	[bflag:$0x3] =	sbarrier.arrive $0xFFFF;
	s2 =	simm.s32 @!p0 $0x1C02  }
0x8b: {  	[timem:s3], [sflag:s2] =	dma.local @!p0 [hbm:s0], s1  }
0x8c: {  	s0 =	simm.s32 @!p0 $0x2  }
0x8d: {  	_ =	swait.ge @!p0 [sflag:s0], s1  }
0x8e: {  	s1 =	ssub.s32 @!p0 $0x0, s1;
	[sflag:s0] =	ssyncset.done @!p0 $0x0  }
0x8f: {  	[sflag:s0] =	ssyncadd.s32 @!p0 s1  }
0x90: {  	[bflag:$0x3] =	sbarrier.arrive $0xFFFF  }
0x91: {  	_ =	shalt  }

// kernel: kernel.40.cloned.1.call-start
scs
__scs_entry_jumppad:
0x0: {  	(pc) =	sbr.rel $0x88, $3  }
0x1: {  	(tag) =	ssettag $0x0;
	lr =	simm.s32 $0x1  }
0x2: {  	[smem:$0x3F81] =	sst lr;
	_ =	strace $0xD0000000  }
0x3: {  	_ = 	snop  }
0x4: {  	_ = 	snop  }
0x5: {  	_ = 	snop  }
0x6: {  	_ = 	snop  }
0x7: {  	_ = 	snop  }
__scs_overlays_trampoline_lowered:
0x8: {  	[smem:$0x3F90] =	sst s0  }
0x9: {  	[smem:$0x3F91] =	sst s1  }
0xa: {  	[smem:$0x3F92] =	sst s2  }
0xb: {  	[smem:$0x3F93] =	sst s3  }
0xc: {  	[smem:$0x3F94] =	sst s4  }
0xd: {  	[smem:$0x3F95] =	sst s5  }
0xe: {  	[smem:$0x3F96] =	sst s6  }
0xf: {  	[smem:$0x3F97] =	sst s7  }
0x10: {  	[smem:$0x3F98] =	sst s8  }
0x11: {  	[smem:$0x3F99] =	sst s9;
	s0 =	simm.s32 @!p0 $0x0  }
0x12: {  	s1 =	sld [smem:$0x3F7F];
	s0 =	simm.s32 @p0 $0x1  }
0x13: {  	[smem:$0x3F9A] =	sst s0;
	s0 =	simm.s32 @!p1 $0x0  }
0x14: {  	s2 =	sld [smem:$0x3F7E];
	s0 =	simm.s32 @p1 $0x1  }
0x15: {  	[smem:$0x3F9B] =	sst s0;
	s0 =	simm.s32 @!p2 $0x0  }
0x16: {  	s3 =	sld [smem:$0x3FDB];
	s0 =	simm.s32 @p2 $0x1  }
0x17: {  	s4 =	simm.s32 $0x1BF5;
	[smem:$0x3F9D] =	sst s0  }
0x18: {  	s0 =	sld [smem:$0x3F80];
	_ =	swait.ge [sflag:s4], $0x0  }
0x19: {  	s7 =	sld [smem:$0x3F81]  }
0x1a: {  	s8 =	sadd.s32 $0xFFFFE003, lr  }
0x1b: {  	s9 =	sadd.s32 $0xFFFFFEF7, lr;
	s5 =	simm.s32 $0xFFFFFFFF;
	p2 =	slt.u32 s8, $0xFFFFF086  }
0x1c: {  	p1 =	slt.u32 s9, $0xF7A;
	s5 =	simm.s32 @!p2 $0x0  }
0x1d: {  	s5 =	simm.s32 @p1 $0x1;
	p0 =	seq.s32 s7, s2  }
0x1e: {  	s7 =	smul.u32 @!p0 $0xF7A, s2;
	p2 =	seq.s32 @!p0 s5, $0x0  }
0x1f: {  	s9 =	smul.u32 $0xF7A, s1;
	s8 =	simm.s32 @!p0 $0x1BF5;
	p2 =	por !p2, p0  }
0x20: {  	[sflag:s8] =	ssyncset.s32 @!p0 $0xFFFFF086;
	s6 =	sadd.s32 @!p0 s3, s7;
	s7 =	simm.s32 @!p0 $0x108  }
0x21: {  	s3 =	sadd.s32 s3, s9;
	s6 =	sadd.s32 @!p0 $0x88, s6;
	s7 =	simm.s32 @p2 $0x1082  }
0x22: {  	[simem:s7], [sflag:s8] =	dma.local @!p0 [hbm:s6], $0xF7A  }
0x23: {  	s9 =	sor.u32 $0xD0000000, s2;
	s6 =	simm.s32 $0x108;
	_ =	swait.ge @!p0 [sflag:s8], $0x0  }
0x24: {  	s3 =	sadd.s32 $0x88, s3;
	s6 =	simm.s32 @!p1 $0x1082;
	[sflag:s4] =	ssyncset.s32 $0xFFFFF086  }
0x25: {  	[simem:s6], [sflag:s4] =	dma.local [hbm:s3], $0xF7A  }
0x26: {  	[smem:$0x3F81] =	sst s1;
	(tag) =	ssettag s2;
	_ =	strace s9  }
0x27: {  	s1 =	sld [smem:$0x3F91]  }
0x28: {  	s2 =	sld [smem:$0x3F92]  }
0x29: {  	s4 =	sld [smem:$0x3F94]  }
0x2a: {  	p0 =	seq.s32 s5, $0x0;
	s5 =	sld [smem:$0x3F95]  }
0x2b: {  	s6 =	sld [smem:$0x3F96]  }
0x2c: {  	s7 =	sld [smem:$0x3F97]  }
0x2d: {  	s3 =	simm.s32 $0x108;
	s8 =	sld [smem:$0x3F98]  }
0x2e: {  	s3 =	simm.s32 @!p0 $0x1082;
	s9 =	sld [smem:$0x3F99]  }
0x2f: {  	lr =	sadd.s32 s0, s3;
	s0 =	sld [smem:$0x3F90]  }
0x30: {  	s3 =	sld [smem:$0x3F93]  }
0x31: {  	[smem:$0x3F9C] =	sst s10  }
0x32: {  	s10 =	sld [smem:$0x3F9A];
	_ =	sdelay $0x3  }
0x33: {  	p0 =	seq.s32 s10, $0x1;
	s10 =	sld [smem:$0x3F9C];
	_ =	sdelay $0x3  }
0x34: {  	[smem:$0x3F9C] =	sst s10  }
0x35: {  	s10 =	sld [smem:$0x3F9B];
	_ =	sdelay $0x3  }
0x36: {  	p1 =	seq.s32 s10, $0x1;
	s10 =	sld [smem:$0x3F9C];
	_ =	sdelay $0x3  }
0x37: {  	[smem:$0x3F9C] =	sst s10  }
0x38: {  	s10 =	sld [smem:$0x3F9D]  }
0x39: {  	_ = 	snop;
	(pc) =	sbr.ind lr, $3  }
0x3a: {  	_ = 	snop  }
0x3b: {  	_ = 	snop  }
0x3c: {  	p2 =	seq.s32 s10, $0x1;
	s10 =	sld [smem:$0x3F9C]  }
0x3d: {  	_ =	shalt  }
0x3e: {  	_ =	shalt  }
0x3f: {  	_ =	shalt  }
0x40: {  	_ =	shalt  }
0x41: {  	_ =	shalt  }
0x42: {  	_ =	shalt  }
0x43: {  	_ =	shalt  }
0x44: {  	_ =	shalt  }
0x45: {  	_ =	shalt  }
0x46: {  	_ =	shalt  }
0x47: {  	_ =	shalt  }
0x48: {  	_ =	shalt  }
0x49: {  	_ =	shalt  }
0x4a: {  	_ =	shalt  }
0x4b: {  	_ =	shalt  }
0x4c: {  	_ =	shalt  }
0x4d: {  	_ =	shalt  }
0x4e: {  	_ =	shalt  }
0x4f: {  	_ =	shalt  }
0x50: {  	_ =	shalt  }
0x51: {  	_ =	shalt  }
0x52: {  	_ =	shalt  }
0x53: {  	_ =	shalt  }
0x54: {  	_ =	shalt  }
0x55: {  	_ =	shalt  }
0x56: {  	_ =	shalt  }
0x57: {  	_ =	shalt  }
0x58: {  	_ =	shalt  }
0x59: {  	_ =	shalt  }
0x5a: {  	_ =	shalt  }
0x5b: {  	_ =	shalt  }
0x5c: {  	_ =	shalt  }
0x5d: {  	_ =	shalt  }
0x5e: {  	_ =	shalt  }
0x5f: {  	_ =	shalt  }
0x60: {  	_ =	shalt  }
0x61: {  	_ =	shalt  }
0x62: {  	_ =	shalt  }
0x63: {  	_ =	shalt  }
0x64: {  	_ =	shalt  }
0x65: {  	_ =	shalt  }
0x66: {  	_ =	shalt  }
0x67: {  	_ =	shalt  }
0x68: {  	_ =	shalt  }
0x69: {  	_ =	shalt  }
0x6a: {  	_ =	shalt  }
0x6b: {  	_ =	shalt  }
0x6c: {  	_ =	shalt  }
0x6d: {  	_ =	shalt  }
0x6e: {  	_ =	shalt  }
0x6f: {  	_ =	shalt  }
0x70: {  	_ =	shalt  }
0x71: {  	_ =	shalt  }
0x72: {  	_ =	shalt  }
0x73: {  	_ =	shalt  }
0x74: {  	_ =	shalt  }
0x75: {  	_ =	shalt  }
0x76: {  	_ =	shalt  }
0x77: {  	_ =	shalt  }
0x78: {  	_ =	shalt  }
0x79: {  	_ =	shalt  }
0x7a: {  	_ =	shalt  }
0x7b: {  	_ =	shalt  }
0x7c: {  	_ =	shalt  }
0x7d: {  	_ =	shalt  }
0x7e: {  	_ =	shalt  }
0x7f: {  	_ =	shalt  }
0x80: {  	_ =	shalt  }
0x81: {  	_ =	shalt  }
0x82: {  	_ =	shalt  }
0x83: {  	_ =	shalt  }
0x84: {  	_ =	shalt  }
0x85: {  	_ =	shalt  }
0x86: {  	_ =	shalt  }
0x87: {  	_ =	shalt  }
.Lfunc_end0:
.L_simem_size_0:
called_computation.6_lowered:
.L_overlay_start_0:
0x88: {  	s2 =	sld [smem:$0x3FD9]  }
0x89: {  	s3 =	sld [smem:$0x3FFE];
	_ =	sdelay $0x1  }
0x8a: {  	s1 =	srdreg.scid  }
0x8b: {  	s0 =	sand.u32 $0x1, s1  }
0x8c: {  	s16 =	sshll.u32 s0, $0xA;
	s2 =	sadd.s32 s3, s2  }
0x8d: {  	s2 =	sadd.s32 s2, s16  }
0x8e: {  	[smem:$0x3FA8] =	sst s2  }
0x8f: {  	_ = 	snop  }
0x90: {  	(tm) =	ssettm $0x1  }
0x91: {  	s17 =	sld [smem:$0x3FFB];
	_ =	sdelay $0x3  }
0x92: {  	_ =	strace s17  }
0x93: {  	s2 =	sld [smem:$0x3FFC];
	_ =	sdelay $0x3  }
0x94: {  	_ =	strace s2  }
0x95: {  	s2 =	sld [smem:$0x3FFD];
	_ =	sdelay $0x3  }
0x96: {  	_ =	strace s2  }
0x97: {  	_ =	strace $0x8FFFFFFF  }
0x98: {  	s18 =	sld [smem:$0x3FDB];
	_ =	sdelay $0x1  }
0x99: {  	s19 =	simm.s32 $_scs_section_size  }
0x9a: {  	s4 =	simm.s32 $_size__tile_overlayer_lowered;
	s5 =	simm.s32 $_tile_overlayer_lowered  }
0x9b: {  	s22 =	simm.s32 $0x1BFF;
	s21 =	sshll.u32 s5, $0x1;
	s2 =	sadd.s32 s19, s18  }
0x9c: {  	s6 =	simm.s32 $0x0;
	s20 =	sshll.u32 s4, $0x1;
	s4 =	sadd.s32 s21, s2  }
0x9d: {  	[timem:s6], [sflag:s22] =	dma.local [hbm:s4], s20  }
0x9e: {  	_ =	swait.ge [sflag:s22], s20  }
0x9f: {  	s3 =	ssub.s32 $0x0, s20;
	[sflag:s22] =	ssyncset.done $0x0  }
0xa0: {  	[sflag:s22] =	ssyncadd.s32 s3;
	_ =	sdelay $0x1  }
0xa1: {  	s23 =	simm.s32 $0x1B8B  }
0xa2: {  	_ =	swait.ge [sflag:s23], $0x1  }
0xa3: {  	[sflag:s23] =	ssyncset.done $0x0  }
0xa4: {  	s25 =	simm.s32 $0x1B8E;
	s24 =	sld [smem:$0x3FFE];
	[sflag:s23] =	ssyncadd.s32 $0xFFFFFFFF  }
0xa5: {  	s26 =	simm.s32 $execute0_lowered;
	[smem:$0x3FD2] =	sst s25  }
0xa6: {  	s4 =	sshll.u32 s26, $0x1;
	_ =	strace $0x80000058;
	[dreg:$0x1] =	wrdreg $0xFFFFFFFF  }
0xa7: {  	s28 =	simm.s32 $_size_execute0_lowered;
	s2 =	sadd.s32 s2, s4;
	[dreg:$0x0] =	wrdreg $0x0  }
0xa8: {  	s4 =	sshll.u32 s28, $0x1;
	[dreg:$0x2] =	wrdreg s2  }
0xa9: {  	[dreg:$0x3] =	wrdreg s4  }
0xaa: {  	[dreg:$0x4] =	wrdreg $0xC0  }
0xab: {  	_ =	task [dreg:s6], $0x5FFFF  }
0xac: {  	[dreg:$0x1] =	wrdreg $0xFFFFFFFF  }
0xad: {  	[dreg:$0x0] =	wrdreg $0x60  }
0xae: {  	[dreg:$0x2] =	wrdreg s24  }
0xaf: {  	[dreg:$0x3] =	wrdreg $0x41000  }
0xb0: {  	[dreg:$0x4] =	wrdreg $0x9  }
0xb1: {  	_ =	task.clear_ibuf [dreg:s6], $0x5FFFF;
	_ =	strace $0x90000058  }
0xb2: {  	s29 =	simm.s32 $0x9;
	_ =	strace $0x8000005A  }
0xb3: {  	_ =	swait.ge [sflag:s29], $0x1  }
0xb4: {  	[sflag:s29] =	ssyncadd.s32 $0xFFFFFFFF  }
0xb5: {  	_ =	strace $0x9000005A  }
0xb6: {  	_ =	sfence  }
0xb7: {  	s30 =	sld [smem:$0x0];
	_ =	sdelay $0x2  }
0xb8: {  	s31 =	sshll.u32 s1, $0xD;
	s1 =	sshrl.u32 s1, $0x2  }
0xb9: {  	s3 =	sand.u32 $0x4000, s31;
	s1 =	sadd.s32 s1, s30  }
0xba: {  	s0 =	sor.u32 s3, s0;
	s1 =	sshll.u32 s1, $0x11  }
0xbb: {  	s0 =	sor.u32 s1, s0  }
0xbc: {  	s0 =	sadd.s32 $0x8F2B, s0  }
0xbd: {  	[sflag:s0] =	ssyncadd.remote.s32 $0x1  }
0xbe: {  	_ =	sfence.sel $0xFFFF  }
0xbf: {  	[dreg:$0x0] =	wrdreg $0xFFFFFFFF;
	(pc) =	sbr.abs _section_cstart, $3  }
0xc0: {  	[dreg:$0x1] =	wrdreg $0xFFFFFFFF  }
0xc1: {  	_ =	task.clear_ibuf [dreg:s6], $0x2FFFF;
	_ =	strace $0x9FFFFFFF  }
0xc2: {  	(tm) =	ssettm $0x7FFFFFFF  }
0xc3: {  	_ =	shalt  }
tec
execute0_lowered:
.L_overlay_start_1:
0x0: {  	(tag) =	ssettag $0x1  }
0x1: {  	s7 =	rddreg [dreg:$0x0]  }
0x2: {  	s2 =	rddreg [dreg:$0x1]  }
0x3: {  	s0 =	rddreg [dreg:$0x2];
	s3 =	simm.s32 $0x0  }
0x4: {  	s1 =	stileid.u32;
	s9 =	srdreg.scid;
	s16 =	simm.s32 $0x80  }
0x5: {  	s17 =	simm.s32 $0x100;
	s18 =	simm.s32 $0x1;
	s6 =	smul.u32 $0x1E0, s1  }
0x6: {  	s20 =	simm.s32 $0x0;
	[smem:$0x7FF] =	sst s3;
	s8 =	smul.u32 $0x2780, s1  }
0x7: {  	s4 =	sadd.s32 $0x10800, s7;
	s5 =	sadd.s32 $0x37A00, s7;
	s26 =	smul.u32 $0x278, s1  }
0x8: {  	s14 =	sand.u32 $0x1, s9;
	s11 =	smul.u32 $0x4F000, s1;
	s30 =	sshll.u32 s1, $0x6  }
0x9: {  	_ =	strace $0x80000059;
	s10 =	ssub.s32 $0x2, s14;
	s9 =	sor.u32 $0x1C02, s30  }
0xa: {  	p0 =	sne.s32 s14, $0x0;
	s13 =	sadd.s32 s6, s7;
	s8 =	sadd.s32 s8, s7  }
0xb: {  	s6 =	sadd.s32 $0x12CA00, s7;
	s7 =	sadd.s32 $0x153C00, s7;
	s12 =	sshrl.u32 s10, $0x1  }
.Ltmp0:
0xc: {  	s28 =	sshrl.u32 s11, $0x2;
	s29 =	smin.u32 s26, $0x2498;
	(pc) =	sbr.rel .LBB2_1-.Ltmp0, $4  }
0xd: {  	s12 =	ssub.s32 s10, s12;
	s15 =	sadd.s32 s28, s2;
	s31 =	sshll.u32 s29, $0x7  }
0xe: {  	s8 =	sadd.s32 $0x68C00, s8;
	s10 =	sshll.u32 s29, $0x4;
	s19 =	sadd.s32 s31, s2  }
0xf: {  	s11 =	smax.u32 s12, $0x1;
	s12 =	sadd.s32 $0x60A00, s13;
	s13 =	sadd.s32 $0x5EC00, s13  }
0x10: {  	s14 =	sshrl.u32 s15, $0x3;
	s15 =	simm.s32 $0x2;
	s19 =	sshrl.u32 s19, $0x3  }
.LBB2_7:
0x11: {  	s22 =	sadd.s32 s21, s12;
	[sflag:s15] =	ssyncadd.s32 $0xFFFFC000  }
0x12: {  	[tilespmem:s3], [sflag:$0x2] =	stream.linear.gather [hbm4b:s22+s3], $0x80, $0x38;
	[tilespmem:$0x17D00] =	vst v63  }
0x13: {  	_ =	swait.ge [sflag:s15], $0x80  }
0x14: {  	[sflag:s15] =	ssyncset.done $0x0  }
0x15: {  	[sflag:s15] =	ssyncadd.s32 $0xFFFFFF80  }
0x16: {  	[tilespmem:s17], [sflag:$0x1] =	stream.indirect.gather [hbm4b:s5+s16], $0x80, s3, s16, $0xb8;
	[tilespmem:$0x17D00] =	vst v63  }
0x17: {  	_ =	swait.ge [sflag:s18], $0x4000  }
0x18: {  	[sflag:s18] =	ssyncset.done $0x0  }
0x19: {  	s31 =	sadd.s32 s21, s13;
	[sflag:s18] =	ssyncadd.s32 $0xFFFFC000  }
0x1a: {  	[tilespmem:s16], [sflag:$0x2] =	stream.linear.gather [hbm4b:s31+s3], $0x80, $0x38;
	[tilespmem:$0x17D00] =	vst v63  }
0x1b: {  	_ =	swait.ge [sflag:s15], $0x80  }
0x1c: {  	[sflag:s15] =	ssyncset.done $0x0  }
0x1d: {  	[sflag:s15] =	ssyncadd.s32 $0xFFFFFF80  }
0x1e: {  	[spmem:s2] =	stream.indirect.scatter.add.f32 [tilespmem:s17], [sflag:$0x2], $0x80, s16, s16, $0xb8;
	[tilespmem:$0x17D00] =	vst v63  }
0x1f: {  	_ =	swait.ge [sflag:s15], $0x4000  }
0x20: {  	[sflag:s15] =	ssyncset.done $0x0  }
0x21: {  	s21 =	smov.u32 s7;
	[sflag:s15] =	ssyncadd.s32 $0xFFFFC000  }
.LBB2_8:
0x22: {  	s20 =	sadd.s32 $0x1, s20  }
0x23: {  	p1 =	sne.s32 s20, s11  }
.Ltmp1:
0x24: {  	s21 =	sadd.s32 s21, s10;
	[bflag:$0x0] =	sbarrier.arrive $0xFFFF;
	(pc) =	sbr.rel @!p1 .LBB2_9-.Ltmp1, $4  }
0x25: {  	[hbm:s21], [sflag:s9] =	dma.local [spmem:s19], $0x2780  }
0x26: {  	_ =	swait.ge [sflag:s15], $0x2780  }
0x27: {  	[sflag:s15] =	ssyncset.done $0x0  }
0x28: {  	[sflag:s15] =	ssyncadd.s32 $0xFFFFD880  }
.LBB2_1:
0x29: {  	[spmem:s14], [sflag:s9] =	dma.local [hbm:s8], $0x2780  }
.Ltmp2:
0x2a: {  	_ =	swait.ge [sflag:s15], $0x2780;
	(pc) =	sbr.rel @p0 .LBB2_5-.Ltmp2, $4  }
0x2b: {  	[sflag:s15] =	ssyncset.done $0x0  }
0x2c: {  	[sflag:s15] =	ssyncadd.s32 $0xFFFFD880  }
0x2d: {  	[bflag:$0x0] =	sbarrier.arrive $0xFFFF  }
0x2e: {  	s21 =	sadd.s32 $0x0, s12  }
0x2f: {  	[tilespmem:s3], [sflag:$0x2] =	stream.linear.gather [hbm4b:s21+s3], $0x80, $0x38;
	[tilespmem:$0x17D00] =	vst v63  }
0x30: {  	_ =	swait.ge [sflag:s15], $0x80  }
0x31: {  	[sflag:s15] =	ssyncset.done $0x0  }
0x32: {  	[sflag:s15] =	ssyncadd.s32 $0xFFFFFF80  }
0x33: {  	[tilespmem:s17], [sflag:$0x1] =	stream.indirect.gather [hbm4b:s4+s16], $0x80, s3, s16, $0xb8;
	[tilespmem:$0x17D00] =	vst v63  }
0x34: {  	_ =	swait.ge [sflag:s18], $0x4000  }
0x35: {  	[sflag:s18] =	ssyncset.done $0x0  }
0x36: {  	s31 =	sadd.s32 $0x0, s13;
	[sflag:s18] =	ssyncadd.s32 $0xFFFFC000  }
0x37: {  	[tilespmem:s16], [sflag:$0x2] =	stream.linear.gather [hbm4b:s31+s3], $0x80, $0x38;
	[tilespmem:$0x17D00] =	vst v63  }
0x38: {  	_ =	swait.ge [sflag:s15], $0x80  }
0x39: {  	[sflag:s15] =	ssyncset.done $0x0  }
0x3a: {  	[sflag:s15] =	ssyncadd.s32 $0xFFFFFF80  }
0x3b: {  	[spmem:s2] =	stream.indirect.scatter.add.f32 [tilespmem:s17], [sflag:$0x2], $0x80, s16, s16, $0xb8;
	[tilespmem:$0x17D00] =	vst v63  }
0x3c: {  	_ =	swait.ge [sflag:s15], $0x4000  }
0x3d: {  	s21 =	simm.s32 $0x10;
	s22 =	simm.s32 $0x20;
	[sflag:s15] =	ssyncset.done $0x0  }
.LBB2_3:
0x3e: {  	s23 =	sadd.s32 s21, s12  }
0x3f: {  	[sflag:s15] =	ssyncadd.s32 $0xFFFFC000;
	s24 =	smov.u32 s22;
	s25 =	sadd.s32 $0x10, s22  }
0x40: {  	[tilespmem:s3], [sflag:$0x2] =	stream.linear.gather [hbm4b:s23+s3], $0x80, $0x38;
	[tilespmem:$0x17D00] =	vst v63  }
0x41: {  	p1 =	seq.s32 s22, $0x1D0;
	_ =	swait.ge [sflag:s15], $0x80  }
0x42: {  	[sflag:s15] =	ssyncset.done $0x0  }
0x43: {  	[sflag:s15] =	ssyncadd.s32 $0xFFFFFF80  }
0x44: {  	[tilespmem:s17], [sflag:$0x1] =	stream.indirect.gather [hbm4b:s4+s16], $0x80, s3, s16, $0xb8;
	[tilespmem:$0x17D00] =	vst v63  }
0x45: {  	_ =	swait.ge [sflag:s18], $0x4000  }
0x46: {  	[sflag:s18] =	ssyncset.done $0x0  }
0x47: {  	s22 =	sadd.s32 s21, s13;
	s21 =	smov.u32 s24;
	[sflag:s18] =	ssyncadd.s32 $0xFFFFC000  }
0x48: {  	[tilespmem:s16], [sflag:$0x2] =	stream.linear.gather [hbm4b:s22+s3], $0x80, $0x38;
	[tilespmem:$0x17D00] =	vst v63  }
0x49: {  	_ =	swait.ge [sflag:s15], $0x80  }
.Ltmp3:
0x4a: {  	[sflag:s15] =	ssyncset.done $0x0;
	(pc) =	sbr.rel @!p1 .LBB2_3-.Ltmp3, $4  }
0x4b: {  	[sflag:s15] =	ssyncadd.s32 $0xFFFFFF80  }
0x4c: {  	[spmem:s2] =	stream.indirect.scatter.add.f32 [tilespmem:s17], [sflag:$0x2], $0x80, s16, s16, $0xb8;
	[tilespmem:$0x17D00] =	vst v63  }
0x4d: {  	_ =	swait.ge [sflag:s15], $0x4000  }
0x4e: {  	s22 =	smov.u32 s25;
	[sflag:s15] =	ssyncset.done $0x0  }
0x4f: {  	s22 =	sadd.s32 s21, s12;
	[sflag:s15] =	ssyncadd.s32 $0xFFFFC000  }
0x50: {  	[tilespmem:s3], [sflag:$0x2] =	stream.linear.gather [hbm4b:s22+s3], $0x80, $0x38;
	[tilespmem:$0x17D00] =	vst v63  }
0x51: {  	_ =	swait.ge [sflag:s15], $0x80  }
0x52: {  	[sflag:s15] =	ssyncset.done $0x0  }
0x53: {  	[sflag:s15] =	ssyncadd.s32 $0xFFFFFF80  }
0x54: {  	[tilespmem:s17], [sflag:$0x1] =	stream.indirect.gather [hbm4b:s4+s16], $0x80, s3, s16, $0xb8;
	[tilespmem:$0x17D00] =	vst v63  }
0x55: {  	_ =	swait.ge [sflag:s18], $0x4000  }
0x56: {  	[sflag:s18] =	ssyncset.done $0x0  }
0x57: {  	s31 =	sadd.s32 s21, s13;
	[sflag:s18] =	ssyncadd.s32 $0xFFFFC000  }
0x58: {  	[tilespmem:s16], [sflag:$0x2] =	stream.linear.gather [hbm4b:s31+s3], $0x80, $0x38;
	[tilespmem:$0x17D00] =	vst v63  }
0x59: {  	_ =	swait.ge [sflag:s15], $0x80  }
0x5a: {  	[sflag:s15] =	ssyncset.done $0x0  }
.Ltmp4:
0x5b: {  	[sflag:s15] =	ssyncadd.s32 $0xFFFFFF80;
	(pc) =	sbr.rel .LBB2_8-.Ltmp4, $4  }
0x5c: {  	[spmem:s2] =	stream.indirect.scatter.add.f32 [tilespmem:s17], [sflag:$0x2], $0x80, s16, s16, $0xb8;
	[tilespmem:$0x17D00] =	vst v63  }
0x5d: {  	_ =	swait.ge [sflag:s15], $0x4000  }
0x5e: {  	[sflag:s15] =	ssyncset.done $0x0  }
0x5f: {  	s21 =	smov.u32 s6;
	[sflag:s15] =	ssyncadd.s32 $0xFFFFC000  }
.LBB2_5:
0x60: {  	[tilespmem:s3], [sflag:$0x2] =	stream.linear.gather [hbm4b:s21+s3], $0x80, $0x38;
	[tilespmem:$0x17D00] =	vst v63  }
0x61: {  	_ =	swait.ge [sflag:s15], $0x80  }
0x62: {  	[sflag:s15] =	ssyncset.done $0x0  }
0x63: {  	[sflag:s15] =	ssyncadd.s32 $0xFFFFFF80  }
0x64: {  	[tilespmem:s17], [sflag:$0x1] =	stream.indirect.gather [hbm4b:s5+s16], $0x80, s3, s16, $0xb8;
	[tilespmem:$0x17D00] =	vst v63  }
0x65: {  	_ =	swait.ge [sflag:s18], $0x4000  }
0x66: {  	[sflag:s18] =	ssyncset.done $0x0  }
0x67: {  	s31 =	sadd.s32 $0x0, s13;
	[sflag:s18] =	ssyncadd.s32 $0xFFFFC000  }
0x68: {  	[tilespmem:s16], [sflag:$0x2] =	stream.linear.gather [hbm4b:s31+s3], $0x80, $0x38;
	[tilespmem:$0x17D00] =	vst v63  }
0x69: {  	_ =	swait.ge [sflag:s15], $0x80  }
0x6a: {  	[sflag:s15] =	ssyncset.done $0x0  }
0x6b: {  	[sflag:s15] =	ssyncadd.s32 $0xFFFFFF80  }
0x6c: {  	[spmem:s2] =	stream.indirect.scatter.add.f32 [tilespmem:s17], [sflag:$0x2], $0x80, s16, s16, $0xb8;
	[tilespmem:$0x17D00] =	vst v63  }
0x6d: {  	_ =	swait.ge [sflag:s15], $0x4000  }
0x6e: {  	s21 =	simm.s32 $0x10;
	s22 =	simm.s32 $0x20;
	[sflag:s15] =	ssyncset.done $0x0  }
.LBB2_6:
0x6f: {  	s23 =	sadd.s32 s21, s12  }
0x70: {  	[sflag:s15] =	ssyncadd.s32 $0xFFFFC000;
	s24 =	smov.u32 s22;
	s25 =	sadd.s32 $0x10, s22  }
0x71: {  	[tilespmem:s3], [sflag:$0x2] =	stream.linear.gather [hbm4b:s23+s3], $0x80, $0x38;
	[tilespmem:$0x17D00] =	vst v63  }
0x72: {  	p1 =	sne.s32 s22, $0x1D0;
	_ =	swait.ge [sflag:s15], $0x80  }
0x73: {  	[sflag:s15] =	ssyncset.done $0x0  }
0x74: {  	[sflag:s15] =	ssyncadd.s32 $0xFFFFFF80  }
0x75: {  	[tilespmem:s17], [sflag:$0x1] =	stream.indirect.gather [hbm4b:s5+s16], $0x80, s3, s16, $0xb8;
	[tilespmem:$0x17D00] =	vst v63  }
0x76: {  	_ =	swait.ge [sflag:s18], $0x4000  }
0x77: {  	[sflag:s18] =	ssyncset.done $0x0  }
0x78: {  	s22 =	sadd.s32 s21, s13;
	s21 =	smov.u32 s24;
	[sflag:s18] =	ssyncadd.s32 $0xFFFFC000  }
0x79: {  	[tilespmem:s16], [sflag:$0x2] =	stream.linear.gather [hbm4b:s22+s3], $0x80, $0x38;
	[tilespmem:$0x17D00] =	vst v63  }
0x7a: {  	_ =	swait.ge [sflag:s15], $0x80  }
.Ltmp5:
0x7b: {  	[sflag:s15] =	ssyncset.done $0x0;
	(pc) =	sbr.rel @p1 .LBB2_6-.Ltmp5, $4  }
0x7c: {  	[sflag:s15] =	ssyncadd.s32 $0xFFFFFF80  }
0x7d: {  	[spmem:s2] =	stream.indirect.scatter.add.f32 [tilespmem:s17], [sflag:$0x2], $0x80, s16, s16, $0xb8;
	[tilespmem:$0x17D00] =	vst v63  }
0x7e: {  	_ =	swait.ge [sflag:s15], $0x4000  }
0x7f: {  	s22 =	smov.u32 s25;
	[sflag:s15] =	ssyncset.done $0x0  }
.Ltmp6:
0x80: {  	_ = 	snop;
	(pc) =	sbr.rel .LBB2_7-.Ltmp6, $1  }
0x81: {  	_ =	sdelay $0x3  }
.LBB2_9:
0x82: {  	_ =	sfence.sel $0x180000  }
0x83: {  	[bflag:$0x0] =	sbarrier.arrive $0xFFFF  }
0x84: {  	p0 =	sne.s32 s1, $0x0;
	_ =	strace $0x90000059  }
0x85: {  	s0 =	sadd.s32 @!p0 $0x100000, s0;
	[bflag:$0x2] =	sbarrier.arrive $0xFFFF  }
0x86: {  	[sflag:s0] =	ssyncadd.tile.s32 @!p0 $0x1;
	_ =	shalt  }
.Lfunc_end2:
_tile_overlayer_lowered:
.L_overlay_start_2:
0x87: {  	(tag) =	ssettag $0x2  }
0x88: {  	s0 =	rddreg [dreg:$0x0];
	s2 =	stileid.u32  }
0x89: {  	s1 =	rddreg [dreg:$0x1];
	p0 =	sne.s32 s2, $0x0  }
0x8a: {  	s3 =	rddreg [dreg:$0x2];
	[bflag:$0x3] =	sbarrier.arrive $0xFFFF;
	s2 =	simm.s32 @!p0 $0x1C02  }
0x8b: {  	[timem:s3], [sflag:s2] =	dma.local @!p0 [hbm:s0], s1  }
0x8c: {  	s0 =	simm.s32 @!p0 $0x2  }
0x8d: {  	_ =	swait.ge @!p0 [sflag:s0], s1  }
0x8e: {  	s1 =	ssub.s32 @!p0 $0x0, s1;
	[sflag:s0] =	ssyncset.done @!p0 $0x0  }
0x8f: {  	[sflag:s0] =	ssyncadd.s32 @!p0 s1  }
0x90: {  	[bflag:$0x3] =	sbarrier.arrive $0xFFFF  }
0x91: {  	_ =	shalt  }

</sc_bundles>
